<compile_context>
chip_gen: v7x
topology: tpu7x:2x2x1
jax: 0.10.2.dev20260603
libtpu: 0.0.44.dev20260713+nightly
codegen_flags: <defaults>
</compile_context>

<pallas_src>
import functools

import jax
import jax.numpy as jnp
from jax import lax
from jax.experimental import pallas as pl
from jax.experimental.pallas import tpu as pltpu
from jax.experimental.pallas import tpu_sc as plsc

_B, _C, _N, _K = 4, 64, 4096, 20
_TN = 512
_NK = _N * _K
_CHW = 4096
_NCH = _NK // _CHW
_PC = 8
_L = 16


_S = 128
_SEG = _N // _S


def _topk_body(x_ref, idx_ref):
    nt = pl.program_id(1)
    xf = x_ref[0]
    xt = x_ref[0, :, pl.ds(nt * _TN, _TN)]
    inner = lax.dot_general(
        xt.astype(jnp.bfloat16), xf.astype(jnp.bfloat16),
        (((0,), (0,)), ((), ())),
        preferred_element_type=jnp.float32)
    xx = jnp.sum(xf * xf, axis=0, keepdims=True)
    d = 2.0 * inner - xx

    sm = d
    w = _N
    while w > _S:
        w //= 2
        sm = jnp.maximum(sm[:, :w], sm[:, w:2 * w])
    smt = jnp.transpose(sm)
    iot_s = lax.broadcasted_iota(jnp.int32, (_S, _TN), 0)
    segs = []
    for _ in range(_K):
        mm = jnp.max(smt, axis=0, keepdims=True)
        sq = jnp.min(jnp.where(smt >= mm, iot_s, _S), axis=0, keepdims=True)
        segs.append(sq)
        smt = jnp.where(iot_s == sq, -3.0e38, smt)
    segcat = jnp.transpose(jnp.concatenate(segs, axis=0))

    d3 = d.reshape(_TN, _SEG, _S)
    idx3 = jnp.broadcast_to(segcat[:, None, :], (_TN, _SEG, _K))
    cand = jnp.take_along_axis(d3, idx3, axis=2).reshape(_TN, _SEG * _K)
    candt = jnp.transpose(cand)
    lane = lax.broadcasted_iota(jnp.int32, (_SEG * _K, _TN), 0)
    cols = []
    for _ in range(_K):
        m = jnp.max(candt, axis=0, keepdims=True)
        pos = jnp.min(jnp.where(candt >= m, lane, _SEG * _K), axis=0,
                      keepdims=True)
        cols.append(pos)
        candt = jnp.where(lane == pos, -3.0e38, candt)
    poscat = jnp.transpose(jnp.concatenate(cols, axis=0))
    t = poscat // _K
    q = poscat - _K * t
    idx_ref[0] = jnp.take_along_axis(segcat, q, axis=1) + _S * t


_topk = pl.pallas_call(
    _topk_body,
    grid=(_B, _N // _TN),
    in_specs=[pl.BlockSpec((1, _C, _N), lambda b, nt: (b, 0, 0))],
    out_specs=pl.BlockSpec((1, _TN, _K), lambda b, nt: (b, nt, 0)),
    out_shape=jax.ShapeDtypeStruct((_B, _N, _K), jnp.int32),
)


def _sc_body(x_hbm, idx_hbm, rep_hbm, out_hbm, tbl_v, idx_v, rep_v,
             dif_v, cen_v, sem):
    cid = lax.axis_index("c")
    sid = lax.axis_index("s")
    w = sid * 2 + cid
    b = w // _PC
    c0 = (w % _PC) * _PC
    for i in range(_PC):
        pltpu.sync_copy(x_hbm.at[b * _C + c0 + i],
                        tbl_v.at[pl.ds(i * _N, _N)])

    def chunk(ch, carry):
        off = pl.multiple_of(ch * _CHW, _CHW)
        pltpu.sync_copy(idx_hbm.at[b, pl.ds(off, _CHW)], idx_v)
        pltpu.sync_copy(rep_hbm.at[pl.ds(off, _CHW)], rep_v)
        for i in range(_PC):
            base = i * _N

            @plsc.parallel_loop(0, _CHW // _L, unroll=16)
            def _grp(g):
                s = g * _L
                iv = idx_v[pl.ds(s, _L)] + base
                rv = rep_v[pl.ds(s, _L)] + base
                gv = plsc.load_gather(tbl_v, [iv])
                cv = plsc.load_gather(tbl_v, [rv])
                dif_v[pl.ds(i * _CHW + s, _L)] = gv - cv
                cen_v[pl.ds(i * _CHW + s, _L)] = cv
            pltpu.async_copy(dif_v.at[pl.ds(i * _CHW, _CHW)],
                             out_hbm.at[b, c0 + i, pl.ds(off, _CHW)], sem)
            pltpu.async_copy(cen_v.at[pl.ds(i * _CHW, _CHW)],
                             out_hbm.at[b, _C + c0 + i,
                                        pl.ds(off, _CHW)], sem)
        for i in range(_PC):
            pltpu.make_async_copy(dif_v.at[pl.ds(i * _CHW, _CHW)],
                                  out_hbm.at[b, c0 + i,
                                             pl.ds(off, _CHW)], sem).wait()
            pltpu.make_async_copy(cen_v.at[pl.ds(i * _CHW, _CHW)],
                                  out_hbm.at[b, _C + c0 + i,
                                             pl.ds(off, _CHW)], sem).wait()
        return carry

    lax.fori_loop(0, _NCH, chunk, 0)


@functools.cache
def _sc_gather():
    return functools.partial(
        pl.kernel,
        mesh=plsc.VectorSubcoreMesh(core_axis_name="c", subcore_axis_name="s"),
        compiler_params=pltpu.CompilerParams(needs_layout_passes=False),
        out_type=jax.ShapeDtypeStruct((_B, 2 * _C, _NK), jnp.float32),
        scratch_types=[
            pltpu.VMEM((_PC * _N,), jnp.float32),
            pltpu.VMEM((_CHW,), jnp.int32),
            pltpu.VMEM((_CHW,), jnp.int32),
            pltpu.VMEM((_PC * _CHW,), jnp.float32),
            pltpu.VMEM((_PC * _CHW,), jnp.float32),
            pltpu.SemaphoreType.DMA,
        ],
    )(_sc_body)


def kernel(x, k):
    del k
    idx = _topk(x)
    rep = jnp.arange(_NK, dtype=jnp.int32) // _K
    out = _sc_gather()(x.reshape(_B * _C, _N),
                       idx.reshape(_B, _NK), rep)
    return out.reshape(_B, 2 * _C, _N, _K)

# --- scband reference (transcript-rebuilt; emitter-appended) ---
"""Pipeline reference for scband-pcttoken-21844203667617 (READ-ONLY COPY).

The authoritative reference and input builder live on the scoring server;
editing this copy changes nothing except your own understanding.
"""

import jax, jax.numpy as jnp
import numpy as np


def setup_inputs(seed: int = 0) -> dict:
    key = jax.random.key(seed)
    x = jax.random.normal(key, (4, 64, 4096), dtype=jnp.float32)
    return {"x": x, "k": 20}


def reference(x, k):
    # knn(x, k): x is [B, C, N]
    inner = -2.0 * jnp.einsum('bcn,bcm->bnm', x, x)              # [B, N, N]
    xx = jnp.sum(x ** 2, axis=1, keepdims=True)                  # [B, 1, N]
    pairwise_distance = -xx - inner - jnp.swapaxes(xx, 1, 2)     # [B, N, N]
    _, idx = jax.lax.top_k(pairwise_distance, 20)                # [B, N, K]
    k_arr = jnp.asarray(k)
    idx = idx + (k_arr - k_arr).astype(idx.dtype)

    # index_points_neighbors: gather neighbor features
    xt = jnp.swapaxes(x, 1, 2)                                   # [B, N, C]
    neighbors = jax.vmap(lambda pts, id_: pts[id_])(xt, idx)     # [B, N, K, C]

    # get_neighbors feature construction
    center = jnp.broadcast_to(xt[:, :, None, :], neighbors.shape)  # [B, N, K, C]
    feature = jnp.concatenate([neighbors - center, center], axis=3)  # [B, N, K, 2C]
    feature = jnp.transpose(feature, (0, 3, 1, 2))               # [B, 2C, N, K]
    return feature

if __name__ == "__main__":
    import jax
    _d = setup_inputs()
    print(jax.jit(kernel)(*tuple(_d.values())))

</pallas_src>

<mosaic_0001>
#map = affine_map<(d0, d1) -> (0, 0)>
#map1 = affine_map<(d0, d1) -> (0)>
#map2 = affine_map<(d0, d1) -> (0, 0, 0)>
module attributes {stable_mosaic.version = 14 : i64} {
  func.func @_sc_body(%arg0: i32, %arg1: i32, %arg2: memref<256x4096xf32, #tpu.memory_space<hbm>>, %arg3: memref<4x81920xi32, #tpu.memory_space<hbm>>, %arg4: memref<81920xi32, #tpu.memory_space<hbm>>, %arg5: memref<4x128x81920xf32, #tpu.memory_space<hbm>>, %arg6: memref<32768xf32, #tpu.memory_space<vmem>>, %arg7: memref<4096xi32, #tpu.memory_space<vmem>>, %arg8: memref<4096xi32, #tpu.memory_space<vmem>>, %arg9: memref<32768xf32, #tpu.memory_space<vmem>>, %arg10: memref<32768xf32, #tpu.memory_space<vmem>>, %arg11: memref<!tpu.dma_semaphore, #tpu.memory_space<semaphore_mem>>) attributes {dimension_semantics = [#tpu.dimension_semantics<core_parallel>, #tpu.dimension_semantics<subcore_parallel>], iteration_bounds = array<i64: 2, 16>, scalar_prefetch = 0 : i64, scratch_operands = 6 : i64, tpu.core_type = #tpu.core_type<sc_vector_subcore>, window_params = [{transform_indices = #map}, {transform_indices = #map}, {transform_indices = #map1}, {transform_indices = #map2}]} {
    %mul3A = arith.constant 2 : i32
    %mul3A_0 = arith.muli %arg1, %mul3A : i32
    %add3A = arith.addi %mul3A_0, %arg0 : i32
    %jit3A = arith.constant 8 : i32
    %div3A = arith.divsi %add3A, %jit3A : i32
    %sign3A = arith.constant 0 : i32
    %sign3A_1 = arith.cmpi sgt, %add3A, %sign3A : i32
    %sign3A_2 = arith.extui %sign3A_1 : i1 to i32
    %sign3A_3 = arith.constant 0 : i32
    %sign3A_4 = arith.cmpi slt, %add3A, %sign3A_3 : i32
    %sign3A_5 = arith.extui %sign3A_4 : i1 to i32
    %sign3A_6 = arith.subi %sign3A_2, %sign3A_5 : i32
    %sign3A_7 = arith.constant 0 : i32
    %sign3A_8 = arith.cmpi sgt, %jit3A, %sign3A_7 : i32
    %sign3A_9 = arith.extui %sign3A_8 : i1 to i32
    %sign3A_10 = arith.constant 0 : i32
    %sign3A_11 = arith.cmpi slt, %jit3A, %sign3A_10 : i32
    %sign3A_12 = arith.extui %sign3A_11 : i1 to i32
    %sign3A_13 = arith.subi %sign3A_9, %sign3A_12 : i32
    %ne3A = arith.cmpi ne, %sign3A_6, %sign3A_13 : i32
    %rem3A = arith.remsi %add3A, %jit3A : i32
    %ne3A_14 = arith.constant 0 : i32
    %ne3A_15 = arith.cmpi ne, %rem3A, %ne3A_14 : i32
    %and3A = arith.andi %ne3A, %ne3A_15 : i1
    %sub3A = arith.constant 1 : i32
    %sub3A_16 = arith.subi %div3A, %sub3A : i32
    %select_n3A = arith.select %and3A, %sub3A_16, %div3A : i32
    %jit3A_17 = arith.constant 8 : i32
    %eq3A = arith.constant 0 : i32
    %eq3A_18 = arith.cmpi eq, %jit3A_17, %eq3A : i32
    %jit3A_19 = arith.constant 1 : i32
    %select_n3A_20 = arith.select %eq3A_18, %jit3A_19, %jit3A_17 : i32
    %rem3A_21 = arith.remsi %add3A, %select_n3A_20 : i32
    %ne3A_22 = arith.constant 0 : i32
    %ne3A_23 = arith.cmpi ne, %rem3A_21, %ne3A_22 : i32
    %lt3A = arith.constant 0 : i32
    %lt3A_24 = arith.cmpi slt, %rem3A_21, %lt3A : i32
    %lt3A_25 = arith.constant 0 : i32
    %lt3A_26 = arith.cmpi slt, %select_n3A_20, %lt3A_25 : i32
    %ne3A_27 = arith.xori %lt3A_24, %lt3A_26 : i1
    %and3A_28 = arith.andi %ne3A_27, %ne3A_23 : i1
    %add3A_29 = arith.addi %rem3A_21, %select_n3A_20 : i32
    %select_n3A_30 = arith.select %and3A_28, %add3A_29, %rem3A_21 : i32
    %mul3A_31 = arith.constant 8 : i32
    %mul3A_32 = arith.muli %select_n3A_30, %mul3A_31 : i32
    %mul3A_33 = arith.constant 64 : i32
    %mul3A_34 = arith.muli %select_n3A, %mul3A_33 : i32
    %add3A_35 = arith.addi %mul3A_34, %mul3A_32 : i32
    %add3A_36 = arith.constant 0 : i32
    %add3A_37 = arith.addi %add3A_35, %add3A_36 : i32
    "tpu.region"() ({
      %run_scoped3A = tpu.sem_alloc : memref<!tpu.dma_semaphore, #tpu.memory_space<semaphore_mem>>
      %dma_start3A = arith.constant 0 : i32
      %dma_start3A_78 = tpu.memref_slice %arg6[%dma_start3A] : memref<32768xf32, #tpu.memory_space<vmem>> -> memref<4096xf32, #tpu.memory_space<vmem>>
      %dma_start3A_79 = arith.constant 0 : i32
      %dma_start3A_80 = tpu.memref_slice %arg2[%add3A_37, %dma_start3A_79] : memref<256x4096xf32, #tpu.memory_space<hbm>> -> memref<1x4096xf32, #tpu.memory_space<hbm>>
      %dma_start3A_81 = tpu.memref_squeeze %dma_start3A_80 : memref<1x4096xf32, #tpu.memory_space<hbm>> -> memref<4096xf32, #tpu.memory_space<hbm>>
      %dma_start3A_82 = arith.constant 0 : i32
      %dma_start3A_83 = tpu.memref_slice %arg6[%dma_start3A_82] : memref<32768xf32, #tpu.memory_space<vmem>> -> memref<4096xf32, #tpu.memory_space<vmem>>
      %dma_start3A_84 = arith.constant 0 : i32
      %dma_start3A_85 = tpu.memref_slice %arg2[%add3A_37, %dma_start3A_84] : memref<256x4096xf32, #tpu.memory_space<hbm>> -> memref<1x4096xf32, #tpu.memory_space<hbm>>
      %dma_start3A_86 = tpu.memref_squeeze %dma_start3A_85 : memref<1x4096xf32, #tpu.memory_space<hbm>> -> memref<4096xf32, #tpu.memory_space<hbm>>
      tpu.enqueue_dma source(%dma_start3A_86 : memref<4096xf32, #tpu.memory_space<hbm>>) target(%dma_start3A_83 : memref<4096xf32, #tpu.memory_space<vmem>>) target_semaphore(%run_scoped3A : memref<!tpu.dma_semaphore, #tpu.memory_space<semaphore_mem>>)
      %dma_wait3A = arith.constant 0 : i32
      %dma_wait3A_87 = tpu.memref_slice %arg6[%dma_wait3A] : memref<32768xf32, #tpu.memory_space<vmem>> -> memref<4096xf32, #tpu.memory_space<vmem>>
      %dma_wait3A_88 = arith.constant 0 : i32
      %dma_wait3A_89 = tpu.memref_slice %arg2[%add3A_37, %dma_wait3A_88] : memref<256x4096xf32, #tpu.memory_space<hbm>> -> memref<1x4096xf32, #tpu.memory_space<hbm>>
      %dma_wait3A_90 = tpu.memref_squeeze %dma_wait3A_89 : memref<1x4096xf32, #tpu.memory_space<hbm>> -> memref<4096xf32, #tpu.memory_space<hbm>>
      %dma_wait3A_91 = arith.constant 0 : i32
      %dma_wait3A_92 = tpu.memref_slice %arg6[%dma_wait3A_91] : memref<32768xf32, #tpu.memory_space<vmem>> -> memref<4096xf32, #tpu.memory_space<vmem>>
      %dma_wait3A_93 = arith.constant 0 : i32
      %dma_wait3A_94 = tpu.memref_slice %arg2[%add3A_37, %dma_wait3A_93] : memref<256x4096xf32, #tpu.memory_space<hbm>> -> memref<1x4096xf32, #tpu.memory_space<hbm>>
      %dma_wait3A_95 = tpu.memref_squeeze %dma_wait3A_94 : memref<1x4096xf32, #tpu.memory_space<hbm>> -> memref<4096xf32, #tpu.memory_space<hbm>>
      tpu.wait_dma2 semaphore(%run_scoped3A : memref<!tpu.dma_semaphore, #tpu.memory_space<semaphore_mem>>) src(%dma_wait3A_95 : memref<4096xf32, #tpu.memory_space<hbm>>) dst(%dma_wait3A_92 : memref<4096xf32, #tpu.memory_space<vmem>>)
      tpu.yield
    }) : () -> ()
    %mul3A_38 = arith.constant 64 : i32
    %mul3A_39 = arith.muli %select_n3A, %mul3A_38 : i32
    %add3A_40 = arith.addi %mul3A_39, %mul3A_32 : i32
    %add3A_41 = arith.constant 1 : i32
    %add3A_42 = arith.addi %add3A_40, %add3A_41 : i32
    "tpu.region"() ({
      %run_scoped3A = tpu.sem_alloc : memref<!tpu.dma_semaphore, #tpu.memory_space<semaphore_mem>>
      %dma_start3A = arith.constant 4096 : i32
      %dma_start3A_78 = tpu.memref_slice %arg6[%dma_start3A] : memref<32768xf32, #tpu.memory_space<vmem>> -> memref<4096xf32, #tpu.memory_space<vmem>>
      %dma_start3A_79 = arith.constant 0 : i32
      %dma_start3A_80 = tpu.memref_slice %arg2[%add3A_42, %dma_start3A_79] : memref<256x4096xf32, #tpu.memory_space<hbm>> -> memref<1x4096xf32, #tpu.memory_space<hbm>>
      %dma_start3A_81 = tpu.memref_squeeze %dma_start3A_80 : memref<1x4096xf32, #tpu.memory_space<hbm>> -> memref<4096xf32, #tpu.memory_space<hbm>>
      %dma_start3A_82 = arith.constant 4096 : i32
      %dma_start3A_83 = tpu.memref_slice %arg6[%dma_start3A_82] : memref<32768xf32, #tpu.memory_space<vmem>> -> memref<4096xf32, #tpu.memory_space<vmem>>
      %dma_start3A_84 = arith.constant 0 : i32
      %dma_start3A_85 = tpu.memref_slice %arg2[%add3A_42, %dma_start3A_84] : memref<256x4096xf32, #tpu.memory_space<hbm>> -> memref<1x4096xf32, #tpu.memory_space<hbm>>
      %dma_start3A_86 = tpu.memref_squeeze %dma_start3A_85 : memref<1x4096xf32, #tpu.memory_space<hbm>> -> memref<4096xf32, #tpu.memory_space<hbm>>
      tpu.enqueue_dma source(%dma_start3A_86 : memref<4096xf32, #tpu.memory_space<hbm>>) target(%dma_start3A_83 : memref<4096xf32, #tpu.memory_space<vmem>>) target_semaphore(%run_scoped3A : memref<!tpu.dma_semaphore, #tpu.memory_space<semaphore_mem>>)
      %dma_wait3A = arith.constant 4096 : i32
      %dma_wait3A_87 = tpu.memref_slice %arg6[%dma_wait3A] : memref<32768xf32, #tpu.memory_space<vmem>> -> memref<4096xf32, #tpu.memory_space<vmem>>
      %dma_wait3A_88 = arith.constant 0 : i32
      %dma_wait3A_89 = tpu.memref_slice %arg2[%add3A_42, %dma_wait3A_88] : memref<256x4096xf32, #tpu.memory_space<hbm>> -> memref<1x4096xf32, #tpu.memory_space<hbm>>
      %dma_wait3A_90 = tpu.memref_squeeze %dma_wait3A_89 : memref<1x4096xf32, #tpu.memory_space<hbm>> -> memref<4096xf32, #tpu.memory_space<hbm>>
      %dma_wait3A_91 = arith.constant 4096 : i32
      %dma_wait3A_92 = tpu.memref_slice %arg6[%dma_wait3A_91] : memref<32768xf32, #tpu.memory_space<vmem>> -> memref<4096xf32, #tpu.memory_space<vmem>>
      %dma_wait3A_93 = arith.constant 0 : i32
      %dma_wait3A_94 = tpu.memref_slice %arg2[%add3A_42, %dma_wait3A_93] : memref<256x4096xf32, #tpu.memory_space<hbm>> -> memref<1x4096xf32, #tpu.memory_space<hbm>>
      %dma_wait3A_95 = tpu.memref_squeeze %dma_wait3A_94 : memref<1x4096xf32, #tpu.memory_space<hbm>> -> memref<4096xf32, #tpu.memory_space<hbm>>
      tpu.wait_dma2 semaphore(%run_scoped3A : memref<!tpu.dma_semaphore, #tpu.memory_space<semaphore_mem>>) src(%dma_wait3A_95 : memref<4096xf32, #tpu.memory_space<hbm>>) dst(%dma_wait3A_92 : memref<4096xf32, #tpu.memory_space<vmem>>)
      tpu.yield
    }) : () -> ()
    %mul3A_43 = arith.constant 64 : i32
    %mul3A_44 = arith.muli %select_n3A, %mul3A_43 : i32
    %add3A_45 = arith.addi %mul3A_44, %mul3A_32 : i32
    %add3A_46 = arith.constant 2 : i32
    %add3A_47 = arith.addi %add3A_45, %add3A_46 : i32
    "tpu.region"() ({
      %run_scoped3A = tpu.sem_alloc : memref<!tpu.dma_semaphore, #tpu.memory_space<semaphore_mem>>
      %dma_start3A = arith.constant 8192 : i32
      %dma_start3A_78 = tpu.memref_slice %arg6[%dma_start3A] : memref<32768xf32, #tpu.memory_space<vmem>> -> memref<4096xf32, #tpu.memory_space<vmem>>
      %dma_start3A_79 = arith.constant 0 : i32
      %dma_start3A_80 = tpu.memref_slice %arg2[%add3A_47, %dma_start3A_79] : memref<256x4096xf32, #tpu.memory_space<hbm>> -> memref<1x4096xf32, #tpu.memory_space<hbm>>
      %dma_start3A_81 = tpu.memref_squeeze %dma_start3A_80 : memref<1x4096xf32, #tpu.memory_space<hbm>> -> memref<4096xf32, #tpu.memory_space<hbm>>
      %dma_start3A_82 = arith.constant 8192 : i32
      %dma_start3A_83 = tpu.memref_slice %arg6[%dma_start3A_82] : memref<32768xf32, #tpu.memory_space<vmem>> -> memref<4096xf32, #tpu.memory_space<vmem>>
      %dma_start3A_84 = arith.constant 0 : i32
      %dma_start3A_85 = tpu.memref_slice %arg2[%add3A_47, %dma_start3A_84] : memref<256x4096xf32, #tpu.memory_space<hbm>> -> memref<1x4096xf32, #tpu.memory_space<hbm>>
      %dma_start3A_86 = tpu.memref_squeeze %dma_start3A_85 : memref<1x4096xf32, #tpu.memory_space<hbm>> -> memref<4096xf32, #tpu.memory_space<hbm>>
      tpu.enqueue_dma source(%dma_start3A_86 : memref<4096xf32, #tpu.memory_space<hbm>>) target(%dma_start3A_83 : memref<4096xf32, #tpu.memory_space<vmem>>) target_semaphore(%run_scoped3A : memref<!tpu.dma_semaphore, #tpu.memory_space<semaphore_mem>>)
      %dma_wait3A = arith.constant 8192 : i32
      %dma_wait3A_87 = tpu.memref_slice %arg6[%dma_wait3A] : memref<32768xf32, #tpu.memory_space<vmem>> -> memref<4096xf32, #tpu.memory_space<vmem>>
      %dma_wait3A_88 = arith.constant 0 : i32
      %dma_wait3A_89 = tpu.memref_slice %arg2[%add3A_47, %dma_wait3A_88] : memref<256x4096xf32, #tpu.memory_space<hbm>> -> memref<1x4096xf32, #tpu.memory_space<hbm>>
      %dma_wait3A_90 = tpu.memref_squeeze %dma_wait3A_89 : memref<1x4096xf32, #tpu.memory_space<hbm>> -> memref<4096xf32, #tpu.memory_space<hbm>>
      %dma_wait3A_91 = arith.constant 8192 : i32
      %dma_wait3A_92 = tpu.memref_slice %arg6[%dma_wait3A_91] : memref<32768xf32, #tpu.memory_space<vmem>> -> memref<4096xf32, #tpu.memory_space<vmem>>
      %dma_wait3A_93 = arith.constant 0 : i32
      %dma_wait3A_94 = tpu.memref_slice %arg2[%add3A_47, %dma_wait3A_93] : memref<256x4096xf32, #tpu.memory_space<hbm>> -> memref<1x4096xf32, #tpu.memory_space<hbm>>
      %dma_wait3A_95 = tpu.memref_squeeze %dma_wait3A_94 : memref<1x4096xf32, #tpu.memory_space<hbm>> -> memref<4096xf32, #tpu.memory_space<hbm>>
      tpu.wait_dma2 semaphore(%run_scoped3A : memref<!tpu.dma_semaphore, #tpu.memory_space<semaphore_mem>>) src(%dma_wait3A_95 : memref<4096xf32, #tpu.memory_space<hbm>>) dst(%dma_wait3A_92 : memref<4096xf32, #tpu.memory_space<vmem>>)
      tpu.yield
    }) : () -> ()
    %mul3A_48 = arith.constant 64 : i32
    %mul3A_49 = arith.muli %select_n3A, %mul3A_48 : i32
    %add3A_50 = arith.addi %mul3A_49, %mul3A_32 : i32
    %add3A_51 = arith.constant 3 : i32
    %add3A_52 = arith.addi %add3A_50, %add3A_51 : i32
    "tpu.region"() ({
      %run_scoped3A = tpu.sem_alloc : memref<!tpu.dma_semaphore, #tpu.memory_space<semaphore_mem>>
      %dma_start3A = arith.constant 12288 : i32
      %dma_start3A_78 = tpu.memref_slice %arg6[%dma_start3A] : memref<32768xf32, #tpu.memory_space<vmem>> -> memref<4096xf32, #tpu.memory_space<vmem>>
      %dma_start3A_79 = arith.constant 0 : i32
      %dma_start3A_80 = tpu.memref_slice %arg2[%add3A_52, %dma_start3A_79] : memref<256x4096xf32, #tpu.memory_space<hbm>> -> memref<1x4096xf32, #tpu.memory_space<hbm>>
      %dma_start3A_81 = tpu.memref_squeeze %dma_start3A_80 : memref<1x4096xf32, #tpu.memory_space<hbm>> -> memref<4096xf32, #tpu.memory_space<hbm>>
      %dma_start3A_82 = arith.constant 12288 : i32
      %dma_start3A_83 = tpu.memref_slice %arg6[%dma_start3A_82] : memref<32768xf32, #tpu.memory_space<vmem>> -> memref<4096xf32, #tpu.memory_space<vmem>>
      %dma_start3A_84 = arith.constant 0 : i32
      %dma_start3A_85 = tpu.memref_slice %arg2[%add3A_52, %dma_start3A_84] : memref<256x4096xf32, #tpu.memory_space<hbm>> -> memref<1x4096xf32, #tpu.memory_space<hbm>>
      %dma_start3A_86 = tpu.memref_squeeze %dma_start3A_85 : memref<1x4096xf32, #tpu.memory_space<hbm>> -> memref<4096xf32, #tpu.memory_space<hbm>>
      tpu.enqueue_dma source(%dma_start3A_86 : memref<4096xf32, #tpu.memory_space<hbm>>) target(%dma_start3A_83 : memref<4096xf32, #tpu.memory_space<vmem>>) target_semaphore(%run_scoped3A : memref<!tpu.dma_semaphore, #tpu.memory_space<semaphore_mem>>)
      %dma_wait3A = arith.constant 12288 : i32
      %dma_wait3A_87 = tpu.memref_slice %arg6[%dma_wait3A] : memref<32768xf32, #tpu.memory_space<vmem>> -> memref<4096xf32, #tpu.memory_space<vmem>>
      %dma_wait3A_88 = arith.constant 0 : i32
      %dma_wait3A_89 = tpu.memref_slice %arg2[%add3A_52, %dma_wait3A_88] : memref<256x4096xf32, #tpu.memory_space<hbm>> -> memref<1x4096xf32, #tpu.memory_space<hbm>>
      %dma_wait3A_90 = tpu.memref_squeeze %dma_wait3A_89 : memref<1x4096xf32, #tpu.memory_space<hbm>> -> memref<4096xf32, #tpu.memory_space<hbm>>
      %dma_wait3A_91 = arith.constant 12288 : i32
      %dma_wait3A_92 = tpu.memref_slice %arg6[%dma_wait3A_91] : memref<32768xf32, #tpu.memory_space<vmem>> -> memref<4096xf32, #tpu.memory_space<vmem>>
      %dma_wait3A_93 = arith.constant 0 : i32
      %dma_wait3A_94 = tpu.memref_slice %arg2[%add3A_52, %dma_wait3A_93] : memref<256x4096xf32, #tpu.memory_space<hbm>> -> memref<1x4096xf32, #tpu.memory_space<hbm>>
      %dma_wait3A_95 = tpu.memref_squeeze %dma_wait3A_94 : memref<1x4096xf32, #tpu.memory_space<hbm>> -> memref<4096xf32, #tpu.memory_space<hbm>>
      tpu.wait_dma2 semaphore(%run_scoped3A : memref<!tpu.dma_semaphore, #tpu.memory_space<semaphore_mem>>) src(%dma_wait3A_95 : memref<4096xf32, #tpu.memory_space<hbm>>) dst(%dma_wait3A_92 : memref<4096xf32, #tpu.memory_space<vmem>>)
      tpu.yield
    }) : () -> ()
    %mul3A_53 = arith.constant 64 : i32
    %mul3A_54 = arith.muli %select_n3A, %mul3A_53 : i32
    %add3A_55 = arith.addi %mul3A_54, %mul3A_32 : i32
    %add3A_56 = arith.constant 4 : i32
    %add3A_57 = arith.addi %add3A_55, %add3A_56 : i32
    "tpu.region"() ({
      %run_scoped3A = tpu.sem_alloc : memref<!tpu.dma_semaphore, #tpu.memory_space<semaphore_mem>>
      %dma_start3A = arith.constant 16384 : i32
      %dma_start3A_78 = tpu.memref_slice %arg6[%dma_start3A] : memref<32768xf32, #tpu.memory_space<vmem>> -> memref<4096xf32, #tpu.memory_space<vmem>>
      %dma_start3A_79 = arith.constant 0 : i32
      %dma_start3A_80 = tpu.memref_slice %arg2[%add3A_57, %dma_start3A_79] : memref<256x4096xf32, #tpu.memory_space<hbm>> -> memref<1x4096xf32, #tpu.memory_space<hbm>>
      %dma_start3A_81 = tpu.memref_squeeze %dma_start3A_80 : memref<1x4096xf32, #tpu.memory_space<hbm>> -> memref<4096xf32, #tpu.memory_space<hbm>>
      %dma_start3A_82 = arith.constant 16384 : i32
      %dma_start3A_83 = tpu.memref_slice %arg6[%dma_start3A_82] : memref<32768xf32, #tpu.memory_space<vmem>> -> memref<4096xf32, #tpu.memory_space<vmem>>
      %dma_start3A_84 = arith.constant 0 : i32
      %dma_start3A_85 = tpu.memref_slice %arg2[%add3A_57, %dma_start3A_84] : memref<256x4096xf32, #tpu.memory_space<hbm>> -> memref<1x4096xf32, #tpu.memory_space<hbm>>
      %dma_start3A_86 = tpu.memref_squeeze %dma_start3A_85 : memref<1x4096xf32, #tpu.memory_space<hbm>> -> memref<4096xf32, #tpu.memory_space<hbm>>
      tpu.enqueue_dma source(%dma_start3A_86 : memref<4096xf32, #tpu.memory_space<hbm>>) target(%dma_start3A_83 : memref<4096xf32, #tpu.memory_space<vmem>>) target_semaphore(%run_scoped3A : memref<!tpu.dma_semaphore, #tpu.memory_space<semaphore_mem>>)
      %dma_wait3A = arith.constant 16384 : i32
      %dma_wait3A_87 = tpu.memref_slice %arg6[%dma_wait3A] : memref<32768xf32, #tpu.memory_space<vmem>> -> memref<4096xf32, #tpu.memory_space<vmem>>
      %dma_wait3A_88 = arith.constant 0 : i32
      %dma_wait3A_89 = tpu.memref_slice %arg2[%add3A_57, %dma_wait3A_88] : memref<256x4096xf32, #tpu.memory_space<hbm>> -> memref<1x4096xf32, #tpu.memory_space<hbm>>
      %dma_wait3A_90 = tpu.memref_squeeze %dma_wait3A_89 : memref<1x4096xf32, #tpu.memory_space<hbm>> -> memref<4096xf32, #tpu.memory_space<hbm>>
      %dma_wait3A_91 = arith.constant 16384 : i32
      %dma_wait3A_92 = tpu.memref_slice %arg6[%dma_wait3A_91] : memref<32768xf32, #tpu.memory_space<vmem>> -> memref<4096xf32, #tpu.memory_space<vmem>>
      %dma_wait3A_93 = arith.constant 0 : i32
      %dma_wait3A_94 = tpu.memref_slice %arg2[%add3A_57, %dma_wait3A_93] : memref<256x4096xf32, #tpu.memory_space<hbm>> -> memref<1x4096xf32, #tpu.memory_space<hbm>>
      %dma_wait3A_95 = tpu.memref_squeeze %dma_wait3A_94 : memref<1x4096xf32, #tpu.memory_space<hbm>> -> memref<4096xf32, #tpu.memory_space<hbm>>
      tpu.wait_dma2 semaphore(%run_scoped3A : memref<!tpu.dma_semaphore, #tpu.memory_space<semaphore_mem>>) src(%dma_wait3A_95 : memref<4096xf32, #tpu.memory_space<hbm>>) dst(%dma_wait3A_92 : memref<4096xf32, #tpu.memory_space<vmem>>)
      tpu.yield
    }) : () -> ()
    %mul3A_58 = arith.constant 64 : i32
    %mul3A_59 = arith.muli %select_n3A, %mul3A_58 : i32
    %add3A_60 = arith.addi %mul3A_59, %mul3A_32 : i32
    %add3A_61 = arith.constant 5 : i32
    %add3A_62 = arith.addi %add3A_60, %add3A_61 : i32
    "tpu.region"() ({
      %run_scoped3A = tpu.sem_alloc : memref<!tpu.dma_semaphore, #tpu.memory_space<semaphore_mem>>
      %dma_start3A = arith.constant 20480 : i32
      %dma_start3A_78 = tpu.memref_slice %arg6[%dma_start3A] : memref<32768xf32, #tpu.memory_space<vmem>> -> memref<4096xf32, #tpu.memory_space<vmem>>
      %dma_start3A_79 = arith.constant 0 : i32
      %dma_start3A_80 = tpu.memref_slice %arg2[%add3A_62, %dma_start3A_79] : memref<256x4096xf32, #tpu.memory_space<hbm>> -> memref<1x4096xf32, #tpu.memory_space<hbm>>
      %dma_start3A_81 = tpu.memref_squeeze %dma_start3A_80 : memref<1x4096xf32, #tpu.memory_space<hbm>> -> memref<4096xf32, #tpu.memory_space<hbm>>
      %dma_start3A_82 = arith.constant 20480 : i32
      %dma_start3A_83 = tpu.memref_slice %arg6[%dma_start3A_82] : memref<32768xf32, #tpu.memory_space<vmem>> -> memref<4096xf32, #tpu.memory_space<vmem>>
      %dma_start3A_84 = arith.constant 0 : i32
      %dma_start3A_85 = tpu.memref_slice %arg2[%add3A_62, %dma_start3A_84] : memref<256x4096xf32, #tpu.memory_space<hbm>> -> memref<1x4096xf32, #tpu.memory_space<hbm>>
      %dma_start3A_86 = tpu.memref_squeeze %dma_start3A_85 : memref<1x4096xf32, #tpu.memory_space<hbm>> -> memref<4096xf32, #tpu.memory_space<hbm>>
      tpu.enqueue_dma source(%dma_start3A_86 : memref<4096xf32, #tpu.memory_space<hbm>>) target(%dma_start3A_83 : memref<4096xf32, #tpu.memory_space<vmem>>) target_semaphore(%run_scoped3A : memref<!tpu.dma_semaphore, #tpu.memory_space<semaphore_mem>>)
      %dma_wait3A = arith.constant 20480 : i32
      %dma_wait3A_87 = tpu.memref_slice %arg6[%dma_wait3A] : memref<32768xf32, #tpu.memory_space<vmem>> -> memref<4096xf32, #tpu.memory_space<vmem>>
      %dma_wait3A_88 = arith.constant 0 : i32
      %dma_wait3A_89 = tpu.memref_slice %arg2[%add3A_62, %dma_wait3A_88] : memref<256x4096xf32, #tpu.memory_space<hbm>> -> memref<1x4096xf32, #tpu.memory_space<hbm>>
      %dma_wait3A_90 = tpu.memref_squeeze %dma_wait3A_89 : memref<1x4096xf32, #tpu.memory_space<hbm>> -> memref<4096xf32, #tpu.memory_space<hbm>>
      %dma_wait3A_91 = arith.constant 20480 : i32
      %dma_wait3A_92 = tpu.memref_slice %arg6[%dma_wait3A_91] : memref<32768xf32, #tpu.memory_space<vmem>> -> memref<4096xf32, #tpu.memory_space<vmem>>
      %dma_wait3A_93 = arith.constant 0 : i32
      %dma_wait3A_94 = tpu.memref_slice %arg2[%add3A_62, %dma_wait3A_93] : memref<256x4096xf32, #tpu.memory_space<hbm>> -> memref<1x4096xf32, #tpu.memory_space<hbm>>
      %dma_wait3A_95 = tpu.memref_squeeze %dma_wait3A_94 : memref<1x4096xf32, #tpu.memory_space<hbm>> -> memref<4096xf32, #tpu.memory_space<hbm>>
      tpu.wait_dma2 semaphore(%run_scoped3A : memref<!tpu.dma_semaphore, #tpu.memory_space<semaphore_mem>>) src(%dma_wait3A_95 : memref<4096xf32, #tpu.memory_space<hbm>>) dst(%dma_wait3A_92 : memref<4096xf32, #tpu.memory_space<vmem>>)
      tpu.yield
    }) : () -> ()
    %mul3A_63 = arith.constant 64 : i32
    %mul3A_64 = arith.muli %select_n3A, %mul3A_63 : i32
    %add3A_65 = arith.addi %mul3A_64, %mul3A_32 : i32
    %add3A_66 = arith.constant 6 : i32
    %add3A_67 = arith.addi %add3A_65, %add3A_66 : i32
    "tpu.region"() ({
      %run_scoped3A = tpu.sem_alloc : memref<!tpu.dma_semaphore, #tpu.memory_space<semaphore_mem>>
      %dma_start3A = arith.constant 24576 : i32
      %dma_start3A_78 = tpu.memref_slice %arg6[%dma_start3A] : memref<32768xf32, #tpu.memory_space<vmem>> -> memref<4096xf32, #tpu.memory_space<vmem>>
      %dma_start3A_79 = arith.constant 0 : i32
      %dma_start3A_80 = tpu.memref_slice %arg2[%add3A_67, %dma_start3A_79] : memref<256x4096xf32, #tpu.memory_space<hbm>> -> memref<1x4096xf32, #tpu.memory_space<hbm>>
      %dma_start3A_81 = tpu.memref_squeeze %dma_start3A_80 : memref<1x4096xf32, #tpu.memory_space<hbm>> -> memref<4096xf32, #tpu.memory_space<hbm>>
      %dma_start3A_82 = arith.constant 24576 : i32
      %dma_start3A_83 = tpu.memref_slice %arg6[%dma_start3A_82] : memref<32768xf32, #tpu.memory_space<vmem>> -> memref<4096xf32, #tpu.memory_space<vmem>>
      %dma_start3A_84 = arith.constant 0 : i32
      %dma_start3A_85 = tpu.memref_slice %arg2[%add3A_67, %dma_start3A_84] : memref<256x4096xf32, #tpu.memory_space<hbm>> -> memref<1x4096xf32, #tpu.memory_space<hbm>>
      %dma_start3A_86 = tpu.memref_squeeze %dma_start3A_85 : memref<1x4096xf32, #tpu.memory_space<hbm>> -> memref<4096xf32, #tpu.memory_space<hbm>>
      tpu.enqueue_dma source(%dma_start3A_86 : memref<4096xf32, #tpu.memory_space<hbm>>) target(%dma_start3A_83 : memref<4096xf32, #tpu.memory_space<vmem>>) target_semaphore(%run_scoped3A : memref<!tpu.dma_semaphore, #tpu.memory_space<semaphore_mem>>)
      %dma_wait3A = arith.constant 24576 : i32
      %dma_wait3A_87 = tpu.memref_slice %arg6[%dma_wait3A] : memref<32768xf32, #tpu.memory_space<vmem>> -> memref<4096xf32, #tpu.memory_space<vmem>>
      %dma_wait3A_88 = arith.constant 0 : i32
      %dma_wait3A_89 = tpu.memref_slice %arg2[%add3A_67, %dma_wait3A_88] : memref<256x4096xf32, #tpu.memory_space<hbm>> -> memref<1x4096xf32, #tpu.memory_space<hbm>>
      %dma_wait3A_90 = tpu.memref_squeeze %dma_wait3A_89 : memref<1x4096xf32, #tpu.memory_space<hbm>> -> memref<4096xf32, #tpu.memory_space<hbm>>
      %dma_wait3A_91 = arith.constant 24576 : i32
      %dma_wait3A_92 = tpu.memref_slice %arg6[%dma_wait3A_91] : memref<32768xf32, #tpu.memory_space<vmem>> -> memref<4096xf32, #tpu.memory_space<vmem>>
      %dma_wait3A_93 = arith.constant 0 : i32
      %dma_wait3A_94 = tpu.memref_slice %arg2[%add3A_67, %dma_wait3A_93] : memref<256x4096xf32, #tpu.memory_space<hbm>> -> memref<1x4096xf32, #tpu.memory_space<hbm>>
      %dma_wait3A_95 = tpu.memref_squeeze %dma_wait3A_94 : memref<1x4096xf32, #tpu.memory_space<hbm>> -> memref<4096xf32, #tpu.memory_space<hbm>>
      tpu.wait_dma2 semaphore(%run_scoped3A : memref<!tpu.dma_semaphore, #tpu.memory_space<semaphore_mem>>) src(%dma_wait3A_95 : memref<4096xf32, #tpu.memory_space<hbm>>) dst(%dma_wait3A_92 : memref<4096xf32, #tpu.memory_space<vmem>>)
      tpu.yield
    }) : () -> ()
    %mul3A_68 = arith.constant 64 : i32
    %mul3A_69 = arith.muli %select_n3A, %mul3A_68 : i32
    %add3A_70 = arith.addi %mul3A_69, %mul3A_32 : i32
    %add3A_71 = arith.constant 7 : i32
    %add3A_72 = arith.addi %add3A_70, %add3A_71 : i32
    "tpu.region"() ({
      %run_scoped3A = tpu.sem_alloc : memref<!tpu.dma_semaphore, #tpu.memory_space<semaphore_mem>>
      %dma_start3A = arith.constant 28672 : i32
      %dma_start3A_78 = tpu.memref_slice %arg6[%dma_start3A] : memref<32768xf32, #tpu.memory_space<vmem>> -> memref<4096xf32, #tpu.memory_space<vmem>>
      %dma_start3A_79 = arith.constant 0 : i32
      %dma_start3A_80 = tpu.memref_slice %arg2[%add3A_72, %dma_start3A_79] : memref<256x4096xf32, #tpu.memory_space<hbm>> -> memref<1x4096xf32, #tpu.memory_space<hbm>>
      %dma_start3A_81 = tpu.memref_squeeze %dma_start3A_80 : memref<1x4096xf32, #tpu.memory_space<hbm>> -> memref<4096xf32, #tpu.memory_space<hbm>>
      %dma_start3A_82 = arith.constant 28672 : i32
      %dma_start3A_83 = tpu.memref_slice %arg6[%dma_start3A_82] : memref<32768xf32, #tpu.memory_space<vmem>> -> memref<4096xf32, #tpu.memory_space<vmem>>
      %dma_start3A_84 = arith.constant 0 : i32
      %dma_start3A_85 = tpu.memref_slice %arg2[%add3A_72, %dma_start3A_84] : memref<256x4096xf32, #tpu.memory_space<hbm>> -> memref<1x4096xf32, #tpu.memory_space<hbm>>
      %dma_start3A_86 = tpu.memref_squeeze %dma_start3A_85 : memref<1x4096xf32, #tpu.memory_space<hbm>> -> memref<4096xf32, #tpu.memory_space<hbm>>
      tpu.enqueue_dma source(%dma_start3A_86 : memref<4096xf32, #tpu.memory_space<hbm>>) target(%dma_start3A_83 : memref<4096xf32, #tpu.memory_space<vmem>>) target_semaphore(%run_scoped3A : memref<!tpu.dma_semaphore, #tpu.memory_space<semaphore_mem>>)
      %dma_wait3A = arith.constant 28672 : i32
      %dma_wait3A_87 = tpu.memref_slice %arg6[%dma_wait3A] : memref<32768xf32, #tpu.memory_space<vmem>> -> memref<4096xf32, #tpu.memory_space<vmem>>
      %dma_wait3A_88 = arith.constant 0 : i32
      %dma_wait3A_89 = tpu.memref_slice %arg2[%add3A_72, %dma_wait3A_88] : memref<256x4096xf32, #tpu.memory_space<hbm>> -> memref<1x4096xf32, #tpu.memory_space<hbm>>
      %dma_wait3A_90 = tpu.memref_squeeze %dma_wait3A_89 : memref<1x4096xf32, #tpu.memory_space<hbm>> -> memref<4096xf32, #tpu.memory_space<hbm>>
      %dma_wait3A_91 = arith.constant 28672 : i32
      %dma_wait3A_92 = tpu.memref_slice %arg6[%dma_wait3A_91] : memref<32768xf32, #tpu.memory_space<vmem>> -> memref<4096xf32, #tpu.memory_space<vmem>>
      %dma_wait3A_93 = arith.constant 0 : i32
      %dma_wait3A_94 = tpu.memref_slice %arg2[%add3A_72, %dma_wait3A_93] : memref<256x4096xf32, #tpu.memory_space<hbm>> -> memref<1x4096xf32, #tpu.memory_space<hbm>>
      %dma_wait3A_95 = tpu.memref_squeeze %dma_wait3A_94 : memref<1x4096xf32, #tpu.memory_space<hbm>> -> memref<4096xf32, #tpu.memory_space<hbm>>
      tpu.wait_dma2 semaphore(%run_scoped3A : memref<!tpu.dma_semaphore, #tpu.memory_space<semaphore_mem>>) src(%dma_wait3A_95 : memref<4096xf32, #tpu.memory_space<hbm>>) dst(%dma_wait3A_92 : memref<4096xf32, #tpu.memory_space<vmem>>)
      tpu.yield
    }) : () -> ()
    %scan3A = arith.constant 0 : i32
    %scan3A_73 = arith.constant 0 : i32
    %scan3A_74 = arith.constant 20 : i32
    %scan3A_75 = arith.addi %scan3A_73, %scan3A_74 : i32
    %scan3A_76 = arith.constant 1 : i32
    scf.for %scan3A_78 = %scan3A_73 to %scan3A_75 step %scan3A_76  : i32 {
      %mul3A_79 = arith.constant 4096 : i32
      %mul3A_80 = arith.muli %scan3A_78, %mul3A_79 : i32
      %multiple_of3A = tpu.assume_multiple %mul3A_80, 4096 : i32
      "tpu.region"() ({
        %run_scoped3A = tpu.sem_alloc : memref<!tpu.dma_semaphore, #tpu.memory_space<semaphore_mem>>
        %dma_start3A_454 = tpu.memref_slice %arg3[%select_n3A, %multiple_of3A] : memref<4x81920xi32, #tpu.memory_space<hbm>> -> memref<1x4096xi32, #tpu.memory_space<hbm>>
        %dma_start3A_455 = tpu.memref_squeeze %dma_start3A_454 : memref<1x4096xi32, #tpu.memory_space<hbm>> -> memref<4096xi32, #tpu.memory_space<hbm>>
        %dma_start3A_456 = tpu.memref_slice %arg3[%select_n3A, %multiple_of3A] : memref<4x81920xi32, #tpu.memory_space<hbm>> -> memref<1x4096xi32, #tpu.memory_space<hbm>>
        %dma_start3A_457 = tpu.memref_squeeze %dma_start3A_456 : memref<1x4096xi32, #tpu.memory_space<hbm>> -> memref<4096xi32, #tpu.memory_space<hbm>>
        tpu.enqueue_dma source(%dma_start3A_457 : memref<4096xi32, #tpu.memory_space<hbm>>) target(%arg7 : memref<4096xi32, #tpu.memory_space<vmem>>) target_semaphore(%run_scoped3A : memref<!tpu.dma_semaphore, #tpu.memory_space<semaphore_mem>>)
        %dma_wait3A_458 = tpu.memref_slice %arg3[%select_n3A, %multiple_of3A] : memref<4x81920xi32, #tpu.memory_space<hbm>> -> memref<1x4096xi32, #tpu.memory_space<hbm>>
        %dma_wait3A_459 = tpu.memref_squeeze %dma_wait3A_458 : memref<1x4096xi32, #tpu.memory_space<hbm>> -> memref<4096xi32, #tpu.memory_space<hbm>>
        %dma_wait3A_460 = tpu.memref_slice %arg3[%select_n3A, %multiple_of3A] : memref<4x81920xi32, #tpu.memory_space<hbm>> -> memref<1x4096xi32, #tpu.memory_space<hbm>>
        %dma_wait3A_461 = tpu.memref_squeeze %dma_wait3A_460 : memref<1x4096xi32, #tpu.memory_space<hbm>> -> memref<4096xi32, #tpu.memory_space<hbm>>
        tpu.wait_dma2 semaphore(%run_scoped3A : memref<!tpu.dma_semaphore, #tpu.memory_space<semaphore_mem>>) src(%dma_wait3A_461 : memref<4096xi32, #tpu.memory_space<hbm>>) dst(%arg7 : memref<4096xi32, #tpu.memory_space<vmem>>)
        tpu.yield
      }) : () -> ()
      "tpu.region"() ({
        %run_scoped3A = tpu.sem_alloc : memref<!tpu.dma_semaphore, #tpu.memory_space<semaphore_mem>>
        %dma_start3A_454 = tpu.memref_slice %arg4[%multiple_of3A] : memref<81920xi32, #tpu.memory_space<hbm>> -> memref<4096xi32, #tpu.memory_space<hbm>>
        %dma_start3A_455 = tpu.memref_slice %arg4[%multiple_of3A] : memref<81920xi32, #tpu.memory_space<hbm>> -> memref<4096xi32, #tpu.memory_space<hbm>>
        tpu.enqueue_dma source(%dma_start3A_455 : memref<4096xi32, #tpu.memory_space<hbm>>) target(%arg8 : memref<4096xi32, #tpu.memory_space<vmem>>) target_semaphore(%run_scoped3A : memref<!tpu.dma_semaphore, #tpu.memory_space<semaphore_mem>>)
        %dma_wait3A_456 = tpu.memref_slice %arg4[%multiple_of3A] : memref<81920xi32, #tpu.memory_space<hbm>> -> memref<4096xi32, #tpu.memory_space<hbm>>
        %dma_wait3A_457 = tpu.memref_slice %arg4[%multiple_of3A] : memref<81920xi32, #tpu.memory_space<hbm>> -> memref<4096xi32, #tpu.memory_space<hbm>>
        tpu.wait_dma2 semaphore(%run_scoped3A : memref<!tpu.dma_semaphore, #tpu.memory_space<semaphore_mem>>) src(%dma_wait3A_457 : memref<4096xi32, #tpu.memory_space<hbm>>) dst(%arg8 : memref<4096xi32, #tpu.memory_space<vmem>>)
        tpu.yield
      }) : () -> ()
      %parallel_loop3A = arith.constant 0 : i32
      %parallel_loop3A_81 = arith.constant 256 : i32
      %parallel_loop3A_82 = arith.constant 1 : i32
      scf.for %parallel_loop3A_454 = %parallel_loop3A to %parallel_loop3A_81 step %parallel_loop3A_82  : i32 {
        %parallel_loop3A_455 = arith.constant 16 : i32
        %parallel_loop3A_456 = arith.muli %parallel_loop3A_454, %parallel_loop3A_455 : i32
        %parallel_loop3A_457 = arith.index_cast %parallel_loop3A_456 : i32 to index
        %parallel_loop3A_458 = tpu.vector_load %arg7[%parallel_loop3A_457] {strides = array<i32>} : memref<4096xi32, #tpu.memory_space<vmem>>, vector<16xi32>,
        %parallel_loop3A_459 = arith.constant 0 : i32
        %parallel_loop3A_460 = vector.broadcast %parallel_loop3A_459 : i32 to vector<16xi32>
        %parallel_loop3A_461 = arith.addi %parallel_loop3A_458, %parallel_loop3A_460 : vector<16xi32>
        %parallel_loop3A_462 = arith.index_cast %parallel_loop3A_456 : i32 to index
        %parallel_loop3A_463 = tpu.vector_load %arg8[%parallel_loop3A_462] {strides = array<i32>} : memref<4096xi32, #tpu.memory_space<vmem>>, vector<16xi32>,
        %parallel_loop3A_464 = arith.constant 0 : i32
        %parallel_loop3A_465 = vector.broadcast %parallel_loop3A_464 : i32 to vector<16xi32>
        %parallel_loop3A_466 = arith.addi %parallel_loop3A_463, %parallel_loop3A_465 : vector<16xi32>
        %parallel_loop3A_467 = tpu.vector_load_idx %arg6[%parallel_loop3A_461] : memref<32768xf32, #tpu.memory_space<vmem>>[vector<16xi32>], vector<16xf32>,
        %parallel_loop3A_468 = tpu.vector_load_idx %arg6[%parallel_loop3A_466] : memref<32768xf32, #tpu.memory_space<vmem>>[vector<16xi32>], vector<16xf32>,
        %parallel_loop3A_469 = arith.subf %parallel_loop3A_467, %parallel_loop3A_468 : vector<16xf32>
        %parallel_loop3A_470 = arith.constant 0 : i32
        %parallel_loop3A_471 = arith.addi %parallel_loop3A_470, %parallel_loop3A_456 : i32
        %parallel_loop3A_472 = arith.index_cast %parallel_loop3A_471 : i32 to index
        %parallel_loop3A_473 = tpu.vector_load %arg9[%parallel_loop3A_472] {strides = array<i32>} : memref<32768xf32, #tpu.memory_space<vmem>>, vector<16xf32>,
        tpu.vector_store %arg9[%parallel_loop3A_472], %parallel_loop3A_469 {strides = array<i32>} : memref<32768xf32, #tpu.memory_space<vmem>>, vector<16xf32>,
        %parallel_loop3A_474 = arith.constant 0 : i32
        %parallel_loop3A_475 = arith.addi %parallel_loop3A_474, %parallel_loop3A_456 : i32
        %parallel_loop3A_476 = arith.index_cast %parallel_loop3A_475 : i32 to index
        %parallel_loop3A_477 = tpu.vector_load %arg10[%parallel_loop3A_476] {strides = array<i32>} : memref<32768xf32, #tpu.memory_space<vmem>>, vector<16xf32>,
        tpu.vector_store %arg10[%parallel_loop3A_476], %parallel_loop3A_468 {strides = array<i32>} : memref<32768xf32, #tpu.memory_space<vmem>>, vector<16xf32>,
      } {sc.loop_unroll_factor = 16 : i64, sc.parallel_access}
      %add3A_83 = arith.constant 0 : i32
      %add3A_84 = arith.addi %mul3A_32, %add3A_83 : i32
      %dma_start3A = arith.constant 0 : i32
      %dma_start3A_85 = tpu.memref_slice %arg9[%dma_start3A] : memref<32768xf32, #tpu.memory_space<vmem>> -> memref<4096xf32, #tpu.memory_space<vmem>>
      %dma_start3A_86 = tpu.memref_slice %arg5[%select_n3A, %add3A_84, %multiple_of3A] : memref<4x128x81920xf32, #tpu.memory_space<hbm>> -> memref<1x1x4096xf32, #tpu.memory_space<hbm>>
      %dma_start3A_87 = tpu.memref_squeeze %dma_start3A_86 : memref<1x1x4096xf32, #tpu.memory_space<hbm>> -> memref<4096xf32, #tpu.memory_space<hbm>>
      %dma_start3A_88 = tpu.memref_slice %arg5[%select_n3A, %add3A_84, %multiple_of3A] : memref<4x128x81920xf32, #tpu.memory_space<hbm>> -> memref<1x1x4096xf32, #tpu.memory_space<hbm>>
      %dma_start3A_89 = tpu.memref_squeeze %dma_start3A_88 : memref<1x1x4096xf32, #tpu.memory_space<hbm>> -> memref<4096xf32, #tpu.memory_space<hbm>>
      %dma_start3A_90 = arith.constant 0 : i32
      %dma_start3A_91 = tpu.memref_slice %arg9[%dma_start3A_90] : memref<32768xf32, #tpu.memory_space<vmem>> -> memref<4096xf32, #tpu.memory_space<vmem>>
      tpu.enqueue_dma source(%dma_start3A_91 : memref<4096xf32, #tpu.memory_space<vmem>>) target(%dma_start3A_89 : memref<4096xf32, #tpu.memory_space<hbm>>) target_semaphore(%arg11 : memref<!tpu.dma_semaphore, #tpu.memory_space<semaphore_mem>>)
      %add3A_92 = arith.constant 64 : i32
      %add3A_93 = arith.addi %add3A_92, %mul3A_32 : i32
      %add3A_94 = arith.constant 0 : i32
      %add3A_95 = arith.addi %add3A_93, %add3A_94 : i32
      %dma_start3A_96 = arith.constant 0 : i32
      %dma_start3A_97 = tpu.memref_slice %arg10[%dma_start3A_96] : memref<32768xf32, #tpu.memory_space<vmem>> -> memref<4096xf32, #tpu.memory_space<vmem>>
      %dma_start3A_98 = tpu.memref_slice %arg5[%select_n3A, %add3A_95, %multiple_of3A] : memref<4x128x81920xf32, #tpu.memory_space<hbm>> -> memref<1x1x4096xf32, #tpu.memory_space<hbm>>
      %dma_start3A_99 = tpu.memref_squeeze %dma_start3A_98 : memref<1x1x4096xf32, #tpu.memory_space<hbm>> -> memref<4096xf32, #tpu.memory_space<hbm>>
      %dma_start3A_100 = tpu.memref_slice %arg5[%select_n3A, %add3A_95, %multiple_of3A] : memref<4x128x81920xf32, #tpu.memory_space<hbm>> -> memref<1x1x4096xf32, #tpu.memory_space<hbm>>
      %dma_start3A_101 = tpu.memref_squeeze %dma_start3A_100 : memref<1x1x4096xf32, #tpu.memory_space<hbm>> -> memref<4096xf32, #tpu.memory_space<hbm>>
      %dma_start3A_102 = arith.constant 0 : i32
      %dma_start3A_103 = tpu.memref_slice %arg10[%dma_start3A_102] : memref<32768xf32, #tpu.memory_space<vmem>> -> memref<4096xf32, #tpu.memory_space<vmem>>
      tpu.enqueue_dma source(%dma_start3A_103 : memref<4096xf32, #tpu.memory_space<vmem>>) target(%dma_start3A_101 : memref<4096xf32, #tpu.memory_space<hbm>>) target_semaphore(%arg11 : memref<!tpu.dma_semaphore, #tpu.memory_space<semaphore_mem>>)
      %parallel_loop3A_104 = arith.constant 0 : i32
      %parallel_loop3A_105 = arith.constant 256 : i32
      %parallel_loop3A_106 = arith.constant 1 : i32
      scf.for %parallel_loop3A_454 = %parallel_loop3A_104 to %parallel_loop3A_105 step %parallel_loop3A_106  : i32 {
        %parallel_loop3A_455 = arith.constant 16 : i32
        %parallel_loop3A_456 = arith.muli %parallel_loop3A_454, %parallel_loop3A_455 : i32
        %parallel_loop3A_457 = arith.index_cast %parallel_loop3A_456 : i32 to index
        %parallel_loop3A_458 = tpu.vector_load %arg7[%parallel_loop3A_457] {strides = array<i32>} : memref<4096xi32, #tpu.memory_space<vmem>>, vector<16xi32>,
        %parallel_loop3A_459 = arith.constant 4096 : i32
        %parallel_loop3A_460 = vector.broadcast %parallel_loop3A_459 : i32 to vector<16xi32>
        %parallel_loop3A_461 = arith.addi %parallel_loop3A_458, %parallel_loop3A_460 : vector<16xi32>
        %parallel_loop3A_462 = arith.index_cast %parallel_loop3A_456 : i32 to index
        %parallel_loop3A_463 = tpu.vector_load %arg8[%parallel_loop3A_462] {strides = array<i32>} : memref<4096xi32, #tpu.memory_space<vmem>>, vector<16xi32>,
        %parallel_loop3A_464 = arith.constant 4096 : i32
        %parallel_loop3A_465 = vector.broadcast %parallel_loop3A_464 : i32 to vector<16xi32>
        %parallel_loop3A_466 = arith.addi %parallel_loop3A_463, %parallel_loop3A_465 : vector<16xi32>
        %parallel_loop3A_467 = tpu.vector_load_idx %arg6[%parallel_loop3A_461] : memref<32768xf32, #tpu.memory_space<vmem>>[vector<16xi32>], vector<16xf32>,
        %parallel_loop3A_468 = tpu.vector_load_idx %arg6[%parallel_loop3A_466] : memref<32768xf32, #tpu.memory_space<vmem>>[vector<16xi32>], vector<16xf32>,
        %parallel_loop3A_469 = arith.subf %parallel_loop3A_467, %parallel_loop3A_468 : vector<16xf32>
        %parallel_loop3A_470 = arith.constant 4096 : i32
        %parallel_loop3A_471 = arith.addi %parallel_loop3A_470, %parallel_loop3A_456 : i32
        %parallel_loop3A_472 = arith.index_cast %parallel_loop3A_471 : i32 to index
        %parallel_loop3A_473 = tpu.vector_load %arg9[%parallel_loop3A_472] {strides = array<i32>} : memref<32768xf32, #tpu.memory_space<vmem>>, vector<16xf32>,
        tpu.vector_store %arg9[%parallel_loop3A_472], %parallel_loop3A_469 {strides = array<i32>} : memref<32768xf32, #tpu.memory_space<vmem>>, vector<16xf32>,
        %parallel_loop3A_474 = arith.constant 4096 : i32
        %parallel_loop3A_475 = arith.addi %parallel_loop3A_474, %parallel_loop3A_456 : i32
        %parallel_loop3A_476 = arith.index_cast %parallel_loop3A_475 : i32 to index
        %parallel_loop3A_477 = tpu.vector_load %arg10[%parallel_loop3A_476] {strides = array<i32>} : memref<32768xf32, #tpu.memory_space<vmem>>, vector<16xf32>,
        tpu.vector_store %arg10[%parallel_loop3A_476], %parallel_loop3A_468 {strides = array<i32>} : memref<32768xf32, #tpu.memory_space<vmem>>, vector<16xf32>,
      } {sc.loop_unroll_factor = 16 : i64, sc.parallel_access}
      %add3A_107 = arith.constant 1 : i32
      %add3A_108 = arith.addi %mul3A_32, %add3A_107 : i32
      %dma_start3A_109 = arith.constant 4096 : i32
      %dma_start3A_110 = tpu.memref_slice %arg9[%dma_start3A_109] : memref<32768xf32, #tpu.memory_space<vmem>> -> memref<4096xf32, #tpu.memory_space<vmem>>
      %dma_start3A_111 = tpu.memref_slice %arg5[%select_n3A, %add3A_108, %multiple_of3A] : memref<4x128x81920xf32, #tpu.memory_space<hbm>> -> memref<1x1x4096xf32, #tpu.memory_space<hbm>>
      %dma_start3A_112 = tpu.memref_squeeze %dma_start3A_111 : memref<1x1x4096xf32, #tpu.memory_space<hbm>> -> memref<4096xf32, #tpu.memory_space<hbm>>
      %dma_start3A_113 = tpu.memref_slice %arg5[%select_n3A, %add3A_108, %multiple_of3A] : memref<4x128x81920xf32, #tpu.memory_space<hbm>> -> memref<1x1x4096xf32, #tpu.memory_space<hbm>>
      %dma_start3A_114 = tpu.memref_squeeze %dma_start3A_113 : memref<1x1x4096xf32, #tpu.memory_space<hbm>> -> memref<4096xf32, #tpu.memory_space<hbm>>
      %dma_start3A_115 = arith.constant 4096 : i32
      %dma_start3A_116 = tpu.memref_slice %arg9[%dma_start3A_115] : memref<32768xf32, #tpu.memory_space<vmem>> -> memref<4096xf32, #tpu.memory_space<vmem>>
      tpu.enqueue_dma source(%dma_start3A_116 : memref<4096xf32, #tpu.memory_space<vmem>>) target(%dma_start3A_114 : memref<4096xf32, #tpu.memory_space<hbm>>) target_semaphore(%arg11 : memref<!tpu.dma_semaphore, #tpu.memory_space<semaphore_mem>>)
      %add3A_117 = arith.constant 64 : i32
      %add3A_118 = arith.addi %add3A_117, %mul3A_32 : i32
      %add3A_119 = arith.constant 1 : i32
      %add3A_120 = arith.addi %add3A_118, %add3A_119 : i32
      %dma_start3A_121 = arith.constant 4096 : i32
      %dma_start3A_122 = tpu.memref_slice %arg10[%dma_start3A_121] : memref<32768xf32, #tpu.memory_space<vmem>> -> memref<4096xf32, #tpu.memory_space<vmem>>
      %dma_start3A_123 = tpu.memref_slice %arg5[%select_n3A, %add3A_120, %multiple_of3A] : memref<4x128x81920xf32, #tpu.memory_space<hbm>> -> memref<1x1x4096xf32, #tpu.memory_space<hbm>>
      %dma_start3A_124 = tpu.memref_squeeze %dma_start3A_123 : memref<1x1x4096xf32, #tpu.memory_space<hbm>> -> memref<4096xf32, #tpu.memory_space<hbm>>
      %dma_start3A_125 = tpu.memref_slice %arg5[%select_n3A, %add3A_120, %multiple_of3A] : memref<4x128x81920xf32, #tpu.memory_space<hbm>> -> memref<1x1x4096xf32, #tpu.memory_space<hbm>>
      %dma_start3A_126 = tpu.memref_squeeze %dma_start3A_125 : memref<1x1x4096xf32, #tpu.memory_space<hbm>> -> memref<4096xf32, #tpu.memory_space<hbm>>
      %dma_start3A_127 = arith.constant 4096 : i32
      %dma_start3A_128 = tpu.memref_slice %arg10[%dma_start3A_127] : memref<32768xf32, #tpu.memory_space<vmem>> -> memref<4096xf32, #tpu.memory_space<vmem>>
      tpu.enqueue_dma source(%dma_start3A_128 : memref<4096xf32, #tpu.memory_space<vmem>>) target(%dma_start3A_126 : memref<4096xf32, #tpu.memory_space<hbm>>) target_semaphore(%arg11 : memref<!tpu.dma_semaphore, #tpu.memory_space<semaphore_mem>>)
      %parallel_loop3A_129 = arith.constant 0 : i32
      %parallel_loop3A_130 = arith.constant 256 : i32
      %parallel_loop3A_131 = arith.constant 1 : i32
      scf.for %parallel_loop3A_454 = %parallel_loop3A_129 to %parallel_loop3A_130 step %parallel_loop3A_131  : i32 {
        %parallel_loop3A_455 = arith.constant 16 : i32
        %parallel_loop3A_456 = arith.muli %parallel_loop3A_454, %parallel_loop3A_455 : i32
        %parallel_loop3A_457 = arith.index_cast %parallel_loop3A_456 : i32 to index
        %parallel_loop3A_458 = tpu.vector_load %arg7[%parallel_loop3A_457] {strides = array<i32>} : memref<4096xi32, #tpu.memory_space<vmem>>, vector<16xi32>,
        %parallel_loop3A_459 = arith.constant 8192 : i32
        %parallel_loop3A_460 = vector.broadcast %parallel_loop3A_459 : i32 to vector<16xi32>
        %parallel_loop3A_461 = arith.addi %parallel_loop3A_458, %parallel_loop3A_460 : vector<16xi32>
        %parallel_loop3A_462 = arith.index_cast %parallel_loop3A_456 : i32 to index
        %parallel_loop3A_463 = tpu.vector_load %arg8[%parallel_loop3A_462] {strides = array<i32>} : memref<4096xi32, #tpu.memory_space<vmem>>, vector<16xi32>,
        %parallel_loop3A_464 = arith.constant 8192 : i32
        %parallel_loop3A_465 = vector.broadcast %parallel_loop3A_464 : i32 to vector<16xi32>
        %parallel_loop3A_466 = arith.addi %parallel_loop3A_463, %parallel_loop3A_465 : vector<16xi32>
        %parallel_loop3A_467 = tpu.vector_load_idx %arg6[%parallel_loop3A_461] : memref<32768xf32, #tpu.memory_space<vmem>>[vector<16xi32>], vector<16xf32>,
        %parallel_loop3A_468 = tpu.vector_load_idx %arg6[%parallel_loop3A_466] : memref<32768xf32, #tpu.memory_space<vmem>>[vector<16xi32>], vector<16xf32>,
        %parallel_loop3A_469 = arith.subf %parallel_loop3A_467, %parallel_loop3A_468 : vector<16xf32>
        %parallel_loop3A_470 = arith.constant 8192 : i32
        %parallel_loop3A_471 = arith.addi %parallel_loop3A_470, %parallel_loop3A_456 : i32
        %parallel_loop3A_472 = arith.index_cast %parallel_loop3A_471 : i32 to index
        %parallel_loop3A_473 = tpu.vector_load %arg9[%parallel_loop3A_472] {strides = array<i32>} : memref<32768xf32, #tpu.memory_space<vmem>>, vector<16xf32>,
        tpu.vector_store %arg9[%parallel_loop3A_472], %parallel_loop3A_469 {strides = array<i32>} : memref<32768xf32, #tpu.memory_space<vmem>>, vector<16xf32>,
        %parallel_loop3A_474 = arith.constant 8192 : i32
        %parallel_loop3A_475 = arith.addi %parallel_loop3A_474, %parallel_loop3A_456 : i32
        %parallel_loop3A_476 = arith.index_cast %parallel_loop3A_475 : i32 to index
        %parallel_loop3A_477 = tpu.vector_load %arg10[%parallel_loop3A_476] {strides = array<i32>} : memref<32768xf32, #tpu.memory_space<vmem>>, vector<16xf32>,
        tpu.vector_store %arg10[%parallel_loop3A_476], %parallel_loop3A_468 {strides = array<i32>} : memref<32768xf32, #tpu.memory_space<vmem>>, vector<16xf32>,
      } {sc.loop_unroll_factor = 16 : i64, sc.parallel_access}
      %add3A_132 = arith.constant 2 : i32
      %add3A_133 = arith.addi %mul3A_32, %add3A_132 : i32
      %dma_start3A_134 = arith.constant 8192 : i32
      %dma_start3A_135 = tpu.memref_slice %arg9[%dma_start3A_134] : memref<32768xf32, #tpu.memory_space<vmem>> -> memref<4096xf32, #tpu.memory_space<vmem>>
      %dma_start3A_136 = tpu.memref_slice %arg5[%select_n3A, %add3A_133, %multiple_of3A] : memref<4x128x81920xf32, #tpu.memory_space<hbm>> -> memref<1x1x4096xf32, #tpu.memory_space<hbm>>
      %dma_start3A_137 = tpu.memref_squeeze %dma_start3A_136 : memref<1x1x4096xf32, #tpu.memory_space<hbm>> -> memref<4096xf32, #tpu.memory_space<hbm>>
      %dma_start3A_138 = tpu.memref_slice %arg5[%select_n3A, %add3A_133, %multiple_of3A] : memref<4x128x81920xf32, #tpu.memory_space<hbm>> -> memref<1x1x4096xf32, #tpu.memory_space<hbm>>
      %dma_start3A_139 = tpu.memref_squeeze %dma_start3A_138 : memref<1x1x4096xf32, #tpu.memory_space<hbm>> -> memref<4096xf32, #tpu.memory_space<hbm>>
      %dma_start3A_140 = arith.constant 8192 : i32
      %dma_start3A_141 = tpu.memref_slice %arg9[%dma_start3A_140] : memref<32768xf32, #tpu.memory_space<vmem>> -> memref<4096xf32, #tpu.memory_space<vmem>>
      tpu.enqueue_dma source(%dma_start3A_141 : memref<4096xf32, #tpu.memory_space<vmem>>) target(%dma_start3A_139 : memref<4096xf32, #tpu.memory_space<hbm>>) target_semaphore(%arg11 : memref<!tpu.dma_semaphore, #tpu.memory_space<semaphore_mem>>)
      %add3A_142 = arith.constant 64 : i32
      %add3A_143 = arith.addi %add3A_142, %mul3A_32 : i32
      %add3A_144 = arith.constant 2 : i32
      %add3A_145 = arith.addi %add3A_143, %add3A_144 : i32
      %dma_start3A_146 = arith.constant 8192 : i32
      %dma_start3A_147 = tpu.memref_slice %arg10[%dma_start3A_146] : memref<32768xf32, #tpu.memory_space<vmem>> -> memref<4096xf32, #tpu.memory_space<vmem>>
      %dma_start3A_148 = tpu.memref_slice %arg5[%select_n3A, %add3A_145, %multiple_of3A] : memref<4x128x81920xf32, #tpu.memory_space<hbm>> -> memref<1x1x4096xf32, #tpu.memory_space<hbm>>
      %dma_start3A_149 = tpu.memref_squeeze %dma_start3A_148 : memref<1x1x4096xf32, #tpu.memory_space<hbm>> -> memref<4096xf32, #tpu.memory_space<hbm>>
      %dma_start3A_150 = tpu.memref_slice %arg5[%select_n3A, %add3A_145, %multiple_of3A] : memref<4x128x81920xf32, #tpu.memory_space<hbm>> -> memref<1x1x4096xf32, #tpu.memory_space<hbm>>
      %dma_start3A_151 = tpu.memref_squeeze %dma_start3A_150 : memref<1x1x4096xf32, #tpu.memory_space<hbm>> -> memref<4096xf32, #tpu.memory_space<hbm>>
      %dma_start3A_152 = arith.constant 8192 : i32
      %dma_start3A_153 = tpu.memref_slice %arg10[%dma_start3A_152] : memref<32768xf32, #tpu.memory_space<vmem>> -> memref<4096xf32, #tpu.memory_space<vmem>>
      tpu.enqueue_dma source(%dma_start3A_153 : memref<4096xf32, #tpu.memory_space<vmem>>) target(%dma_start3A_151 : memref<4096xf32, #tpu.memory_space<hbm>>) target_semaphore(%arg11 : memref<!tpu.dma_semaphore, #tpu.memory_space<semaphore_mem>>)
      %parallel_loop3A_154 = arith.constant 0 : i32
      %parallel_loop3A_155 = arith.constant 256 : i32
      %parallel_loop3A_156 = arith.constant 1 : i32
      scf.for %parallel_loop3A_454 = %parallel_loop3A_154 to %parallel_loop3A_155 step %parallel_loop3A_156  : i32 {
        %parallel_loop3A_455 = arith.constant 16 : i32
        %parallel_loop3A_456 = arith.muli %parallel_loop3A_454, %parallel_loop3A_455 : i32
        %parallel_loop3A_457 = arith.index_cast %parallel_loop3A_456 : i32 to index
        %parallel_loop3A_458 = tpu.vector_load %arg7[%parallel_loop3A_457] {strides = array<i32>} : memref<4096xi32, #tpu.memory_space<vmem>>, vector<16xi32>,
        %parallel_loop3A_459 = arith.constant 12288 : i32
        %parallel_loop3A_460 = vector.broadcast %parallel_loop3A_459 : i32 to vector<16xi32>
        %parallel_loop3A_461 = arith.addi %parallel_loop3A_458, %parallel_loop3A_460 : vector<16xi32>
        %parallel_loop3A_462 = arith.index_cast %parallel_loop3A_456 : i32 to index
        %parallel_loop3A_463 = tpu.vector_load %arg8[%parallel_loop3A_462] {strides = array<i32>} : memref<4096xi32, #tpu.memory_space<vmem>>, vector<16xi32>,
        %parallel_loop3A_464 = arith.constant 12288 : i32
        %parallel_loop3A_465 = vector.broadcast %parallel_loop3A_464 : i32 to vector<16xi32>
        %parallel_loop3A_466 = arith.addi %parallel_loop3A_463, %parallel_loop3A_465 : vector<16xi32>
        %parallel_loop3A_467 = tpu.vector_load_idx %arg6[%parallel_loop3A_461] : memref<32768xf32, #tpu.memory_space<vmem>>[vector<16xi32>], vector<16xf32>,
        %parallel_loop3A_468 = tpu.vector_load_idx %arg6[%parallel_loop3A_466] : memref<32768xf32, #tpu.memory_space<vmem>>[vector<16xi32>], vector<16xf32>,
        %parallel_loop3A_469 = arith.subf %parallel_loop3A_467, %parallel_loop3A_468 : vector<16xf32>
        %parallel_loop3A_470 = arith.constant 12288 : i32
        %parallel_loop3A_471 = arith.addi %parallel_loop3A_470, %parallel_loop3A_456 : i32
        %parallel_loop3A_472 = arith.index_cast %parallel_loop3A_471 : i32 to index
        %parallel_loop3A_473 = tpu.vector_load %arg9[%parallel_loop3A_472] {strides = array<i32>} : memref<32768xf32, #tpu.memory_space<vmem>>, vector<16xf32>,
        tpu.vector_store %arg9[%parallel_loop3A_472], %parallel_loop3A_469 {strides = array<i32>} : memref<32768xf32, #tpu.memory_space<vmem>>, vector<16xf32>,
        %parallel_loop3A_474 = arith.constant 12288 : i32
        %parallel_loop3A_475 = arith.addi %parallel_loop3A_474, %parallel_loop3A_456 : i32
        %parallel_loop3A_476 = arith.index_cast %parallel_loop3A_475 : i32 to index
        %parallel_loop3A_477 = tpu.vector_load %arg10[%parallel_loop3A_476] {strides = array<i32>} : memref<32768xf32, #tpu.memory_space<vmem>>, vector<16xf32>,
        tpu.vector_store %arg10[%parallel_loop3A_476], %parallel_loop3A_468 {strides = array<i32>} : memref<32768xf32, #tpu.memory_space<vmem>>, vector<16xf32>,
      } {sc.loop_unroll_factor = 16 : i64, sc.parallel_access}
      %add3A_157 = arith.constant 3 : i32
      %add3A_158 = arith.addi %mul3A_32, %add3A_157 : i32
      %dma_start3A_159 = arith.constant 12288 : i32
      %dma_start3A_160 = tpu.memref_slice %arg9[%dma_start3A_159] : memref<32768xf32, #tpu.memory_space<vmem>> -> memref<4096xf32, #tpu.memory_space<vmem>>
      %dma_start3A_161 = tpu.memref_slice %arg5[%select_n3A, %add3A_158, %multiple_of3A] : memref<4x128x81920xf32, #tpu.memory_space<hbm>> -> memref<1x1x4096xf32, #tpu.memory_space<hbm>>
      %dma_start3A_162 = tpu.memref_squeeze %dma_start3A_161 : memref<1x1x4096xf32, #tpu.memory_space<hbm>> -> memref<4096xf32, #tpu.memory_space<hbm>>
      %dma_start3A_163 = tpu.memref_slice %arg5[%select_n3A, %add3A_158, %multiple_of3A] : memref<4x128x81920xf32, #tpu.memory_space<hbm>> -> memref<1x1x4096xf32, #tpu.memory_space<hbm>>
      %dma_start3A_164 = tpu.memref_squeeze %dma_start3A_163 : memref<1x1x4096xf32, #tpu.memory_space<hbm>> -> memref<4096xf32, #tpu.memory_space<hbm>>
      %dma_start3A_165 = arith.constant 12288 : i32
      %dma_start3A_166 = tpu.memref_slice %arg9[%dma_start3A_165] : memref<32768xf32, #tpu.memory_space<vmem>> -> memref<4096xf32, #tpu.memory_space<vmem>>
      tpu.enqueue_dma source(%dma_start3A_166 : memref<4096xf32, #tpu.memory_space<vmem>>) target(%dma_start3A_164 : memref<4096xf32, #tpu.memory_space<hbm>>) target_semaphore(%arg11 : memref<!tpu.dma_semaphore, #tpu.memory_space<semaphore_mem>>)
      %add3A_167 = arith.constant 64 : i32
      %add3A_168 = arith.addi %add3A_167, %mul3A_32 : i32
      %add3A_169 = arith.constant 3 : i32
      %add3A_170 = arith.addi %add3A_168, %add3A_169 : i32
      %dma_start3A_171 = arith.constant 12288 : i32
      %dma_start3A_172 = tpu.memref_slice %arg10[%dma_start3A_171] : memref<32768xf32, #tpu.memory_space<vmem>> -> memref<4096xf32, #tpu.memory_space<vmem>>
      %dma_start3A_173 = tpu.memref_slice %arg5[%select_n3A, %add3A_170, %multiple_of3A] : memref<4x128x81920xf32, #tpu.memory_space<hbm>> -> memref<1x1x4096xf32, #tpu.memory_space<hbm>>
      %dma_start3A_174 = tpu.memref_squeeze %dma_start3A_173 : memref<1x1x4096xf32, #tpu.memory_space<hbm>> -> memref<4096xf32, #tpu.memory_space<hbm>>
      %dma_start3A_175 = tpu.memref_slice %arg5[%select_n3A, %add3A_170, %multiple_of3A] : memref<4x128x81920xf32, #tpu.memory_space<hbm>> -> memref<1x1x4096xf32, #tpu.memory_space<hbm>>
      %dma_start3A_176 = tpu.memref_squeeze %dma_start3A_175 : memref<1x1x4096xf32, #tpu.memory_space<hbm>> -> memref<4096xf32, #tpu.memory_space<hbm>>
      %dma_start3A_177 = arith.constant 12288 : i32
      %dma_start3A_178 = tpu.memref_slice %arg10[%dma_start3A_177] : memref<32768xf32, #tpu.memory_space<vmem>> -> memref<4096xf32, #tpu.memory_space<vmem>>
      tpu.enqueue_dma source(%dma_start3A_178 : memref<4096xf32, #tpu.memory_space<vmem>>) target(%dma_start3A_176 : memref<4096xf32, #tpu.memory_space<hbm>>) target_semaphore(%arg11 : memref<!tpu.dma_semaphore, #tpu.memory_space<semaphore_mem>>)
      %parallel_loop3A_179 = arith.constant 0 : i32
      %parallel_loop3A_180 = arith.constant 256 : i32
      %parallel_loop3A_181 = arith.constant 1 : i32
      scf.for %parallel_loop3A_454 = %parallel_loop3A_179 to %parallel_loop3A_180 step %parallel_loop3A_181  : i32 {
        %parallel_loop3A_455 = arith.constant 16 : i32
        %parallel_loop3A_456 = arith.muli %parallel_loop3A_454, %parallel_loop3A_455 : i32
        %parallel_loop3A_457 = arith.index_cast %parallel_loop3A_456 : i32 to index
        %parallel_loop3A_458 = tpu.vector_load %arg7[%parallel_loop3A_457] {strides = array<i32>} : memref<4096xi32, #tpu.memory_space<vmem>>, vector<16xi32>,
        %parallel_loop3A_459 = arith.constant 16384 : i32
        %parallel_loop3A_460 = vector.broadcast %parallel_loop3A_459 : i32 to vector<16xi32>
        %parallel_loop3A_461 = arith.addi %parallel_loop3A_458, %parallel_loop3A_460 : vector<16xi32>
        %parallel_loop3A_462 = arith.index_cast %parallel_loop3A_456 : i32 to index
        %parallel_loop3A_463 = tpu.vector_load %arg8[%parallel_loop3A_462] {strides = array<i32>} : memref<4096xi32, #tpu.memory_space<vmem>>, vector<16xi32>,
        %parallel_loop3A_464 = arith.constant 16384 : i32
        %parallel_loop3A_465 = vector.broadcast %parallel_loop3A_464 : i32 to vector<16xi32>
        %parallel_loop3A_466 = arith.addi %parallel_loop3A_463, %parallel_loop3A_465 : vector<16xi32>
        %parallel_loop3A_467 = tpu.vector_load_idx %arg6[%parallel_loop3A_461] : memref<32768xf32, #tpu.memory_space<vmem>>[vector<16xi32>], vector<16xf32>,
        %parallel_loop3A_468 = tpu.vector_load_idx %arg6[%parallel_loop3A_466] : memref<32768xf32, #tpu.memory_space<vmem>>[vector<16xi32>], vector<16xf32>,
        %parallel_loop3A_469 = arith.subf %parallel_loop3A_467, %parallel_loop3A_468 : vector<16xf32>
        %parallel_loop3A_470 = arith.constant 16384 : i32
        %parallel_loop3A_471 = arith.addi %parallel_loop3A_470, %parallel_loop3A_456 : i32
        %parallel_loop3A_472 = arith.index_cast %parallel_loop3A_471 : i32 to index
        %parallel_loop3A_473 = tpu.vector_load %arg9[%parallel_loop3A_472] {strides = array<i32>} : memref<32768xf32, #tpu.memory_space<vmem>>, vector<16xf32>,
        tpu.vector_store %arg9[%parallel_loop3A_472], %parallel_loop3A_469 {strides = array<i32>} : memref<32768xf32, #tpu.memory_space<vmem>>, vector<16xf32>,
        %parallel_loop3A_474 = arith.constant 16384 : i32
        %parallel_loop3A_475 = arith.addi %parallel_loop3A_474, %parallel_loop3A_456 : i32
        %parallel_loop3A_476 = arith.index_cast %parallel_loop3A_475 : i32 to index
        %parallel_loop3A_477 = tpu.vector_load %arg10[%parallel_loop3A_476] {strides = array<i32>} : memref<32768xf32, #tpu.memory_space<vmem>>, vector<16xf32>,
        tpu.vector_store %arg10[%parallel_loop3A_476], %parallel_loop3A_468 {strides = array<i32>} : memref<32768xf32, #tpu.memory_space<vmem>>, vector<16xf32>,
      } {sc.loop_unroll_factor = 16 : i64, sc.parallel_access}
      %add3A_182 = arith.constant 4 : i32
      %add3A_183 = arith.addi %mul3A_32, %add3A_182 : i32
      %dma_start3A_184 = arith.constant 16384 : i32
      %dma_start3A_185 = tpu.memref_slice %arg9[%dma_start3A_184] : memref<32768xf32, #tpu.memory_space<vmem>> -> memref<4096xf32, #tpu.memory_space<vmem>>
      %dma_start3A_186 = tpu.memref_slice %arg5[%select_n3A, %add3A_183, %multiple_of3A] : memref<4x128x81920xf32, #tpu.memory_space<hbm>> -> memref<1x1x4096xf32, #tpu.memory_space<hbm>>
      %dma_start3A_187 = tpu.memref_squeeze %dma_start3A_186 : memref<1x1x4096xf32, #tpu.memory_space<hbm>> -> memref<4096xf32, #tpu.memory_space<hbm>>
      %dma_start3A_188 = tpu.memref_slice %arg5[%select_n3A, %add3A_183, %multiple_of3A] : memref<4x128x81920xf32, #tpu.memory_space<hbm>> -> memref<1x1x4096xf32, #tpu.memory_space<hbm>>
      %dma_start3A_189 = tpu.memref_squeeze %dma_start3A_188 : memref<1x1x4096xf32, #tpu.memory_space<hbm>> -> memref<4096xf32, #tpu.memory_space<hbm>>
      %dma_start3A_190 = arith.constant 16384 : i32
      %dma_start3A_191 = tpu.memref_slice %arg9[%dma_start3A_190] : memref<32768xf32, #tpu.memory_space<vmem>> -> memref<4096xf32, #tpu.memory_space<vmem>>
      tpu.enqueue_dma source(%dma_start3A_191 : memref<4096xf32, #tpu.memory_space<vmem>>) target(%dma_start3A_189 : memref<4096xf32, #tpu.memory_space<hbm>>) target_semaphore(%arg11 : memref<!tpu.dma_semaphore, #tpu.memory_space<semaphore_mem>>)
      %add3A_192 = arith.constant 64 : i32
      %add3A_193 = arith.addi %add3A_192, %mul3A_32 : i32
      %add3A_194 = arith.constant 4 : i32
      %add3A_195 = arith.addi %add3A_193, %add3A_194 : i32
      %dma_start3A_196 = arith.constant 16384 : i32
      %dma_start3A_197 = tpu.memref_slice %arg10[%dma_start3A_196] : memref<32768xf32, #tpu.memory_space<vmem>> -> memref<4096xf32, #tpu.memory_space<vmem>>
      %dma_start3A_198 = tpu.memref_slice %arg5[%select_n3A, %add3A_195, %multiple_of3A] : memref<4x128x81920xf32, #tpu.memory_space<hbm>> -> memref<1x1x4096xf32, #tpu.memory_space<hbm>>
      %dma_start3A_199 = tpu.memref_squeeze %dma_start3A_198 : memref<1x1x4096xf32, #tpu.memory_space<hbm>> -> memref<4096xf32, #tpu.memory_space<hbm>>
      %dma_start3A_200 = tpu.memref_slice %arg5[%select_n3A, %add3A_195, %multiple_of3A] : memref<4x128x81920xf32, #tpu.memory_space<hbm>> -> memref<1x1x4096xf32, #tpu.memory_space<hbm>>
      %dma_start3A_201 = tpu.memref_squeeze %dma_start3A_200 : memref<1x1x4096xf32, #tpu.memory_space<hbm>> -> memref<4096xf32, #tpu.memory_space<hbm>>
      %dma_start3A_202 = arith.constant 16384 : i32
      %dma_start3A_203 = tpu.memref_slice %arg10[%dma_start3A_202] : memref<32768xf32, #tpu.memory_space<vmem>> -> memref<4096xf32, #tpu.memory_space<vmem>>
      tpu.enqueue_dma source(%dma_start3A_203 : memref<4096xf32, #tpu.memory_space<vmem>>) target(%dma_start3A_201 : memref<4096xf32, #tpu.memory_space<hbm>>) target_semaphore(%arg11 : memref<!tpu.dma_semaphore, #tpu.memory_space<semaphore_mem>>)
      %parallel_loop3A_204 = arith.constant 0 : i32
      %parallel_loop3A_205 = arith.constant 256 : i32
      %parallel_loop3A_206 = arith.constant 1 : i32
      scf.for %parallel_loop3A_454 = %parallel_loop3A_204 to %parallel_loop3A_205 step %parallel_loop3A_206  : i32 {
        %parallel_loop3A_455 = arith.constant 16 : i32
        %parallel_loop3A_456 = arith.muli %parallel_loop3A_454, %parallel_loop3A_455 : i32
        %parallel_loop3A_457 = arith.index_cast %parallel_loop3A_456 : i32 to index
        %parallel_loop3A_458 = tpu.vector_load %arg7[%parallel_loop3A_457] {strides = array<i32>} : memref<4096xi32, #tpu.memory_space<vmem>>, vector<16xi32>,
        %parallel_loop3A_459 = arith.constant 20480 : i32
        %parallel_loop3A_460 = vector.broadcast %parallel_loop3A_459 : i32 to vector<16xi32>
        %parallel_loop3A_461 = arith.addi %parallel_loop3A_458, %parallel_loop3A_460 : vector<16xi32>
        %parallel_loop3A_462 = arith.index_cast %parallel_loop3A_456 : i32 to index
        %parallel_loop3A_463 = tpu.vector_load %arg8[%parallel_loop3A_462] {strides = array<i32>} : memref<4096xi32, #tpu.memory_space<vmem>>, vector<16xi32>,
        %parallel_loop3A_464 = arith.constant 20480 : i32
        %parallel_loop3A_465 = vector.broadcast %parallel_loop3A_464 : i32 to vector<16xi32>
        %parallel_loop3A_466 = arith.addi %parallel_loop3A_463, %parallel_loop3A_465 : vector<16xi32>
        %parallel_loop3A_467 = tpu.vector_load_idx %arg6[%parallel_loop3A_461] : memref<32768xf32, #tpu.memory_space<vmem>>[vector<16xi32>], vector<16xf32>,
        %parallel_loop3A_468 = tpu.vector_load_idx %arg6[%parallel_loop3A_466] : memref<32768xf32, #tpu.memory_space<vmem>>[vector<16xi32>], vector<16xf32>,
        %parallel_loop3A_469 = arith.subf %parallel_loop3A_467, %parallel_loop3A_468 : vector<16xf32>
        %parallel_loop3A_470 = arith.constant 20480 : i32
        %parallel_loop3A_471 = arith.addi %parallel_loop3A_470, %parallel_loop3A_456 : i32
        %parallel_loop3A_472 = arith.index_cast %parallel_loop3A_471 : i32 to index
        %parallel_loop3A_473 = tpu.vector_load %arg9[%parallel_loop3A_472] {strides = array<i32>} : memref<32768xf32, #tpu.memory_space<vmem>>, vector<16xf32>,
        tpu.vector_store %arg9[%parallel_loop3A_472], %parallel_loop3A_469 {strides = array<i32>} : memref<32768xf32, #tpu.memory_space<vmem>>, vector<16xf32>,
        %parallel_loop3A_474 = arith.constant 20480 : i32
        %parallel_loop3A_475 = arith.addi %parallel_loop3A_474, %parallel_loop3A_456 : i32
        %parallel_loop3A_476 = arith.index_cast %parallel_loop3A_475 : i32 to index
        %parallel_loop3A_477 = tpu.vector_load %arg10[%parallel_loop3A_476] {strides = array<i32>} : memref<32768xf32, #tpu.memory_space<vmem>>, vector<16xf32>,
        tpu.vector_store %arg10[%parallel_loop3A_476], %parallel_loop3A_468 {strides = array<i32>} : memref<32768xf32, #tpu.memory_space<vmem>>, vector<16xf32>,
      } {sc.loop_unroll_factor = 16 : i64, sc.parallel_access}
      %add3A_207 = arith.constant 5 : i32
      %add3A_208 = arith.addi %mul3A_32, %add3A_207 : i32
      %dma_start3A_209 = arith.constant 20480 : i32
      %dma_start3A_210 = tpu.memref_slice %arg9[%dma_start3A_209] : memref<32768xf32, #tpu.memory_space<vmem>> -> memref<4096xf32, #tpu.memory_space<vmem>>
      %dma_start3A_211 = tpu.memref_slice %arg5[%select_n3A, %add3A_208, %multiple_of3A] : memref<4x128x81920xf32, #tpu.memory_space<hbm>> -> memref<1x1x4096xf32, #tpu.memory_space<hbm>>
      %dma_start3A_212 = tpu.memref_squeeze %dma_start3A_211 : memref<1x1x4096xf32, #tpu.memory_space<hbm>> -> memref<4096xf32, #tpu.memory_space<hbm>>
      %dma_start3A_213 = tpu.memref_slice %arg5[%select_n3A, %add3A_208, %multiple_of3A] : memref<4x128x81920xf32, #tpu.memory_space<hbm>> -> memref<1x1x4096xf32, #tpu.memory_space<hbm>>
      %dma_start3A_214 = tpu.memref_squeeze %dma_start3A_213 : memref<1x1x4096xf32, #tpu.memory_space<hbm>> -> memref<4096xf32, #tpu.memory_space<hbm>>
      %dma_start3A_215 = arith.constant 20480 : i32
      %dma_start3A_216 = tpu.memref_slice %arg9[%dma_start3A_215] : memref<32768xf32, #tpu.memory_space<vmem>> -> memref<4096xf32, #tpu.memory_space<vmem>>
      tpu.enqueue_dma source(%dma_start3A_216 : memref<4096xf32, #tpu.memory_space<vmem>>) target(%dma_start3A_214 : memref<4096xf32, #tpu.memory_space<hbm>>) target_semaphore(%arg11 : memref<!tpu.dma_semaphore, #tpu.memory_space<semaphore_mem>>)
      %add3A_217 = arith.constant 64 : i32
      %add3A_218 = arith.addi %add3A_217, %mul3A_32 : i32
      %add3A_219 = arith.constant 5 : i32
      %add3A_220 = arith.addi %add3A_218, %add3A_219 : i32
      %dma_start3A_221 = arith.constant 20480 : i32
      %dma_start3A_222 = tpu.memref_slice %arg10[%dma_start3A_221] : memref<32768xf32, #tpu.memory_space<vmem>> -> memref<4096xf32, #tpu.memory_space<vmem>>
      %dma_start3A_223 = tpu.memref_slice %arg5[%select_n3A, %add3A_220, %multiple_of3A] : memref<4x128x81920xf32, #tpu.memory_space<hbm>> -> memref<1x1x4096xf32, #tpu.memory_space<hbm>>
      %dma_start3A_224 = tpu.memref_squeeze %dma_start3A_223 : memref<1x1x4096xf32, #tpu.memory_space<hbm>> -> memref<4096xf32, #tpu.memory_space<hbm>>
      %dma_start3A_225 = tpu.memref_slice %arg5[%select_n3A, %add3A_220, %multiple_of3A] : memref<4x128x81920xf32, #tpu.memory_space<hbm>> -> memref<1x1x4096xf32, #tpu.memory_space<hbm>>
      %dma_start3A_226 = tpu.memref_squeeze %dma_start3A_225 : memref<1x1x4096xf32, #tpu.memory_space<hbm>> -> memref<4096xf32, #tpu.memory_space<hbm>>
      %dma_start3A_227 = arith.constant 20480 : i32
      %dma_start3A_228 = tpu.memref_slice %arg10[%dma_start3A_227] : memref<32768xf32, #tpu.memory_space<vmem>> -> memref<4096xf32, #tpu.memory_space<vmem>>
      tpu.enqueue_dma source(%dma_start3A_228 : memref<4096xf32, #tpu.memory_space<vmem>>) target(%dma_start3A_226 : memref<4096xf32, #tpu.memory_space<hbm>>) target_semaphore(%arg11 : memref<!tpu.dma_semaphore, #tpu.memory_space<semaphore_mem>>)
      %parallel_loop3A_229 = arith.constant 0 : i32
      %parallel_loop3A_230 = arith.constant 256 : i32
      %parallel_loop3A_231 = arith.constant 1 : i32
      scf.for %parallel_loop3A_454 = %parallel_loop3A_229 to %parallel_loop3A_230 step %parallel_loop3A_231  : i32 {
        %parallel_loop3A_455 = arith.constant 16 : i32
        %parallel_loop3A_456 = arith.muli %parallel_loop3A_454, %parallel_loop3A_455 : i32
        %parallel_loop3A_457 = arith.index_cast %parallel_loop3A_456 : i32 to index
        %parallel_loop3A_458 = tpu.vector_load %arg7[%parallel_loop3A_457] {strides = array<i32>} : memref<4096xi32, #tpu.memory_space<vmem>>, vector<16xi32>,
        %parallel_loop3A_459 = arith.constant 24576 : i32
        %parallel_loop3A_460 = vector.broadcast %parallel_loop3A_459 : i32 to vector<16xi32>
        %parallel_loop3A_461 = arith.addi %parallel_loop3A_458, %parallel_loop3A_460 : vector<16xi32>
        %parallel_loop3A_462 = arith.index_cast %parallel_loop3A_456 : i32 to index
        %parallel_loop3A_463 = tpu.vector_load %arg8[%parallel_loop3A_462] {strides = array<i32>} : memref<4096xi32, #tpu.memory_space<vmem>>, vector<16xi32>,
        %parallel_loop3A_464 = arith.constant 24576 : i32
        %parallel_loop3A_465 = vector.broadcast %parallel_loop3A_464 : i32 to vector<16xi32>
        %parallel_loop3A_466 = arith.addi %parallel_loop3A_463, %parallel_loop3A_465 : vector<16xi32>
        %parallel_loop3A_467 = tpu.vector_load_idx %arg6[%parallel_loop3A_461] : memref<32768xf32, #tpu.memory_space<vmem>>[vector<16xi32>], vector<16xf32>,
        %parallel_loop3A_468 = tpu.vector_load_idx %arg6[%parallel_loop3A_466] : memref<32768xf32, #tpu.memory_space<vmem>>[vector<16xi32>], vector<16xf32>,
        %parallel_loop3A_469 = arith.subf %parallel_loop3A_467, %parallel_loop3A_468 : vector<16xf32>
        %parallel_loop3A_470 = arith.constant 24576 : i32
        %parallel_loop3A_471 = arith.addi %parallel_loop3A_470, %parallel_loop3A_456 : i32
        %parallel_loop3A_472 = arith.index_cast %parallel_loop3A_471 : i32 to index
        %parallel_loop3A_473 = tpu.vector_load %arg9[%parallel_loop3A_472] {strides = array<i32>} : memref<32768xf32, #tpu.memory_space<vmem>>, vector<16xf32>,
        tpu.vector_store %arg9[%parallel_loop3A_472], %parallel_loop3A_469 {strides = array<i32>} : memref<32768xf32, #tpu.memory_space<vmem>>, vector<16xf32>,
        %parallel_loop3A_474 = arith.constant 24576 : i32
        %parallel_loop3A_475 = arith.addi %parallel_loop3A_474, %parallel_loop3A_456 : i32
        %parallel_loop3A_476 = arith.index_cast %parallel_loop3A_475 : i32 to index
        %parallel_loop3A_477 = tpu.vector_load %arg10[%parallel_loop3A_476] {strides = array<i32>} : memref<32768xf32, #tpu.memory_space<vmem>>, vector<16xf32>,
        tpu.vector_store %arg10[%parallel_loop3A_476], %parallel_loop3A_468 {strides = array<i32>} : memref<32768xf32, #tpu.memory_space<vmem>>, vector<16xf32>,
      } {sc.loop_unroll_factor = 16 : i64, sc.parallel_access}
      %add3A_232 = arith.constant 6 : i32
      %add3A_233 = arith.addi %mul3A_32, %add3A_232 : i32
      %dma_start3A_234 = arith.constant 24576 : i32
      %dma_start3A_235 = tpu.memref_slice %arg9[%dma_start3A_234] : memref<32768xf32, #tpu.memory_space<vmem>> -> memref<4096xf32, #tpu.memory_space<vmem>>
      %dma_start3A_236 = tpu.memref_slice %arg5[%select_n3A, %add3A_233, %multiple_of3A] : memref<4x128x81920xf32, #tpu.memory_space<hbm>> -> memref<1x1x4096xf32, #tpu.memory_space<hbm>>
      %dma_start3A_237 = tpu.memref_squeeze %dma_start3A_236 : memref<1x1x4096xf32, #tpu.memory_space<hbm>> -> memref<4096xf32, #tpu.memory_space<hbm>>
      %dma_start3A_238 = tpu.memref_slice %arg5[%select_n3A, %add3A_233, %multiple_of3A] : memref<4x128x81920xf32, #tpu.memory_space<hbm>> -> memref<1x1x4096xf32, #tpu.memory_space<hbm>>
      %dma_start3A_239 = tpu.memref_squeeze %dma_start3A_238 : memref<1x1x4096xf32, #tpu.memory_space<hbm>> -> memref<4096xf32, #tpu.memory_space<hbm>>
      %dma_start3A_240 = arith.constant 24576 : i32
      %dma_start3A_241 = tpu.memref_slice %arg9[%dma_start3A_240] : memref<32768xf32, #tpu.memory_space<vmem>> -> memref<4096xf32, #tpu.memory_space<vmem>>
      tpu.enqueue_dma source(%dma_start3A_241 : memref<4096xf32, #tpu.memory_space<vmem>>) target(%dma_start3A_239 : memref<4096xf32, #tpu.memory_space<hbm>>) target_semaphore(%arg11 : memref<!tpu.dma_semaphore, #tpu.memory_space<semaphore_mem>>)
      %add3A_242 = arith.constant 64 : i32
      %add3A_243 = arith.addi %add3A_242, %mul3A_32 : i32
      %add3A_244 = arith.constant 6 : i32
      %add3A_245 = arith.addi %add3A_243, %add3A_244 : i32
      %dma_start3A_246 = arith.constant 24576 : i32
      %dma_start3A_247 = tpu.memref_slice %arg10[%dma_start3A_246] : memref<32768xf32, #tpu.memory_space<vmem>> -> memref<4096xf32, #tpu.memory_space<vmem>>
      %dma_start3A_248 = tpu.memref_slice %arg5[%select_n3A, %add3A_245, %multiple_of3A] : memref<4x128x81920xf32, #tpu.memory_space<hbm>> -> memref<1x1x4096xf32, #tpu.memory_space<hbm>>
      %dma_start3A_249 = tpu.memref_squeeze %dma_start3A_248 : memref<1x1x4096xf32, #tpu.memory_space<hbm>> -> memref<4096xf32, #tpu.memory_space<hbm>>
      %dma_start3A_250 = tpu.memref_slice %arg5[%select_n3A, %add3A_245, %multiple_of3A] : memref<4x128x81920xf32, #tpu.memory_space<hbm>> -> memref<1x1x4096xf32, #tpu.memory_space<hbm>>
      %dma_start3A_251 = tpu.memref_squeeze %dma_start3A_250 : memref<1x1x4096xf32, #tpu.memory_space<hbm>> -> memref<4096xf32, #tpu.memory_space<hbm>>
      %dma_start3A_252 = arith.constant 24576 : i32
      %dma_start3A_253 = tpu.memref_slice %arg10[%dma_start3A_252] : memref<32768xf32, #tpu.memory_space<vmem>> -> memref<4096xf32, #tpu.memory_space<vmem>>
      tpu.enqueue_dma source(%dma_start3A_253 : memref<4096xf32, #tpu.memory_space<vmem>>) target(%dma_start3A_251 : memref<4096xf32, #tpu.memory_space<hbm>>) target_semaphore(%arg11 : memref<!tpu.dma_semaphore, #tpu.memory_space<semaphore_mem>>)
      %parallel_loop3A_254 = arith.constant 0 : i32
      %parallel_loop3A_255 = arith.constant 256 : i32
      %parallel_loop3A_256 = arith.constant 1 : i32
      scf.for %parallel_loop3A_454 = %parallel_loop3A_254 to %parallel_loop3A_255 step %parallel_loop3A_256  : i32 {
        %parallel_loop3A_455 = arith.constant 16 : i32
        %parallel_loop3A_456 = arith.muli %parallel_loop3A_454, %parallel_loop3A_455 : i32
        %parallel_loop3A_457 = arith.index_cast %parallel_loop3A_456 : i32 to index
        %parallel_loop3A_458 = tpu.vector_load %arg7[%parallel_loop3A_457] {strides = array<i32>} : memref<4096xi32, #tpu.memory_space<vmem>>, vector<16xi32>,
        %parallel_loop3A_459 = arith.constant 28672 : i32
        %parallel_loop3A_460 = vector.broadcast %parallel_loop3A_459 : i32 to vector<16xi32>
        %parallel_loop3A_461 = arith.addi %parallel_loop3A_458, %parallel_loop3A_460 : vector<16xi32>
        %parallel_loop3A_462 = arith.index_cast %parallel_loop3A_456 : i32 to index
        %parallel_loop3A_463 = tpu.vector_load %arg8[%parallel_loop3A_462] {strides = array<i32>} : memref<4096xi32, #tpu.memory_space<vmem>>, vector<16xi32>,
        %parallel_loop3A_464 = arith.constant 28672 : i32
        %parallel_loop3A_465 = vector.broadcast %parallel_loop3A_464 : i32 to vector<16xi32>
        %parallel_loop3A_466 = arith.addi %parallel_loop3A_463, %parallel_loop3A_465 : vector<16xi32>
        %parallel_loop3A_467 = tpu.vector_load_idx %arg6[%parallel_loop3A_461] : memref<32768xf32, #tpu.memory_space<vmem>>[vector<16xi32>], vector<16xf32>,
        %parallel_loop3A_468 = tpu.vector_load_idx %arg6[%parallel_loop3A_466] : memref<32768xf32, #tpu.memory_space<vmem>>[vector<16xi32>], vector<16xf32>,
        %parallel_loop3A_469 = arith.subf %parallel_loop3A_467, %parallel_loop3A_468 : vector<16xf32>
        %parallel_loop3A_470 = arith.constant 28672 : i32
        %parallel_loop3A_471 = arith.addi %parallel_loop3A_470, %parallel_loop3A_456 : i32
        %parallel_loop3A_472 = arith.index_cast %parallel_loop3A_471 : i32 to index
        %parallel_loop3A_473 = tpu.vector_load %arg9[%parallel_loop3A_472] {strides = array<i32>} : memref<32768xf32, #tpu.memory_space<vmem>>, vector<16xf32>,
        tpu.vector_store %arg9[%parallel_loop3A_472], %parallel_loop3A_469 {strides = array<i32>} : memref<32768xf32, #tpu.memory_space<vmem>>, vector<16xf32>,
        %parallel_loop3A_474 = arith.constant 28672 : i32
        %parallel_loop3A_475 = arith.addi %parallel_loop3A_474, %parallel_loop3A_456 : i32
        %parallel_loop3A_476 = arith.index_cast %parallel_loop3A_475 : i32 to index
        %parallel_loop3A_477 = tpu.vector_load %arg10[%parallel_loop3A_476] {strides = array<i32>} : memref<32768xf32, #tpu.memory_space<vmem>>, vector<16xf32>,
        tpu.vector_store %arg10[%parallel_loop3A_476], %parallel_loop3A_468 {strides = array<i32>} : memref<32768xf32, #tpu.memory_space<vmem>>, vector<16xf32>,
      } {sc.loop_unroll_factor = 16 : i64, sc.parallel_access}
      %add3A_257 = arith.constant 7 : i32
      %add3A_258 = arith.addi %mul3A_32, %add3A_257 : i32
      %dma_start3A_259 = arith.constant 28672 : i32
      %dma_start3A_260 = tpu.memref_slice %arg9[%dma_start3A_259] : memref<32768xf32, #tpu.memory_space<vmem>> -> memref<4096xf32, #tpu.memory_space<vmem>>
      %dma_start3A_261 = tpu.memref_slice %arg5[%select_n3A, %add3A_258, %multiple_of3A] : memref<4x128x81920xf32, #tpu.memory_space<hbm>> -> memref<1x1x4096xf32, #tpu.memory_space<hbm>>
      %dma_start3A_262 = tpu.memref_squeeze %dma_start3A_261 : memref<1x1x4096xf32, #tpu.memory_space<hbm>> -> memref<4096xf32, #tpu.memory_space<hbm>>
      %dma_start3A_263 = tpu.memref_slice %arg5[%select_n3A, %add3A_258, %multiple_of3A] : memref<4x128x81920xf32, #tpu.memory_space<hbm>> -> memref<1x1x4096xf32, #tpu.memory_space<hbm>>
      %dma_start3A_264 = tpu.memref_squeeze %dma_start3A_263 : memref<1x1x4096xf32, #tpu.memory_space<hbm>> -> memref<4096xf32, #tpu.memory_space<hbm>>
      %dma_start3A_265 = arith.constant 28672 : i32
      %dma_start3A_266 = tpu.memref_slice %arg9[%dma_start3A_265] : memref<32768xf32, #tpu.memory_space<vmem>> -> memref<4096xf32, #tpu.memory_space<vmem>>
      tpu.enqueue_dma source(%dma_start3A_266 : memref<4096xf32, #tpu.memory_space<vmem>>) target(%dma_start3A_264 : memref<4096xf32, #tpu.memory_space<hbm>>) target_semaphore(%arg11 : memref<!tpu.dma_semaphore, #tpu.memory_space<semaphore_mem>>)
      %add3A_267 = arith.constant 64 : i32
      %add3A_268 = arith.addi %add3A_267, %mul3A_32 : i32
      %add3A_269 = arith.constant 7 : i32
      %add3A_270 = arith.addi %add3A_268, %add3A_269 : i32
      %dma_start3A_271 = arith.constant 28672 : i32
      %dma_start3A_272 = tpu.memref_slice %arg10[%dma_start3A_271] : memref<32768xf32, #tpu.memory_space<vmem>> -> memref<4096xf32, #tpu.memory_space<vmem>>
      %dma_start3A_273 = tpu.memref_slice %arg5[%select_n3A, %add3A_270, %multiple_of3A] : memref<4x128x81920xf32, #tpu.memory_space<hbm>> -> memref<1x1x4096xf32, #tpu.memory_space<hbm>>
      %dma_start3A_274 = tpu.memref_squeeze %dma_start3A_273 : memref<1x1x4096xf32, #tpu.memory_space<hbm>> -> memref<4096xf32, #tpu.memory_space<hbm>>
      %dma_start3A_275 = tpu.memref_slice %arg5[%select_n3A, %add3A_270, %multiple_of3A] : memref<4x128x81920xf32, #tpu.memory_space<hbm>> -> memref<1x1x4096xf32, #tpu.memory_space<hbm>>
      %dma_start3A_276 = tpu.memref_squeeze %dma_start3A_275 : memref<1x1x4096xf32, #tpu.memory_space<hbm>> -> memref<4096xf32, #tpu.memory_space<hbm>>
      %dma_start3A_277 = arith.constant 28672 : i32
      %dma_start3A_278 = tpu.memref_slice %arg10[%dma_start3A_277] : memref<32768xf32, #tpu.memory_space<vmem>> -> memref<4096xf32, #tpu.memory_space<vmem>>
      tpu.enqueue_dma source(%dma_start3A_278 : memref<4096xf32, #tpu.memory_space<vmem>>) target(%dma_start3A_276 : memref<4096xf32, #tpu.memory_space<hbm>>) target_semaphore(%arg11 : memref<!tpu.dma_semaphore, #tpu.memory_space<semaphore_mem>>)
      %add3A_279 = arith.constant 0 : i32
      %add3A_280 = arith.addi %mul3A_32, %add3A_279 : i32
      %dma_wait3A = arith.constant 0 : i32
      %dma_wait3A_281 = tpu.memref_slice %arg9[%dma_wait3A] : memref<32768xf32, #tpu.memory_space<vmem>> -> memref<4096xf32, #tpu.memory_space<vmem>>
      %dma_wait3A_282 = tpu.memref_slice %arg5[%select_n3A, %add3A_280, %multiple_of3A] : memref<4x128x81920xf32, #tpu.memory_space<hbm>> -> memref<1x1x4096xf32, #tpu.memory_space<hbm>>
      %dma_wait3A_283 = tpu.memref_squeeze %dma_wait3A_282 : memref<1x1x4096xf32, #tpu.memory_space<hbm>> -> memref<4096xf32, #tpu.memory_space<hbm>>
      %dma_wait3A_284 = tpu.memref_slice %arg5[%select_n3A, %add3A_280, %multiple_of3A] : memref<4x128x81920xf32, #tpu.memory_space<hbm>> -> memref<1x1x4096xf32, #tpu.memory_space<hbm>>
      %dma_wait3A_285 = tpu.memref_squeeze %dma_wait3A_284 : memref<1x1x4096xf32, #tpu.memory_space<hbm>> -> memref<4096xf32, #tpu.memory_space<hbm>>
      %dma_wait3A_286 = arith.constant 0 : i32
      %dma_wait3A_287 = tpu.memref_slice %arg9[%dma_wait3A_286] : memref<32768xf32, #tpu.memory_space<vmem>> -> memref<4096xf32, #tpu.memory_space<vmem>>
      tpu.wait_dma2 semaphore(%arg11 : memref<!tpu.dma_semaphore, #tpu.memory_space<semaphore_mem>>) src(%dma_wait3A_287 : memref<4096xf32, #tpu.memory_space<vmem>>) dst(%dma_wait3A_285 : memref<4096xf32, #tpu.memory_space<hbm>>)
      %add3A_288 = arith.constant 64 : i32
      %add3A_289 = arith.addi %add3A_288, %mul3A_32 : i32
      %add3A_290 = arith.constant 0 : i32
      %add3A_291 = arith.addi %add3A_289, %add3A_290 : i32
      %dma_wait3A_292 = arith.constant 0 : i32
      %dma_wait3A_293 = tpu.memref_slice %arg10[%dma_wait3A_292] : memref<32768xf32, #tpu.memory_space<vmem>> -> memref<4096xf32, #tpu.memory_space<vmem>>
      %dma_wait3A_294 = tpu.memref_slice %arg5[%select_n3A, %add3A_291, %multiple_of3A] : memref<4x128x81920xf32, #tpu.memory_space<hbm>> -> memref<1x1x4096xf32, #tpu.memory_space<hbm>>
      %dma_wait3A_295 = tpu.memref_squeeze %dma_wait3A_294 : memref<1x1x4096xf32, #tpu.memory_space<hbm>> -> memref<4096xf32, #tpu.memory_space<hbm>>
      %dma_wait3A_296 = tpu.memref_slice %arg5[%select_n3A, %add3A_291, %multiple_of3A] : memref<4x128x81920xf32, #tpu.memory_space<hbm>> -> memref<1x1x4096xf32, #tpu.memory_space<hbm>>
      %dma_wait3A_297 = tpu.memref_squeeze %dma_wait3A_296 : memref<1x1x4096xf32, #tpu.memory_space<hbm>> -> memref<4096xf32, #tpu.memory_space<hbm>>
      %dma_wait3A_298 = arith.constant 0 : i32
      %dma_wait3A_299 = tpu.memref_slice %arg10[%dma_wait3A_298] : memref<32768xf32, #tpu.memory_space<vmem>> -> memref<4096xf32, #tpu.memory_space<vmem>>
      tpu.wait_dma2 semaphore(%arg11 : memref<!tpu.dma_semaphore, #tpu.memory_space<semaphore_mem>>) src(%dma_wait3A_299 : memref<4096xf32, #tpu.memory_space<vmem>>) dst(%dma_wait3A_297 : memref<4096xf32, #tpu.memory_space<hbm>>)
      %add3A_300 = arith.constant 1 : i32
      %add3A_301 = arith.addi %mul3A_32, %add3A_300 : i32
      %dma_wait3A_302 = arith.constant 4096 : i32
      %dma_wait3A_303 = tpu.memref_slice %arg9[%dma_wait3A_302] : memref<32768xf32, #tpu.memory_space<vmem>> -> memref<4096xf32, #tpu.memory_space<vmem>>
      %dma_wait3A_304 = tpu.memref_slice %arg5[%select_n3A, %add3A_301, %multiple_of3A] : memref<4x128x81920xf32, #tpu.memory_space<hbm>> -> memref<1x1x4096xf32, #tpu.memory_space<hbm>>
      %dma_wait3A_305 = tpu.memref_squeeze %dma_wait3A_304 : memref<1x1x4096xf32, #tpu.memory_space<hbm>> -> memref<4096xf32, #tpu.memory_space<hbm>>
      %dma_wait3A_306 = tpu.memref_slice %arg5[%select_n3A, %add3A_301, %multiple_of3A] : memref<4x128x81920xf32, #tpu.memory_space<hbm>> -> memref<1x1x4096xf32, #tpu.memory_space<hbm>>
      %dma_wait3A_307 = tpu.memref_squeeze %dma_wait3A_306 : memref<1x1x4096xf32, #tpu.memory_space<hbm>> -> memref<4096xf32, #tpu.memory_space<hbm>>
      %dma_wait3A_308 = arith.constant 4096 : i32
      %dma_wait3A_309 = tpu.memref_slice %arg9[%dma_wait3A_308] : memref<32768xf32, #tpu.memory_space<vmem>> -> memref<4096xf32, #tpu.memory_space<vmem>>
      tpu.wait_dma2 semaphore(%arg11 : memref<!tpu.dma_semaphore, #tpu.memory_space<semaphore_mem>>) src(%dma_wait3A_309 : memref<4096xf32, #tpu.memory_space<vmem>>) dst(%dma_wait3A_307 : memref<4096xf32, #tpu.memory_space<hbm>>)
      %add3A_310 = arith.constant 64 : i32
      %add3A_311 = arith.addi %add3A_310, %mul3A_32 : i32
      %add3A_312 = arith.constant 1 : i32
      %add3A_313 = arith.addi %add3A_311, %add3A_312 : i32
      %dma_wait3A_314 = arith.constant 4096 : i32
      %dma_wait3A_315 = tpu.memref_slice %arg10[%dma_wait3A_314] : memref<32768xf32, #tpu.memory_space<vmem>> -> memref<4096xf32, #tpu.memory_space<vmem>>
      %dma_wait3A_316 = tpu.memref_slice %arg5[%select_n3A, %add3A_313, %multiple_of3A] : memref<4x128x81920xf32, #tpu.memory_space<hbm>> -> memref<1x1x4096xf32, #tpu.memory_space<hbm>>
      %dma_wait3A_317 = tpu.memref_squeeze %dma_wait3A_316 : memref<1x1x4096xf32, #tpu.memory_space<hbm>> -> memref<4096xf32, #tpu.memory_space<hbm>>
      %dma_wait3A_318 = tpu.memref_slice %arg5[%select_n3A, %add3A_313, %multiple_of3A] : memref<4x128x81920xf32, #tpu.memory_space<hbm>> -> memref<1x1x4096xf32, #tpu.memory_space<hbm>>
      %dma_wait3A_319 = tpu.memref_squeeze %dma_wait3A_318 : memref<1x1x4096xf32, #tpu.memory_space<hbm>> -> memref<4096xf32, #tpu.memory_space<hbm>>
      %dma_wait3A_320 = arith.constant 4096 : i32
      %dma_wait3A_321 = tpu.memref_slice %arg10[%dma_wait3A_320] : memref<32768xf32, #tpu.memory_space<vmem>> -> memref<4096xf32, #tpu.memory_space<vmem>>
      tpu.wait_dma2 semaphore(%arg11 : memref<!tpu.dma_semaphore, #tpu.memory_space<semaphore_mem>>) src(%dma_wait3A_321 : memref<4096xf32, #tpu.memory_space<vmem>>) dst(%dma_wait3A_319 : memref<4096xf32, #tpu.memory_space<hbm>>)
      %add3A_322 = arith.constant 2 : i32
      %add3A_323 = arith.addi %mul3A_32, %add3A_322 : i32
      %dma_wait3A_324 = arith.constant 8192 : i32
      %dma_wait3A_325 = tpu.memref_slice %arg9[%dma_wait3A_324] : memref<32768xf32, #tpu.memory_space<vmem>> -> memref<4096xf32, #tpu.memory_space<vmem>>
      %dma_wait3A_326 = tpu.memref_slice %arg5[%select_n3A, %add3A_323, %multiple_of3A] : memref<4x128x81920xf32, #tpu.memory_space<hbm>> -> memref<1x1x4096xf32, #tpu.memory_space<hbm>>
      %dma_wait3A_327 = tpu.memref_squeeze %dma_wait3A_326 : memref<1x1x4096xf32, #tpu.memory_space<hbm>> -> memref<4096xf32, #tpu.memory_space<hbm>>
      %dma_wait3A_328 = tpu.memref_slice %arg5[%select_n3A, %add3A_323, %multiple_of3A] : memref<4x128x81920xf32, #tpu.memory_space<hbm>> -> memref<1x1x4096xf32, #tpu.memory_space<hbm>>
      %dma_wait3A_329 = tpu.memref_squeeze %dma_wait3A_328 : memref<1x1x4096xf32, #tpu.memory_space<hbm>> -> memref<4096xf32, #tpu.memory_space<hbm>>
      %dma_wait3A_330 = arith.constant 8192 : i32
      %dma_wait3A_331 = tpu.memref_slice %arg9[%dma_wait3A_330] : memref<32768xf32, #tpu.memory_space<vmem>> -> memref<4096xf32, #tpu.memory_space<vmem>>
      tpu.wait_dma2 semaphore(%arg11 : memref<!tpu.dma_semaphore, #tpu.memory_space<semaphore_mem>>) src(%dma_wait3A_331 : memref<4096xf32, #tpu.memory_space<vmem>>) dst(%dma_wait3A_329 : memref<4096xf32, #tpu.memory_space<hbm>>)
      %add3A_332 = arith.constant 64 : i32
      %add3A_333 = arith.addi %add3A_332, %mul3A_32 : i32
      %add3A_334 = arith.constant 2 : i32
      %add3A_335 = arith.addi %add3A_333, %add3A_334 : i32
      %dma_wait3A_336 = arith.constant 8192 : i32
      %dma_wait3A_337 = tpu.memref_slice %arg10[%dma_wait3A_336] : memref<32768xf32, #tpu.memory_space<vmem>> -> memref<4096xf32, #tpu.memory_space<vmem>>
      %dma_wait3A_338 = tpu.memref_slice %arg5[%select_n3A, %add3A_335, %multiple_of3A] : memref<4x128x81920xf32, #tpu.memory_space<hbm>> -> memref<1x1x4096xf32, #tpu.memory_space<hbm>>
      %dma_wait3A_339 = tpu.memref_squeeze %dma_wait3A_338 : memref<1x1x4096xf32, #tpu.memory_space<hbm>> -> memref<4096xf32, #tpu.memory_space<hbm>>
      %dma_wait3A_340 = tpu.memref_slice %arg5[%select_n3A, %add3A_335, %multiple_of3A] : memref<4x128x81920xf32, #tpu.memory_space<hbm>> -> memref<1x1x4096xf32, #tpu.memory_space<hbm>>
      %dma_wait3A_341 = tpu.memref_squeeze %dma_wait3A_340 : memref<1x1x4096xf32, #tpu.memory_space<hbm>> -> memref<4096xf32, #tpu.memory_space<hbm>>
      %dma_wait3A_342 = arith.constant 8192 : i32
      %dma_wait3A_343 = tpu.memref_slice %arg10[%dma_wait3A_342] : memref<32768xf32, #tpu.memory_space<vmem>> -> memref<4096xf32, #tpu.memory_space<vmem>>
      tpu.wait_dma2 semaphore(%arg11 : memref<!tpu.dma_semaphore, #tpu.memory_space<semaphore_mem>>) src(%dma_wait3A_343 : memref<4096xf32, #tpu.memory_space<vmem>>) dst(%dma_wait3A_341 : memref<4096xf32, #tpu.memory_space<hbm>>)
      %add3A_344 = arith.constant 3 : i32
      %add3A_345 = arith.addi %mul3A_32, %add3A_344 : i32
      %dma_wait3A_346 = arith.constant 12288 : i32
      %dma_wait3A_347 = tpu.memref_slice %arg9[%dma_wait3A_346] : memref<32768xf32, #tpu.memory_space<vmem>> -> memref<4096xf32, #tpu.memory_space<vmem>>
      %dma_wait3A_348 = tpu.memref_slice %arg5[%select_n3A, %add3A_345, %multiple_of3A] : memref<4x128x81920xf32, #tpu.memory_space<hbm>> -> memref<1x1x4096xf32, #tpu.memory_space<hbm>>
      %dma_wait3A_349 = tpu.memref_squeeze %dma_wait3A_348 : memref<1x1x4096xf32, #tpu.memory_space<hbm>> -> memref<4096xf32, #tpu.memory_space<hbm>>
      %dma_wait3A_350 = tpu.memref_slice %arg5[%select_n3A, %add3A_345, %multiple_of3A] : memref<4x128x81920xf32, #tpu.memory_space<hbm>> -> memref<1x1x4096xf32, #tpu.memory_space<hbm>>
      %dma_wait3A_351 = tpu.memref_squeeze %dma_wait3A_350 : memref<1x1x4096xf32, #tpu.memory_space<hbm>> -> memref<4096xf32, #tpu.memory_space<hbm>>
      %dma_wait3A_352 = arith.constant 12288 : i32
      %dma_wait3A_353 = tpu.memref_slice %arg9[%dma_wait3A_352] : memref<32768xf32, #tpu.memory_space<vmem>> -> memref<4096xf32, #tpu.memory_space<vmem>>
      tpu.wait_dma2 semaphore(%arg11 : memref<!tpu.dma_semaphore, #tpu.memory_space<semaphore_mem>>) src(%dma_wait3A_353 : memref<4096xf32, #tpu.memory_space<vmem>>) dst(%dma_wait3A_351 : memref<4096xf32, #tpu.memory_space<hbm>>)
      %add3A_354 = arith.constant 64 : i32
      %add3A_355 = arith.addi %add3A_354, %mul3A_32 : i32
      %add3A_356 = arith.constant 3 : i32
      %add3A_357 = arith.addi %add3A_355, %add3A_356 : i32
      %dma_wait3A_358 = arith.constant 12288 : i32
      %dma_wait3A_359 = tpu.memref_slice %arg10[%dma_wait3A_358] : memref<32768xf32, #tpu.memory_space<vmem>> -> memref<4096xf32, #tpu.memory_space<vmem>>
      %dma_wait3A_360 = tpu.memref_slice %arg5[%select_n3A, %add3A_357, %multiple_of3A] : memref<4x128x81920xf32, #tpu.memory_space<hbm>> -> memref<1x1x4096xf32, #tpu.memory_space<hbm>>
      %dma_wait3A_361 = tpu.memref_squeeze %dma_wait3A_360 : memref<1x1x4096xf32, #tpu.memory_space<hbm>> -> memref<4096xf32, #tpu.memory_space<hbm>>
      %dma_wait3A_362 = tpu.memref_slice %arg5[%select_n3A, %add3A_357, %multiple_of3A] : memref<4x128x81920xf32, #tpu.memory_space<hbm>> -> memref<1x1x4096xf32, #tpu.memory_space<hbm>>
      %dma_wait3A_363 = tpu.memref_squeeze %dma_wait3A_362 : memref<1x1x4096xf32, #tpu.memory_space<hbm>> -> memref<4096xf32, #tpu.memory_space<hbm>>
      %dma_wait3A_364 = arith.constant 12288 : i32
      %dma_wait3A_365 = tpu.memref_slice %arg10[%dma_wait3A_364] : memref<32768xf32, #tpu.memory_space<vmem>> -> memref<4096xf32, #tpu.memory_space<vmem>>
      tpu.wait_dma2 semaphore(%arg11 : memref<!tpu.dma_semaphore, #tpu.memory_space<semaphore_mem>>) src(%dma_wait3A_365 : memref<4096xf32, #tpu.memory_space<vmem>>) dst(%dma_wait3A_363 : memref<4096xf32, #tpu.memory_space<hbm>>)
      %add3A_366 = arith.constant 4 : i32
      %add3A_367 = arith.addi %mul3A_32, %add3A_366 : i32
      %dma_wait3A_368 = arith.constant 16384 : i32
      %dma_wait3A_369 = tpu.memref_slice %arg9[%dma_wait3A_368] : memref<32768xf32, #tpu.memory_space<vmem>> -> memref<4096xf32, #tpu.memory_space<vmem>>
      %dma_wait3A_370 = tpu.memref_slice %arg5[%select_n3A, %add3A_367, %multiple_of3A] : memref<4x128x81920xf32, #tpu.memory_space<hbm>> -> memref<1x1x4096xf32, #tpu.memory_space<hbm>>
      %dma_wait3A_371 = tpu.memref_squeeze %dma_wait3A_370 : memref<1x1x4096xf32, #tpu.memory_space<hbm>> -> memref<4096xf32, #tpu.memory_space<hbm>>
      %dma_wait3A_372 = tpu.memref_slice %arg5[%select_n3A, %add3A_367, %multiple_of3A] : memref<4x128x81920xf32, #tpu.memory_space<hbm>> -> memref<1x1x4096xf32, #tpu.memory_space<hbm>>
      %dma_wait3A_373 = tpu.memref_squeeze %dma_wait3A_372 : memref<1x1x4096xf32, #tpu.memory_space<hbm>> -> memref<4096xf32, #tpu.memory_space<hbm>>
      %dma_wait3A_374 = arith.constant 16384 : i32
      %dma_wait3A_375 = tpu.memref_slice %arg9[%dma_wait3A_374] : memref<32768xf32, #tpu.memory_space<vmem>> -> memref<4096xf32, #tpu.memory_space<vmem>>
      tpu.wait_dma2 semaphore(%arg11 : memref<!tpu.dma_semaphore, #tpu.memory_space<semaphore_mem>>) src(%dma_wait3A_375 : memref<4096xf32, #tpu.memory_space<vmem>>) dst(%dma_wait3A_373 : memref<4096xf32, #tpu.memory_space<hbm>>)
      %add3A_376 = arith.constant 64 : i32
      %add3A_377 = arith.addi %add3A_376, %mul3A_32 : i32
      %add3A_378 = arith.constant 4 : i32
      %add3A_379 = arith.addi %add3A_377, %add3A_378 : i32
      %dma_wait3A_380 = arith.constant 16384 : i32
      %dma_wait3A_381 = tpu.memref_slice %arg10[%dma_wait3A_380] : memref<32768xf32, #tpu.memory_space<vmem>> -> memref<4096xf32, #tpu.memory_space<vmem>>
      %dma_wait3A_382 = tpu.memref_slice %arg5[%select_n3A, %add3A_379, %multiple_of3A] : memref<4x128x81920xf32, #tpu.memory_space<hbm>> -> memref<1x1x4096xf32, #tpu.memory_space<hbm>>
      %dma_wait3A_383 = tpu.memref_squeeze %dma_wait3A_382 : memref<1x1x4096xf32, #tpu.memory_space<hbm>> -> memref<4096xf32, #tpu.memory_space<hbm>>
      %dma_wait3A_384 = tpu.memref_slice %arg5[%select_n3A, %add3A_379, %multiple_of3A] : memref<4x128x81920xf32, #tpu.memory_space<hbm>> -> memref<1x1x4096xf32, #tpu.memory_space<hbm>>
      %dma_wait3A_385 = tpu.memref_squeeze %dma_wait3A_384 : memref<1x1x4096xf32, #tpu.memory_space<hbm>> -> memref<4096xf32, #tpu.memory_space<hbm>>
      %dma_wait3A_386 = arith.constant 16384 : i32
      %dma_wait3A_387 = tpu.memref_slice %arg10[%dma_wait3A_386] : memref<32768xf32, #tpu.memory_space<vmem>> -> memref<4096xf32, #tpu.memory_space<vmem>>
      tpu.wait_dma2 semaphore(%arg11 : memref<!tpu.dma_semaphore, #tpu.memory_space<semaphore_mem>>) src(%dma_wait3A_387 : memref<4096xf32, #tpu.memory_space<vmem>>) dst(%dma_wait3A_385 : memref<4096xf32, #tpu.memory_space<hbm>>)
      %add3A_388 = arith.constant 5 : i32
      %add3A_389 = arith.addi %mul3A_32, %add3A_388 : i32
      %dma_wait3A_390 = arith.constant 20480 : i32
      %dma_wait3A_391 = tpu.memref_slice %arg9[%dma_wait3A_390] : memref<32768xf32, #tpu.memory_space<vmem>> -> memref<4096xf32, #tpu.memory_space<vmem>>
      %dma_wait3A_392 = tpu.memref_slice %arg5[%select_n3A, %add3A_389, %multiple_of3A] : memref<4x128x81920xf32, #tpu.memory_space<hbm>> -> memref<1x1x4096xf32, #tpu.memory_space<hbm>>
      %dma_wait3A_393 = tpu.memref_squeeze %dma_wait3A_392 : memref<1x1x4096xf32, #tpu.memory_space<hbm>> -> memref<4096xf32, #tpu.memory_space<hbm>>
      %dma_wait3A_394 = tpu.memref_slice %arg5[%select_n3A, %add3A_389, %multiple_of3A] : memref<4x128x81920xf32, #tpu.memory_space<hbm>> -> memref<1x1x4096xf32, #tpu.memory_space<hbm>>
      %dma_wait3A_395 = tpu.memref_squeeze %dma_wait3A_394 : memref<1x1x4096xf32, #tpu.memory_space<hbm>> -> memref<4096xf32, #tpu.memory_space<hbm>>
      %dma_wait3A_396 = arith.constant 20480 : i32
      %dma_wait3A_397 = tpu.memref_slice %arg9[%dma_wait3A_396] : memref<32768xf32, #tpu.memory_space<vmem>> -> memref<4096xf32, #tpu.memory_space<vmem>>
      tpu.wait_dma2 semaphore(%arg11 : memref<!tpu.dma_semaphore, #tpu.memory_space<semaphore_mem>>) src(%dma_wait3A_397 : memref<4096xf32, #tpu.memory_space<vmem>>) dst(%dma_wait3A_395 : memref<4096xf32, #tpu.memory_space<hbm>>)
      %add3A_398 = arith.constant 64 : i32
      %add3A_399 = arith.addi %add3A_398, %mul3A_32 : i32
      %add3A_400 = arith.constant 5 : i32
      %add3A_401 = arith.addi %add3A_399, %add3A_400 : i32
      %dma_wait3A_402 = arith.constant 20480 : i32
      %dma_wait3A_403 = tpu.memref_slice %arg10[%dma_wait3A_402] : memref<32768xf32, #tpu.memory_space<vmem>> -> memref<4096xf32, #tpu.memory_space<vmem>>
      %dma_wait3A_404 = tpu.memref_slice %arg5[%select_n3A, %add3A_401, %multiple_of3A] : memref<4x128x81920xf32, #tpu.memory_space<hbm>> -> memref<1x1x4096xf32, #tpu.memory_space<hbm>>
      %dma_wait3A_405 = tpu.memref_squeeze %dma_wait3A_404 : memref<1x1x4096xf32, #tpu.memory_space<hbm>> -> memref<4096xf32, #tpu.memory_space<hbm>>
      %dma_wait3A_406 = tpu.memref_slice %arg5[%select_n3A, %add3A_401, %multiple_of3A] : memref<4x128x81920xf32, #tpu.memory_space<hbm>> -> memref<1x1x4096xf32, #tpu.memory_space<hbm>>
      %dma_wait3A_407 = tpu.memref_squeeze %dma_wait3A_406 : memref<1x1x4096xf32, #tpu.memory_space<hbm>> -> memref<4096xf32, #tpu.memory_space<hbm>>
      %dma_wait3A_408 = arith.constant 20480 : i32
      %dma_wait3A_409 = tpu.memref_slice %arg10[%dma_wait3A_408] : memref<32768xf32, #tpu.memory_space<vmem>> -> memref<4096xf32, #tpu.memory_space<vmem>>
      tpu.wait_dma2 semaphore(%arg11 : memref<!tpu.dma_semaphore, #tpu.memory_space<semaphore_mem>>) src(%dma_wait3A_409 : memref<4096xf32, #tpu.memory_space<vmem>>) dst(%dma_wait3A_407 : memref<4096xf32, #tpu.memory_space<hbm>>)
      %add3A_410 = arith.constant 6 : i32
      %add3A_411 = arith.addi %mul3A_32, %add3A_410 : i32
      %dma_wait3A_412 = arith.constant 24576 : i32
      %dma_wait3A_413 = tpu.memref_slice %arg9[%dma_wait3A_412] : memref<32768xf32, #tpu.memory_space<vmem>> -> memref<4096xf32, #tpu.memory_space<vmem>>
      %dma_wait3A_414 = tpu.memref_slice %arg5[%select_n3A, %add3A_411, %multiple_of3A] : memref<4x128x81920xf32, #tpu.memory_space<hbm>> -> memref<1x1x4096xf32, #tpu.memory_space<hbm>>
      %dma_wait3A_415 = tpu.memref_squeeze %dma_wait3A_414 : memref<1x1x4096xf32, #tpu.memory_space<hbm>> -> memref<4096xf32, #tpu.memory_space<hbm>>
      %dma_wait3A_416 = tpu.memref_slice %arg5[%select_n3A, %add3A_411, %multiple_of3A] : memref<4x128x81920xf32, #tpu.memory_space<hbm>> -> memref<1x1x4096xf32, #tpu.memory_space<hbm>>
      %dma_wait3A_417 = tpu.memref_squeeze %dma_wait3A_416 : memref<1x1x4096xf32, #tpu.memory_space<hbm>> -> memref<4096xf32, #tpu.memory_space<hbm>>
      %dma_wait3A_418 = arith.constant 24576 : i32
      %dma_wait3A_419 = tpu.memref_slice %arg9[%dma_wait3A_418] : memref<32768xf32, #tpu.memory_space<vmem>> -> memref<4096xf32, #tpu.memory_space<vmem>>
      tpu.wait_dma2 semaphore(%arg11 : memref<!tpu.dma_semaphore, #tpu.memory_space<semaphore_mem>>) src(%dma_wait3A_419 : memref<4096xf32, #tpu.memory_space<vmem>>) dst(%dma_wait3A_417 : memref<4096xf32, #tpu.memory_space<hbm>>)
      %add3A_420 = arith.constant 64 : i32
      %add3A_421 = arith.addi %add3A_420, %mul3A_32 : i32
      %add3A_422 = arith.constant 6 : i32
      %add3A_423 = arith.addi %add3A_421, %add3A_422 : i32
      %dma_wait3A_424 = arith.constant 24576 : i32
      %dma_wait3A_425 = tpu.memref_slice %arg10[%dma_wait3A_424] : memref<32768xf32, #tpu.memory_space<vmem>> -> memref<4096xf32, #tpu.memory_space<vmem>>
      %dma_wait3A_426 = tpu.memref_slice %arg5[%select_n3A, %add3A_423, %multiple_of3A] : memref<4x128x81920xf32, #tpu.memory_space<hbm>> -> memref<1x1x4096xf32, #tpu.memory_space<hbm>>
      %dma_wait3A_427 = tpu.memref_squeeze %dma_wait3A_426 : memref<1x1x4096xf32, #tpu.memory_space<hbm>> -> memref<4096xf32, #tpu.memory_space<hbm>>
      %dma_wait3A_428 = tpu.memref_slice %arg5[%select_n3A, %add3A_423, %multiple_of3A] : memref<4x128x81920xf32, #tpu.memory_space<hbm>> -> memref<1x1x4096xf32, #tpu.memory_space<hbm>>
      %dma_wait3A_429 = tpu.memref_squeeze %dma_wait3A_428 : memref<1x1x4096xf32, #tpu.memory_space<hbm>> -> memref<4096xf32, #tpu.memory_space<hbm>>
      %dma_wait3A_430 = arith.constant 24576 : i32
      %dma_wait3A_431 = tpu.memref_slice %arg10[%dma_wait3A_430] : memref<32768xf32, #tpu.memory_space<vmem>> -> memref<4096xf32, #tpu.memory_space<vmem>>
      tpu.wait_dma2 semaphore(%arg11 : memref<!tpu.dma_semaphore, #tpu.memory_space<semaphore_mem>>) src(%dma_wait3A_431 : memref<4096xf32, #tpu.memory_space<vmem>>) dst(%dma_wait3A_429 : memref<4096xf32, #tpu.memory_space<hbm>>)
      %add3A_432 = arith.constant 7 : i32
      %add3A_433 = arith.addi %mul3A_32, %add3A_432 : i32
      %dma_wait3A_434 = arith.constant 28672 : i32
      %dma_wait3A_435 = tpu.memref_slice %arg9[%dma_wait3A_434] : memref<32768xf32, #tpu.memory_space<vmem>> -> memref<4096xf32, #tpu.memory_space<vmem>>
      %dma_wait3A_436 = tpu.memref_slice %arg5[%select_n3A, %add3A_433, %multiple_of3A] : memref<4x128x81920xf32, #tpu.memory_space<hbm>> -> memref<1x1x4096xf32, #tpu.memory_space<hbm>>
      %dma_wait3A_437 = tpu.memref_squeeze %dma_wait3A_436 : memref<1x1x4096xf32, #tpu.memory_space<hbm>> -> memref<4096xf32, #tpu.memory_space<hbm>>
      %dma_wait3A_438 = tpu.memref_slice %arg5[%select_n3A, %add3A_433, %multiple_of3A] : memref<4x128x81920xf32, #tpu.memory_space<hbm>> -> memref<1x1x4096xf32, #tpu.memory_space<hbm>>
      %dma_wait3A_439 = tpu.memref_squeeze %dma_wait3A_438 : memref<1x1x4096xf32, #tpu.memory_space<hbm>> -> memref<4096xf32, #tpu.memory_space<hbm>>
      %dma_wait3A_440 = arith.constant 28672 : i32
      %dma_wait3A_441 = tpu.memref_slice %arg9[%dma_wait3A_440] : memref<32768xf32, #tpu.memory_space<vmem>> -> memref<4096xf32, #tpu.memory_space<vmem>>
      tpu.wait_dma2 semaphore(%arg11 : memref<!tpu.dma_semaphore, #tpu.memory_space<semaphore_mem>>) src(%dma_wait3A_441 : memref<4096xf32, #tpu.memory_space<vmem>>) dst(%dma_wait3A_439 : memref<4096xf32, #tpu.memory_space<hbm>>)
      %add3A_442 = arith.constant 64 : i32
      %add3A_443 = arith.addi %add3A_442, %mul3A_32 : i32
      %add3A_444 = arith.constant 7 : i32
      %add3A_445 = arith.addi %add3A_443, %add3A_444 : i32
      %dma_wait3A_446 = arith.constant 28672 : i32
      %dma_wait3A_447 = tpu.memref_slice %arg10[%dma_wait3A_446] : memref<32768xf32, #tpu.memory_space<vmem>> -> memref<4096xf32, #tpu.memory_space<vmem>>
      %dma_wait3A_448 = tpu.memref_slice %arg5[%select_n3A, %add3A_445, %multiple_of3A] : memref<4x128x81920xf32, #tpu.memory_space<hbm>> -> memref<1x1x4096xf32, #tpu.memory_space<hbm>>
      %dma_wait3A_449 = tpu.memref_squeeze %dma_wait3A_448 : memref<1x1x4096xf32, #tpu.memory_space<hbm>> -> memref<4096xf32, #tpu.memory_space<hbm>>
      %dma_wait3A_450 = tpu.memref_slice %arg5[%select_n3A, %add3A_445, %multiple_of3A] : memref<4x128x81920xf32, #tpu.memory_space<hbm>> -> memref<1x1x4096xf32, #tpu.memory_space<hbm>>
      %dma_wait3A_451 = tpu.memref_squeeze %dma_wait3A_450 : memref<1x1x4096xf32, #tpu.memory_space<hbm>> -> memref<4096xf32, #tpu.memory_space<hbm>>
      %dma_wait3A_452 = arith.constant 28672 : i32
      %dma_wait3A_453 = tpu.memref_slice %arg10[%dma_wait3A_452] : memref<32768xf32, #tpu.memory_space<vmem>> -> memref<4096xf32, #tpu.memory_space<vmem>>
      tpu.wait_dma2 semaphore(%arg11 : memref<!tpu.dma_semaphore, #tpu.memory_space<semaphore_mem>>) src(%dma_wait3A_453 : memref<4096xf32, #tpu.memory_space<vmem>>) dst(%dma_wait3A_451 : memref<4096xf32, #tpu.memory_space<hbm>>)
    }
    %scan3A_77 = arith.constant 20 : i32
    return
  }
}

module attributes {stable_mosaic.version = 14 : i64} {
  func.func @_topk_body(%arg0: i32, %arg1: i32, %arg2: memref<1x64x4096xf32, #tpu.memory_space<vmem>>, %arg3: memref<1x512x20xi32, #tpu.memory_space<vmem>>) attributes {dimension_semantics = [#tpu.dimension_semantics<arbitrary>, #tpu.dimension_semantics<arbitrary>], iteration_bounds = array<i64: 4, 8>, scalar_prefetch = 0 : i64, scratch_operands = 0 : i64, tpu.core_type = #tpu.core_type<tc>, window_params = [{transform_indices = @transform_0, window_bounds = array<i64: 1, 64, 4096>}, {transform_indices = @transform_1, window_bounds = array<i64: 1, 512, 20>}]} {
    %get3A = arith.constant 0 : index
    %get3A_0 = arith.constant 0 : index
    %get3A_1 = arith.constant 0 : index
    %get3A_2 = vector.load %arg2[%get3A, %get3A_0, %get3A_1] : memref<1x64x4096xf32, #tpu.memory_space<vmem>>, vector<1x64x4096xf32>
    %get3A_3 = vector.shape_cast %get3A_2 : vector<1x64x4096xf32> to vector<64x4096xf32>
    %mul3A = arith.constant 512 : i32
    %mul3A_4 = arith.muli %arg1, %mul3A : i32
    %get3A_5 = arith.constant 0 : index
    %get3A_6 = arith.constant 0 : index
    %get3A_7 = arith.index_cast %mul3A_4 : i32 to index
    %get3A_8 = vector.load %arg2[%get3A_5, %get3A_6, %get3A_7] : memref<1x64x4096xf32, #tpu.memory_space<vmem>>, vector<1x64x512xf32>
    %get3A_9 = vector.shape_cast %get3A_8 : vector<1x64x512xf32> to vector<64x512xf32>
    %convert_element_type3A = arith.truncf %get3A_9 : vector<64x512xf32> to vector<64x512xbf16>
    %convert_element_type3A_10 = arith.truncf %get3A_3 : vector<64x4096xf32> to vector<64x4096xbf16>
    %dot_general3A = arith.constant dense<0.000000e+00> : vector<512x4096xf32>
    %dot_general3A_11 = tpu.matmul %convert_element_type3A, %convert_element_type3A_10, %dot_general3A {dimension_numbers = #tpu.dot_dimension_numbers<[0], [0], [1], [1], [0, 1, 1, 1], [], []>, transpose_lhs_hint = false} : vector<64x512xbf16>, vector<64x4096xbf16>, vector<512x4096xf32> -> vector<512x4096xf32>
    %mul3A_12 = arith.mulf %get3A_3, %get3A_3 : vector<64x4096xf32>
    %reduce_sum3A = arith.constant dense<0.000000e+00> : vector<4096xf32>
    %reduce_sum3A_13 = vector.multi_reduction <add>, %mul3A_12, %reduce_sum3A [0] : vector<64x4096xf32> to vector<4096xf32>
    %broadcast_in_dim3A = vector.shape_cast %reduce_sum3A_13 : vector<4096xf32> to vector<1x4096xf32>
    %mul3A_14 = arith.constant 2.000000e+00 : f32
    %mul3A_15 = vector.broadcast %mul3A_14 : f32 to vector<512x4096xf32>
    %mul3A_16 = arith.mulf %mul3A_15, %dot_general3A_11 : vector<512x4096xf32>
    %sub3A = vector.broadcast %broadcast_in_dim3A : vector<1x4096xf32> to vector<512x4096xf32>
    %sub3A_17 = arith.subf %mul3A_16, %sub3A : vector<512x4096xf32>
    %slice3A = vector.extract_strided_slice %sub3A_17 {offsets = [0, 0], sizes = [512, 2048], strides = [1, 1]} : vector<512x4096xf32> to vector<512x2048xf32>
    %slice3A_18 = vector.extract_strided_slice %sub3A_17 {offsets = [0, 2048], sizes = [512, 2048], strides = [1, 1]} : vector<512x4096xf32> to vector<512x2048xf32>
    %max3A = arith.maximumf %slice3A, %slice3A_18 : vector<512x2048xf32>
    %slice3A_19 = vector.extract_strided_slice %max3A {offsets = [0, 0], sizes = [512, 1024], strides = [1, 1]} : vector<512x2048xf32> to vector<512x1024xf32>
    %slice3A_20 = vector.extract_strided_slice %max3A {offsets = [0, 1024], sizes = [512, 1024], strides = [1, 1]} : vector<512x2048xf32> to vector<512x1024xf32>
    %max3A_21 = arith.maximumf %slice3A_19, %slice3A_20 : vector<512x1024xf32>
    %slice3A_22 = vector.extract_strided_slice %max3A_21 {offsets = [0, 0], sizes = [512, 512], strides = [1, 1]} : vector<512x1024xf32> to vector<512x512xf32>
    %slice3A_23 = vector.extract_strided_slice %max3A_21 {offsets = [0, 512], sizes = [512, 512], strides = [1, 1]} : vector<512x1024xf32> to vector<512x512xf32>
    %max3A_24 = arith.maximumf %slice3A_22, %slice3A_23 : vector<512x512xf32>
    %slice3A_25 = vector.extract_strided_slice %max3A_24 {offsets = [0, 0], sizes = [512, 256], strides = [1, 1]} : vector<512x512xf32> to vector<512x256xf32>
    %slice3A_26 = vector.extract_strided_slice %max3A_24 {offsets = [0, 256], sizes = [512, 256], strides = [1, 1]} : vector<512x512xf32> to vector<512x256xf32>
    %max3A_27 = arith.maximumf %slice3A_25, %slice3A_26 : vector<512x256xf32>
    %slice3A_28 = vector.extract_strided_slice %max3A_27 {offsets = [0, 0], sizes = [512, 128], strides = [1, 1]} : vector<512x256xf32> to vector<512x128xf32>
    %slice3A_29 = vector.extract_strided_slice %max3A_27 {offsets = [0, 128], sizes = [512, 128], strides = [1, 1]} : vector<512x256xf32> to vector<512x128xf32>
    %max3A_30 = arith.maximumf %slice3A_28, %slice3A_29 : vector<512x128xf32>
    %transpose3A = tpu.transpose %max3A_30, [1, 0] : vector<512x128xf32> -> vector<128x512xf32>
    %iota3A = tpu.iota {dimensions = array<i32: 0>} : vector<128x512xi32>
    %reduce_max3A = arith.constant dense<0xFF800000> : vector<512xf32>
    %reduce_max3A_31 = vector.multi_reduction <maximumf>, %transpose3A, %reduce_max3A [0] : vector<128x512xf32> to vector<512xf32>
    %broadcast_in_dim3A_32 = vector.shape_cast %reduce_max3A_31 : vector<512xf32> to vector<1x512xf32>
    %ge3A = vector.broadcast %broadcast_in_dim3A_32 : vector<1x512xf32> to vector<128x512xf32>
    %ge3A_33 = arith.cmpf oge, %transpose3A, %ge3A : vector<128x512xf32>
    %jit3A = arith.constant 128 : i32
    %broadcast_in_dim3A_34 = vector.broadcast %jit3A : i32 to vector<128x512xi32>
    %select_n3A = arith.select %ge3A_33, %iota3A, %broadcast_in_dim3A_34 : vector<128x512xi1>, vector<128x512xi32>
    %reduce_min3A = arith.constant dense<2147483647> : vector<512xi32>
    %reduce_min3A_35 = vector.multi_reduction <minsi>, %select_n3A, %reduce_min3A [0] : vector<128x512xi32> to vector<512xi32>
    %broadcast_in_dim3A_36 = vector.shape_cast %reduce_min3A_35 : vector<512xi32> to vector<1x512xi32>
    %eq3A = vector.broadcast %broadcast_in_dim3A_36 : vector<1x512xi32> to vector<128x512xi32>
    %eq3A_37 = arith.cmpi eq, %iota3A, %eq3A : vector<128x512xi32>
    %jit3A_38 = arith.constant -3.000000e+38 : f32
    %broadcast_in_dim3A_39 = vector.broadcast %jit3A_38 : f32 to vector<128x512xf32>
    %select_n3A_40 = arith.select %eq3A_37, %broadcast_in_dim3A_39, %transpose3A : vector<128x512xi1>, vector<128x512xf32>
    %reduce_max3A_41 = arith.constant dense<0xFF800000> : vector<512xf32>
    %reduce_max3A_42 = vector.multi_reduction <maximumf>, %select_n3A_40, %reduce_max3A_41 [0] : vector<128x512xf32> to vector<512xf32>
    %broadcast_in_dim3A_43 = vector.shape_cast %reduce_max3A_42 : vector<512xf32> to vector<1x512xf32>
    %ge3A_44 = vector.broadcast %broadcast_in_dim3A_43 : vector<1x512xf32> to vector<128x512xf32>
    %ge3A_45 = arith.cmpf oge, %select_n3A_40, %ge3A_44 : vector<128x512xf32>
    %jit3A_46 = arith.constant 128 : i32
    %broadcast_in_dim3A_47 = vector.broadcast %jit3A_46 : i32 to vector<128x512xi32>
    %select_n3A_48 = arith.select %ge3A_45, %iota3A, %broadcast_in_dim3A_47 : vector<128x512xi1>, vector<128x512xi32>
    %reduce_min3A_49 = arith.constant dense<2147483647> : vector<512xi32>
    %reduce_min3A_50 = vector.multi_reduction <minsi>, %select_n3A_48, %reduce_min3A_49 [0] : vector<128x512xi32> to vector<512xi32>
    %broadcast_in_dim3A_51 = vector.shape_cast %reduce_min3A_50 : vector<512xi32> to vector<1x512xi32>
    %eq3A_52 = vector.broadcast %broadcast_in_dim3A_51 : vector<1x512xi32> to vector<128x512xi32>
    %eq3A_53 = arith.cmpi eq, %iota3A, %eq3A_52 : vector<128x512xi32>
    %jit3A_54 = arith.constant -3.000000e+38 : f32
    %broadcast_in_dim3A_55 = vector.broadcast %jit3A_54 : f32 to vector<128x512xf32>
    %select_n3A_56 = arith.select %eq3A_53, %broadcast_in_dim3A_55, %select_n3A_40 : vector<128x512xi1>, vector<128x512xf32>
    %reduce_max3A_57 = arith.constant dense<0xFF800000> : vector<512xf32>
    %reduce_max3A_58 = vector.multi_reduction <maximumf>, %select_n3A_56, %reduce_max3A_57 [0] : vector<128x512xf32> to vector<512xf32>
    %broadcast_in_dim3A_59 = vector.shape_cast %reduce_max3A_58 : vector<512xf32> to vector<1x512xf32>
    %ge3A_60 = vector.broadcast %broadcast_in_dim3A_59 : vector<1x512xf32> to vector<128x512xf32>
    %ge3A_61 = arith.cmpf oge, %select_n3A_56, %ge3A_60 : vector<128x512xf32>
    %jit3A_62 = arith.constant 128 : i32
    %broadcast_in_dim3A_63 = vector.broadcast %jit3A_62 : i32 to vector<128x512xi32>
    %select_n3A_64 = arith.select %ge3A_61, %iota3A, %broadcast_in_dim3A_63 : vector<128x512xi1>, vector<128x512xi32>
    %reduce_min3A_65 = arith.constant dense<2147483647> : vector<512xi32>
    %reduce_min3A_66 = vector.multi_reduction <minsi>, %select_n3A_64, %reduce_min3A_65 [0] : vector<128x512xi32> to vector<512xi32>
    %broadcast_in_dim3A_67 = vector.shape_cast %reduce_min3A_66 : vector<512xi32> to vector<1x512xi32>
    %eq3A_68 = vector.broadcast %broadcast_in_dim3A_67 : vector<1x512xi32> to vector<128x512xi32>
    %eq3A_69 = arith.cmpi eq, %iota3A, %eq3A_68 : vector<128x512xi32>
    %jit3A_70 = arith.constant -3.000000e+38 : f32
    %broadcast_in_dim3A_71 = vector.broadcast %jit3A_70 : f32 to vector<128x512xf32>
    %select_n3A_72 = arith.select %eq3A_69, %broadcast_in_dim3A_71, %select_n3A_56 : vector<128x512xi1>, vector<128x512xf32>
    %reduce_max3A_73 = arith.constant dense<0xFF800000> : vector<512xf32>
    %reduce_max3A_74 = vector.multi_reduction <maximumf>, %select_n3A_72, %reduce_max3A_73 [0] : vector<128x512xf32> to vector<512xf32>
    %broadcast_in_dim3A_75 = vector.shape_cast %reduce_max3A_74 : vector<512xf32> to vector<1x512xf32>
    %ge3A_76 = vector.broadcast %broadcast_in_dim3A_75 : vector<1x512xf32> to vector<128x512xf32>
    %ge3A_77 = arith.cmpf oge, %select_n3A_72, %ge3A_76 : vector<128x512xf32>
    %jit3A_78 = arith.constant 128 : i32
    %broadcast_in_dim3A_79 = vector.broadcast %jit3A_78 : i32 to vector<128x512xi32>
    %select_n3A_80 = arith.select %ge3A_77, %iota3A, %broadcast_in_dim3A_79 : vector<128x512xi1>, vector<128x512xi32>
    %reduce_min3A_81 = arith.constant dense<2147483647> : vector<512xi32>
    %reduce_min3A_82 = vector.multi_reduction <minsi>, %select_n3A_80, %reduce_min3A_81 [0] : vector<128x512xi32> to vector<512xi32>
    %broadcast_in_dim3A_83 = vector.shape_cast %reduce_min3A_82 : vector<512xi32> to vector<1x512xi32>
    %eq3A_84 = vector.broadcast %broadcast_in_dim3A_83 : vector<1x512xi32> to vector<128x512xi32>
    %eq3A_85 = arith.cmpi eq, %iota3A, %eq3A_84 : vector<128x512xi32>
    %jit3A_86 = arith.constant -3.000000e+38 : f32
    %broadcast_in_dim3A_87 = vector.broadcast %jit3A_86 : f32 to vector<128x512xf32>
    %select_n3A_88 = arith.select %eq3A_85, %broadcast_in_dim3A_87, %select_n3A_72 : vector<128x512xi1>, vector<128x512xf32>
    %reduce_max3A_89 = arith.constant dense<0xFF800000> : vector<512xf32>
    %reduce_max3A_90 = vector.multi_reduction <maximumf>, %select_n3A_88, %reduce_max3A_89 [0] : vector<128x512xf32> to vector<512xf32>
    %broadcast_in_dim3A_91 = vector.shape_cast %reduce_max3A_90 : vector<512xf32> to vector<1x512xf32>
    %ge3A_92 = vector.broadcast %broadcast_in_dim3A_91 : vector<1x512xf32> to vector<128x512xf32>
    %ge3A_93 = arith.cmpf oge, %select_n3A_88, %ge3A_92 : vector<128x512xf32>
    %jit3A_94 = arith.constant 128 : i32
    %broadcast_in_dim3A_95 = vector.broadcast %jit3A_94 : i32 to vector<128x512xi32>
    %select_n3A_96 = arith.select %ge3A_93, %iota3A, %broadcast_in_dim3A_95 : vector<128x512xi1>, vector<128x512xi32>
    %reduce_min3A_97 = arith.constant dense<2147483647> : vector<512xi32>
    %reduce_min3A_98 = vector.multi_reduction <minsi>, %select_n3A_96, %reduce_min3A_97 [0] : vector<128x512xi32> to vector<512xi32>
    %broadcast_in_dim3A_99 = vector.shape_cast %reduce_min3A_98 : vector<512xi32> to vector<1x512xi32>
    %eq3A_100 = vector.broadcast %broadcast_in_dim3A_99 : vector<1x512xi32> to vector<128x512xi32>
    %eq3A_101 = arith.cmpi eq, %iota3A, %eq3A_100 : vector<128x512xi32>
    %jit3A_102 = arith.constant -3.000000e+38 : f32
    %broadcast_in_dim3A_103 = vector.broadcast %jit3A_102 : f32 to vector<128x512xf32>
    %select_n3A_104 = arith.select %eq3A_101, %broadcast_in_dim3A_103, %select_n3A_88 : vector<128x512xi1>, vector<128x512xf32>
    %reduce_max3A_105 = arith.constant dense<0xFF800000> : vector<512xf32>
    %reduce_max3A_106 = vector.multi_reduction <maximumf>, %select_n3A_104, %reduce_max3A_105 [0] : vector<128x512xf32> to vector<512xf32>
    %broadcast_in_dim3A_107 = vector.shape_cast %reduce_max3A_106 : vector<512xf32> to vector<1x512xf32>
    %ge3A_108 = vector.broadcast %broadcast_in_dim3A_107 : vector<1x512xf32> to vector<128x512xf32>
    %ge3A_109 = arith.cmpf oge, %select_n3A_104, %ge3A_108 : vector<128x512xf32>
    %jit3A_110 = arith.constant 128 : i32
    %broadcast_in_dim3A_111 = vector.broadcast %jit3A_110 : i32 to vector<128x512xi32>
    %select_n3A_112 = arith.select %ge3A_109, %iota3A, %broadcast_in_dim3A_111 : vector<128x512xi1>, vector<128x512xi32>
    %reduce_min3A_113 = arith.constant dense<2147483647> : vector<512xi32>
    %reduce_min3A_114 = vector.multi_reduction <minsi>, %select_n3A_112, %reduce_min3A_113 [0] : vector<128x512xi32> to vector<512xi32>
    %broadcast_in_dim3A_115 = vector.shape_cast %reduce_min3A_114 : vector<512xi32> to vector<1x512xi32>
    %eq3A_116 = vector.broadcast %broadcast_in_dim3A_115 : vector<1x512xi32> to vector<128x512xi32>
    %eq3A_117 = arith.cmpi eq, %iota3A, %eq3A_116 : vector<128x512xi32>
    %jit3A_118 = arith.constant -3.000000e+38 : f32
    %broadcast_in_dim3A_119 = vector.broadcast %jit3A_118 : f32 to vector<128x512xf32>
    %select_n3A_120 = arith.select %eq3A_117, %broadcast_in_dim3A_119, %select_n3A_104 : vector<128x512xi1>, vector<128x512xf32>
    %reduce_max3A_121 = arith.constant dense<0xFF800000> : vector<512xf32>
    %reduce_max3A_122 = vector.multi_reduction <maximumf>, %select_n3A_120, %reduce_max3A_121 [0] : vector<128x512xf32> to vector<512xf32>
    %broadcast_in_dim3A_123 = vector.shape_cast %reduce_max3A_122 : vector<512xf32> to vector<1x512xf32>
    %ge3A_124 = vector.broadcast %broadcast_in_dim3A_123 : vector<1x512xf32> to vector<128x512xf32>
    %ge3A_125 = arith.cmpf oge, %select_n3A_120, %ge3A_124 : vector<128x512xf32>
    %jit3A_126 = arith.constant 128 : i32
    %broadcast_in_dim3A_127 = vector.broadcast %jit3A_126 : i32 to vector<128x512xi32>
    %select_n3A_128 = arith.select %ge3A_125, %iota3A, %broadcast_in_dim3A_127 : vector<128x512xi1>, vector<128x512xi32>
    %reduce_min3A_129 = arith.constant dense<2147483647> : vector<512xi32>
    %reduce_min3A_130 = vector.multi_reduction <minsi>, %select_n3A_128, %reduce_min3A_129 [0] : vector<128x512xi32> to vector<512xi32>
    %broadcast_in_dim3A_131 = vector.shape_cast %reduce_min3A_130 : vector<512xi32> to vector<1x512xi32>
    %eq3A_132 = vector.broadcast %broadcast_in_dim3A_131 : vector<1x512xi32> to vector<128x512xi32>
    %eq3A_133 = arith.cmpi eq, %iota3A, %eq3A_132 : vector<128x512xi32>
    %jit3A_134 = arith.constant -3.000000e+38 : f32
    %broadcast_in_dim3A_135 = vector.broadcast %jit3A_134 : f32 to vector<128x512xf32>
    %select_n3A_136 = arith.select %eq3A_133, %broadcast_in_dim3A_135, %select_n3A_120 : vector<128x512xi1>, vector<128x512xf32>
    %reduce_max3A_137 = arith.constant dense<0xFF800000> : vector<512xf32>
    %reduce_max3A_138 = vector.multi_reduction <maximumf>, %select_n3A_136, %reduce_max3A_137 [0] : vector<128x512xf32> to vector<512xf32>
    %broadcast_in_dim3A_139 = vector.shape_cast %reduce_max3A_138 : vector<512xf32> to vector<1x512xf32>
    %ge3A_140 = vector.broadcast %broadcast_in_dim3A_139 : vector<1x512xf32> to vector<128x512xf32>
    %ge3A_141 = arith.cmpf oge, %select_n3A_136, %ge3A_140 : vector<128x512xf32>
    %jit3A_142 = arith.constant 128 : i32
    %broadcast_in_dim3A_143 = vector.broadcast %jit3A_142 : i32 to vector<128x512xi32>
    %select_n3A_144 = arith.select %ge3A_141, %iota3A, %broadcast_in_dim3A_143 : vector<128x512xi1>, vector<128x512xi32>
    %reduce_min3A_145 = arith.constant dense<2147483647> : vector<512xi32>
    %reduce_min3A_146 = vector.multi_reduction <minsi>, %select_n3A_144, %reduce_min3A_145 [0] : vector<128x512xi32> to vector<512xi32>
    %broadcast_in_dim3A_147 = vector.shape_cast %reduce_min3A_146 : vector<512xi32> to vector<1x512xi32>
    %eq3A_148 = vector.broadcast %broadcast_in_dim3A_147 : vector<1x512xi32> to vector<128x512xi32>
    %eq3A_149 = arith.cmpi eq, %iota3A, %eq3A_148 : vector<128x512xi32>
    %jit3A_150 = arith.constant -3.000000e+38 : f32
    %broadcast_in_dim3A_151 = vector.broadcast %jit3A_150 : f32 to vector<128x512xf32>
    %select_n3A_152 = arith.select %eq3A_149, %broadcast_in_dim3A_151, %select_n3A_136 : vector<128x512xi1>, vector<128x512xf32>
    %reduce_max3A_153 = arith.constant dense<0xFF800000> : vector<512xf32>
    %reduce_max3A_154 = vector.multi_reduction <maximumf>, %select_n3A_152, %reduce_max3A_153 [0] : vector<128x512xf32> to vector<512xf32>
    %broadcast_in_dim3A_155 = vector.shape_cast %reduce_max3A_154 : vector<512xf32> to vector<1x512xf32>
    %ge3A_156 = vector.broadcast %broadcast_in_dim3A_155 : vector<1x512xf32> to vector<128x512xf32>
    %ge3A_157 = arith.cmpf oge, %select_n3A_152, %ge3A_156 : vector<128x512xf32>
    %jit3A_158 = arith.constant 128 : i32
    %broadcast_in_dim3A_159 = vector.broadcast %jit3A_158 : i32 to vector<128x512xi32>
    %select_n3A_160 = arith.select %ge3A_157, %iota3A, %broadcast_in_dim3A_159 : vector<128x512xi1>, vector<128x512xi32>
    %reduce_min3A_161 = arith.constant dense<2147483647> : vector<512xi32>
    %reduce_min3A_162 = vector.multi_reduction <minsi>, %select_n3A_160, %reduce_min3A_161 [0] : vector<128x512xi32> to vector<512xi32>
    %broadcast_in_dim3A_163 = vector.shape_cast %reduce_min3A_162 : vector<512xi32> to vector<1x512xi32>
    %eq3A_164 = vector.broadcast %broadcast_in_dim3A_163 : vector<1x512xi32> to vector<128x512xi32>
    %eq3A_165 = arith.cmpi eq, %iota3A, %eq3A_164 : vector<128x512xi32>
    %jit3A_166 = arith.constant -3.000000e+38 : f32
    %broadcast_in_dim3A_167 = vector.broadcast %jit3A_166 : f32 to vector<128x512xf32>
    %select_n3A_168 = arith.select %eq3A_165, %broadcast_in_dim3A_167, %select_n3A_152 : vector<128x512xi1>, vector<128x512xf32>
    %reduce_max3A_169 = arith.constant dense<0xFF800000> : vector<512xf32>
    %reduce_max3A_170 = vector.multi_reduction <maximumf>, %select_n3A_168, %reduce_max3A_169 [0] : vector<128x512xf32> to vector<512xf32>
    %broadcast_in_dim3A_171 = vector.shape_cast %reduce_max3A_170 : vector<512xf32> to vector<1x512xf32>
    %ge3A_172 = vector.broadcast %broadcast_in_dim3A_171 : vector<1x512xf32> to vector<128x512xf32>
    %ge3A_173 = arith.cmpf oge, %select_n3A_168, %ge3A_172 : vector<128x512xf32>
    %jit3A_174 = arith.constant 128 : i32
    %broadcast_in_dim3A_175 = vector.broadcast %jit3A_174 : i32 to vector<128x512xi32>
    %select_n3A_176 = arith.select %ge3A_173, %iota3A, %broadcast_in_dim3A_175 : vector<128x512xi1>, vector<128x512xi32>
    %reduce_min3A_177 = arith.constant dense<2147483647> : vector<512xi32>
    %reduce_min3A_178 = vector.multi_reduction <minsi>, %select_n3A_176, %reduce_min3A_177 [0] : vector<128x512xi32> to vector<512xi32>
    %broadcast_in_dim3A_179 = vector.shape_cast %reduce_min3A_178 : vector<512xi32> to vector<1x512xi32>
    %eq3A_180 = vector.broadcast %broadcast_in_dim3A_179 : vector<1x512xi32> to vector<128x512xi32>
    %eq3A_181 = arith.cmpi eq, %iota3A, %eq3A_180 : vector<128x512xi32>
    %jit3A_182 = arith.constant -3.000000e+38 : f32
    %broadcast_in_dim3A_183 = vector.broadcast %jit3A_182 : f32 to vector<128x512xf32>
    %select_n3A_184 = arith.select %eq3A_181, %broadcast_in_dim3A_183, %select_n3A_168 : vector<128x512xi1>, vector<128x512xf32>
    %reduce_max3A_185 = arith.constant dense<0xFF800000> : vector<512xf32>
    %reduce_max3A_186 = vector.multi_reduction <maximumf>, %select_n3A_184, %reduce_max3A_185 [0] : vector<128x512xf32> to vector<512xf32>
    %broadcast_in_dim3A_187 = vector.shape_cast %reduce_max3A_186 : vector<512xf32> to vector<1x512xf32>
    %ge3A_188 = vector.broadcast %broadcast_in_dim3A_187 : vector<1x512xf32> to vector<128x512xf32>
    %ge3A_189 = arith.cmpf oge, %select_n3A_184, %ge3A_188 : vector<128x512xf32>
    %jit3A_190 = arith.constant 128 : i32
    %broadcast_in_dim3A_191 = vector.broadcast %jit3A_190 : i32 to vector<128x512xi32>
    %select_n3A_192 = arith.select %ge3A_189, %iota3A, %broadcast_in_dim3A_191 : vector<128x512xi1>, vector<128x512xi32>
    %reduce_min3A_193 = arith.constant dense<2147483647> : vector<512xi32>
    %reduce_min3A_194 = vector.multi_reduction <minsi>, %select_n3A_192, %reduce_min3A_193 [0] : vector<128x512xi32> to vector<512xi32>
    %broadcast_in_dim3A_195 = vector.shape_cast %reduce_min3A_194 : vector<512xi32> to vector<1x512xi32>
    %eq3A_196 = vector.broadcast %broadcast_in_dim3A_195 : vector<1x512xi32> to vector<128x512xi32>
    %eq3A_197 = arith.cmpi eq, %iota3A, %eq3A_196 : vector<128x512xi32>
    %jit3A_198 = arith.constant -3.000000e+38 : f32
    %broadcast_in_dim3A_199 = vector.broadcast %jit3A_198 : f32 to vector<128x512xf32>
    %select_n3A_200 = arith.select %eq3A_197, %broadcast_in_dim3A_199, %select_n3A_184 : vector<128x512xi1>, vector<128x512xf32>
    %reduce_max3A_201 = arith.constant dense<0xFF800000> : vector<512xf32>
    %reduce_max3A_202 = vector.multi_reduction <maximumf>, %select_n3A_200, %reduce_max3A_201 [0] : vector<128x512xf32> to vector<512xf32>
    %broadcast_in_dim3A_203 = vector.shape_cast %reduce_max3A_202 : vector<512xf32> to vector<1x512xf32>
    %ge3A_204 = vector.broadcast %broadcast_in_dim3A_203 : vector<1x512xf32> to vector<128x512xf32>
    %ge3A_205 = arith.cmpf oge, %select_n3A_200, %ge3A_204 : vector<128x512xf32>
    %jit3A_206 = arith.constant 128 : i32
    %broadcast_in_dim3A_207 = vector.broadcast %jit3A_206 : i32 to vector<128x512xi32>
    %select_n3A_208 = arith.select %ge3A_205, %iota3A, %broadcast_in_dim3A_207 : vector<128x512xi1>, vector<128x512xi32>
    %reduce_min3A_209 = arith.constant dense<2147483647> : vector<512xi32>
    %reduce_min3A_210 = vector.multi_reduction <minsi>, %select_n3A_208, %reduce_min3A_209 [0] : vector<128x512xi32> to vector<512xi32>
    %broadcast_in_dim3A_211 = vector.shape_cast %reduce_min3A_210 : vector<512xi32> to vector<1x512xi32>
    %eq3A_212 = vector.broadcast %broadcast_in_dim3A_211 : vector<1x512xi32> to vector<128x512xi32>
    %eq3A_213 = arith.cmpi eq, %iota3A, %eq3A_212 : vector<128x512xi32>
    %jit3A_214 = arith.constant -3.000000e+38 : f32
    %broadcast_in_dim3A_215 = vector.broadcast %jit3A_214 : f32 to vector<128x512xf32>
    %select_n3A_216 = arith.select %eq3A_213, %broadcast_in_dim3A_215, %select_n3A_200 : vector<128x512xi1>, vector<128x512xf32>
    %reduce_max3A_217 = arith.constant dense<0xFF800000> : vector<512xf32>
    %reduce_max3A_218 = vector.multi_reduction <maximumf>, %select_n3A_216, %reduce_max3A_217 [0] : vector<128x512xf32> to vector<512xf32>
    %broadcast_in_dim3A_219 = vector.shape_cast %reduce_max3A_218 : vector<512xf32> to vector<1x512xf32>
    %ge3A_220 = vector.broadcast %broadcast_in_dim3A_219 : vector<1x512xf32> to vector<128x512xf32>
    %ge3A_221 = arith.cmpf oge, %select_n3A_216, %ge3A_220 : vector<128x512xf32>
    %jit3A_222 = arith.constant 128 : i32
    %broadcast_in_dim3A_223 = vector.broadcast %jit3A_222 : i32 to vector<128x512xi32>
    %select_n3A_224 = arith.select %ge3A_221, %iota3A, %broadcast_in_dim3A_223 : vector<128x512xi1>, vector<128x512xi32>
    %reduce_min3A_225 = arith.constant dense<2147483647> : vector<512xi32>
    %reduce_min3A_226 = vector.multi_reduction <minsi>, %select_n3A_224, %reduce_min3A_225 [0] : vector<128x512xi32> to vector<512xi32>
    %broadcast_in_dim3A_227 = vector.shape_cast %reduce_min3A_226 : vector<512xi32> to vector<1x512xi32>
    %eq3A_228 = vector.broadcast %broadcast_in_dim3A_227 : vector<1x512xi32> to vector<128x512xi32>
    %eq3A_229 = arith.cmpi eq, %iota3A, %eq3A_228 : vector<128x512xi32>
    %jit3A_230 = arith.constant -3.000000e+38 : f32
    %broadcast_in_dim3A_231 = vector.broadcast %jit3A_230 : f32 to vector<128x512xf32>
    %select_n3A_232 = arith.select %eq3A_229, %broadcast_in_dim3A_231, %select_n3A_216 : vector<128x512xi1>, vector<128x512xf32>
    %reduce_max3A_233 = arith.constant dense<0xFF800000> : vector<512xf32>
    %reduce_max3A_234 = vector.multi_reduction <maximumf>, %select_n3A_232, %reduce_max3A_233 [0] : vector<128x512xf32> to vector<512xf32>
    %broadcast_in_dim3A_235 = vector.shape_cast %reduce_max3A_234 : vector<512xf32> to vector<1x512xf32>
    %ge3A_236 = vector.broadcast %broadcast_in_dim3A_235 : vector<1x512xf32> to vector<128x512xf32>
    %ge3A_237 = arith.cmpf oge, %select_n3A_232, %ge3A_236 : vector<128x512xf32>
    %jit3A_238 = arith.constant 128 : i32
    %broadcast_in_dim3A_239 = vector.broadcast %jit3A_238 : i32 to vector<128x512xi32>
    %select_n3A_240 = arith.select %ge3A_237, %iota3A, %broadcast_in_dim3A_239 : vector<128x512xi1>, vector<128x512xi32>
    %reduce_min3A_241 = arith.constant dense<2147483647> : vector<512xi32>
    %reduce_min3A_242 = vector.multi_reduction <minsi>, %select_n3A_240, %reduce_min3A_241 [0] : vector<128x512xi32> to vector<512xi32>
    %broadcast_in_dim3A_243 = vector.shape_cast %reduce_min3A_242 : vector<512xi32> to vector<1x512xi32>
    %eq3A_244 = vector.broadcast %broadcast_in_dim3A_243 : vector<1x512xi32> to vector<128x512xi32>
    %eq3A_245 = arith.cmpi eq, %iota3A, %eq3A_244 : vector<128x512xi32>
    %jit3A_246 = arith.constant -3.000000e+38 : f32
    %broadcast_in_dim3A_247 = vector.broadcast %jit3A_246 : f32 to vector<128x512xf32>
    %select_n3A_248 = arith.select %eq3A_245, %broadcast_in_dim3A_247, %select_n3A_232 : vector<128x512xi1>, vector<128x512xf32>
    %reduce_max3A_249 = arith.constant dense<0xFF800000> : vector<512xf32>
    %reduce_max3A_250 = vector.multi_reduction <maximumf>, %select_n3A_248, %reduce_max3A_249 [0] : vector<128x512xf32> to vector<512xf32>
    %broadcast_in_dim3A_251 = vector.shape_cast %reduce_max3A_250 : vector<512xf32> to vector<1x512xf32>
    %ge3A_252 = vector.broadcast %broadcast_in_dim3A_251 : vector<1x512xf32> to vector<128x512xf32>
    %ge3A_253 = arith.cmpf oge, %select_n3A_248, %ge3A_252 : vector<128x512xf32>
    %jit3A_254 = arith.constant 128 : i32
    %broadcast_in_dim3A_255 = vector.broadcast %jit3A_254 : i32 to vector<128x512xi32>
    %select_n3A_256 = arith.select %ge3A_253, %iota3A, %broadcast_in_dim3A_255 : vector<128x512xi1>, vector<128x512xi32>
    %reduce_min3A_257 = arith.constant dense<2147483647> : vector<512xi32>
    %reduce_min3A_258 = vector.multi_reduction <minsi>, %select_n3A_256, %reduce_min3A_257 [0] : vector<128x512xi32> to vector<512xi32>
    %broadcast_in_dim3A_259 = vector.shape_cast %reduce_min3A_258 : vector<512xi32> to vector<1x512xi32>
    %eq3A_260 = vector.broadcast %broadcast_in_dim3A_259 : vector<1x512xi32> to vector<128x512xi32>
    %eq3A_261 = arith.cmpi eq, %iota3A, %eq3A_260 : vector<128x512xi32>
    %jit3A_262 = arith.constant -3.000000e+38 : f32
    %broadcast_in_dim3A_263 = vector.broadcast %jit3A_262 : f32 to vector<128x512xf32>
    %select_n3A_264 = arith.select %eq3A_261, %broadcast_in_dim3A_263, %select_n3A_248 : vector<128x512xi1>, vector<128x512xf32>
    %reduce_max3A_265 = arith.constant dense<0xFF800000> : vector<512xf32>
    %reduce_max3A_266 = vector.multi_reduction <maximumf>, %select_n3A_264, %reduce_max3A_265 [0] : vector<128x512xf32> to vector<512xf32>
    %broadcast_in_dim3A_267 = vector.shape_cast %reduce_max3A_266 : vector<512xf32> to vector<1x512xf32>
    %ge3A_268 = vector.broadcast %broadcast_in_dim3A_267 : vector<1x512xf32> to vector<128x512xf32>
    %ge3A_269 = arith.cmpf oge, %select_n3A_264, %ge3A_268 : vector<128x512xf32>
    %jit3A_270 = arith.constant 128 : i32
    %broadcast_in_dim3A_271 = vector.broadcast %jit3A_270 : i32 to vector<128x512xi32>
    %select_n3A_272 = arith.select %ge3A_269, %iota3A, %broadcast_in_dim3A_271 : vector<128x512xi1>, vector<128x512xi32>
    %reduce_min3A_273 = arith.constant dense<2147483647> : vector<512xi32>
    %reduce_min3A_274 = vector.multi_reduction <minsi>, %select_n3A_272, %reduce_min3A_273 [0] : vector<128x512xi32> to vector<512xi32>
    %broadcast_in_dim3A_275 = vector.shape_cast %reduce_min3A_274 : vector<512xi32> to vector<1x512xi32>
    %eq3A_276 = vector.broadcast %broadcast_in_dim3A_275 : vector<1x512xi32> to vector<128x512xi32>
    %eq3A_277 = arith.cmpi eq, %iota3A, %eq3A_276 : vector<128x512xi32>
    %jit3A_278 = arith.constant -3.000000e+38 : f32
    %broadcast_in_dim3A_279 = vector.broadcast %jit3A_278 : f32 to vector<128x512xf32>
    %select_n3A_280 = arith.select %eq3A_277, %broadcast_in_dim3A_279, %select_n3A_264 : vector<128x512xi1>, vector<128x512xf32>
    %reduce_max3A_281 = arith.constant dense<0xFF800000> : vector<512xf32>
    %reduce_max3A_282 = vector.multi_reduction <maximumf>, %select_n3A_280, %reduce_max3A_281 [0] : vector<128x512xf32> to vector<512xf32>
    %broadcast_in_dim3A_283 = vector.shape_cast %reduce_max3A_282 : vector<512xf32> to vector<1x512xf32>
    %ge3A_284 = vector.broadcast %broadcast_in_dim3A_283 : vector<1x512xf32> to vector<128x512xf32>
    %ge3A_285 = arith.cmpf oge, %select_n3A_280, %ge3A_284 : vector<128x512xf32>
    %jit3A_286 = arith.constant 128 : i32
    %broadcast_in_dim3A_287 = vector.broadcast %jit3A_286 : i32 to vector<128x512xi32>
    %select_n3A_288 = arith.select %ge3A_285, %iota3A, %broadcast_in_dim3A_287 : vector<128x512xi1>, vector<128x512xi32>
    %reduce_min3A_289 = arith.constant dense<2147483647> : vector<512xi32>
    %reduce_min3A_290 = vector.multi_reduction <minsi>, %select_n3A_288, %reduce_min3A_289 [0] : vector<128x512xi32> to vector<512xi32>
    %broadcast_in_dim3A_291 = vector.shape_cast %reduce_min3A_290 : vector<512xi32> to vector<1x512xi32>
    %eq3A_292 = vector.broadcast %broadcast_in_dim3A_291 : vector<1x512xi32> to vector<128x512xi32>
    %eq3A_293 = arith.cmpi eq, %iota3A, %eq3A_292 : vector<128x512xi32>
    %jit3A_294 = arith.constant -3.000000e+38 : f32
    %broadcast_in_dim3A_295 = vector.broadcast %jit3A_294 : f32 to vector<128x512xf32>
    %select_n3A_296 = arith.select %eq3A_293, %broadcast_in_dim3A_295, %select_n3A_280 : vector<128x512xi1>, vector<128x512xf32>
    %reduce_max3A_297 = arith.constant dense<0xFF800000> : vector<512xf32>
    %reduce_max3A_298 = vector.multi_reduction <maximumf>, %select_n3A_296, %reduce_max3A_297 [0] : vector<128x512xf32> to vector<512xf32>
    %broadcast_in_dim3A_299 = vector.shape_cast %reduce_max3A_298 : vector<512xf32> to vector<1x512xf32>
    %ge3A_300 = vector.broadcast %broadcast_in_dim3A_299 : vector<1x512xf32> to vector<128x512xf32>
    %ge3A_301 = arith.cmpf oge, %select_n3A_296, %ge3A_300 : vector<128x512xf32>
    %jit3A_302 = arith.constant 128 : i32
    %broadcast_in_dim3A_303 = vector.broadcast %jit3A_302 : i32 to vector<128x512xi32>
    %select_n3A_304 = arith.select %ge3A_301, %iota3A, %broadcast_in_dim3A_303 : vector<128x512xi1>, vector<128x512xi32>
    %reduce_min3A_305 = arith.constant dense<2147483647> : vector<512xi32>
    %reduce_min3A_306 = vector.multi_reduction <minsi>, %select_n3A_304, %reduce_min3A_305 [0] : vector<128x512xi32> to vector<512xi32>
    %broadcast_in_dim3A_307 = vector.shape_cast %reduce_min3A_306 : vector<512xi32> to vector<1x512xi32>
    %eq3A_308 = vector.broadcast %broadcast_in_dim3A_307 : vector<1x512xi32> to vector<128x512xi32>
    %eq3A_309 = arith.cmpi eq, %iota3A, %eq3A_308 : vector<128x512xi32>
    %jit3A_310 = arith.constant -3.000000e+38 : f32
    %broadcast_in_dim3A_311 = vector.broadcast %jit3A_310 : f32 to vector<128x512xf32>
    %select_n3A_312 = arith.select %eq3A_309, %broadcast_in_dim3A_311, %select_n3A_296 : vector<128x512xi1>, vector<128x512xf32>
    %reduce_max3A_313 = arith.constant dense<0xFF800000> : vector<512xf32>
    %reduce_max3A_314 = vector.multi_reduction <maximumf>, %select_n3A_312, %reduce_max3A_313 [0] : vector<128x512xf32> to vector<512xf32>
    %broadcast_in_dim3A_315 = vector.shape_cast %reduce_max3A_314 : vector<512xf32> to vector<1x512xf32>
    %ge3A_316 = vector.broadcast %broadcast_in_dim3A_315 : vector<1x512xf32> to vector<128x512xf32>
    %ge3A_317 = arith.cmpf oge, %select_n3A_312, %ge3A_316 : vector<128x512xf32>
    %jit3A_318 = arith.constant 128 : i32
    %broadcast_in_dim3A_319 = vector.broadcast %jit3A_318 : i32 to vector<128x512xi32>
    %select_n3A_320 = arith.select %ge3A_317, %iota3A, %broadcast_in_dim3A_319 : vector<128x512xi1>, vector<128x512xi32>
    %reduce_min3A_321 = arith.constant dense<2147483647> : vector<512xi32>
    %reduce_min3A_322 = vector.multi_reduction <minsi>, %select_n3A_320, %reduce_min3A_321 [0] : vector<128x512xi32> to vector<512xi32>
    %broadcast_in_dim3A_323 = vector.shape_cast %reduce_min3A_322 : vector<512xi32> to vector<1x512xi32>
    %eq3A_324 = vector.broadcast %broadcast_in_dim3A_323 : vector<1x512xi32> to vector<128x512xi32>
    %eq3A_325 = arith.cmpi eq, %iota3A, %eq3A_324 : vector<128x512xi32>
    %jit3A_326 = arith.constant -3.000000e+38 : f32
    %broadcast_in_dim3A_327 = vector.broadcast %jit3A_326 : f32 to vector<128x512xf32>
    %select_n3A_328 = arith.select %eq3A_325, %broadcast_in_dim3A_327, %select_n3A_312 : vector<128x512xi1>, vector<128x512xf32>
    %reduce_max3A_329 = arith.constant dense<0xFF800000> : vector<512xf32>
    %reduce_max3A_330 = vector.multi_reduction <maximumf>, %select_n3A_328, %reduce_max3A_329 [0] : vector<128x512xf32> to vector<512xf32>
    %broadcast_in_dim3A_331 = vector.shape_cast %reduce_max3A_330 : vector<512xf32> to vector<1x512xf32>
    %ge3A_332 = vector.broadcast %broadcast_in_dim3A_331 : vector<1x512xf32> to vector<128x512xf32>
    %ge3A_333 = arith.cmpf oge, %select_n3A_328, %ge3A_332 : vector<128x512xf32>
    %jit3A_334 = arith.constant 128 : i32
    %broadcast_in_dim3A_335 = vector.broadcast %jit3A_334 : i32 to vector<128x512xi32>
    %select_n3A_336 = arith.select %ge3A_333, %iota3A, %broadcast_in_dim3A_335 : vector<128x512xi1>, vector<128x512xi32>
    %reduce_min3A_337 = arith.constant dense<2147483647> : vector<512xi32>
    %reduce_min3A_338 = vector.multi_reduction <minsi>, %select_n3A_336, %reduce_min3A_337 [0] : vector<128x512xi32> to vector<512xi32>
    %broadcast_in_dim3A_339 = vector.shape_cast %reduce_min3A_338 : vector<512xi32> to vector<1x512xi32>
    %concatenate3A = tpu.concatenate %broadcast_in_dim3A_36, %broadcast_in_dim3A_51, %broadcast_in_dim3A_67, %broadcast_in_dim3A_83, %broadcast_in_dim3A_99, %broadcast_in_dim3A_115, %broadcast_in_dim3A_131, %broadcast_in_dim3A_147, %broadcast_in_dim3A_163, %broadcast_in_dim3A_179, %broadcast_in_dim3A_195, %broadcast_in_dim3A_211, %broadcast_in_dim3A_227, %broadcast_in_dim3A_243, %broadcast_in_dim3A_259, %broadcast_in_dim3A_275, %broadcast_in_dim3A_291, %broadcast_in_dim3A_307, %broadcast_in_dim3A_323, %broadcast_in_dim3A_339 in 0 : vector<1x512xi32>, vector<1x512xi32>, vector<1x512xi32>, vector<1x512xi32>, vector<1x512xi32>, vector<1x512xi32>, vector<1x512xi32>, vector<1x512xi32>, vector<1x512xi32>, vector<1x512xi32>, vector<1x512xi32>, vector<1x512xi32>, vector<1x512xi32>, vector<1x512xi32>, vector<1x512xi32>, vector<1x512xi32>, vector<1x512xi32>, vector<1x512xi32>, vector<1x512xi32>, vector<1x512xi32> -> vector<20x512xi32>
    %transpose3A_340 = tpu.transpose %concatenate3A, [1, 0] : vector<20x512xi32> -> vector<512x20xi32>
    %reshape3A = vector.shape_cast %sub3A_17 : vector<512x4096xf32> to vector<512x32x128xf32>
    %broadcast_in_dim3A_341 = vector.shape_cast %transpose3A_340 : vector<512x20xi32> to vector<512x1x20xi32>
    %broadcast_in_dim3A_342 = vector.shape_cast %broadcast_in_dim3A_341 : vector<512x1x20xi32> to vector<512x1x20xi32>
    %broadcast_in_dim3A_343 = vector.broadcast %broadcast_in_dim3A_342 : vector<512x1x20xi32> to vector<512x32x20xi32>
    %lt3A = arith.constant 0 : i32
    %lt3A_344 = vector.broadcast %lt3A : i32 to vector<512x32x20xi32>
    %lt3A_345 = arith.cmpi slt, %broadcast_in_dim3A_343, %lt3A_344 : vector<512x32x20xi32>
    %add3A = arith.constant 128 : i32
    %add3A_346 = vector.broadcast %add3A : i32 to vector<512x32x20xi32>
    %add3A_347 = arith.addi %broadcast_in_dim3A_343, %add3A_346 : vector<512x32x20xi32>
    %select_n3A_348 = arith.select %lt3A_345, %add3A_347, %broadcast_in_dim3A_343 : vector<512x32x20xi1>, vector<512x32x20xi32>
    %reshape3A_349 = vector.shape_cast %select_n3A_348 : vector<512x32x20xi32> to vector<512x32x20x1xi32>
    %gather3A = vector.shape_cast %reshape3A_349 : vector<512x32x20x1xi32> to vector<512x32x20xi32>
    %gather3A_350 = tpu.dynamic_gather %reshape3A[%gather3A] in [2] : vector<512x32x128xf32>, vector<512x32x20xi32> -> vector<512x32x20xf32>
    %reshape3A_351 = vector.shape_cast %gather3A_350 : vector<512x32x20xf32> to vector<512x640xf32>
    %transpose3A_352 = tpu.transpose %reshape3A_351, [1, 0] : vector<512x640xf32> -> vector<640x512xf32>
    %iota3A_353 = tpu.iota {dimensions = array<i32: 0>} : vector<640x512xi32>
    %reduce_max3A_354 = arith.constant dense<0xFF800000> : vector<512xf32>
    %reduce_max3A_355 = vector.multi_reduction <maximumf>, %transpose3A_352, %reduce_max3A_354 [0] : vector<640x512xf32> to vector<512xf32>
    %broadcast_in_dim3A_356 = vector.shape_cast %reduce_max3A_355 : vector<512xf32> to vector<1x512xf32>
    %ge3A_357 = vector.broadcast %broadcast_in_dim3A_356 : vector<1x512xf32> to vector<640x512xf32>
    %ge3A_358 = arith.cmpf oge, %transpose3A_352, %ge3A_357 : vector<640x512xf32>
    %jit3A_359 = arith.constant 640 : i32
    %broadcast_in_dim3A_360 = vector.broadcast %jit3A_359 : i32 to vector<640x512xi32>
    %select_n3A_361 = arith.select %ge3A_358, %iota3A_353, %broadcast_in_dim3A_360 : vector<640x512xi1>, vector<640x512xi32>
    %reduce_min3A_362 = arith.constant dense<2147483647> : vector<512xi32>
    %reduce_min3A_363 = vector.multi_reduction <minsi>, %select_n3A_361, %reduce_min3A_362 [0] : vector<640x512xi32> to vector<512xi32>
    %broadcast_in_dim3A_364 = vector.shape_cast %reduce_min3A_363 : vector<512xi32> to vector<1x512xi32>
    %eq3A_365 = vector.broadcast %broadcast_in_dim3A_364 : vector<1x512xi32> to vector<640x512xi32>
    %eq3A_366 = arith.cmpi eq, %iota3A_353, %eq3A_365 : vector<640x512xi32>
    %jit3A_367 = arith.constant -3.000000e+38 : f32
    %broadcast_in_dim3A_368 = vector.broadcast %jit3A_367 : f32 to vector<640x512xf32>
    %select_n3A_369 = arith.select %eq3A_366, %broadcast_in_dim3A_368, %transpose3A_352 : vector<640x512xi1>, vector<640x512xf32>
    %reduce_max3A_370 = arith.constant dense<0xFF800000> : vector<512xf32>
    %reduce_max3A_371 = vector.multi_reduction <maximumf>, %select_n3A_369, %reduce_max3A_370 [0] : vector<640x512xf32> to vector<512xf32>
    %broadcast_in_dim3A_372 = vector.shape_cast %reduce_max3A_371 : vector<512xf32> to vector<1x512xf32>
    %ge3A_373 = vector.broadcast %broadcast_in_dim3A_372 : vector<1x512xf32> to vector<640x512xf32>
    %ge3A_374 = arith.cmpf oge, %select_n3A_369, %ge3A_373 : vector<640x512xf32>
    %jit3A_375 = arith.constant 640 : i32
    %broadcast_in_dim3A_376 = vector.broadcast %jit3A_375 : i32 to vector<640x512xi32>
    %select_n3A_377 = arith.select %ge3A_374, %iota3A_353, %broadcast_in_dim3A_376 : vector<640x512xi1>, vector<640x512xi32>
    %reduce_min3A_378 = arith.constant dense<2147483647> : vector<512xi32>
    %reduce_min3A_379 = vector.multi_reduction <minsi>, %select_n3A_377, %reduce_min3A_378 [0] : vector<640x512xi32> to vector<512xi32>
    %broadcast_in_dim3A_380 = vector.shape_cast %reduce_min3A_379 : vector<512xi32> to vector<1x512xi32>
    %eq3A_381 = vector.broadcast %broadcast_in_dim3A_380 : vector<1x512xi32> to vector<640x512xi32>
    %eq3A_382 = arith.cmpi eq, %iota3A_353, %eq3A_381 : vector<640x512xi32>
    %jit3A_383 = arith.constant -3.000000e+38 : f32
    %broadcast_in_dim3A_384 = vector.broadcast %jit3A_383 : f32 to vector<640x512xf32>
    %select_n3A_385 = arith.select %eq3A_382, %broadcast_in_dim3A_384, %select_n3A_369 : vector<640x512xi1>, vector<640x512xf32>
    %reduce_max3A_386 = arith.constant dense<0xFF800000> : vector<512xf32>
    %reduce_max3A_387 = vector.multi_reduction <maximumf>, %select_n3A_385, %reduce_max3A_386 [0] : vector<640x512xf32> to vector<512xf32>
    %broadcast_in_dim3A_388 = vector.shape_cast %reduce_max3A_387 : vector<512xf32> to vector<1x512xf32>
    %ge3A_389 = vector.broadcast %broadcast_in_dim3A_388 : vector<1x512xf32> to vector<640x512xf32>
    %ge3A_390 = arith.cmpf oge, %select_n3A_385, %ge3A_389 : vector<640x512xf32>
    %jit3A_391 = arith.constant 640 : i32
    %broadcast_in_dim3A_392 = vector.broadcast %jit3A_391 : i32 to vector<640x512xi32>
    %select_n3A_393 = arith.select %ge3A_390, %iota3A_353, %broadcast_in_dim3A_392 : vector<640x512xi1>, vector<640x512xi32>
    %reduce_min3A_394 = arith.constant dense<2147483647> : vector<512xi32>
    %reduce_min3A_395 = vector.multi_reduction <minsi>, %select_n3A_393, %reduce_min3A_394 [0] : vector<640x512xi32> to vector<512xi32>
    %broadcast_in_dim3A_396 = vector.shape_cast %reduce_min3A_395 : vector<512xi32> to vector<1x512xi32>
    %eq3A_397 = vector.broadcast %broadcast_in_dim3A_396 : vector<1x512xi32> to vector<640x512xi32>
    %eq3A_398 = arith.cmpi eq, %iota3A_353, %eq3A_397 : vector<640x512xi32>
    %jit3A_399 = arith.constant -3.000000e+38 : f32
    %broadcast_in_dim3A_400 = vector.broadcast %jit3A_399 : f32 to vector<640x512xf32>
    %select_n3A_401 = arith.select %eq3A_398, %broadcast_in_dim3A_400, %select_n3A_385 : vector<640x512xi1>, vector<640x512xf32>
    %reduce_max3A_402 = arith.constant dense<0xFF800000> : vector<512xf32>
    %reduce_max3A_403 = vector.multi_reduction <maximumf>, %select_n3A_401, %reduce_max3A_402 [0] : vector<640x512xf32> to vector<512xf32>
    %broadcast_in_dim3A_404 = vector.shape_cast %reduce_max3A_403 : vector<512xf32> to vector<1x512xf32>
    %ge3A_405 = vector.broadcast %broadcast_in_dim3A_404 : vector<1x512xf32> to vector<640x512xf32>
    %ge3A_406 = arith.cmpf oge, %select_n3A_401, %ge3A_405 : vector<640x512xf32>
    %jit3A_407 = arith.constant 640 : i32
    %broadcast_in_dim3A_408 = vector.broadcast %jit3A_407 : i32 to vector<640x512xi32>
    %select_n3A_409 = arith.select %ge3A_406, %iota3A_353, %broadcast_in_dim3A_408 : vector<640x512xi1>, vector<640x512xi32>
    %reduce_min3A_410 = arith.constant dense<2147483647> : vector<512xi32>
    %reduce_min3A_411 = vector.multi_reduction <minsi>, %select_n3A_409, %reduce_min3A_410 [0] : vector<640x512xi32> to vector<512xi32>
    %broadcast_in_dim3A_412 = vector.shape_cast %reduce_min3A_411 : vector<512xi32> to vector<1x512xi32>
    %eq3A_413 = vector.broadcast %broadcast_in_dim3A_412 : vector<1x512xi32> to vector<640x512xi32>
    %eq3A_414 = arith.cmpi eq, %iota3A_353, %eq3A_413 : vector<640x512xi32>
    %jit3A_415 = arith.constant -3.000000e+38 : f32
    %broadcast_in_dim3A_416 = vector.broadcast %jit3A_415 : f32 to vector<640x512xf32>
    %select_n3A_417 = arith.select %eq3A_414, %broadcast_in_dim3A_416, %select_n3A_401 : vector<640x512xi1>, vector<640x512xf32>
    %reduce_max3A_418 = arith.constant dense<0xFF800000> : vector<512xf32>
    %reduce_max3A_419 = vector.multi_reduction <maximumf>, %select_n3A_417, %reduce_max3A_418 [0] : vector<640x512xf32> to vector<512xf32>
    %broadcast_in_dim3A_420 = vector.shape_cast %reduce_max3A_419 : vector<512xf32> to vector<1x512xf32>
    %ge3A_421 = vector.broadcast %broadcast_in_dim3A_420 : vector<1x512xf32> to vector<640x512xf32>
    %ge3A_422 = arith.cmpf oge, %select_n3A_417, %ge3A_421 : vector<640x512xf32>
    %jit3A_423 = arith.constant 640 : i32
    %broadcast_in_dim3A_424 = vector.broadcast %jit3A_423 : i32 to vector<640x512xi32>
    %select_n3A_425 = arith.select %ge3A_422, %iota3A_353, %broadcast_in_dim3A_424 : vector<640x512xi1>, vector<640x512xi32>
    %reduce_min3A_426 = arith.constant dense<2147483647> : vector<512xi32>
    %reduce_min3A_427 = vector.multi_reduction <minsi>, %select_n3A_425, %reduce_min3A_426 [0] : vector<640x512xi32> to vector<512xi32>
    %broadcast_in_dim3A_428 = vector.shape_cast %reduce_min3A_427 : vector<512xi32> to vector<1x512xi32>
    %eq3A_429 = vector.broadcast %broadcast_in_dim3A_428 : vector<1x512xi32> to vector<640x512xi32>
    %eq3A_430 = arith.cmpi eq, %iota3A_353, %eq3A_429 : vector<640x512xi32>
    %jit3A_431 = arith.constant -3.000000e+38 : f32
    %broadcast_in_dim3A_432 = vector.broadcast %jit3A_431 : f32 to vector<640x512xf32>
    %select_n3A_433 = arith.select %eq3A_430, %broadcast_in_dim3A_432, %select_n3A_417 : vector<640x512xi1>, vector<640x512xf32>
    %reduce_max3A_434 = arith.constant dense<0xFF800000> : vector<512xf32>
    %reduce_max3A_435 = vector.multi_reduction <maximumf>, %select_n3A_433, %reduce_max3A_434 [0] : vector<640x512xf32> to vector<512xf32>
    %broadcast_in_dim3A_436 = vector.shape_cast %reduce_max3A_435 : vector<512xf32> to vector<1x512xf32>
    %ge3A_437 = vector.broadcast %broadcast_in_dim3A_436 : vector<1x512xf32> to vector<640x512xf32>
    %ge3A_438 = arith.cmpf oge, %select_n3A_433, %ge3A_437 : vector<640x512xf32>
    %jit3A_439 = arith.constant 640 : i32
    %broadcast_in_dim3A_440 = vector.broadcast %jit3A_439 : i32 to vector<640x512xi32>
    %select_n3A_441 = arith.select %ge3A_438, %iota3A_353, %broadcast_in_dim3A_440 : vector<640x512xi1>, vector<640x512xi32>
    %reduce_min3A_442 = arith.constant dense<2147483647> : vector<512xi32>
    %reduce_min3A_443 = vector.multi_reduction <minsi>, %select_n3A_441, %reduce_min3A_442 [0] : vector<640x512xi32> to vector<512xi32>
    %broadcast_in_dim3A_444 = vector.shape_cast %reduce_min3A_443 : vector<512xi32> to vector<1x512xi32>
    %eq3A_445 = vector.broadcast %broadcast_in_dim3A_444 : vector<1x512xi32> to vector<640x512xi32>
    %eq3A_446 = arith.cmpi eq, %iota3A_353, %eq3A_445 : vector<640x512xi32>
    %jit3A_447 = arith.constant -3.000000e+38 : f32
    %broadcast_in_dim3A_448 = vector.broadcast %jit3A_447 : f32 to vector<640x512xf32>
    %select_n3A_449 = arith.select %eq3A_446, %broadcast_in_dim3A_448, %select_n3A_433 : vector<640x512xi1>, vector<640x512xf32>
    %reduce_max3A_450 = arith.constant dense<0xFF800000> : vector<512xf32>
    %reduce_max3A_451 = vector.multi_reduction <maximumf>, %select_n3A_449, %reduce_max3A_450 [0] : vector<640x512xf32> to vector<512xf32>
    %broadcast_in_dim3A_452 = vector.shape_cast %reduce_max3A_451 : vector<512xf32> to vector<1x512xf32>
    %ge3A_453 = vector.broadcast %broadcast_in_dim3A_452 : vector<1x512xf32> to vector<640x512xf32>
    %ge3A_454 = arith.cmpf oge, %select_n3A_449, %ge3A_453 : vector<640x512xf32>
    %jit3A_455 = arith.constant 640 : i32
    %broadcast_in_dim3A_456 = vector.broadcast %jit3A_455 : i32 to vector<640x512xi32>
    %select_n3A_457 = arith.select %ge3A_454, %iota3A_353, %broadcast_in_dim3A_456 : vector<640x512xi1>, vector<640x512xi32>
    %reduce_min3A_458 = arith.constant dense<2147483647> : vector<512xi32>
    %reduce_min3A_459 = vector.multi_reduction <minsi>, %select_n3A_457, %reduce_min3A_458 [0] : vector<640x512xi32> to vector<512xi32>
    %broadcast_in_dim3A_460 = vector.shape_cast %reduce_min3A_459 : vector<512xi32> to vector<1x512xi32>
    %eq3A_461 = vector.broadcast %broadcast_in_dim3A_460 : vector<1x512xi32> to vector<640x512xi32>
    %eq3A_462 = arith.cmpi eq, %iota3A_353, %eq3A_461 : vector<640x512xi32>
    %jit3A_463 = arith.constant -3.000000e+38 : f32
    %broadcast_in_dim3A_464 = vector.broadcast %jit3A_463 : f32 to vector<640x512xf32>
    %select_n3A_465 = arith.select %eq3A_462, %broadcast_in_dim3A_464, %select_n3A_449 : vector<640x512xi1>, vector<640x512xf32>
    %reduce_max3A_466 = arith.constant dense<0xFF800000> : vector<512xf32>
    %reduce_max3A_467 = vector.multi_reduction <maximumf>, %select_n3A_465, %reduce_max3A_466 [0] : vector<640x512xf32> to vector<512xf32>
    %broadcast_in_dim3A_468 = vector.shape_cast %reduce_max3A_467 : vector<512xf32> to vector<1x512xf32>
    %ge3A_469 = vector.broadcast %broadcast_in_dim3A_468 : vector<1x512xf32> to vector<640x512xf32>
    %ge3A_470 = arith.cmpf oge, %select_n3A_465, %ge3A_469 : vector<640x512xf32>
    %jit3A_471 = arith.constant 640 : i32
    %broadcast_in_dim3A_472 = vector.broadcast %jit3A_471 : i32 to vector<640x512xi32>
    %select_n3A_473 = arith.select %ge3A_470, %iota3A_353, %broadcast_in_dim3A_472 : vector<640x512xi1>, vector<640x512xi32>
    %reduce_min3A_474 = arith.constant dense<2147483647> : vector<512xi32>
    %reduce_min3A_475 = vector.multi_reduction <minsi>, %select_n3A_473, %reduce_min3A_474 [0] : vector<640x512xi32> to vector<512xi32>
    %broadcast_in_dim3A_476 = vector.shape_cast %reduce_min3A_475 : vector<512xi32> to vector<1x512xi32>
    %eq3A_477 = vector.broadcast %broadcast_in_dim3A_476 : vector<1x512xi32> to vector<640x512xi32>
    %eq3A_478 = arith.cmpi eq, %iota3A_353, %eq3A_477 : vector<640x512xi32>
    %jit3A_479 = arith.constant -3.000000e+38 : f32
    %broadcast_in_dim3A_480 = vector.broadcast %jit3A_479 : f32 to vector<640x512xf32>
    %select_n3A_481 = arith.select %eq3A_478, %broadcast_in_dim3A_480, %select_n3A_465 : vector<640x512xi1>, vector<640x512xf32>
    %reduce_max3A_482 = arith.constant dense<0xFF800000> : vector<512xf32>
    %reduce_max3A_483 = vector.multi_reduction <maximumf>, %select_n3A_481, %reduce_max3A_482 [0] : vector<640x512xf32> to vector<512xf32>
    %broadcast_in_dim3A_484 = vector.shape_cast %reduce_max3A_483 : vector<512xf32> to vector<1x512xf32>
    %ge3A_485 = vector.broadcast %broadcast_in_dim3A_484 : vector<1x512xf32> to vector<640x512xf32>
    %ge3A_486 = arith.cmpf oge, %select_n3A_481, %ge3A_485 : vector<640x512xf32>
    %jit3A_487 = arith.constant 640 : i32
    %broadcast_in_dim3A_488 = vector.broadcast %jit3A_487 : i32 to vector<640x512xi32>
    %select_n3A_489 = arith.select %ge3A_486, %iota3A_353, %broadcast_in_dim3A_488 : vector<640x512xi1>, vector<640x512xi32>
    %reduce_min3A_490 = arith.constant dense<2147483647> : vector<512xi32>
    %reduce_min3A_491 = vector.multi_reduction <minsi>, %select_n3A_489, %reduce_min3A_490 [0] : vector<640x512xi32> to vector<512xi32>
    %broadcast_in_dim3A_492 = vector.shape_cast %reduce_min3A_491 : vector<512xi32> to vector<1x512xi32>
    %eq3A_493 = vector.broadcast %broadcast_in_dim3A_492 : vector<1x512xi32> to vector<640x512xi32>
    %eq3A_494 = arith.cmpi eq, %iota3A_353, %eq3A_493 : vector<640x512xi32>
    %jit3A_495 = arith.constant -3.000000e+38 : f32
    %broadcast_in_dim3A_496 = vector.broadcast %jit3A_495 : f32 to vector<640x512xf32>
    %select_n3A_497 = arith.select %eq3A_494, %broadcast_in_dim3A_496, %select_n3A_481 : vector<640x512xi1>, vector<640x512xf32>
    %reduce_max3A_498 = arith.constant dense<0xFF800000> : vector<512xf32>
    %reduce_max3A_499 = vector.multi_reduction <maximumf>, %select_n3A_497, %reduce_max3A_498 [0] : vector<640x512xf32> to vector<512xf32>
    %broadcast_in_dim3A_500 = vector.shape_cast %reduce_max3A_499 : vector<512xf32> to vector<1x512xf32>
    %ge3A_501 = vector.broadcast %broadcast_in_dim3A_500 : vector<1x512xf32> to vector<640x512xf32>
    %ge3A_502 = arith.cmpf oge, %select_n3A_497, %ge3A_501 : vector<640x512xf32>
    %jit3A_503 = arith.constant 640 : i32
    %broadcast_in_dim3A_504 = vector.broadcast %jit3A_503 : i32 to vector<640x512xi32>
    %select_n3A_505 = arith.select %ge3A_502, %iota3A_353, %broadcast_in_dim3A_504 : vector<640x512xi1>, vector<640x512xi32>
    %reduce_min3A_506 = arith.constant dense<2147483647> : vector<512xi32>
    %reduce_min3A_507 = vector.multi_reduction <minsi>, %select_n3A_505, %reduce_min3A_506 [0] : vector<640x512xi32> to vector<512xi32>
    %broadcast_in_dim3A_508 = vector.shape_cast %reduce_min3A_507 : vector<512xi32> to vector<1x512xi32>
    %eq3A_509 = vector.broadcast %broadcast_in_dim3A_508 : vector<1x512xi32> to vector<640x512xi32>
    %eq3A_510 = arith.cmpi eq, %iota3A_353, %eq3A_509 : vector<640x512xi32>
    %jit3A_511 = arith.constant -3.000000e+38 : f32
    %broadcast_in_dim3A_512 = vector.broadcast %jit3A_511 : f32 to vector<640x512xf32>
    %select_n3A_513 = arith.select %eq3A_510, %broadcast_in_dim3A_512, %select_n3A_497 : vector<640x512xi1>, vector<640x512xf32>
    %reduce_max3A_514 = arith.constant dense<0xFF800000> : vector<512xf32>
    %reduce_max3A_515 = vector.multi_reduction <maximumf>, %select_n3A_513, %reduce_max3A_514 [0] : vector<640x512xf32> to vector<512xf32>
    %broadcast_in_dim3A_516 = vector.shape_cast %reduce_max3A_515 : vector<512xf32> to vector<1x512xf32>
    %ge3A_517 = vector.broadcast %broadcast_in_dim3A_516 : vector<1x512xf32> to vector<640x512xf32>
    %ge3A_518 = arith.cmpf oge, %select_n3A_513, %ge3A_517 : vector<640x512xf32>
    %jit3A_519 = arith.constant 640 : i32
    %broadcast_in_dim3A_520 = vector.broadcast %jit3A_519 : i32 to vector<640x512xi32>
    %select_n3A_521 = arith.select %ge3A_518, %iota3A_353, %broadcast_in_dim3A_520 : vector<640x512xi1>, vector<640x512xi32>
    %reduce_min3A_522 = arith.constant dense<2147483647> : vector<512xi32>
    %reduce_min3A_523 = vector.multi_reduction <minsi>, %select_n3A_521, %reduce_min3A_522 [0] : vector<640x512xi32> to vector<512xi32>
    %broadcast_in_dim3A_524 = vector.shape_cast %reduce_min3A_523 : vector<512xi32> to vector<1x512xi32>
    %eq3A_525 = vector.broadcast %broadcast_in_dim3A_524 : vector<1x512xi32> to vector<640x512xi32>
    %eq3A_526 = arith.cmpi eq, %iota3A_353, %eq3A_525 : vector<640x512xi32>
    %jit3A_527 = arith.constant -3.000000e+38 : f32
    %broadcast_in_dim3A_528 = vector.broadcast %jit3A_527 : f32 to vector<640x512xf32>
    %select_n3A_529 = arith.select %eq3A_526, %broadcast_in_dim3A_528, %select_n3A_513 : vector<640x512xi1>, vector<640x512xf32>
    %reduce_max3A_530 = arith.constant dense<0xFF800000> : vector<512xf32>
    %reduce_max3A_531 = vector.multi_reduction <maximumf>, %select_n3A_529, %reduce_max3A_530 [0] : vector<640x512xf32> to vector<512xf32>
    %broadcast_in_dim3A_532 = vector.shape_cast %reduce_max3A_531 : vector<512xf32> to vector<1x512xf32>
    %ge3A_533 = vector.broadcast %broadcast_in_dim3A_532 : vector<1x512xf32> to vector<640x512xf32>
    %ge3A_534 = arith.cmpf oge, %select_n3A_529, %ge3A_533 : vector<640x512xf32>
    %jit3A_535 = arith.constant 640 : i32
    %broadcast_in_dim3A_536 = vector.broadcast %jit3A_535 : i32 to vector<640x512xi32>
    %select_n3A_537 = arith.select %ge3A_534, %iota3A_353, %broadcast_in_dim3A_536 : vector<640x512xi1>, vector<640x512xi32>
    %reduce_min3A_538 = arith.constant dense<2147483647> : vector<512xi32>
    %reduce_min3A_539 = vector.multi_reduction <minsi>, %select_n3A_537, %reduce_min3A_538 [0] : vector<640x512xi32> to vector<512xi32>
    %broadcast_in_dim3A_540 = vector.shape_cast %reduce_min3A_539 : vector<512xi32> to vector<1x512xi32>
    %eq3A_541 = vector.broadcast %broadcast_in_dim3A_540 : vector<1x512xi32> to vector<640x512xi32>
    %eq3A_542 = arith.cmpi eq, %iota3A_353, %eq3A_541 : vector<640x512xi32>
    %jit3A_543 = arith.constant -3.000000e+38 : f32
    %broadcast_in_dim3A_544 = vector.broadcast %jit3A_543 : f32 to vector<640x512xf32>
    %select_n3A_545 = arith.select %eq3A_542, %broadcast_in_dim3A_544, %select_n3A_529 : vector<640x512xi1>, vector<640x512xf32>
    %reduce_max3A_546 = arith.constant dense<0xFF800000> : vector<512xf32>
    %reduce_max3A_547 = vector.multi_reduction <maximumf>, %select_n3A_545, %reduce_max3A_546 [0] : vector<640x512xf32> to vector<512xf32>
    %broadcast_in_dim3A_548 = vector.shape_cast %reduce_max3A_547 : vector<512xf32> to vector<1x512xf32>
    %ge3A_549 = vector.broadcast %broadcast_in_dim3A_548 : vector<1x512xf32> to vector<640x512xf32>
    %ge3A_550 = arith.cmpf oge, %select_n3A_545, %ge3A_549 : vector<640x512xf32>
    %jit3A_551 = arith.constant 640 : i32
    %broadcast_in_dim3A_552 = vector.broadcast %jit3A_551 : i32 to vector<640x512xi32>
    %select_n3A_553 = arith.select %ge3A_550, %iota3A_353, %broadcast_in_dim3A_552 : vector<640x512xi1>, vector<640x512xi32>
    %reduce_min3A_554 = arith.constant dense<2147483647> : vector<512xi32>
    %reduce_min3A_555 = vector.multi_reduction <minsi>, %select_n3A_553, %reduce_min3A_554 [0] : vector<640x512xi32> to vector<512xi32>
    %broadcast_in_dim3A_556 = vector.shape_cast %reduce_min3A_555 : vector<512xi32> to vector<1x512xi32>
    %eq3A_557 = vector.broadcast %broadcast_in_dim3A_556 : vector<1x512xi32> to vector<640x512xi32>
    %eq3A_558 = arith.cmpi eq, %iota3A_353, %eq3A_557 : vector<640x512xi32>
    %jit3A_559 = arith.constant -3.000000e+38 : f32
    %broadcast_in_dim3A_560 = vector.broadcast %jit3A_559 : f32 to vector<640x512xf32>
    %select_n3A_561 = arith.select %eq3A_558, %broadcast_in_dim3A_560, %select_n3A_545 : vector<640x512xi1>, vector<640x512xf32>
    %reduce_max3A_562 = arith.constant dense<0xFF800000> : vector<512xf32>
    %reduce_max3A_563 = vector.multi_reduction <maximumf>, %select_n3A_561, %reduce_max3A_562 [0] : vector<640x512xf32> to vector<512xf32>
    %broadcast_in_dim3A_564 = vector.shape_cast %reduce_max3A_563 : vector<512xf32> to vector<1x512xf32>
    %ge3A_565 = vector.broadcast %broadcast_in_dim3A_564 : vector<1x512xf32> to vector<640x512xf32>
    %ge3A_566 = arith.cmpf oge, %select_n3A_561, %ge3A_565 : vector<640x512xf32>
    %jit3A_567 = arith.constant 640 : i32
    %broadcast_in_dim3A_568 = vector.broadcast %jit3A_567 : i32 to vector<640x512xi32>
    %select_n3A_569 = arith.select %ge3A_566, %iota3A_353, %broadcast_in_dim3A_568 : vector<640x512xi1>, vector<640x512xi32>
    %reduce_min3A_570 = arith.constant dense<2147483647> : vector<512xi32>
    %reduce_min3A_571 = vector.multi_reduction <minsi>, %select_n3A_569, %reduce_min3A_570 [0] : vector<640x512xi32> to vector<512xi32>
    %broadcast_in_dim3A_572 = vector.shape_cast %reduce_min3A_571 : vector<512xi32> to vector<1x512xi32>
    %eq3A_573 = vector.broadcast %broadcast_in_dim3A_572 : vector<1x512xi32> to vector<640x512xi32>
    %eq3A_574 = arith.cmpi eq, %iota3A_353, %eq3A_573 : vector<640x512xi32>
    %jit3A_575 = arith.constant -3.000000e+38 : f32
    %broadcast_in_dim3A_576 = vector.broadcast %jit3A_575 : f32 to vector<640x512xf32>
    %select_n3A_577 = arith.select %eq3A_574, %broadcast_in_dim3A_576, %select_n3A_561 : vector<640x512xi1>, vector<640x512xf32>
    %reduce_max3A_578 = arith.constant dense<0xFF800000> : vector<512xf32>
    %reduce_max3A_579 = vector.multi_reduction <maximumf>, %select_n3A_577, %reduce_max3A_578 [0] : vector<640x512xf32> to vector<512xf32>
    %broadcast_in_dim3A_580 = vector.shape_cast %reduce_max3A_579 : vector<512xf32> to vector<1x512xf32>
    %ge3A_581 = vector.broadcast %broadcast_in_dim3A_580 : vector<1x512xf32> to vector<640x512xf32>
    %ge3A_582 = arith.cmpf oge, %select_n3A_577, %ge3A_581 : vector<640x512xf32>
    %jit3A_583 = arith.constant 640 : i32
    %broadcast_in_dim3A_584 = vector.broadcast %jit3A_583 : i32 to vector<640x512xi32>
    %select_n3A_585 = arith.select %ge3A_582, %iota3A_353, %broadcast_in_dim3A_584 : vector<640x512xi1>, vector<640x512xi32>
    %reduce_min3A_586 = arith.constant dense<2147483647> : vector<512xi32>
    %reduce_min3A_587 = vector.multi_reduction <minsi>, %select_n3A_585, %reduce_min3A_586 [0] : vector<640x512xi32> to vector<512xi32>
    %broadcast_in_dim3A_588 = vector.shape_cast %reduce_min3A_587 : vector<512xi32> to vector<1x512xi32>
    %eq3A_589 = vector.broadcast %broadcast_in_dim3A_588 : vector<1x512xi32> to vector<640x512xi32>
    %eq3A_590 = arith.cmpi eq, %iota3A_353, %eq3A_589 : vector<640x512xi32>
    %jit3A_591 = arith.constant -3.000000e+38 : f32
    %broadcast_in_dim3A_592 = vector.broadcast %jit3A_591 : f32 to vector<640x512xf32>
    %select_n3A_593 = arith.select %eq3A_590, %broadcast_in_dim3A_592, %select_n3A_577 : vector<640x512xi1>, vector<640x512xf32>
    %reduce_max3A_594 = arith.constant dense<0xFF800000> : vector<512xf32>
    %reduce_max3A_595 = vector.multi_reduction <maximumf>, %select_n3A_593, %reduce_max3A_594 [0] : vector<640x512xf32> to vector<512xf32>
    %broadcast_in_dim3A_596 = vector.shape_cast %reduce_max3A_595 : vector<512xf32> to vector<1x512xf32>
    %ge3A_597 = vector.broadcast %broadcast_in_dim3A_596 : vector<1x512xf32> to vector<640x512xf32>
    %ge3A_598 = arith.cmpf oge, %select_n3A_593, %ge3A_597 : vector<640x512xf32>
    %jit3A_599 = arith.constant 640 : i32
    %broadcast_in_dim3A_600 = vector.broadcast %jit3A_599 : i32 to vector<640x512xi32>
    %select_n3A_601 = arith.select %ge3A_598, %iota3A_353, %broadcast_in_dim3A_600 : vector<640x512xi1>, vector<640x512xi32>
    %reduce_min3A_602 = arith.constant dense<2147483647> : vector<512xi32>
    %reduce_min3A_603 = vector.multi_reduction <minsi>, %select_n3A_601, %reduce_min3A_602 [0] : vector<640x512xi32> to vector<512xi32>
    %broadcast_in_dim3A_604 = vector.shape_cast %reduce_min3A_603 : vector<512xi32> to vector<1x512xi32>
    %eq3A_605 = vector.broadcast %broadcast_in_dim3A_604 : vector<1x512xi32> to vector<640x512xi32>
    %eq3A_606 = arith.cmpi eq, %iota3A_353, %eq3A_605 : vector<640x512xi32>
    %jit3A_607 = arith.constant -3.000000e+38 : f32
    %broadcast_in_dim3A_608 = vector.broadcast %jit3A_607 : f32 to vector<640x512xf32>
    %select_n3A_609 = arith.select %eq3A_606, %broadcast_in_dim3A_608, %select_n3A_593 : vector<640x512xi1>, vector<640x512xf32>
    %reduce_max3A_610 = arith.constant dense<0xFF800000> : vector<512xf32>
    %reduce_max3A_611 = vector.multi_reduction <maximumf>, %select_n3A_609, %reduce_max3A_610 [0] : vector<640x512xf32> to vector<512xf32>
    %broadcast_in_dim3A_612 = vector.shape_cast %reduce_max3A_611 : vector<512xf32> to vector<1x512xf32>
    %ge3A_613 = vector.broadcast %broadcast_in_dim3A_612 : vector<1x512xf32> to vector<640x512xf32>
    %ge3A_614 = arith.cmpf oge, %select_n3A_609, %ge3A_613 : vector<640x512xf32>
    %jit3A_615 = arith.constant 640 : i32
    %broadcast_in_dim3A_616 = vector.broadcast %jit3A_615 : i32 to vector<640x512xi32>
    %select_n3A_617 = arith.select %ge3A_614, %iota3A_353, %broadcast_in_dim3A_616 : vector<640x512xi1>, vector<640x512xi32>
    %reduce_min3A_618 = arith.constant dense<2147483647> : vector<512xi32>
    %reduce_min3A_619 = vector.multi_reduction <minsi>, %select_n3A_617, %reduce_min3A_618 [0] : vector<640x512xi32> to vector<512xi32>
    %broadcast_in_dim3A_620 = vector.shape_cast %reduce_min3A_619 : vector<512xi32> to vector<1x512xi32>
    %eq3A_621 = vector.broadcast %broadcast_in_dim3A_620 : vector<1x512xi32> to vector<640x512xi32>
    %eq3A_622 = arith.cmpi eq, %iota3A_353, %eq3A_621 : vector<640x512xi32>
    %jit3A_623 = arith.constant -3.000000e+38 : f32
    %broadcast_in_dim3A_624 = vector.broadcast %jit3A_623 : f32 to vector<640x512xf32>
    %select_n3A_625 = arith.select %eq3A_622, %broadcast_in_dim3A_624, %select_n3A_609 : vector<640x512xi1>, vector<640x512xf32>
    %reduce_max3A_626 = arith.constant dense<0xFF800000> : vector<512xf32>
    %reduce_max3A_627 = vector.multi_reduction <maximumf>, %select_n3A_625, %reduce_max3A_626 [0] : vector<640x512xf32> to vector<512xf32>
    %broadcast_in_dim3A_628 = vector.shape_cast %reduce_max3A_627 : vector<512xf32> to vector<1x512xf32>
    %ge3A_629 = vector.broadcast %broadcast_in_dim3A_628 : vector<1x512xf32> to vector<640x512xf32>
    %ge3A_630 = arith.cmpf oge, %select_n3A_625, %ge3A_629 : vector<640x512xf32>
    %jit3A_631 = arith.constant 640 : i32
    %broadcast_in_dim3A_632 = vector.broadcast %jit3A_631 : i32 to vector<640x512xi32>
    %select_n3A_633 = arith.select %ge3A_630, %iota3A_353, %broadcast_in_dim3A_632 : vector<640x512xi1>, vector<640x512xi32>
    %reduce_min3A_634 = arith.constant dense<2147483647> : vector<512xi32>
    %reduce_min3A_635 = vector.multi_reduction <minsi>, %select_n3A_633, %reduce_min3A_634 [0] : vector<640x512xi32> to vector<512xi32>
    %broadcast_in_dim3A_636 = vector.shape_cast %reduce_min3A_635 : vector<512xi32> to vector<1x512xi32>
    %eq3A_637 = vector.broadcast %broadcast_in_dim3A_636 : vector<1x512xi32> to vector<640x512xi32>
    %eq3A_638 = arith.cmpi eq, %iota3A_353, %eq3A_637 : vector<640x512xi32>
    %jit3A_639 = arith.constant -3.000000e+38 : f32
    %broadcast_in_dim3A_640 = vector.broadcast %jit3A_639 : f32 to vector<640x512xf32>
    %select_n3A_641 = arith.select %eq3A_638, %broadcast_in_dim3A_640, %select_n3A_625 : vector<640x512xi1>, vector<640x512xf32>
    %reduce_max3A_642 = arith.constant dense<0xFF800000> : vector<512xf32>
    %reduce_max3A_643 = vector.multi_reduction <maximumf>, %select_n3A_641, %reduce_max3A_642 [0] : vector<640x512xf32> to vector<512xf32>
    %broadcast_in_dim3A_644 = vector.shape_cast %reduce_max3A_643 : vector<512xf32> to vector<1x512xf32>
    %ge3A_645 = vector.broadcast %broadcast_in_dim3A_644 : vector<1x512xf32> to vector<640x512xf32>
    %ge3A_646 = arith.cmpf oge, %select_n3A_641, %ge3A_645 : vector<640x512xf32>
    %jit3A_647 = arith.constant 640 : i32
    %broadcast_in_dim3A_648 = vector.broadcast %jit3A_647 : i32 to vector<640x512xi32>
    %select_n3A_649 = arith.select %ge3A_646, %iota3A_353, %broadcast_in_dim3A_648 : vector<640x512xi1>, vector<640x512xi32>
    %reduce_min3A_650 = arith.constant dense<2147483647> : vector<512xi32>
    %reduce_min3A_651 = vector.multi_reduction <minsi>, %select_n3A_649, %reduce_min3A_650 [0] : vector<640x512xi32> to vector<512xi32>
    %broadcast_in_dim3A_652 = vector.shape_cast %reduce_min3A_651 : vector<512xi32> to vector<1x512xi32>
    %eq3A_653 = vector.broadcast %broadcast_in_dim3A_652 : vector<1x512xi32> to vector<640x512xi32>
    %eq3A_654 = arith.cmpi eq, %iota3A_353, %eq3A_653 : vector<640x512xi32>
    %jit3A_655 = arith.constant -3.000000e+38 : f32
    %broadcast_in_dim3A_656 = vector.broadcast %jit3A_655 : f32 to vector<640x512xf32>
    %select_n3A_657 = arith.select %eq3A_654, %broadcast_in_dim3A_656, %select_n3A_641 : vector<640x512xi1>, vector<640x512xf32>
    %reduce_max3A_658 = arith.constant dense<0xFF800000> : vector<512xf32>
    %reduce_max3A_659 = vector.multi_reduction <maximumf>, %select_n3A_657, %reduce_max3A_658 [0] : vector<640x512xf32> to vector<512xf32>
    %broadcast_in_dim3A_660 = vector.shape_cast %reduce_max3A_659 : vector<512xf32> to vector<1x512xf32>
    %ge3A_661 = vector.broadcast %broadcast_in_dim3A_660 : vector<1x512xf32> to vector<640x512xf32>
    %ge3A_662 = arith.cmpf oge, %select_n3A_657, %ge3A_661 : vector<640x512xf32>
    %jit3A_663 = arith.constant 640 : i32
    %broadcast_in_dim3A_664 = vector.broadcast %jit3A_663 : i32 to vector<640x512xi32>
    %select_n3A_665 = arith.select %ge3A_662, %iota3A_353, %broadcast_in_dim3A_664 : vector<640x512xi1>, vector<640x512xi32>
    %reduce_min3A_666 = arith.constant dense<2147483647> : vector<512xi32>
    %reduce_min3A_667 = vector.multi_reduction <minsi>, %select_n3A_665, %reduce_min3A_666 [0] : vector<640x512xi32> to vector<512xi32>
    %broadcast_in_dim3A_668 = vector.shape_cast %reduce_min3A_667 : vector<512xi32> to vector<1x512xi32>
    %concatenate3A_669 = tpu.concatenate %broadcast_in_dim3A_364, %broadcast_in_dim3A_380, %broadcast_in_dim3A_396, %broadcast_in_dim3A_412, %broadcast_in_dim3A_428, %broadcast_in_dim3A_444, %broadcast_in_dim3A_460, %broadcast_in_dim3A_476, %broadcast_in_dim3A_492, %broadcast_in_dim3A_508, %broadcast_in_dim3A_524, %broadcast_in_dim3A_540, %broadcast_in_dim3A_556, %broadcast_in_dim3A_572, %broadcast_in_dim3A_588, %broadcast_in_dim3A_604, %broadcast_in_dim3A_620, %broadcast_in_dim3A_636, %broadcast_in_dim3A_652, %broadcast_in_dim3A_668 in 0 : vector<1x512xi32>, vector<1x512xi32>, vector<1x512xi32>, vector<1x512xi32>, vector<1x512xi32>, vector<1x512xi32>, vector<1x512xi32>, vector<1x512xi32>, vector<1x512xi32>, vector<1x512xi32>, vector<1x512xi32>, vector<1x512xi32>, vector<1x512xi32>, vector<1x512xi32>, vector<1x512xi32>, vector<1x512xi32>, vector<1x512xi32>, vector<1x512xi32>, vector<1x512xi32>, vector<1x512xi32> -> vector<20x512xi32>
    %transpose3A_670 = tpu.transpose %concatenate3A_669, [1, 0] : vector<20x512xi32> -> vector<512x20xi32>
    %jit3A_671 = arith.constant 20 : i32
    %div3A = vector.broadcast %jit3A_671 : i32 to vector<512x20xi32>
    %div3A_672 = arith.divsi %transpose3A_670, %div3A : vector<512x20xi32>
    %sign3A = arith.constant 0 : i32
    %sign3A_673 = vector.broadcast %sign3A : i32 to vector<512x20xi32>
    %sign3A_674 = arith.cmpi sgt, %transpose3A_670, %sign3A_673 : vector<512x20xi32>
    %sign3A_675 = arith.extui %sign3A_674 : vector<512x20xi1> to vector<512x20xi32>
    %sign3A_676 = arith.constant 0 : i32
    %sign3A_677 = vector.broadcast %sign3A_676 : i32 to vector<512x20xi32>
    %sign3A_678 = arith.cmpi slt, %transpose3A_670, %sign3A_677 : vector<512x20xi32>
    %sign3A_679 = arith.extui %sign3A_678 : vector<512x20xi1> to vector<512x20xi32>
    %sign3A_680 = arith.subi %sign3A_675, %sign3A_679 : vector<512x20xi32>
    %sign3A_681 = arith.constant 0 : i32
    %sign3A_682 = arith.cmpi sgt, %jit3A_671, %sign3A_681 : i32
    %sign3A_683 = arith.extui %sign3A_682 : i1 to i32
    %sign3A_684 = arith.constant 0 : i32
    %sign3A_685 = arith.cmpi slt, %jit3A_671, %sign3A_684 : i32
    %sign3A_686 = arith.extui %sign3A_685 : i1 to i32
    %sign3A_687 = arith.subi %sign3A_683, %sign3A_686 : i32
    %ne3A = vector.broadcast %sign3A_687 : i32 to vector<512x20xi32>
    %ne3A_688 = arith.cmpi ne, %sign3A_680, %ne3A : vector<512x20xi32>
    %rem3A = vector.broadcast %jit3A_671 : i32 to vector<512x20xi32>
    %rem3A_689 = arith.remsi %transpose3A_670, %rem3A : vector<512x20xi32>
    %ne3A_690 = arith.constant 0 : i32
    %ne3A_691 = vector.broadcast %ne3A_690 : i32 to vector<512x20xi32>
    %ne3A_692 = arith.cmpi ne, %rem3A_689, %ne3A_691 : vector<512x20xi32>
    %and3A = arith.andi %ne3A_688, %ne3A_692 : vector<512x20xi1>
    %sub3A_693 = arith.constant 1 : i32
    %sub3A_694 = vector.broadcast %sub3A_693 : i32 to vector<512x20xi32>
    %sub3A_695 = arith.subi %div3A_672, %sub3A_694 : vector<512x20xi32>
    %select_n3A_696 = arith.select %and3A, %sub3A_695, %div3A_672 : vector<512x20xi1>, vector<512x20xi32>
    %mul3A_697 = arith.constant 20 : i32
    %mul3A_698 = vector.broadcast %mul3A_697 : i32 to vector<512x20xi32>
    %mul3A_699 = arith.muli %mul3A_698, %select_n3A_696 : vector<512x20xi32>
    %sub3A_700 = arith.subi %transpose3A_670, %mul3A_699 : vector<512x20xi32>
    %lt3A_701 = arith.constant 0 : i32
    %lt3A_702 = vector.broadcast %lt3A_701 : i32 to vector<512x20xi32>
    %lt3A_703 = arith.cmpi slt, %sub3A_700, %lt3A_702 : vector<512x20xi32>
    %add3A_704 = arith.constant 20 : i32
    %add3A_705 = vector.broadcast %add3A_704 : i32 to vector<512x20xi32>
    %add3A_706 = arith.addi %sub3A_700, %add3A_705 : vector<512x20xi32>
    %select_n3A_707 = arith.select %lt3A_703, %add3A_706, %sub3A_700 : vector<512x20xi1>, vector<512x20xi32>
    %reshape3A_708 = vector.shape_cast %select_n3A_707 : vector<512x20xi32> to vector<512x20x1xi32>
    %gather3A_709 = vector.shape_cast %reshape3A_708 : vector<512x20x1xi32> to vector<512x20xi32>
    %gather3A_710 = tpu.dynamic_gather %transpose3A_340[%gather3A_709] in [1] : vector<512x20xi32>, vector<512x20xi32> -> vector<512x20xi32>
    %mul3A_711 = arith.constant 128 : i32
    %mul3A_712 = vector.broadcast %mul3A_711 : i32 to vector<512x20xi32>
    %mul3A_713 = arith.muli %mul3A_712, %select_n3A_696 : vector<512x20xi32>
    %add3A_714 = arith.addi %gather3A_710, %mul3A_713 : vector<512x20xi32>
    %swap3A = arith.constant 0 : index
    %swap3A_715 = arith.constant 0 : index
    %swap3A_716 = arith.constant 0 : index
    %swap3A_717 = vector.load %arg3[%swap3A, %swap3A_715, %swap3A_716] : memref<1x512x20xi32, #tpu.memory_space<vmem>>, vector<1x512x20xi32>
    %swap3A_718 = vector.shape_cast %swap3A_717 : vector<1x512x20xi32> to vector<512x20xi32>
    %swap3A_719 = vector.shape_cast %add3A_714 : vector<512x20xi32> to vector<1x512x20xi32>
    tpu.vector_store %arg3[%swap3A, %swap3A_715, %swap3A_716], %swap3A_719 {strides = array<i32>} : memref<1x512x20xi32, #tpu.memory_space<vmem>>, vector<1x512x20xi32>,
    return
  }
  func.func @transform_0(%arg0: i32, %arg1: i32) -> (i32, i32, i32) {
    %c0_i32 = arith.constant 0 : i32
    %c0_i32_0 = arith.constant 0 : i32
    %c0_i32_1 = arith.constant 0 : i32
    return %arg0, %c0_i32, %c0_i32_0 : i32, i32, i32
  }
  func.func @transform_1(%arg0: i32, %arg1: i32) -> (i32, i32, i32) {
    %c0_i32 = arith.constant 0 : i32
    %c0_i32_0 = arith.constant 0 : i32
    return %arg0, %arg1, %c0_i32 : i32, i32, i32
  }
}

</mosaic_0001>

<sc_bundles>
// kernel: kernel.4.cloned.1.call-start
scs
__scs_entry_jumppad:
0x0: {  	(pc) =	sbr.rel $0x88, $3  }
0x1: {  	(tag) =	ssettag $0x0;
	lr =	simm.s32 $0x1  }
0x2: {  	[smem:$0x3FA0] =	sst lr;
	_ =	strace $0xD0000000  }
0x3: {  	_ = 	snop  }
0x4: {  	_ = 	snop  }
0x5: {  	_ = 	snop  }
0x6: {  	_ = 	snop  }
0x7: {  	_ = 	snop  }
__scs_overlays_trampoline_lowered:
0x8: {  	[smem:$0x3FAF] =	sst s0  }
0x9: {  	[smem:$0x3FB0] =	sst s1  }
0xa: {  	[smem:$0x3FB1] =	sst s2  }
0xb: {  	[smem:$0x3FB2] =	sst s3  }
0xc: {  	[smem:$0x3FB3] =	sst s4  }
0xd: {  	[smem:$0x3FB4] =	sst s5  }
0xe: {  	[smem:$0x3FB5] =	sst s6  }
0xf: {  	[smem:$0x3FB6] =	sst s7  }
0x10: {  	[smem:$0x3FB7] =	sst s8  }
0x11: {  	[smem:$0x3FB8] =	sst s9;
	s0 =	simm.s32 @!p0 $0x0  }
0x12: {  	s1 =	sld [smem:$0x3F9E];
	s0 =	simm.s32 @p0 $0x1  }
0x13: {  	[smem:$0x3FB9] =	sst s0;
	s0 =	simm.s32 @!p1 $0x0  }
0x14: {  	s2 =	sld [smem:$0x3F9D];
	s0 =	simm.s32 @p1 $0x1  }
0x15: {  	[smem:$0x3FBA] =	sst s0;
	s0 =	simm.s32 @!p2 $0x0  }
0x16: {  	s3 =	sld [smem:$0x3FDB];
	s0 =	simm.s32 @p2 $0x1  }
0x17: {  	s4 =	simm.s32 $0x1BF5;
	[smem:$0x3FBC] =	sst s0  }
0x18: {  	s0 =	sld [smem:$0x3F9F];
	_ =	swait.ge [sflag:s4], $0x0  }
0x19: {  	s7 =	sld [smem:$0x3FA0]  }
0x1a: {  	s8 =	sadd.s32 $0xFFFFE003, lr  }
0x1b: {  	s9 =	sadd.s32 $0xFFFFFEF7, lr;
	s5 =	simm.s32 $0xFFFFFFFF;
	p2 =	slt.u32 s8, $0xFFFFF086  }
0x1c: {  	p1 =	slt.u32 s9, $0xF7A;
	s5 =	simm.s32 @!p2 $0x0  }
0x1d: {  	s5 =	simm.s32 @p1 $0x1;
	p0 =	seq.s32 s7, s2  }
0x1e: {  	s7 =	smul.u32 @!p0 $0xF7A, s2;
	p2 =	seq.s32 @!p0 s5, $0x0  }
0x1f: {  	s9 =	smul.u32 $0xF7A, s1;
	s8 =	simm.s32 @!p0 $0x1BF5;
	p2 =	por !p2, p0  }
0x20: {  	[sflag:s8] =	ssyncset.s32 @!p0 $0xFFFFF086;
	s6 =	sadd.s32 @!p0 s3, s7;
	s7 =	simm.s32 @!p0 $0x108  }
0x21: {  	s3 =	sadd.s32 s3, s9;
	s6 =	sadd.s32 @!p0 $0x88, s6;
	s7 =	simm.s32 @p2 $0x1082  }
0x22: {  	[simem:s7], [sflag:s8] =	dma.local @!p0 [hbm:s6], $0xF7A  }
0x23: {  	s9 =	sor.u32 $0xD0000000, s2;
	s6 =	simm.s32 $0x108;
	_ =	swait.ge @!p0 [sflag:s8], $0x0  }
0x24: {  	s3 =	sadd.s32 $0x88, s3;
	s6 =	simm.s32 @!p1 $0x1082;
	[sflag:s4] =	ssyncset.s32 $0xFFFFF086  }
0x25: {  	[simem:s6], [sflag:s4] =	dma.local [hbm:s3], $0xF7A  }
0x26: {  	[smem:$0x3FA0] =	sst s1;
	(tag) =	ssettag s2;
	_ =	strace s9  }
0x27: {  	s1 =	sld [smem:$0x3FB0]  }
0x28: {  	s2 =	sld [smem:$0x3FB1]  }
0x29: {  	s4 =	sld [smem:$0x3FB3]  }
0x2a: {  	p0 =	seq.s32 s5, $0x0;
	s5 =	sld [smem:$0x3FB4]  }
0x2b: {  	s6 =	sld [smem:$0x3FB5]  }
0x2c: {  	s7 =	sld [smem:$0x3FB6]  }
0x2d: {  	s3 =	simm.s32 $0x108;
	s8 =	sld [smem:$0x3FB7]  }
0x2e: {  	s3 =	simm.s32 @!p0 $0x1082;
	s9 =	sld [smem:$0x3FB8]  }
0x2f: {  	lr =	sadd.s32 s0, s3;
	s0 =	sld [smem:$0x3FAF]  }
0x30: {  	s3 =	sld [smem:$0x3FB2]  }
0x31: {  	[smem:$0x3FBB] =	sst s10  }
0x32: {  	s10 =	sld [smem:$0x3FB9];
	_ =	sdelay $0x3  }
0x33: {  	p0 =	seq.s32 s10, $0x1;
	s10 =	sld [smem:$0x3FBB];
	_ =	sdelay $0x3  }
0x34: {  	[smem:$0x3FBB] =	sst s10  }
0x35: {  	s10 =	sld [smem:$0x3FBA];
	_ =	sdelay $0x3  }
0x36: {  	p1 =	seq.s32 s10, $0x1;
	s10 =	sld [smem:$0x3FBB];
	_ =	sdelay $0x3  }
0x37: {  	[smem:$0x3FBB] =	sst s10  }
0x38: {  	s10 =	sld [smem:$0x3FBC]  }
0x39: {  	_ = 	snop;
	(pc) =	sbr.ind lr, $3  }
0x3a: {  	_ = 	snop  }
0x3b: {  	_ = 	snop  }
0x3c: {  	p2 =	seq.s32 s10, $0x1;
	s10 =	sld [smem:$0x3FBB]  }
0x3d: {  	_ =	shalt  }
0x3e: {  	_ =	shalt  }
0x3f: {  	_ =	shalt  }
0x40: {  	_ =	shalt  }
0x41: {  	_ =	shalt  }
0x42: {  	_ =	shalt  }
0x43: {  	_ =	shalt  }
0x44: {  	_ =	shalt  }
0x45: {  	_ =	shalt  }
0x46: {  	_ =	shalt  }
0x47: {  	_ =	shalt  }
0x48: {  	_ =	shalt  }
0x49: {  	_ =	shalt  }
0x4a: {  	_ =	shalt  }
0x4b: {  	_ =	shalt  }
0x4c: {  	_ =	shalt  }
0x4d: {  	_ =	shalt  }
0x4e: {  	_ =	shalt  }
0x4f: {  	_ =	shalt  }
0x50: {  	_ =	shalt  }
0x51: {  	_ =	shalt  }
0x52: {  	_ =	shalt  }
0x53: {  	_ =	shalt  }
0x54: {  	_ =	shalt  }
0x55: {  	_ =	shalt  }
0x56: {  	_ =	shalt  }
0x57: {  	_ =	shalt  }
0x58: {  	_ =	shalt  }
0x59: {  	_ =	shalt  }
0x5a: {  	_ =	shalt  }
0x5b: {  	_ =	shalt  }
0x5c: {  	_ =	shalt  }
0x5d: {  	_ =	shalt  }
0x5e: {  	_ =	shalt  }
0x5f: {  	_ =	shalt  }
0x60: {  	_ =	shalt  }
0x61: {  	_ =	shalt  }
0x62: {  	_ =	shalt  }
0x63: {  	_ =	shalt  }
0x64: {  	_ =	shalt  }
0x65: {  	_ =	shalt  }
0x66: {  	_ =	shalt  }
0x67: {  	_ =	shalt  }
0x68: {  	_ =	shalt  }
0x69: {  	_ =	shalt  }
0x6a: {  	_ =	shalt  }
0x6b: {  	_ =	shalt  }
0x6c: {  	_ =	shalt  }
0x6d: {  	_ =	shalt  }
0x6e: {  	_ =	shalt  }
0x6f: {  	_ =	shalt  }
0x70: {  	_ =	shalt  }
0x71: {  	_ =	shalt  }
0x72: {  	_ =	shalt  }
0x73: {  	_ =	shalt  }
0x74: {  	_ =	shalt  }
0x75: {  	_ =	shalt  }
0x76: {  	_ =	shalt  }
0x77: {  	_ =	shalt  }
0x78: {  	_ =	shalt  }
0x79: {  	_ =	shalt  }
0x7a: {  	_ =	shalt  }
0x7b: {  	_ =	shalt  }
0x7c: {  	_ =	shalt  }
0x7d: {  	_ =	shalt  }
0x7e: {  	_ =	shalt  }
0x7f: {  	_ =	shalt  }
0x80: {  	_ =	shalt  }
0x81: {  	_ =	shalt  }
0x82: {  	_ =	shalt  }
0x83: {  	_ =	shalt  }
0x84: {  	_ =	shalt  }
0x85: {  	_ =	shalt  }
0x86: {  	_ =	shalt  }
0x87: {  	_ =	shalt  }
.Lfunc_end0:
.L_simem_size_0:
called_computation.1_lowered:
.L_overlay_start_0:
0x88: {  	s2 =	sld [smem:$0x3FD9]  }
0x89: {  	s3 =	sld [smem:$0x3FFE];
	_ =	sdelay $0x1  }
0x8a: {  	s1 =	srdreg.scid  }
0x8b: {  	s0 =	sand.u32 $0x1, s1  }
0x8c: {  	s17 =	sshll.u32 s0, $0xA;
	s2 =	sadd.s32 s3, s2  }
0x8d: {  	s2 =	sadd.s32 s2, s17  }
0x8e: {  	[smem:$0x3FC7] =	sst s2  }
0x8f: {  	_ = 	snop  }
0x90: {  	s2 =	sld [smem:$0x3FC9]  }
0x91: {  	s18 =	sld [smem:$0x3FD0];
	(tm) =	ssettm $0x1  }
0x92: {  	s4 =	sld [smem:$0x3FFB];
	_ =	sdelay $0x3  }
0x93: {  	_ =	strace s4  }
0x94: {  	s4 =	sld [smem:$0x3FFC];
	_ =	sdelay $0x3  }
0x95: {  	_ =	strace s4  }
0x96: {  	s4 =	sld [smem:$0x3FFD];
	_ =	sdelay $0x3  }
0x97: {  	_ =	strace s4  }
0x98: {  	_ =	strace $0x8FFFFFFF  }
0x99: {  	s19 =	sld [smem:$0x3FDB];
	_ =	sdelay $0x1  }
0x9a: {  	s5 =	simm.s32 $_scs_section_size  }
0x9b: {  	s6 =	simm.s32 $_size__tile_overlayer_lowered;
	s7 =	simm.s32 $_tile_overlayer_lowered  }
0x9c: {  	s22 =	simm.s32 $0x1BFF;
	s21 =	sshll.u32 s7, $0x1;
	s4 =	sadd.s32 s5, s19  }
0x9d: {  	s8 =	simm.s32 $0x0;
	s20 =	sshll.u32 s6, $0x1;
	s6 =	sadd.s32 s21, s4  }
0x9e: {  	[timem:s8], [sflag:s22] =	dma.local [hbm:s6], s20  }
0x9f: {  	_ =	swait.ge [sflag:s22], s20  }
0xa0: {  	s5 =	ssub.s32 $0x0, s20;
	[sflag:s22] =	ssyncset.done $0x0  }
0xa1: {  	[sflag:s22] =	ssyncadd.s32 s5;
	_ =	sdelay $0x1  }
0xa2: {  	s23 =	simm.s32 $0x1B8B  }
0xa3: {  	_ =	swait.ge [sflag:s23], $0x1  }
0xa4: {  	[sflag:s23] =	ssyncset.done $0x0  }
0xa5: {  	s25 =	simm.s32 $0x1B8E;
	s24 =	sld [smem:$0x3FFE];
	[sflag:s23] =	ssyncadd.s32 $0xFFFFFFFF  }
0xa6: {  	s26 =	simm.s32 $execute0_lowered;
	[smem:$0x3FD2] =	sst s25  }
0xa7: {  	s6 =	sshll.u32 s26, $0x1;
	_ =	strace $0x80000046;
	[dreg:$0x1] =	wrdreg $0xFFFFFFFF  }
0xa8: {  	s28 =	simm.s32 $_size_execute0_lowered;
	s4 =	sadd.s32 s4, s6;
	[dreg:$0x0] =	wrdreg $0x0  }
0xa9: {  	s6 =	sshll.u32 s28, $0x1;
	[dreg:$0x2] =	wrdreg s4  }
0xaa: {  	[dreg:$0x3] =	wrdreg s6  }
0xab: {  	[dreg:$0x4] =	wrdreg $0xC0  }
0xac: {  	_ =	task [dreg:s8], $0x5FFFF  }
0xad: {  	[dreg:$0x1] =	wrdreg $0xFFFFFFFF  }
0xae: {  	[dreg:$0x0] =	wrdreg $0x60  }
0xaf: {  	[dreg:$0x2] =	wrdreg s2  }
0xb0: {  	[dreg:$0x3] =	wrdreg s24  }
0xb1: {  	[dreg:$0x4] =	wrdreg s18  }
0xb2: {  	[dreg:$0x5] =	wrdreg $0x9  }
0xb3: {  	_ =	task.clear_ibuf [dreg:s8], $0x6FFFF;
	_ =	strace $0x90000046  }
0xb4: {  	s29 =	simm.s32 $0x9;
	_ =	strace $0x80000048  }
0xb5: {  	_ =	swait.ge [sflag:s29], $0x1  }
0xb6: {  	[sflag:s29] =	ssyncadd.s32 $0xFFFFFFFF  }
0xb7: {  	_ =	strace $0x90000048  }
0xb8: {  	_ =	sfence  }
0xb9: {  	s30 =	sld [smem:$0x0];
	_ =	sdelay $0x2  }
0xba: {  	s31 =	sshll.u32 s1, $0xD;
	s1 =	sshrl.u32 s1, $0x2  }
0xbb: {  	s3 =	sand.u32 $0x4000, s31;
	s1 =	sadd.s32 s1, s30  }
0xbc: {  	s0 =	sor.u32 s3, s0;
	s1 =	sshll.u32 s1, $0x11  }
0xbd: {  	s0 =	sor.u32 s1, s0  }
0xbe: {  	s0 =	sadd.s32 $0x8F2B, s0  }
0xbf: {  	[sflag:s0] =	ssyncadd.remote.s32 $0x1  }
0xc0: {  	_ =	sfence.sel $0xFFFF  }
0xc1: {  	[dreg:$0x0] =	wrdreg $0xFFFFFFFF;
	(pc) =	sbr.abs _section_cstart, $3  }
0xc2: {  	[dreg:$0x1] =	wrdreg $0xFFFFFFFF  }
0xc3: {  	_ =	task.clear_ibuf [dreg:s8], $0x2FFFF;
	_ =	strace $0x9FFFFFFF  }
0xc4: {  	(tm) =	ssettm $0x7FFFFFFF  }
0xc5: {  	_ =	shalt  }
tec
execute0_lowered:
.L_overlay_start_1:
0x0: {  	(tag) =	ssettag $0x1  }
0x1: {  	s0 =	rddreg [dreg:$0x0]  }
0x2: {  	s1 =	rddreg [dreg:$0x1]  }
0x3: {  	s2 =	rddreg [dreg:$0x2]  }
0x4: {  	s3 =	simm.s32 $0x0;
	s6 =	stileid.u32;
	s4 =	srdreg.scid  }
0x5: {  	s29 =	simm.s32 $0x10000;
	s30 =	simm.s32 $0x18000;
	s31 =	simm.s32 $0x11000  }
0x6: {  	[smem:$0x7FF] =	sst s3;
	s5 =	sshll.u32 s6, $0x1;
	s6 =	sshrl.u32 s6, $0x2  }
0x7: {  	s7 =	sand.u32 $0x1, s4;
	s4 =	sadd.s32 $0xA00, s1;
	s13 =	sand.u32 $0x6, s5  }
0x8: {  	_ =	strace $0x80000047;
	s14 =	sshll.u32 s6, $0x4;
	s10 =	sshll.u32 s6, $0xF  }
0x9: {  	s15 =	ssub.s32 $0x2, s7;
	s18 =	smul.u32 $0xA00000, s6;
	s8 =	sor.u32 s7, s13  }
0xa: {  	s5 =	sadd.s32 s14, s1;
	s17 =	sshrl.u32 s15, $0x1;
	s9 =	sshll.u32 s8, $0xC  }
0xb: {  	s1 =	ssub.s32 s15, s17;
	s20 =	smul.u32 $0xA0000, s8;
	s14 =	sadd.s32 $0x3200, s5  }
0xc: {  	s17 =	sadd.s32 $0x20, s2;
	s16 =	sor.u32 s10, s9;
	s28 =	smax.u32 s1, $0x1  }
0xd: {  	s5 =	simm.s32 $0x17000;
	s7 =	sadd.s32 s0, s16;
	[dreg:$0xc] =	wrdreg s28  }
0xe: {  	s1 =	simm.s32 $0x1;
	s19 =	sadd.s32 $0x10, s7;
	[dreg:$0x4] =	wrdreg s7  }
0xf: {  	s12 =	sadd.s32 s18, s20;
	s21 =	sadd.s32 $0x20, s7;
	[dreg:$0x5] =	wrdreg s19  }
0x10: {  	s16 =	sadd.s32 $0x10, s2;
	s22 =	sadd.s32 $0x30, s7;
	[dreg:$0x6] =	wrdreg s21  }
0x11: {  	s18 =	sadd.s32 $0x30, s2;
	s23 =	sadd.s32 $0x40, s7;
	[dreg:$0x7] =	wrdreg s22  }
0x12: {  	s20 =	sadd.s32 $0x50, s2;
	s24 =	sadd.s32 $0x50, s7;
	[dreg:$0x8] =	wrdreg s23  }
0x13: {  	s0 =	simm.s32 $0x19000;
	s25 =	sadd.s32 $0x60, s7;
	[dreg:$0x9] =	wrdreg s24  }
0x14: {  	s26 =	sadd.s32 $0x70, s7;
	s15 =	sadd.s32 $0x500000, s12;
	[dreg:$0xa] =	wrdreg s25  }
0x15: {  	s7 =	simm.s32 $0x0;
	[dreg:$0xb] =	wrdreg s26;
	s19 =	sadd.s32 $0x40, s2  }
0x16: {  	s21 =	sadd.s32 $0x60, s2;
	s22 =	sadd.s32 $0x70, s2;
	s24 =	simm.s32 $0x80  }
0x17: {  	s25 =	simm.s32 $0x400;
	s26 =	simm.s32 $0x2;
	s23 =	simm.s32 $0xF000  }
.LBB2_1:
0x18: {  	[dreg:$0xd] =	wrdreg s7  }
0x19: {  	s6 =	rddreg [dreg:$0x4]  }
0x1a: {  	[tilespmem:s3], [sflag:$0x2] =	stream.strided.gather [hbm4b:s6+s24], $0x1000, s25, s24, $0x38;
	[tilespmem:$0x1A000] =	vst v63  }
0x1b: {  	_ =	swait.ge [sflag:s26], $0x1000  }
0x1c: {  	[sflag:s26] =	ssyncset.done $0x0  }
0x1d: {  	s13 =	simm.s32 $0x1000;
	s11 =	rddreg [dreg:$0x5];
	[sflag:s26] =	ssyncadd.s32 $0xFFFFF000  }
0x1e: {  	[tilespmem:s13], [sflag:$0x2] =	stream.strided.gather [hbm4b:s11+s24], $0x1000, s25, s24, $0x38;
	[tilespmem:$0x1A000] =	vst v63  }
0x1f: {  	_ =	swait.ge [sflag:s26], $0x1000  }
0x20: {  	[sflag:s26] =	ssyncset.done $0x0  }
0x21: {  	s8 =	simm.s32 $0x2000;
	s7 =	rddreg [dreg:$0x6];
	[sflag:s26] =	ssyncadd.s32 $0xFFFFF000  }
0x22: {  	[tilespmem:s8], [sflag:$0x2] =	stream.strided.gather [hbm4b:s7+s24], $0x1000, s25, s24, $0x38;
	[tilespmem:$0x1A000] =	vst v63  }
0x23: {  	_ =	swait.ge [sflag:s26], $0x1000  }
0x24: {  	[sflag:s26] =	ssyncset.done $0x0  }
0x25: {  	s10 =	simm.s32 $0x3000;
	s9 =	rddreg [dreg:$0x7];
	[sflag:s26] =	ssyncadd.s32 $0xFFFFF000  }
0x26: {  	[tilespmem:s10], [sflag:$0x2] =	stream.strided.gather [hbm4b:s9+s24], $0x1000, s25, s24, $0x38;
	[tilespmem:$0x1A000] =	vst v63  }
0x27: {  	_ =	swait.ge [sflag:s26], $0x1000  }
0x28: {  	[sflag:s26] =	ssyncset.done $0x0  }
0x29: {  	s13 =	simm.s32 $0x4000;
	s11 =	rddreg [dreg:$0x8];
	[sflag:s26] =	ssyncadd.s32 $0xFFFFF000  }
0x2a: {  	[tilespmem:s13], [sflag:$0x2] =	stream.strided.gather [hbm4b:s11+s24], $0x1000, s25, s24, $0x38;
	[tilespmem:$0x1A000] =	vst v63  }
0x2b: {  	_ =	swait.ge [sflag:s26], $0x1000  }
0x2c: {  	[sflag:s26] =	ssyncset.done $0x0  }
0x2d: {  	s8 =	simm.s32 $0x5000;
	s7 =	rddreg [dreg:$0x9];
	[sflag:s26] =	ssyncadd.s32 $0xFFFFF000  }
0x2e: {  	[tilespmem:s8], [sflag:$0x2] =	stream.strided.gather [hbm4b:s7+s24], $0x1000, s25, s24, $0x38;
	[tilespmem:$0x1A000] =	vst v63  }
0x2f: {  	_ =	swait.ge [sflag:s26], $0x1000  }
0x30: {  	[sflag:s26] =	ssyncset.done $0x0  }
0x31: {  	s10 =	simm.s32 $0x6000;
	s9 =	rddreg [dreg:$0xa];
	[sflag:s26] =	ssyncadd.s32 $0xFFFFF000  }
0x32: {  	[tilespmem:s10], [sflag:$0x2] =	stream.strided.gather [hbm4b:s9+s24], $0x1000, s25, s24, $0x38;
	[tilespmem:$0x1A000] =	vst v63  }
0x33: {  	_ =	swait.ge [sflag:s26], $0x1000  }
0x34: {  	[sflag:s26] =	ssyncset.done $0x0  }
0x35: {  	s13 =	simm.s32 $0x7000;
	s11 =	rddreg [dreg:$0xb];
	[sflag:s26] =	ssyncadd.s32 $0xFFFFF000  }
0x36: {  	[tilespmem:s13], [sflag:$0x2] =	stream.strided.gather [hbm4b:s11+s24], $0x1000, s25, s24, $0x38;
	[tilespmem:$0x1A000] =	vst v63  }
0x37: {  	_ =	swait.ge [sflag:s26], $0x1000  }
0x38: {  	[sflag:s26] =	ssyncset.done $0x0  }
0x39: {  	s28 =	simm.s32 $0x0;
	[sflag:s26] =	ssyncadd.s32 $0xFFFFF000  }
.LBB2_2:
0x3a: {  	s6 =	sshll.u32 s28, $0xB  }
0x3b: {  	s7 =	simm.s32 $0x200;
	s8 =	simm.s32 $0x8000;
	s6 =	sadd.s32 s6, s14  }
0x3c: {  	[tilespmem:s8], [sflag:$0x2] =	stream.strided.gather [hbm4b:s6+s24], $0x1000, s7, s24, $0x38;
	[tilespmem:$0x1A000] =	vst v63  }
0x3d: {  	_ =	swait.ge [sflag:s26], $0x1000  }
0x3e: {  	s10 =	sshll.u32 s28, $0x9;
	[sflag:s26] =	ssyncset.done $0x0  }
0x3f: {  	s11 =	simm.s32 $0x9000;
	s6 =	sadd.s32 s4, s10;
	[sflag:s26] =	ssyncadd.s32 $0xFFFFF000  }
0x40: {  	[tilespmem:s11], [sflag:$0x2] =	stream.linear.gather [hbm4b:s6+s3], $0x1000, $0x38;
	[tilespmem:$0x1A000] =	vst v63  }
0x41: {  	_ =	swait.ge [sflag:s26], $0x1000  }
0x42: {  	[sflag:s26] =	ssyncset.done $0x0  }
0x43: {  	s13 =	simm.s32 $0x8080;
	[sflag:s26] =	ssyncadd.s32 $0xFFFFF000  }
0x44: {  	s6 =	simm.s32 $0x9080;
	v0 =	vld [tilespmem:s13+$0x70]  }
0x45: {  	v1 =	vld [tilespmem:s6+$0x70]  }
0x46: {  	v2 =	vld [tilespmem:s6+$0xFFFFFF80]  }
0x47: {  	v3 =	vld [tilespmem:s13+$0xFFFFFF90]  }
0x48: {  	v4 =	vld [tilespmem:s6+$0xFFFFFF90]  }
0x49: {  	v5 =	vld [tilespmem:s13+$0xFFFFFFA0]  }
0x4a: {  	v6 =	vld [tilespmem:s6+$0xFFFFFFA0]  }
0x4b: {  	v7 =	vld [tilespmem:s13+$0xFFFFFFB0]  }
0x4c: {  	v8 =	vld [tilespmem:s6+$0xFFFFFFB0]  }
0x4d: {  	v9 =	vld [tilespmem:s13+$0xFFFFFFC0]  }
0x4e: {  	v10 =	vld [tilespmem:s6+$0xFFFFFFC0]  }
0x4f: {  	v11 =	vld [tilespmem:s13+$0xFFFFFFD0]  }
0x50: {  	v12 =	vld [tilespmem:s6+$0xFFFFFFD0]  }
0x51: {  	v13 =	vld [tilespmem:s13+$0xFFFFFFE0]  }
0x52: {  	v14 =	vld [tilespmem:s6+$0xFFFFFFE0]  }
0x53: {  	v15 =	vld [tilespmem:s13+$0xFFFFFFF0]  }
0x54: {  	v16 =	vld [tilespmem:s6+$0xFFFFFFF0]  }
0x55: {  	v17 =	vld [tilespmem:s13+$0x0]  }
0x56: {  	v18 =	vld [tilespmem:s6+$0x0]  }
0x57: {  	v19 =	vld [tilespmem:s13+$0x10]  }
0x58: {  	v20 =	vld [tilespmem:s6+$0x10]  }
0x59: {  	v21 =	vld [tilespmem:s13+$0x20]  }
0x5a: {  	v22 =	vld [tilespmem:s6+$0x20]  }
0x5b: {  	v23 =	vld [tilespmem:s13+$0x30]  }
0x5c: {  	v24 =	vld [tilespmem:s6+$0x30]  }
0x5d: {  	v25 =	vld [tilespmem:s13+$0x40]  }
0x5e: {  	v26 =	vld [tilespmem:s6+$0x40]  }
0x5f: {  	v27 =	vld [tilespmem:s13+$0x50]  }
0x60: {  	v28 =	vld [tilespmem:s6+$0x50]  }
0x61: {  	v29 =	vld [tilespmem:s13+$0x60]  }
0x62: {  	v31 =	vld [tilespmem:s13+$0xFFFFFF80]  }
0x63: {  	v30 =	vld [tilespmem:s6+$0x60]  }
0x64: {  	v0 =	vld.idx.msk [tilespmem:v0+s3+$0x0], $0xffff  }
0x65: {  	v1 =	vld.idx.msk [tilespmem:v1+s3+$0x0], $0xffff  }
0x66: {  	v2 =	vld.idx.msk [tilespmem:v2+s3+$0x0], $0xffff  }
0x67: {  	v3 =	vld.idx.msk [tilespmem:v3+s3+$0x0], $0xffff  }
0x68: {  	v4 =	vld.idx.msk [tilespmem:v4+s3+$0x0], $0xffff  }
0x69: {  	v5 =	vld.idx.msk [tilespmem:v5+s3+$0x0], $0xffff  }
0x6a: {  	v31 =	vld.idx.msk [tilespmem:v31+s3+$0x0], $0xffff  }
0x6b: {  	v6 =	vld.idx.msk [tilespmem:v6+s3+$0x0], $0xffff  }
0x6c: {  	v7 =	vld.idx.msk [tilespmem:v7+s3+$0x0], $0xffff;
	v0 =	vsub.f32 v0, v1  }
0x6d: {  	s7 =	simm.s32 $0xA080;
	v8 =	vld.idx.msk [tilespmem:v8+s3+$0x0], $0xffff  }
0x6e: {  	s8 =	simm.s32 $0x12080;
	v63 =	vld.idx.msk [tilespmem:v21+s3+$0x0], $0xffff;
	[tilespmem:s7+$0x70] =	vst v0;
	v0 =	vsub.f32 v3, v4  }
0x6f: {  	v3 =	vld.idx.msk [tilespmem:v9+s3+$0x0], $0xffff;
	v9 =	vsub.f32 v31, v2;
	[tilespmem:s8+$0x70] =	vst v1  }
0x70: {  	v1 =	vld.idx.msk [tilespmem:v10+s3+$0x0], $0xffff;
	[tilespmem:s7+$0xFFFFFF90] =	vst v0  }
0x71: {  	v10 =	vld.idx.msk [tilespmem:v15+s3+$0x0], $0xffff;
	[tilespmem:s7+$0xFFFFFF80] =	vst v9  }
0x72: {  	v0 =	vsub.f32 v5, v6;
	v5 =	vld.idx.msk [tilespmem:v11+s3+$0x0], $0xffff;
	[tilespmem:s8+$0xFFFFFF90] =	vst v4  }
0x73: {  	v4 =	vld.idx.msk [tilespmem:v12+s3+$0x0], $0xffff;
	[tilespmem:s8+$0xFFFFFF80] =	vst v2  }
0x74: {  	[tilespmem:s7+$0xFFFFFFA0] =	vst v0;
	v0 =	vsub.f32 v7, v8;
	v7 =	vld.idx.msk [tilespmem:v13+s3+$0x0], $0xffff  }
0x75: {  	[tilespmem:s8+$0xFFFFFFA0] =	vst v6;
	v6 =	vld.idx.msk [tilespmem:v14+s3+$0x0], $0xffff  }
0x76: {  	v9 =	vld.idx.msk [tilespmem:v16+s3+$0x0], $0xffff;
	[tilespmem:s7+$0xFFFFFFB0] =	vst v0;
	v0 =	vsub.f32 v3, v1  }
0x77: {  	v11 =	vld.idx.msk [tilespmem:v20+s3+$0x0], $0xffff;
	[tilespmem:s8+$0xFFFFFFB0] =	vst v8  }
0x78: {  	v2 =	vld.idx.msk [tilespmem:v17+s3+$0x0], $0xffff;
	v5 =	vsub.f32 v5, v4;
	[tilespmem:s7+$0xFFFFFFC0] =	vst v0  }
0x79: {  	v3 =	vld.idx.msk [tilespmem:v18+s3+$0x0], $0xffff;
	[tilespmem:s8+$0xFFFFFFC0] =	vst v1  }
0x7a: {  	v8 =	vld.idx.msk [tilespmem:v19+s3+$0x0], $0xffff;
	v1 =	vsub.f32 v7, v6;
	[tilespmem:s7+$0xFFFFFFD0] =	vst v5  }
0x7b: {  	v0 =	vld.idx.msk [tilespmem:v22+s3+$0x0], $0xffff;
	[tilespmem:s8+$0xFFFFFFD0] =	vst v4  }
0x7c: {  	v5 =	vld.idx.msk [tilespmem:v25+s3+$0x0], $0xffff;
	v4 =	vsub.f32 v10, v9;
	[tilespmem:s7+$0xFFFFFFE0] =	vst v1  }
0x7d: {  	v10 =	vld.idx.msk [tilespmem:v23+s3+$0x0], $0xffff;
	[tilespmem:s8+$0xFFFFFFE0] =	vst v6  }
0x7e: {  	v1 =	vld.idx.msk [tilespmem:v24+s3+$0x0], $0xffff;
	v6 =	vsub.f32 v2, v3;
	[tilespmem:s7+$0xFFFFFFF0] =	vst v4  }
0x7f: {  	v7 =	vld.idx.msk [tilespmem:v29+s3+$0x0], $0xffff;
	v4 =	vsub.f32 v8, v11;
	[tilespmem:s8+$0xFFFFFFF0] =	vst v9  }
0x80: {  	v2 =	vld.idx.msk [tilespmem:v26+s3+$0x0], $0xffff;
	[tilespmem:s7+$0x0] =	vst v6  }
0x81: {  	v6 =	vld.idx.msk [tilespmem:v27+s3+$0x0], $0xffff;
	[tilespmem:s7+$0x10] =	vst v4  }
0x82: {  	v9 =	vsub.f32 v63, v0;
	[tilespmem:s8+$0x0] =	vst v3;
	v3 =	vld.idx.msk [tilespmem:v28+s3+$0x0], $0xffff  }
0x83: {  	s9 =	simm.s32 $0x0;
	s10 =	simm.s32 $0x8180;
	v4 =	vld.idx.msk [tilespmem:v30+s3+$0x0], $0xffff;
	[tilespmem:s8+$0x10] =	vst v11;
	v8 =	vsub.f32 v10, v1  }
.LBB2_3:
0x84: {  	v10 =	vld [tilespmem:s10+$0x70];
	[tilespmem:s7+$0x20] =	vst v9;
	s6 =	sadd.s32 $0x100, s6  }
0x85: {  	v9 =	vld [tilespmem:s6+$0x70];
	[tilespmem:s8+$0x20] =	vst v0;
	v0 =	vsub.f32 v5, v2  }
0x86: {  	s9 =	sadd.s32 $0x10, s9;
	v5 =	vld [tilespmem:s6+$0xFFFFFF80];
	[tilespmem:s7+$0x30] =	vst v8  }
0x87: {  	p0 =	slt.u32 s9, $0xF0;
	v8 =	vld [tilespmem:s10+$0xFFFFFF90];
	[tilespmem:s8+$0x30] =	vst v1;
	v1 =	vsub.f32 v6, v3  }
0x88: {  	v6 =	vld [tilespmem:s6+$0xFFFFFF90];
	[tilespmem:s7+$0x40] =	vst v0  }
0x89: {  	v0 =	vld [tilespmem:s10+$0xFFFFFFA0];
	[tilespmem:s8+$0x40] =	vst v2;
	v2 =	vsub.f32 v7, v4  }
0x8a: {  	v7 =	vld [tilespmem:s6+$0xFFFFFFA0];
	[tilespmem:s7+$0x50] =	vst v1  }
0x8b: {  	v1 =	vld [tilespmem:s10+$0xFFFFFFB0];
	[tilespmem:s8+$0x50] =	vst v3  }
0x8c: {  	v3 =	vld.idx.msk [tilespmem:v10+s3+$0x0], $0xffff;
	[tilespmem:s7+$0x60] =	vst v2  }
0x8d: {  	v2 =	vld.idx.msk [tilespmem:v9+s3+$0x0], $0xffff;
	[tilespmem:s8+$0x60] =	vst v4  }
0x8e: {  	v4 =	vld [tilespmem:s6+$0xFFFFFFB0]  }
0x8f: {  	v9 =	vld [tilespmem:s10+$0xFFFFFFC0]  }
0x90: {  	v10 =	vld [tilespmem:s6+$0xFFFFFFC0]  }
0x91: {  	v11 =	vld [tilespmem:s10+$0xFFFFFFD0]  }
0x92: {  	v12 =	vld [tilespmem:s6+$0xFFFFFFD0]  }
0x93: {  	v3 =	vsub.f32 v3, v2;
	v13 =	vld [tilespmem:s10+$0xFFFFFFE0]  }
0x94: {  	s7 =	sadd.s32 $0x100, s7;
	v14 =	vld [tilespmem:s6+$0xFFFFFFE0]  }
0x95: {  	s8 =	sadd.s32 $0x100, s8;
	v15 =	vld [tilespmem:s10+$0xFFFFFFF0];
	[tilespmem:s7+$0x70] =	vst v3  }
0x96: {  	v3 =	vld [tilespmem:s6+$0xFFFFFFF0];
	[tilespmem:s8+$0x70] =	vst v2  }
0x97: {  	v2 =	vld [tilespmem:s10+$0x0]  }
0x98: {  	v16 =	vld [tilespmem:s6+$0x0]  }
0x99: {  	v17 =	vld [tilespmem:s10+$0x10]  }
0x9a: {  	v18 =	vld [tilespmem:s6+$0x10]  }
0x9b: {  	v19 =	vld [tilespmem:s10+$0x20]  }
0x9c: {  	v20 =	vld [tilespmem:s6+$0x20]  }
0x9d: {  	v21 =	vld [tilespmem:s10+$0x30]  }
0x9e: {  	v22 =	vld [tilespmem:s6+$0x30]  }
0x9f: {  	v23 =	vld [tilespmem:s10+$0x40]  }
0xa0: {  	v24 =	vld [tilespmem:s6+$0x40]  }
0xa1: {  	v25 =	vld [tilespmem:s10+$0x50]  }
0xa2: {  	v26 =	vld [tilespmem:s6+$0x50]  }
0xa3: {  	v27 =	vld [tilespmem:s10+$0x60]  }
0xa4: {  	v28 =	vld [tilespmem:s6+$0x60]  }
0xa5: {  	v29 =	vld [tilespmem:s10+$0xFFFFFF80]  }
0xa6: {  	v5 =	vld.idx.msk [tilespmem:v5+s3+$0x0], $0xffff  }
0xa7: {  	v8 =	vld.idx.msk [tilespmem:v8+s3+$0x0], $0xffff  }
0xa8: {  	v6 =	vld.idx.msk [tilespmem:v6+s3+$0x0], $0xffff  }
0xa9: {  	v0 =	vld.idx.msk [tilespmem:v0+s3+$0x0], $0xffff  }
0xaa: {  	v7 =	vld.idx.msk [tilespmem:v7+s3+$0x0], $0xffff  }
0xab: {  	v1 =	vld.idx.msk [tilespmem:v1+s3+$0x0], $0xffff  }
0xac: {  	v4 =	vld.idx.msk [tilespmem:v4+s3+$0x0], $0xffff  }
0xad: {  	v29 =	vld.idx.msk [tilespmem:v29+s3+$0x0], $0xffff  }
0xae: {  	v8 =	vsub.f32 v8, v6;
	v9 =	vld.idx.msk [tilespmem:v9+s3+$0x0], $0xffff  }
0xaf: {  	v10 =	vld.idx.msk [tilespmem:v10+s3+$0x0], $0xffff  }
0xb0: {  	v0 =	vsub.f32 v0, v7;
	[tilespmem:s7+$0xFFFFFF90] =	vst v8;
	v8 =	vld.idx.msk [tilespmem:v11+s3+$0x0], $0xffff  }
0xb1: {  	[tilespmem:s8+$0xFFFFFF90] =	vst v6;
	v6 =	vld.idx.msk [tilespmem:v12+s3+$0x0], $0xffff  }
0xb2: {  	[tilespmem:s7+$0xFFFFFFA0] =	vst v0;
	v0 =	vsub.f32 v1, v4;
	v1 =	vld.idx.msk [tilespmem:v13+s3+$0x0], $0xffff  }
0xb3: {  	v11 =	vsub.f32 v29, v5;
	[tilespmem:s8+$0xFFFFFFA0] =	vst v7;
	v7 =	vld.idx.msk [tilespmem:v14+s3+$0x0], $0xffff  }
0xb4: {  	[tilespmem:s7+$0xFFFFFFB0] =	vst v0;
	v0 =	vld.idx.msk [tilespmem:v15+s3+$0x0], $0xffff  }
0xb5: {  	v9 =	vsub.f32 v9, v10;
	[tilespmem:s7+$0xFFFFFF80] =	vst v11;
	v3 =	vld.idx.msk [tilespmem:v3+s3+$0x0], $0xffff  }
0xb6: {  	[tilespmem:s8+$0xFFFFFF80] =	vst v5;
	v2 =	vld.idx.msk [tilespmem:v2+s3+$0x0], $0xffff  }
0xb7: {  	[tilespmem:s8+$0xFFFFFFB0] =	vst v4;
	v4 =	vsub.f32 v8, v6;
	v8 =	vld.idx.msk [tilespmem:v16+s3+$0x0], $0xffff  }
0xb8: {  	[tilespmem:s7+$0xFFFFFFC0] =	vst v9;
	v9 =	vld.idx.msk [tilespmem:v17+s3+$0x0], $0xffff  }
0xb9: {  	v1 =	vsub.f32 v1, v7;
	[tilespmem:s8+$0xFFFFFFC0] =	vst v10;
	v10 =	vld.idx.msk [tilespmem:v18+s3+$0x0], $0xffff  }
0xba: {  	[tilespmem:s7+$0xFFFFFFD0] =	vst v4;
	v4 =	vld.idx.msk [tilespmem:v19+s3+$0x0], $0xffff  }
0xbb: {  	v5 =	vsub.f32 v0, v3;
	[tilespmem:s8+$0xFFFFFFD0] =	vst v6;
	v0 =	vld.idx.msk [tilespmem:v20+s3+$0x0], $0xffff  }
0xbc: {  	[tilespmem:s7+$0xFFFFFFE0] =	vst v1;
	v11 =	vld.idx.msk [tilespmem:v21+s3+$0x0], $0xffff  }
0xbd: {  	v6 =	vsub.f32 v2, v8;
	[tilespmem:s8+$0xFFFFFFE0] =	vst v7;
	v1 =	vld.idx.msk [tilespmem:v22+s3+$0x0], $0xffff  }
0xbe: {  	[tilespmem:s7+$0xFFFFFFF0] =	vst v5;
	v5 =	vld.idx.msk [tilespmem:v23+s3+$0x0], $0xffff  }
.Ltmp0:
0xbf: {  	v7 =	vsub.f32 v9, v10;
	[tilespmem:s8+$0xFFFFFFF0] =	vst v3;
	v2 =	vld.idx.msk [tilespmem:v24+s3+$0x0], $0xffff;
	(pc) =	sbr.rel @p0 .LBB2_3-.Ltmp0, $4  }
0xc0: {  	[tilespmem:s7+$0x0] =	vst v6;
	v6 =	vld.idx.msk [tilespmem:v25+s3+$0x0], $0xffff  }
0xc1: {  	v9 =	vsub.f32 v4, v0;
	[tilespmem:s8+$0x0] =	vst v8;
	v3 =	vld.idx.msk [tilespmem:v26+s3+$0x0], $0xffff  }
0xc2: {  	[tilespmem:s7+$0x10] =	vst v7;
	v7 =	vld.idx.msk [tilespmem:v27+s3+$0x0], $0xffff  }
0xc3: {  	s10 =	sadd.s32 $0x100, s10;
	v8 =	vsub.f32 v11, v1;
	[tilespmem:s8+$0x10] =	vst v10;
	v4 =	vld.idx.msk [tilespmem:v28+s3+$0x0], $0xffff  }
0xc4: {  	[tilespmem:s7+$0x20] =	vst v9  }
0xc5: {  	[tilespmem:s8+$0x20] =	vst v0  }
0xc6: {  	v0 =	vsub.f32 v5, v2;
	[tilespmem:s7+$0x30] =	vst v8  }
0xc7: {  	[tilespmem:s8+$0x30] =	vst v1  }
0xc8: {  	v1 =	vsub.f32 v6, v3;
	[tilespmem:s7+$0x40] =	vst v0  }
0xc9: {  	[tilespmem:s8+$0x40] =	vst v2  }
0xca: {  	s9 =	sshll.u32 s28, $0xF;
	v0 =	vsub.f32 v7, v4;
	[tilespmem:s7+$0x50] =	vst v1  }
0xcb: {  	s6 =	sadd.s32 s9, s12;
	[tilespmem:s8+$0x50] =	vst v3  }
0xcc: {  	s9 =	sadd.s32 s9, s15;
	s6 =	sshrl.u32 s6, $0x3;
	[tilespmem:s7+$0x60] =	vst v0  }
0xcd: {  	s13 =	simm.s32 $0xA000;
	s11 =	sadd.s32 s2, s6;
	s7 =	sshrl.u32 s9, $0x3;
	[tilespmem:s8+$0x60] =	vst v4  }
0xce: {  	[hbm4b:s11+s24] =	stream.strided.scatter [tilespmem:s13], [sflag:$0x1], $0x1000, s25, s24, $0x38;
	[tilespmem:$0x1A000] =	vst v63  }
0xcf: {  	s10 =	sadd.s32 s2, s7;
	s11 =	simm.s32 $0x12000;
	s13 =	simm.s32 $0x8080  }
0xd0: {  	[hbm4b:s10+s24] =	stream.strided.scatter [tilespmem:s11], [sflag:$0x1], $0x1000, s25, s24, $0x38;
	[tilespmem:$0x1A000] =	vst v63  }
0xd1: {  	s8 =	simm.s32 $0x9080;
	v0 =	vld [tilespmem:s13+$0x70]  }
0xd2: {  	v1 =	vld [tilespmem:s8+$0x70]  }
0xd3: {  	v2 =	vld [tilespmem:s8+$0xFFFFFF80]  }
0xd4: {  	v3 =	vld [tilespmem:s13+$0xFFFFFF90]  }
0xd5: {  	v4 =	vld [tilespmem:s8+$0xFFFFFF90]  }
0xd6: {  	v5 =	vld [tilespmem:s13+$0xFFFFFFA0]  }
0xd7: {  	v6 =	vld [tilespmem:s8+$0xFFFFFFA0]  }
0xd8: {  	v7 =	vld [tilespmem:s13+$0xFFFFFFB0]  }
0xd9: {  	v8 =	vld [tilespmem:s8+$0xFFFFFFB0]  }
0xda: {  	v9 =	vld [tilespmem:s13+$0xFFFFFFC0]  }
0xdb: {  	v10 =	vld [tilespmem:s8+$0xFFFFFFC0]  }
0xdc: {  	v11 =	vld [tilespmem:s13+$0xFFFFFFD0]  }
0xdd: {  	v12 =	vld [tilespmem:s8+$0xFFFFFFD0]  }
0xde: {  	v13 =	vld [tilespmem:s13+$0xFFFFFFE0]  }
0xdf: {  	v14 =	vld [tilespmem:s8+$0xFFFFFFE0]  }
0xe0: {  	v15 =	vld [tilespmem:s13+$0xFFFFFFF0]  }
0xe1: {  	v16 =	vld [tilespmem:s8+$0xFFFFFFF0]  }
0xe2: {  	v17 =	vld [tilespmem:s13+$0x0]  }
0xe3: {  	v18 =	vld [tilespmem:s8+$0x0]  }
0xe4: {  	v19 =	vld [tilespmem:s13+$0x10]  }
0xe5: {  	v20 =	vld [tilespmem:s8+$0x10]  }
0xe6: {  	v21 =	vld [tilespmem:s13+$0x20]  }
0xe7: {  	v22 =	vld [tilespmem:s8+$0x20]  }
0xe8: {  	v23 =	vld [tilespmem:s13+$0x30]  }
0xe9: {  	v24 =	vld [tilespmem:s8+$0x30]  }
0xea: {  	v25 =	vld [tilespmem:s13+$0x40]  }
0xeb: {  	v26 =	vld [tilespmem:s8+$0x40]  }
0xec: {  	v27 =	vld [tilespmem:s13+$0x50];
	v0 =	vadd.s32 $0x1000, v0  }
0xed: {  	v28 =	vld [tilespmem:s8+$0x50];
	v1 =	vadd.s32 $0x1000, v1  }
0xee: {  	v29 =	vld [tilespmem:s13+$0x60];
	v2 =	vadd.s32 $0x1000, v2  }
0xef: {  	v30 =	vld [tilespmem:s8+$0x60];
	v3 =	vadd.s32 $0x1000, v3  }
0xf0: {  	v31 =	vld [tilespmem:s13+$0xFFFFFF80];
	v4 =	vadd.s32 $0x1000, v4  }
0xf1: {  	v5 =	vadd.s32 $0x1000, v5;
	v0 =	vld.idx.msk [tilespmem:v0+s3+$0x0], $0xffff  }
0xf2: {  	v6 =	vadd.s32 $0x1000, v6;
	v1 =	vld.idx.msk [tilespmem:v1+s3+$0x0], $0xffff  }
0xf3: {  	v7 =	vadd.s32 $0x1000, v7;
	v2 =	vld.idx.msk [tilespmem:v2+s3+$0x0], $0xffff  }
0xf4: {  	v8 =	vadd.s32 $0x1000, v8;
	v3 =	vld.idx.msk [tilespmem:v3+s3+$0x0], $0xffff  }
0xf5: {  	v9 =	vadd.s32 $0x1000, v9;
	v4 =	vld.idx.msk [tilespmem:v4+s3+$0x0], $0xffff  }
0xf6: {  	v10 =	vadd.s32 $0x1000, v10;
	v5 =	vld.idx.msk [tilespmem:v5+s3+$0x0], $0xffff  }
0xf7: {  	v31 =	vadd.s32 $0x1000, v31;
	v6 =	vld.idx.msk [tilespmem:v6+s3+$0x0], $0xffff  }
0xf8: {  	v11 =	vadd.s32 $0x1000, v11;
	v7 =	vld.idx.msk [tilespmem:v7+s3+$0x0], $0xffff  }
0xf9: {  	v12 =	vadd.s32 $0x1000, v12;
	v8 =	vld.idx.msk [tilespmem:v8+s3+$0x0], $0xffff;
	v0 =	vsub.f32 v0, v1  }
0xfa: {  	s9 =	simm.s32 $0xB0F0;
	v57 =	vadd.s32 $0x1000, v18;
	v9 =	vld.idx.msk [tilespmem:v9+s3+$0x0], $0xffff;
	v3 =	vsub.f32 v3, v4  }
0xfb: {  	v13 =	vadd.s32 $0x1000, v13;
	v10 =	vld.idx.msk [tilespmem:v10+s3+$0x0], $0xffff;
	[tilespmem:s9+$0x0] =	vst v0  }
0xfc: {  	s10 =	simm.s32 $0x130F0;
	v55 =	vld.idx.msk [tilespmem:v31+s3+$0x0], $0xffff;
	v0 =	vadd.s32 $0x1000, v14;
	[tilespmem:s9+$0xFFFFFF20] =	vst v3  }
0xfd: {  	v56 =	vadd.s32 $0x1000, v16;
	v3 =	vsub.f32 v5, v6;
	v5 =	vld.idx.msk [tilespmem:v11+s3+$0x0], $0xffff;
	[tilespmem:s10+$0x0] =	vst v1  }
0xfe: {  	v1 =	vadd.s32 $0x1000, v15;
	[tilespmem:s10+$0xFFFFFF20] =	vst v4;
	v4 =	vld.idx.msk [tilespmem:v12+s3+$0x0], $0xffff  }
0xff: {  	v11 =	vadd.s32 $0x1000, v17;
	v12 =	vld.idx.msk [tilespmem:v57+s3+$0x0], $0xffff;
	[tilespmem:s9+$0xFFFFFF30] =	vst v3;
	v3 =	vsub.f32 v7, v8  }
0x100: {  	v58 =	vadd.s32 $0x1000, v19;
	v7 =	vld.idx.msk [tilespmem:v13+s3+$0x0], $0xffff;
	[tilespmem:s10+$0xFFFFFF30] =	vst v6  }
0x101: {  	v14 =	vsub.f32 v55, v2;
	[tilespmem:s9+$0xFFFFFF40] =	vst v3;
	v3 =	vsub.f32 v9, v10;
	v9 =	vadd.s32 $0x1000, v21;
	v6 =	vld.idx.msk [tilespmem:v0+s3+$0x0], $0xffff  }
0x102: {  	v0 =	vadd.s32 $0x1000, v20;
	[tilespmem:s10+$0xFFFFFF40] =	vst v8;
	v8 =	vld.idx.msk [tilespmem:v56+s3+$0x0], $0xffff  }
0x103: {  	v59 =	vadd.s32 $0x1000, v22;
	[tilespmem:s9+$0xFFFFFF10] =	vst v14;
	v1 =	vld.idx.msk [tilespmem:v1+s3+$0x0], $0xffff  }
0x104: {  	[tilespmem:s9+$0xFFFFFF50] =	vst v3;
	v3 =	vld.idx.msk [tilespmem:v11+s3+$0x0], $0xffff;
	v11 =	vadd.s32 $0x1000, v23  }
0x105: {  	v60 =	vadd.s32 $0x1000, v24;
	v13 =	vld.idx.msk [tilespmem:v58+s3+$0x0], $0xffff;
	[tilespmem:s10+$0xFFFFFF10] =	vst v2;
	v5 =	vsub.f32 v5, v4  }
0x106: {  	v2 =	vadd.s32 $0x1000, v25;
	[tilespmem:s10+$0xFFFFFF50] =	vst v10;
	v9 =	vld.idx.msk [tilespmem:v9+s3+$0x0], $0xffff  }
0x107: {  	v61 =	vadd.s32 $0x1000, v26;
	[tilespmem:s9+$0xFFFFFF60] =	vst v5;
	v10 =	vld.idx.msk [tilespmem:v0+s3+$0x0], $0xffff;
	v7 =	vsub.f32 v7, v6  }
0x108: {  	v62 =	vadd.s32 $0x1000, v27;
	[tilespmem:s10+$0xFFFFFF60] =	vst v4;
	v0 =	vld.idx.msk [tilespmem:v59+s3+$0x0], $0xffff  }
0x109: {  	v4 =	vadd.s32 $0x1000, v28;
	v5 =	vsub.f32 v1, v8;
	v11 =	vld.idx.msk [tilespmem:v11+s3+$0x0], $0xffff;
	[tilespmem:s9+$0xFFFFFF70] =	vst v7  }
0x10a: {  	v63 =	vadd.s32 $0x1000, v30;
	v1 =	vld.idx.msk [tilespmem:v60+s3+$0x0], $0xffff;
	v3 =	vsub.f32 v3, v12;
	[tilespmem:s10+$0xFFFFFF70] =	vst v6  }
0x10b: {  	v7 =	vadd.s32 $0x1000, v29;
	[tilespmem:s9+$0xFFFFFF80] =	vst v5;
	v5 =	vld.idx.msk [tilespmem:v2+s3+$0x0], $0xffff  }
0x10c: {  	v2 =	vld.idx.msk [tilespmem:v61+s3+$0x0], $0xffff;
	[tilespmem:s9+$0xFFFFFF90] =	vst v3  }
0x10d: {  	v6 =	vld.idx.msk [tilespmem:v62+s3+$0x0], $0xffff;
	[tilespmem:s10+$0xFFFFFF80] =	vst v8;
	v8 =	vsub.f32 v13, v10  }
0x10e: {  	[tilespmem:s10+$0xFFFFFF90] =	vst v12;
	v3 =	vld.idx.msk [tilespmem:v4+s3+$0x0], $0xffff  }
0x10f: {  	v4 =	vld.idx.msk [tilespmem:v63+s3+$0x0], $0xffff;
	v9 =	vsub.f32 v9, v0;
	[tilespmem:s9+$0xFFFFFFA0] =	vst v8  }
0x110: {  	s11 =	simm.s32 $0x0;
	s13 =	simm.s32 $0x8180;
	v7 =	vld.idx.msk [tilespmem:v7+s3+$0x0], $0xffff;
	v8 =	vsub.f32 v11, v1;
	[tilespmem:s10+$0xFFFFFFA0] =	vst v10  }
.LBB2_5:
0x111: {  	v10 =	vld [tilespmem:s13+$0x70];
	[tilespmem:s9+$0xFFFFFFB0] =	vst v9;
	s8 =	sadd.s32 $0x100, s8  }
0x112: {  	v9 =	vld [tilespmem:s8+$0x70];
	[tilespmem:s10+$0xFFFFFFB0] =	vst v0;
	v0 =	vsub.f32 v5, v2  }
0x113: {  	s11 =	sadd.s32 $0x10, s11;
	v5 =	vld [tilespmem:s8+$0xFFFFFF80];
	[tilespmem:s9+$0xFFFFFFC0] =	vst v8  }
0x114: {  	p0 =	slt.u32 s11, $0xF0;
	v8 =	vld [tilespmem:s13+$0xFFFFFF90];
	[tilespmem:s10+$0xFFFFFFC0] =	vst v1;
	v1 =	vsub.f32 v6, v3  }
0x115: {  	v6 =	vld [tilespmem:s8+$0xFFFFFF90];
	[tilespmem:s9+$0xFFFFFFD0] =	vst v0  }
0x116: {  	v0 =	vld [tilespmem:s13+$0xFFFFFFA0];
	v10 =	vadd.s32 $0x1000, v10;
	[tilespmem:s10+$0xFFFFFFD0] =	vst v2;
	v2 =	vsub.f32 v7, v4  }
0x117: {  	v7 =	vld [tilespmem:s8+$0xFFFFFFA0];
	v9 =	vadd.s32 $0x1000, v9;
	[tilespmem:s9+$0xFFFFFFE0] =	vst v1  }
0x118: {  	v1 =	vadd.s32 $0x1000, v5;
	v5 =	vld [tilespmem:s13+$0xFFFFFFB0];
	[tilespmem:s10+$0xFFFFFFE0] =	vst v3  }
0x119: {  	v3 =	vadd.s32 $0x1000, v8;
	v8 =	vld [tilespmem:s8+$0xFFFFFFB0];
	[tilespmem:s9+$0xFFFFFFF0] =	vst v2  }
0x11a: {  	v2 =	vadd.s32 $0x1000, v6;
	v6 =	vld [tilespmem:s13+$0xFFFFFFC0];
	[tilespmem:s10+$0xFFFFFFF0] =	vst v4  }
0x11b: {  	v0 =	vadd.s32 $0x1000, v0;
	v4 =	vld.idx.msk [tilespmem:v10+s3+$0x0], $0xffff  }
0x11c: {  	v7 =	vadd.s32 $0x1000, v7;
	v9 =	vld.idx.msk [tilespmem:v9+s3+$0x0], $0xffff  }
0x11d: {  	v5 =	vadd.s32 $0x1000, v5;
	v10 =	vld [tilespmem:s8+$0xFFFFFFC0]  }
0x11e: {  	v8 =	vadd.s32 $0x1000, v8;
	v11 =	vld [tilespmem:s13+$0xFFFFFFD0]  }
0x11f: {  	v6 =	vadd.s32 $0x1000, v6;
	v12 =	vld [tilespmem:s8+$0xFFFFFFD0]  }
0x120: {  	v13 =	vld [tilespmem:s13+$0xFFFFFFE0]  }
0x121: {  	v14 =	vld [tilespmem:s8+$0xFFFFFFE0]  }
0x122: {  	v4 =	vsub.f32 v4, v9;
	v10 =	vadd.s32 $0x1000, v10;
	v15 =	vld [tilespmem:s13+$0xFFFFFFF0]  }
0x123: {  	s9 =	sadd.s32 $0x100, s9;
	v11 =	vadd.s32 $0x1000, v11;
	v16 =	vld [tilespmem:s8+$0xFFFFFFF0]  }
0x124: {  	s10 =	sadd.s32 $0x100, s10;
	v12 =	vadd.s32 $0x1000, v12;
	v17 =	vld [tilespmem:s13+$0x0];
	[tilespmem:s9+$0x0] =	vst v4  }
0x125: {  	v4 =	vadd.s32 $0x1000, v13;
	v13 =	vld [tilespmem:s8+$0x0];
	[tilespmem:s10+$0x0] =	vst v9  }
0x126: {  	v9 =	vadd.s32 $0x1000, v14;
	v14 =	vld [tilespmem:s13+$0x10]  }
0x127: {  	v15 =	vadd.s32 $0x1000, v15;
	v18 =	vld [tilespmem:s8+$0x10]  }
0x128: {  	v16 =	vadd.s32 $0x1000, v16;
	v19 =	vld [tilespmem:s13+$0x20]  }
0x129: {  	v17 =	vadd.s32 $0x1000, v17;
	v20 =	vld [tilespmem:s8+$0x20]  }
0x12a: {  	v13 =	vadd.s32 $0x1000, v13;
	v21 =	vld [tilespmem:s13+$0x30]  }
0x12b: {  	v14 =	vadd.s32 $0x1000, v14;
	v22 =	vld [tilespmem:s8+$0x30]  }
0x12c: {  	v18 =	vadd.s32 $0x1000, v18;
	v23 =	vld [tilespmem:s13+$0x40]  }
0x12d: {  	v19 =	vadd.s32 $0x1000, v19;
	v24 =	vld [tilespmem:s8+$0x40]  }
0x12e: {  	v20 =	vadd.s32 $0x1000, v20;
	v25 =	vld [tilespmem:s13+$0x50]  }
0x12f: {  	v21 =	vadd.s32 $0x1000, v21;
	v26 =	vld [tilespmem:s8+$0x50]  }
0x130: {  	v22 =	vadd.s32 $0x1000, v22;
	v27 =	vld [tilespmem:s13+$0x60]  }
0x131: {  	v23 =	vadd.s32 $0x1000, v23;
	v28 =	vld [tilespmem:s8+$0x60]  }
0x132: {  	v29 =	vld [tilespmem:s13+$0xFFFFFF80];
	v24 =	vadd.s32 $0x1000, v24  }
0x133: {  	v1 =	vld.idx.msk [tilespmem:v1+s3+$0x0], $0xffff;
	v25 =	vadd.s32 $0x1000, v25  }
0x134: {  	v3 =	vld.idx.msk [tilespmem:v3+s3+$0x0], $0xffff;
	v26 =	vadd.s32 $0x1000, v26  }
0x135: {  	v2 =	vld.idx.msk [tilespmem:v2+s3+$0x0], $0xffff;
	v27 =	vadd.s32 $0x1000, v27  }
0x136: {  	v0 =	vld.idx.msk [tilespmem:v0+s3+$0x0], $0xffff;
	v28 =	vadd.s32 $0x1000, v28  }
0x137: {  	v29 =	vadd.s32 $0x1000, v29;
	v7 =	vld.idx.msk [tilespmem:v7+s3+$0x0], $0xffff  }
0x138: {  	v5 =	vld.idx.msk [tilespmem:v5+s3+$0x0], $0xffff  }
0x139: {  	v8 =	vld.idx.msk [tilespmem:v8+s3+$0x0], $0xffff  }
0x13a: {  	v6 =	vld.idx.msk [tilespmem:v6+s3+$0x0], $0xffff  }
0x13b: {  	v3 =	vsub.f32 v3, v2;
	v10 =	vld.idx.msk [tilespmem:v10+s3+$0x0], $0xffff  }
0x13c: {  	v29 =	vld.idx.msk [tilespmem:v29+s3+$0x0], $0xffff  }
0x13d: {  	v0 =	vsub.f32 v0, v7;
	[tilespmem:s9+$0xFFFFFF20] =	vst v3;
	v3 =	vld.idx.msk [tilespmem:v11+s3+$0x0], $0xffff  }
0x13e: {  	[tilespmem:s10+$0xFFFFFF20] =	vst v2;
	v2 =	vld.idx.msk [tilespmem:v12+s3+$0x0], $0xffff  }
0x13f: {  	[tilespmem:s9+$0xFFFFFF30] =	vst v0;
	v0 =	vsub.f32 v5, v8;
	v4 =	vld.idx.msk [tilespmem:v4+s3+$0x0], $0xffff  }
0x140: {  	[tilespmem:s10+$0xFFFFFF30] =	vst v7;
	v5 =	vld.idx.msk [tilespmem:v9+s3+$0x0], $0xffff  }
0x141: {  	[tilespmem:s9+$0xFFFFFF40] =	vst v0;
	v0 =	vsub.f32 v6, v10;
	v6 =	vld.idx.msk [tilespmem:v15+s3+$0x0], $0xffff  }
0x142: {  	v7 =	vsub.f32 v29, v1;
	[tilespmem:s10+$0xFFFFFF40] =	vst v8;
	v8 =	vld.idx.msk [tilespmem:v16+s3+$0x0], $0xffff  }
0x143: {  	[tilespmem:s9+$0xFFFFFF50] =	vst v0;
	v9 =	vld.idx.msk [tilespmem:v17+s3+$0x0], $0xffff  }
0x144: {  	v0 =	vsub.f32 v3, v2;
	[tilespmem:s9+$0xFFFFFF10] =	vst v7;
	v3 =	vld.idx.msk [tilespmem:v13+s3+$0x0], $0xffff  }
0x145: {  	[tilespmem:s10+$0xFFFFFF10] =	vst v1;
	v7 =	vld.idx.msk [tilespmem:v14+s3+$0x0], $0xffff  }
0x146: {  	v1 =	vsub.f32 v4, v5;
	[tilespmem:s10+$0xFFFFFF50] =	vst v10;
	v4 =	vld.idx.msk [tilespmem:v18+s3+$0x0], $0xffff  }
0x147: {  	[tilespmem:s9+$0xFFFFFF60] =	vst v0;
	v10 =	vld.idx.msk [tilespmem:v19+s3+$0x0], $0xffff  }
0x148: {  	[tilespmem:s10+$0xFFFFFF60] =	vst v2;
	v2 =	vsub.f32 v6, v8;
	v0 =	vld.idx.msk [tilespmem:v20+s3+$0x0], $0xffff  }
0x149: {  	[tilespmem:s9+$0xFFFFFF70] =	vst v1;
	v11 =	vld.idx.msk [tilespmem:v21+s3+$0x0], $0xffff  }
0x14a: {  	v6 =	vsub.f32 v9, v3;
	[tilespmem:s10+$0xFFFFFF70] =	vst v5;
	v1 =	vld.idx.msk [tilespmem:v22+s3+$0x0], $0xffff  }
0x14b: {  	[tilespmem:s9+$0xFFFFFF80] =	vst v2;
	v5 =	vld.idx.msk [tilespmem:v23+s3+$0x0], $0xffff  }
.Ltmp1:
0x14c: {  	v7 =	vsub.f32 v7, v4;
	[tilespmem:s10+$0xFFFFFF80] =	vst v8;
	v2 =	vld.idx.msk [tilespmem:v24+s3+$0x0], $0xffff;
	(pc) =	sbr.rel @p0 .LBB2_5-.Ltmp1, $4  }
0x14d: {  	[tilespmem:s9+$0xFFFFFF90] =	vst v6;
	v6 =	vld.idx.msk [tilespmem:v25+s3+$0x0], $0xffff  }
0x14e: {  	v9 =	vsub.f32 v10, v0;
	[tilespmem:s10+$0xFFFFFF90] =	vst v3;
	v3 =	vld.idx.msk [tilespmem:v26+s3+$0x0], $0xffff  }
0x14f: {  	[tilespmem:s9+$0xFFFFFFA0] =	vst v7;
	v7 =	vld.idx.msk [tilespmem:v27+s3+$0x0], $0xffff  }
0x150: {  	s13 =	sadd.s32 $0x100, s13;
	v8 =	vsub.f32 v11, v1;
	[tilespmem:s10+$0xFFFFFFA0] =	vst v4;
	v4 =	vld.idx.msk [tilespmem:v28+s3+$0x0], $0xffff  }
0x151: {  	[tilespmem:s9+$0xFFFFFFB0] =	vst v9  }
0x152: {  	[tilespmem:s10+$0xFFFFFFB0] =	vst v0  }
0x153: {  	v0 =	vsub.f32 v5, v2;
	[tilespmem:s9+$0xFFFFFFC0] =	vst v8  }
0x154: {  	[tilespmem:s10+$0xFFFFFFC0] =	vst v1  }
0x155: {  	v1 =	vsub.f32 v6, v3;
	[tilespmem:s9+$0xFFFFFFD0] =	vst v0  }
0x156: {  	[tilespmem:s10+$0xFFFFFFD0] =	vst v2  }
0x157: {  	v0 =	vsub.f32 v7, v4;
	[tilespmem:s9+$0xFFFFFFE0] =	vst v1  }
0x158: {  	[tilespmem:s10+$0xFFFFFFE0] =	vst v3  }
0x159: {  	[tilespmem:s9+$0xFFFFFFF0] =	vst v0  }
0x15a: {  	s8 =	sadd.s32 s6, s16;
	s13 =	simm.s32 $0xB000;
	[tilespmem:s10+$0xFFFFFFF0] =	vst v4  }
0x15b: {  	[hbm4b:s8+s24] =	stream.strided.scatter [tilespmem:s13], [sflag:$0x1], $0x1000, s25, s24, $0x38;
	[tilespmem:$0x1A000] =	vst v63  }
0x15c: {  	s11 =	simm.s32 $0x13000;
	s10 =	sadd.s32 s7, s16;
	s13 =	simm.s32 $0x8080  }
0x15d: {  	[hbm4b:s10+s24] =	stream.strided.scatter [tilespmem:s11], [sflag:$0x1], $0x1000, s25, s24, $0x38;
	[tilespmem:$0x1A000] =	vst v63  }
0x15e: {  	s8 =	simm.s32 $0x9080;
	v0 =	vld [tilespmem:s13+$0x70]  }
0x15f: {  	v1 =	vld [tilespmem:s8+$0x70]  }
0x160: {  	v2 =	vld [tilespmem:s8+$0xFFFFFF80]  }
0x161: {  	v3 =	vld [tilespmem:s13+$0xFFFFFF90]  }
0x162: {  	v4 =	vld [tilespmem:s8+$0xFFFFFF90]  }
0x163: {  	v5 =	vld [tilespmem:s13+$0xFFFFFFA0]  }
0x164: {  	v6 =	vld [tilespmem:s8+$0xFFFFFFA0]  }
0x165: {  	v7 =	vld [tilespmem:s13+$0xFFFFFFB0]  }
0x166: {  	v8 =	vld [tilespmem:s8+$0xFFFFFFB0]  }
0x167: {  	v9 =	vld [tilespmem:s13+$0xFFFFFFC0]  }
0x168: {  	v10 =	vld [tilespmem:s8+$0xFFFFFFC0]  }
0x169: {  	v11 =	vld [tilespmem:s13+$0xFFFFFFD0]  }
0x16a: {  	v12 =	vld [tilespmem:s8+$0xFFFFFFD0]  }
0x16b: {  	v13 =	vld [tilespmem:s13+$0xFFFFFFE0]  }
0x16c: {  	v14 =	vld [tilespmem:s8+$0xFFFFFFE0]  }
0x16d: {  	v15 =	vld [tilespmem:s13+$0xFFFFFFF0]  }
0x16e: {  	v16 =	vld [tilespmem:s8+$0xFFFFFFF0]  }
0x16f: {  	v17 =	vld [tilespmem:s13+$0x0]  }
0x170: {  	v18 =	vld [tilespmem:s8+$0x0]  }
0x171: {  	v19 =	vld [tilespmem:s13+$0x10]  }
0x172: {  	v20 =	vld [tilespmem:s8+$0x10]  }
0x173: {  	v21 =	vld [tilespmem:s13+$0x20]  }
0x174: {  	v22 =	vld [tilespmem:s8+$0x20]  }
0x175: {  	v23 =	vld [tilespmem:s13+$0x30]  }
0x176: {  	v24 =	vld [tilespmem:s8+$0x30]  }
0x177: {  	v25 =	vld [tilespmem:s13+$0x40]  }
0x178: {  	v26 =	vld [tilespmem:s8+$0x40]  }
0x179: {  	v27 =	vld [tilespmem:s13+$0x50];
	v0 =	vadd.s32 $0x2000, v0  }
0x17a: {  	v28 =	vld [tilespmem:s8+$0x50];
	v1 =	vadd.s32 $0x2000, v1  }
0x17b: {  	v29 =	vld [tilespmem:s13+$0x60];
	v2 =	vadd.s32 $0x2000, v2  }
0x17c: {  	v30 =	vld [tilespmem:s8+$0x60];
	v3 =	vadd.s32 $0x2000, v3  }
0x17d: {  	v31 =	vld [tilespmem:s13+$0xFFFFFF80];
	v4 =	vadd.s32 $0x2000, v4  }
0x17e: {  	v5 =	vadd.s32 $0x2000, v5;
	v0 =	vld.idx.msk [tilespmem:v0+s3+$0x0], $0xffff  }
0x17f: {  	v6 =	vadd.s32 $0x2000, v6;
	v1 =	vld.idx.msk [tilespmem:v1+s3+$0x0], $0xffff  }
0x180: {  	v7 =	vadd.s32 $0x2000, v7;
	v2 =	vld.idx.msk [tilespmem:v2+s3+$0x0], $0xffff  }
0x181: {  	v8 =	vadd.s32 $0x2000, v8;
	v3 =	vld.idx.msk [tilespmem:v3+s3+$0x0], $0xffff  }
0x182: {  	v9 =	vadd.s32 $0x2000, v9;
	v4 =	vld.idx.msk [tilespmem:v4+s3+$0x0], $0xffff  }
0x183: {  	v10 =	vadd.s32 $0x2000, v10;
	v5 =	vld.idx.msk [tilespmem:v5+s3+$0x0], $0xffff  }
0x184: {  	v31 =	vadd.s32 $0x2000, v31;
	v6 =	vld.idx.msk [tilespmem:v6+s3+$0x0], $0xffff  }
0x185: {  	v11 =	vadd.s32 $0x2000, v11;
	v7 =	vld.idx.msk [tilespmem:v7+s3+$0x0], $0xffff  }
0x186: {  	v12 =	vadd.s32 $0x2000, v12;
	v8 =	vld.idx.msk [tilespmem:v8+s3+$0x0], $0xffff;
	v0 =	vsub.f32 v0, v1  }
0x187: {  	s9 =	simm.s32 $0xC0F0;
	v57 =	vadd.s32 $0x2000, v18;
	v9 =	vld.idx.msk [tilespmem:v9+s3+$0x0], $0xffff;
	v3 =	vsub.f32 v3, v4  }
0x188: {  	v13 =	vadd.s32 $0x2000, v13;
	v10 =	vld.idx.msk [tilespmem:v10+s3+$0x0], $0xffff;
	[tilespmem:s9+$0x0] =	vst v0  }
0x189: {  	s10 =	simm.s32 $0x140F0;
	v55 =	vld.idx.msk [tilespmem:v31+s3+$0x0], $0xffff;
	v0 =	vadd.s32 $0x2000, v14;
	[tilespmem:s9+$0xFFFFFF20] =	vst v3  }
0x18a: {  	v56 =	vadd.s32 $0x2000, v16;
	v3 =	vsub.f32 v5, v6;
	v5 =	vld.idx.msk [tilespmem:v11+s3+$0x0], $0xffff;
	[tilespmem:s10+$0x0] =	vst v1  }
0x18b: {  	v1 =	vadd.s32 $0x2000, v15;
	[tilespmem:s10+$0xFFFFFF20] =	vst v4;
	v4 =	vld.idx.msk [tilespmem:v12+s3+$0x0], $0xffff  }
0x18c: {  	v11 =	vadd.s32 $0x2000, v17;
	v12 =	vld.idx.msk [tilespmem:v57+s3+$0x0], $0xffff;
	[tilespmem:s9+$0xFFFFFF30] =	vst v3;
	v3 =	vsub.f32 v7, v8  }
0x18d: {  	v58 =	vadd.s32 $0x2000, v19;
	v7 =	vld.idx.msk [tilespmem:v13+s3+$0x0], $0xffff;
	[tilespmem:s10+$0xFFFFFF30] =	vst v6  }
0x18e: {  	v14 =	vsub.f32 v55, v2;
	[tilespmem:s9+$0xFFFFFF40] =	vst v3;
	v3 =	vsub.f32 v9, v10;
	v9 =	vadd.s32 $0x2000, v21;
	v6 =	vld.idx.msk [tilespmem:v0+s3+$0x0], $0xffff  }
0x18f: {  	v0 =	vadd.s32 $0x2000, v20;
	[tilespmem:s10+$0xFFFFFF40] =	vst v8;
	v8 =	vld.idx.msk [tilespmem:v56+s3+$0x0], $0xffff  }
0x190: {  	v59 =	vadd.s32 $0x2000, v22;
	[tilespmem:s9+$0xFFFFFF10] =	vst v14;
	v1 =	vld.idx.msk [tilespmem:v1+s3+$0x0], $0xffff  }
0x191: {  	[tilespmem:s9+$0xFFFFFF50] =	vst v3;
	v3 =	vld.idx.msk [tilespmem:v11+s3+$0x0], $0xffff;
	v11 =	vadd.s32 $0x2000, v23  }
0x192: {  	v60 =	vadd.s32 $0x2000, v24;
	v13 =	vld.idx.msk [tilespmem:v58+s3+$0x0], $0xffff;
	[tilespmem:s10+$0xFFFFFF10] =	vst v2;
	v5 =	vsub.f32 v5, v4  }
0x193: {  	v2 =	vadd.s32 $0x2000, v25;
	[tilespmem:s10+$0xFFFFFF50] =	vst v10;
	v9 =	vld.idx.msk [tilespmem:v9+s3+$0x0], $0xffff  }
0x194: {  	v61 =	vadd.s32 $0x2000, v26;
	[tilespmem:s9+$0xFFFFFF60] =	vst v5;
	v10 =	vld.idx.msk [tilespmem:v0+s3+$0x0], $0xffff;
	v7 =	vsub.f32 v7, v6  }
0x195: {  	v62 =	vadd.s32 $0x2000, v27;
	[tilespmem:s10+$0xFFFFFF60] =	vst v4;
	v0 =	vld.idx.msk [tilespmem:v59+s3+$0x0], $0xffff  }
0x196: {  	v4 =	vadd.s32 $0x2000, v28;
	v5 =	vsub.f32 v1, v8;
	v11 =	vld.idx.msk [tilespmem:v11+s3+$0x0], $0xffff;
	[tilespmem:s9+$0xFFFFFF70] =	vst v7  }
0x197: {  	v63 =	vadd.s32 $0x2000, v30;
	v1 =	vld.idx.msk [tilespmem:v60+s3+$0x0], $0xffff;
	v3 =	vsub.f32 v3, v12;
	[tilespmem:s10+$0xFFFFFF70] =	vst v6  }
0x198: {  	v7 =	vadd.s32 $0x2000, v29;
	[tilespmem:s9+$0xFFFFFF80] =	vst v5;
	v5 =	vld.idx.msk [tilespmem:v2+s3+$0x0], $0xffff  }
0x199: {  	v2 =	vld.idx.msk [tilespmem:v61+s3+$0x0], $0xffff;
	[tilespmem:s9+$0xFFFFFF90] =	vst v3  }
0x19a: {  	v6 =	vld.idx.msk [tilespmem:v62+s3+$0x0], $0xffff;
	[tilespmem:s10+$0xFFFFFF80] =	vst v8;
	v8 =	vsub.f32 v13, v10  }
0x19b: {  	[tilespmem:s10+$0xFFFFFF90] =	vst v12;
	v3 =	vld.idx.msk [tilespmem:v4+s3+$0x0], $0xffff  }
0x19c: {  	v4 =	vld.idx.msk [tilespmem:v63+s3+$0x0], $0xffff;
	v9 =	vsub.f32 v9, v0;
	[tilespmem:s9+$0xFFFFFFA0] =	vst v8  }
0x19d: {  	s11 =	simm.s32 $0x0;
	s13 =	simm.s32 $0x8180;
	v7 =	vld.idx.msk [tilespmem:v7+s3+$0x0], $0xffff;
	v8 =	vsub.f32 v11, v1;
	[tilespmem:s10+$0xFFFFFFA0] =	vst v10  }
.LBB2_7:
0x19e: {  	v10 =	vld [tilespmem:s13+$0x70];
	[tilespmem:s9+$0xFFFFFFB0] =	vst v9;
	s8 =	sadd.s32 $0x100, s8  }
0x19f: {  	v9 =	vld [tilespmem:s8+$0x70];
	[tilespmem:s10+$0xFFFFFFB0] =	vst v0;
	v0 =	vsub.f32 v5, v2  }
0x1a0: {  	s11 =	sadd.s32 $0x10, s11;
	v5 =	vld [tilespmem:s8+$0xFFFFFF80];
	[tilespmem:s9+$0xFFFFFFC0] =	vst v8  }
0x1a1: {  	p0 =	slt.u32 s11, $0xF0;
	v8 =	vld [tilespmem:s13+$0xFFFFFF90];
	[tilespmem:s10+$0xFFFFFFC0] =	vst v1;
	v1 =	vsub.f32 v6, v3  }
0x1a2: {  	v6 =	vld [tilespmem:s8+$0xFFFFFF90];
	[tilespmem:s9+$0xFFFFFFD0] =	vst v0  }
0x1a3: {  	v0 =	vld [tilespmem:s13+$0xFFFFFFA0];
	v10 =	vadd.s32 $0x2000, v10;
	[tilespmem:s10+$0xFFFFFFD0] =	vst v2;
	v2 =	vsub.f32 v7, v4  }
0x1a4: {  	v7 =	vld [tilespmem:s8+$0xFFFFFFA0];
	v9 =	vadd.s32 $0x2000, v9;
	[tilespmem:s9+$0xFFFFFFE0] =	vst v1  }
0x1a5: {  	v1 =	vadd.s32 $0x2000, v5;
	v5 =	vld [tilespmem:s13+$0xFFFFFFB0];
	[tilespmem:s10+$0xFFFFFFE0] =	vst v3  }
0x1a6: {  	v3 =	vadd.s32 $0x2000, v8;
	v8 =	vld [tilespmem:s8+$0xFFFFFFB0];
	[tilespmem:s9+$0xFFFFFFF0] =	vst v2  }
0x1a7: {  	v2 =	vadd.s32 $0x2000, v6;
	v6 =	vld [tilespmem:s13+$0xFFFFFFC0];
	[tilespmem:s10+$0xFFFFFFF0] =	vst v4  }
0x1a8: {  	v0 =	vadd.s32 $0x2000, v0;
	v4 =	vld.idx.msk [tilespmem:v10+s3+$0x0], $0xffff  }
0x1a9: {  	v7 =	vadd.s32 $0x2000, v7;
	v9 =	vld.idx.msk [tilespmem:v9+s3+$0x0], $0xffff  }
0x1aa: {  	v5 =	vadd.s32 $0x2000, v5;
	v10 =	vld [tilespmem:s8+$0xFFFFFFC0]  }
0x1ab: {  	v8 =	vadd.s32 $0x2000, v8;
	v11 =	vld [tilespmem:s13+$0xFFFFFFD0]  }
0x1ac: {  	v6 =	vadd.s32 $0x2000, v6;
	v12 =	vld [tilespmem:s8+$0xFFFFFFD0]  }
0x1ad: {  	v13 =	vld [tilespmem:s13+$0xFFFFFFE0]  }
0x1ae: {  	v14 =	vld [tilespmem:s8+$0xFFFFFFE0]  }
0x1af: {  	v4 =	vsub.f32 v4, v9;
	v10 =	vadd.s32 $0x2000, v10;
	v15 =	vld [tilespmem:s13+$0xFFFFFFF0]  }
0x1b0: {  	s9 =	sadd.s32 $0x100, s9;
	v11 =	vadd.s32 $0x2000, v11;
	v16 =	vld [tilespmem:s8+$0xFFFFFFF0]  }
0x1b1: {  	s10 =	sadd.s32 $0x100, s10;
	v12 =	vadd.s32 $0x2000, v12;
	v17 =	vld [tilespmem:s13+$0x0];
	[tilespmem:s9+$0x0] =	vst v4  }
0x1b2: {  	v4 =	vadd.s32 $0x2000, v13;
	v13 =	vld [tilespmem:s8+$0x0];
	[tilespmem:s10+$0x0] =	vst v9  }
0x1b3: {  	v9 =	vadd.s32 $0x2000, v14;
	v14 =	vld [tilespmem:s13+$0x10]  }
0x1b4: {  	v15 =	vadd.s32 $0x2000, v15;
	v18 =	vld [tilespmem:s8+$0x10]  }
0x1b5: {  	v16 =	vadd.s32 $0x2000, v16;
	v19 =	vld [tilespmem:s13+$0x20]  }
0x1b6: {  	v17 =	vadd.s32 $0x2000, v17;
	v20 =	vld [tilespmem:s8+$0x20]  }
0x1b7: {  	v13 =	vadd.s32 $0x2000, v13;
	v21 =	vld [tilespmem:s13+$0x30]  }
0x1b8: {  	v14 =	vadd.s32 $0x2000, v14;
	v22 =	vld [tilespmem:s8+$0x30]  }
0x1b9: {  	v18 =	vadd.s32 $0x2000, v18;
	v23 =	vld [tilespmem:s13+$0x40]  }
0x1ba: {  	v19 =	vadd.s32 $0x2000, v19;
	v24 =	vld [tilespmem:s8+$0x40]  }
0x1bb: {  	v20 =	vadd.s32 $0x2000, v20;
	v25 =	vld [tilespmem:s13+$0x50]  }
0x1bc: {  	v21 =	vadd.s32 $0x2000, v21;
	v26 =	vld [tilespmem:s8+$0x50]  }
0x1bd: {  	v22 =	vadd.s32 $0x2000, v22;
	v27 =	vld [tilespmem:s13+$0x60]  }
0x1be: {  	v23 =	vadd.s32 $0x2000, v23;
	v28 =	vld [tilespmem:s8+$0x60]  }
0x1bf: {  	v29 =	vld [tilespmem:s13+$0xFFFFFF80];
	v24 =	vadd.s32 $0x2000, v24  }
0x1c0: {  	v1 =	vld.idx.msk [tilespmem:v1+s3+$0x0], $0xffff;
	v25 =	vadd.s32 $0x2000, v25  }
0x1c1: {  	v3 =	vld.idx.msk [tilespmem:v3+s3+$0x0], $0xffff;
	v26 =	vadd.s32 $0x2000, v26  }
0x1c2: {  	v2 =	vld.idx.msk [tilespmem:v2+s3+$0x0], $0xffff;
	v27 =	vadd.s32 $0x2000, v27  }
0x1c3: {  	v0 =	vld.idx.msk [tilespmem:v0+s3+$0x0], $0xffff;
	v28 =	vadd.s32 $0x2000, v28  }
0x1c4: {  	v29 =	vadd.s32 $0x2000, v29;
	v7 =	vld.idx.msk [tilespmem:v7+s3+$0x0], $0xffff  }
0x1c5: {  	v5 =	vld.idx.msk [tilespmem:v5+s3+$0x0], $0xffff  }
0x1c6: {  	v8 =	vld.idx.msk [tilespmem:v8+s3+$0x0], $0xffff  }
0x1c7: {  	v6 =	vld.idx.msk [tilespmem:v6+s3+$0x0], $0xffff  }
0x1c8: {  	v3 =	vsub.f32 v3, v2;
	v10 =	vld.idx.msk [tilespmem:v10+s3+$0x0], $0xffff  }
0x1c9: {  	v29 =	vld.idx.msk [tilespmem:v29+s3+$0x0], $0xffff  }
0x1ca: {  	v0 =	vsub.f32 v0, v7;
	[tilespmem:s9+$0xFFFFFF20] =	vst v3;
	v3 =	vld.idx.msk [tilespmem:v11+s3+$0x0], $0xffff  }
0x1cb: {  	[tilespmem:s10+$0xFFFFFF20] =	vst v2;
	v2 =	vld.idx.msk [tilespmem:v12+s3+$0x0], $0xffff  }
0x1cc: {  	[tilespmem:s9+$0xFFFFFF30] =	vst v0;
	v0 =	vsub.f32 v5, v8;
	v4 =	vld.idx.msk [tilespmem:v4+s3+$0x0], $0xffff  }
0x1cd: {  	[tilespmem:s10+$0xFFFFFF30] =	vst v7;
	v5 =	vld.idx.msk [tilespmem:v9+s3+$0x0], $0xffff  }
0x1ce: {  	[tilespmem:s9+$0xFFFFFF40] =	vst v0;
	v0 =	vsub.f32 v6, v10;
	v6 =	vld.idx.msk [tilespmem:v15+s3+$0x0], $0xffff  }
0x1cf: {  	v7 =	vsub.f32 v29, v1;
	[tilespmem:s10+$0xFFFFFF40] =	vst v8;
	v8 =	vld.idx.msk [tilespmem:v16+s3+$0x0], $0xffff  }
0x1d0: {  	[tilespmem:s9+$0xFFFFFF50] =	vst v0;
	v9 =	vld.idx.msk [tilespmem:v17+s3+$0x0], $0xffff  }
0x1d1: {  	v0 =	vsub.f32 v3, v2;
	[tilespmem:s9+$0xFFFFFF10] =	vst v7;
	v3 =	vld.idx.msk [tilespmem:v13+s3+$0x0], $0xffff  }
0x1d2: {  	[tilespmem:s10+$0xFFFFFF10] =	vst v1;
	v7 =	vld.idx.msk [tilespmem:v14+s3+$0x0], $0xffff  }
0x1d3: {  	v1 =	vsub.f32 v4, v5;
	[tilespmem:s10+$0xFFFFFF50] =	vst v10;
	v4 =	vld.idx.msk [tilespmem:v18+s3+$0x0], $0xffff  }
0x1d4: {  	[tilespmem:s9+$0xFFFFFF60] =	vst v0;
	v10 =	vld.idx.msk [tilespmem:v19+s3+$0x0], $0xffff  }
0x1d5: {  	[tilespmem:s10+$0xFFFFFF60] =	vst v2;
	v2 =	vsub.f32 v6, v8;
	v0 =	vld.idx.msk [tilespmem:v20+s3+$0x0], $0xffff  }
0x1d6: {  	[tilespmem:s9+$0xFFFFFF70] =	vst v1;
	v11 =	vld.idx.msk [tilespmem:v21+s3+$0x0], $0xffff  }
0x1d7: {  	v6 =	vsub.f32 v9, v3;
	[tilespmem:s10+$0xFFFFFF70] =	vst v5;
	v1 =	vld.idx.msk [tilespmem:v22+s3+$0x0], $0xffff  }
0x1d8: {  	[tilespmem:s9+$0xFFFFFF80] =	vst v2;
	v5 =	vld.idx.msk [tilespmem:v23+s3+$0x0], $0xffff  }
.Ltmp2:
0x1d9: {  	v7 =	vsub.f32 v7, v4;
	[tilespmem:s10+$0xFFFFFF80] =	vst v8;
	v2 =	vld.idx.msk [tilespmem:v24+s3+$0x0], $0xffff;
	(pc) =	sbr.rel @p0 .LBB2_7-.Ltmp2, $4  }
0x1da: {  	[tilespmem:s9+$0xFFFFFF90] =	vst v6;
	v6 =	vld.idx.msk [tilespmem:v25+s3+$0x0], $0xffff  }
0x1db: {  	v9 =	vsub.f32 v10, v0;
	[tilespmem:s10+$0xFFFFFF90] =	vst v3;
	v3 =	vld.idx.msk [tilespmem:v26+s3+$0x0], $0xffff  }
0x1dc: {  	[tilespmem:s9+$0xFFFFFFA0] =	vst v7;
	v7 =	vld.idx.msk [tilespmem:v27+s3+$0x0], $0xffff  }
0x1dd: {  	s13 =	sadd.s32 $0x100, s13;
	v8 =	vsub.f32 v11, v1;
	[tilespmem:s10+$0xFFFFFFA0] =	vst v4;
	v4 =	vld.idx.msk [tilespmem:v28+s3+$0x0], $0xffff  }
0x1de: {  	[tilespmem:s9+$0xFFFFFFB0] =	vst v9  }
0x1df: {  	[tilespmem:s10+$0xFFFFFFB0] =	vst v0  }
0x1e0: {  	v0 =	vsub.f32 v5, v2;
	[tilespmem:s9+$0xFFFFFFC0] =	vst v8  }
0x1e1: {  	[tilespmem:s10+$0xFFFFFFC0] =	vst v1  }
0x1e2: {  	v1 =	vsub.f32 v6, v3;
	[tilespmem:s9+$0xFFFFFFD0] =	vst v0  }
0x1e3: {  	[tilespmem:s10+$0xFFFFFFD0] =	vst v2  }
0x1e4: {  	v0 =	vsub.f32 v7, v4;
	[tilespmem:s9+$0xFFFFFFE0] =	vst v1  }
0x1e5: {  	[tilespmem:s10+$0xFFFFFFE0] =	vst v3  }
0x1e6: {  	[tilespmem:s9+$0xFFFFFFF0] =	vst v0  }
0x1e7: {  	s8 =	sadd.s32 s6, s17;
	s13 =	simm.s32 $0xC000;
	[tilespmem:s10+$0xFFFFFFF0] =	vst v4  }
0x1e8: {  	[hbm4b:s8+s24] =	stream.strided.scatter [tilespmem:s13], [sflag:$0x1], $0x1000, s25, s24, $0x38;
	[tilespmem:$0x1A000] =	vst v63  }
0x1e9: {  	s11 =	simm.s32 $0x14000;
	s10 =	sadd.s32 s7, s17;
	s13 =	simm.s32 $0x8080  }
0x1ea: {  	[hbm4b:s10+s24] =	stream.strided.scatter [tilespmem:s11], [sflag:$0x1], $0x1000, s25, s24, $0x38;
	[tilespmem:$0x1A000] =	vst v63  }
0x1eb: {  	s8 =	simm.s32 $0x9080;
	v0 =	vld [tilespmem:s13+$0x70]  }
0x1ec: {  	v1 =	vld [tilespmem:s8+$0x70]  }
0x1ed: {  	v2 =	vld [tilespmem:s8+$0xFFFFFF80]  }
0x1ee: {  	v3 =	vld [tilespmem:s13+$0xFFFFFF90]  }
0x1ef: {  	v4 =	vld [tilespmem:s8+$0xFFFFFF90]  }
0x1f0: {  	v5 =	vld [tilespmem:s13+$0xFFFFFFA0]  }
0x1f1: {  	v6 =	vld [tilespmem:s8+$0xFFFFFFA0]  }
0x1f2: {  	v7 =	vld [tilespmem:s13+$0xFFFFFFB0]  }
0x1f3: {  	v8 =	vld [tilespmem:s8+$0xFFFFFFB0]  }
0x1f4: {  	v9 =	vld [tilespmem:s13+$0xFFFFFFC0]  }
0x1f5: {  	v10 =	vld [tilespmem:s8+$0xFFFFFFC0]  }
0x1f6: {  	v11 =	vld [tilespmem:s13+$0xFFFFFFD0]  }
0x1f7: {  	v12 =	vld [tilespmem:s8+$0xFFFFFFD0]  }
0x1f8: {  	v13 =	vld [tilespmem:s13+$0xFFFFFFE0]  }
0x1f9: {  	v14 =	vld [tilespmem:s8+$0xFFFFFFE0]  }
0x1fa: {  	v15 =	vld [tilespmem:s13+$0xFFFFFFF0]  }
0x1fb: {  	v16 =	vld [tilespmem:s8+$0xFFFFFFF0]  }
0x1fc: {  	v17 =	vld [tilespmem:s13+$0x0]  }
0x1fd: {  	v18 =	vld [tilespmem:s8+$0x0]  }
0x1fe: {  	v19 =	vld [tilespmem:s13+$0x10]  }
0x1ff: {  	v20 =	vld [tilespmem:s8+$0x10]  }
0x200: {  	v21 =	vld [tilespmem:s13+$0x20]  }
0x201: {  	v22 =	vld [tilespmem:s8+$0x20]  }
0x202: {  	v23 =	vld [tilespmem:s13+$0x30]  }
0x203: {  	v24 =	vld [tilespmem:s8+$0x30]  }
0x204: {  	v25 =	vld [tilespmem:s13+$0x40]  }
0x205: {  	v26 =	vld [tilespmem:s8+$0x40]  }
0x206: {  	v27 =	vld [tilespmem:s13+$0x50];
	v0 =	vadd.s32 $0x3000, v0  }
0x207: {  	v28 =	vld [tilespmem:s8+$0x50];
	v1 =	vadd.s32 $0x3000, v1  }
0x208: {  	v29 =	vld [tilespmem:s13+$0x60];
	v2 =	vadd.s32 $0x3000, v2  }
0x209: {  	v30 =	vld [tilespmem:s8+$0x60];
	v3 =	vadd.s32 $0x3000, v3  }
0x20a: {  	v31 =	vld [tilespmem:s13+$0xFFFFFF80];
	v4 =	vadd.s32 $0x3000, v4  }
0x20b: {  	v5 =	vadd.s32 $0x3000, v5;
	v0 =	vld.idx.msk [tilespmem:v0+s3+$0x0], $0xffff  }
0x20c: {  	v6 =	vadd.s32 $0x3000, v6;
	v1 =	vld.idx.msk [tilespmem:v1+s3+$0x0], $0xffff  }
0x20d: {  	v7 =	vadd.s32 $0x3000, v7;
	v2 =	vld.idx.msk [tilespmem:v2+s3+$0x0], $0xffff  }
0x20e: {  	v8 =	vadd.s32 $0x3000, v8;
	v3 =	vld.idx.msk [tilespmem:v3+s3+$0x0], $0xffff  }
0x20f: {  	v9 =	vadd.s32 $0x3000, v9;
	v4 =	vld.idx.msk [tilespmem:v4+s3+$0x0], $0xffff  }
0x210: {  	v10 =	vadd.s32 $0x3000, v10;
	v5 =	vld.idx.msk [tilespmem:v5+s3+$0x0], $0xffff  }
0x211: {  	v31 =	vadd.s32 $0x3000, v31;
	v6 =	vld.idx.msk [tilespmem:v6+s3+$0x0], $0xffff  }
0x212: {  	v11 =	vadd.s32 $0x3000, v11;
	v7 =	vld.idx.msk [tilespmem:v7+s3+$0x0], $0xffff  }
0x213: {  	v12 =	vadd.s32 $0x3000, v12;
	v8 =	vld.idx.msk [tilespmem:v8+s3+$0x0], $0xffff;
	v0 =	vsub.f32 v0, v1  }
0x214: {  	s9 =	simm.s32 $0xD0F0;
	v57 =	vadd.s32 $0x3000, v18;
	v9 =	vld.idx.msk [tilespmem:v9+s3+$0x0], $0xffff;
	v3 =	vsub.f32 v3, v4  }
0x215: {  	v13 =	vadd.s32 $0x3000, v13;
	v10 =	vld.idx.msk [tilespmem:v10+s3+$0x0], $0xffff;
	[tilespmem:s9+$0x0] =	vst v0  }
0x216: {  	s10 =	simm.s32 $0x150F0;
	v55 =	vld.idx.msk [tilespmem:v31+s3+$0x0], $0xffff;
	v0 =	vadd.s32 $0x3000, v14;
	[tilespmem:s9+$0xFFFFFF20] =	vst v3  }
0x217: {  	v56 =	vadd.s32 $0x3000, v16;
	v3 =	vsub.f32 v5, v6;
	v5 =	vld.idx.msk [tilespmem:v11+s3+$0x0], $0xffff;
	[tilespmem:s10+$0x0] =	vst v1  }
0x218: {  	v1 =	vadd.s32 $0x3000, v15;
	[tilespmem:s10+$0xFFFFFF20] =	vst v4;
	v4 =	vld.idx.msk [tilespmem:v12+s3+$0x0], $0xffff  }
0x219: {  	v11 =	vadd.s32 $0x3000, v17;
	v12 =	vld.idx.msk [tilespmem:v57+s3+$0x0], $0xffff;
	[tilespmem:s9+$0xFFFFFF30] =	vst v3;
	v3 =	vsub.f32 v7, v8  }
0x21a: {  	v58 =	vadd.s32 $0x3000, v19;
	v7 =	vld.idx.msk [tilespmem:v13+s3+$0x0], $0xffff;
	[tilespmem:s10+$0xFFFFFF30] =	vst v6  }
0x21b: {  	v14 =	vsub.f32 v55, v2;
	[tilespmem:s9+$0xFFFFFF40] =	vst v3;
	v3 =	vsub.f32 v9, v10;
	v9 =	vadd.s32 $0x3000, v21;
	v6 =	vld.idx.msk [tilespmem:v0+s3+$0x0], $0xffff  }
0x21c: {  	v0 =	vadd.s32 $0x3000, v20;
	[tilespmem:s10+$0xFFFFFF40] =	vst v8;
	v8 =	vld.idx.msk [tilespmem:v56+s3+$0x0], $0xffff  }
0x21d: {  	v59 =	vadd.s32 $0x3000, v22;
	[tilespmem:s9+$0xFFFFFF10] =	vst v14;
	v1 =	vld.idx.msk [tilespmem:v1+s3+$0x0], $0xffff  }
0x21e: {  	[tilespmem:s9+$0xFFFFFF50] =	vst v3;
	v3 =	vld.idx.msk [tilespmem:v11+s3+$0x0], $0xffff;
	v11 =	vadd.s32 $0x3000, v23  }
0x21f: {  	v60 =	vadd.s32 $0x3000, v24;
	v13 =	vld.idx.msk [tilespmem:v58+s3+$0x0], $0xffff;
	[tilespmem:s10+$0xFFFFFF10] =	vst v2;
	v5 =	vsub.f32 v5, v4  }
0x220: {  	v2 =	vadd.s32 $0x3000, v25;
	[tilespmem:s10+$0xFFFFFF50] =	vst v10;
	v9 =	vld.idx.msk [tilespmem:v9+s3+$0x0], $0xffff  }
0x221: {  	v61 =	vadd.s32 $0x3000, v26;
	[tilespmem:s9+$0xFFFFFF60] =	vst v5;
	v10 =	vld.idx.msk [tilespmem:v0+s3+$0x0], $0xffff;
	v7 =	vsub.f32 v7, v6  }
0x222: {  	v62 =	vadd.s32 $0x3000, v27;
	[tilespmem:s10+$0xFFFFFF60] =	vst v4;
	v0 =	vld.idx.msk [tilespmem:v59+s3+$0x0], $0xffff  }
0x223: {  	v4 =	vadd.s32 $0x3000, v28;
	v5 =	vsub.f32 v1, v8;
	v11 =	vld.idx.msk [tilespmem:v11+s3+$0x0], $0xffff;
	[tilespmem:s9+$0xFFFFFF70] =	vst v7  }
0x224: {  	v63 =	vadd.s32 $0x3000, v30;
	v1 =	vld.idx.msk [tilespmem:v60+s3+$0x0], $0xffff;
	v3 =	vsub.f32 v3, v12;
	[tilespmem:s10+$0xFFFFFF70] =	vst v6  }
0x225: {  	v7 =	vadd.s32 $0x3000, v29;
	[tilespmem:s9+$0xFFFFFF80] =	vst v5;
	v5 =	vld.idx.msk [tilespmem:v2+s3+$0x0], $0xffff  }
0x226: {  	v2 =	vld.idx.msk [tilespmem:v61+s3+$0x0], $0xffff;
	[tilespmem:s9+$0xFFFFFF90] =	vst v3  }
0x227: {  	v6 =	vld.idx.msk [tilespmem:v62+s3+$0x0], $0xffff;
	[tilespmem:s10+$0xFFFFFF80] =	vst v8;
	v8 =	vsub.f32 v13, v10  }
0x228: {  	[tilespmem:s10+$0xFFFFFF90] =	vst v12;
	v3 =	vld.idx.msk [tilespmem:v4+s3+$0x0], $0xffff  }
0x229: {  	v4 =	vld.idx.msk [tilespmem:v63+s3+$0x0], $0xffff;
	v9 =	vsub.f32 v9, v0;
	[tilespmem:s9+$0xFFFFFFA0] =	vst v8  }
0x22a: {  	s11 =	simm.s32 $0x0;
	s13 =	simm.s32 $0x8180;
	v7 =	vld.idx.msk [tilespmem:v7+s3+$0x0], $0xffff;
	v8 =	vsub.f32 v11, v1;
	[tilespmem:s10+$0xFFFFFFA0] =	vst v10  }
.LBB2_9:
0x22b: {  	v10 =	vld [tilespmem:s13+$0x70];
	[tilespmem:s9+$0xFFFFFFB0] =	vst v9;
	s8 =	sadd.s32 $0x100, s8  }
0x22c: {  	v9 =	vld [tilespmem:s8+$0x70];
	[tilespmem:s10+$0xFFFFFFB0] =	vst v0;
	v0 =	vsub.f32 v5, v2  }
0x22d: {  	s11 =	sadd.s32 $0x10, s11;
	v5 =	vld [tilespmem:s8+$0xFFFFFF80];
	[tilespmem:s9+$0xFFFFFFC0] =	vst v8  }
0x22e: {  	p0 =	slt.u32 s11, $0xF0;
	v8 =	vld [tilespmem:s13+$0xFFFFFF90];
	[tilespmem:s10+$0xFFFFFFC0] =	vst v1;
	v1 =	vsub.f32 v6, v3  }
0x22f: {  	v6 =	vld [tilespmem:s8+$0xFFFFFF90];
	[tilespmem:s9+$0xFFFFFFD0] =	vst v0  }
0x230: {  	v0 =	vld [tilespmem:s13+$0xFFFFFFA0];
	v10 =	vadd.s32 $0x3000, v10;
	[tilespmem:s10+$0xFFFFFFD0] =	vst v2;
	v2 =	vsub.f32 v7, v4  }
0x231: {  	v7 =	vld [tilespmem:s8+$0xFFFFFFA0];
	v9 =	vadd.s32 $0x3000, v9;
	[tilespmem:s9+$0xFFFFFFE0] =	vst v1  }
0x232: {  	v1 =	vadd.s32 $0x3000, v5;
	v5 =	vld [tilespmem:s13+$0xFFFFFFB0];
	[tilespmem:s10+$0xFFFFFFE0] =	vst v3  }
0x233: {  	v3 =	vadd.s32 $0x3000, v8;
	v8 =	vld [tilespmem:s8+$0xFFFFFFB0];
	[tilespmem:s9+$0xFFFFFFF0] =	vst v2  }
0x234: {  	v2 =	vadd.s32 $0x3000, v6;
	v6 =	vld [tilespmem:s13+$0xFFFFFFC0];
	[tilespmem:s10+$0xFFFFFFF0] =	vst v4  }
0x235: {  	v0 =	vadd.s32 $0x3000, v0;
	v4 =	vld.idx.msk [tilespmem:v10+s3+$0x0], $0xffff  }
0x236: {  	v7 =	vadd.s32 $0x3000, v7;
	v9 =	vld.idx.msk [tilespmem:v9+s3+$0x0], $0xffff  }
0x237: {  	v5 =	vadd.s32 $0x3000, v5;
	v10 =	vld [tilespmem:s8+$0xFFFFFFC0]  }
0x238: {  	v8 =	vadd.s32 $0x3000, v8;
	v11 =	vld [tilespmem:s13+$0xFFFFFFD0]  }
0x239: {  	v6 =	vadd.s32 $0x3000, v6;
	v12 =	vld [tilespmem:s8+$0xFFFFFFD0]  }
0x23a: {  	v13 =	vld [tilespmem:s13+$0xFFFFFFE0]  }
0x23b: {  	v14 =	vld [tilespmem:s8+$0xFFFFFFE0]  }
0x23c: {  	v4 =	vsub.f32 v4, v9;
	v10 =	vadd.s32 $0x3000, v10;
	v15 =	vld [tilespmem:s13+$0xFFFFFFF0]  }
0x23d: {  	s9 =	sadd.s32 $0x100, s9;
	v11 =	vadd.s32 $0x3000, v11;
	v16 =	vld [tilespmem:s8+$0xFFFFFFF0]  }
0x23e: {  	s10 =	sadd.s32 $0x100, s10;
	v12 =	vadd.s32 $0x3000, v12;
	v17 =	vld [tilespmem:s13+$0x0];
	[tilespmem:s9+$0x0] =	vst v4  }
0x23f: {  	v4 =	vadd.s32 $0x3000, v13;
	v13 =	vld [tilespmem:s8+$0x0];
	[tilespmem:s10+$0x0] =	vst v9  }
0x240: {  	v9 =	vadd.s32 $0x3000, v14;
	v14 =	vld [tilespmem:s13+$0x10]  }
0x241: {  	v15 =	vadd.s32 $0x3000, v15;
	v18 =	vld [tilespmem:s8+$0x10]  }
0x242: {  	v16 =	vadd.s32 $0x3000, v16;
	v19 =	vld [tilespmem:s13+$0x20]  }
0x243: {  	v17 =	vadd.s32 $0x3000, v17;
	v20 =	vld [tilespmem:s8+$0x20]  }
0x244: {  	v13 =	vadd.s32 $0x3000, v13;
	v21 =	vld [tilespmem:s13+$0x30]  }
0x245: {  	v14 =	vadd.s32 $0x3000, v14;
	v22 =	vld [tilespmem:s8+$0x30]  }
0x246: {  	v18 =	vadd.s32 $0x3000, v18;
	v23 =	vld [tilespmem:s13+$0x40]  }
0x247: {  	v19 =	vadd.s32 $0x3000, v19;
	v24 =	vld [tilespmem:s8+$0x40]  }
0x248: {  	v20 =	vadd.s32 $0x3000, v20;
	v25 =	vld [tilespmem:s13+$0x50]  }
0x249: {  	v21 =	vadd.s32 $0x3000, v21;
	v26 =	vld [tilespmem:s8+$0x50]  }
0x24a: {  	v22 =	vadd.s32 $0x3000, v22;
	v27 =	vld [tilespmem:s13+$0x60]  }
0x24b: {  	v23 =	vadd.s32 $0x3000, v23;
	v28 =	vld [tilespmem:s8+$0x60]  }
0x24c: {  	v29 =	vld [tilespmem:s13+$0xFFFFFF80];
	v24 =	vadd.s32 $0x3000, v24  }
0x24d: {  	v1 =	vld.idx.msk [tilespmem:v1+s3+$0x0], $0xffff;
	v25 =	vadd.s32 $0x3000, v25  }
0x24e: {  	v3 =	vld.idx.msk [tilespmem:v3+s3+$0x0], $0xffff;
	v26 =	vadd.s32 $0x3000, v26  }
0x24f: {  	v2 =	vld.idx.msk [tilespmem:v2+s3+$0x0], $0xffff;
	v27 =	vadd.s32 $0x3000, v27  }
0x250: {  	v0 =	vld.idx.msk [tilespmem:v0+s3+$0x0], $0xffff;
	v28 =	vadd.s32 $0x3000, v28  }
0x251: {  	v29 =	vadd.s32 $0x3000, v29;
	v7 =	vld.idx.msk [tilespmem:v7+s3+$0x0], $0xffff  }
0x252: {  	v5 =	vld.idx.msk [tilespmem:v5+s3+$0x0], $0xffff  }
0x253: {  	v8 =	vld.idx.msk [tilespmem:v8+s3+$0x0], $0xffff  }
0x254: {  	v6 =	vld.idx.msk [tilespmem:v6+s3+$0x0], $0xffff  }
0x255: {  	v3 =	vsub.f32 v3, v2;
	v10 =	vld.idx.msk [tilespmem:v10+s3+$0x0], $0xffff  }
0x256: {  	v29 =	vld.idx.msk [tilespmem:v29+s3+$0x0], $0xffff  }
0x257: {  	v0 =	vsub.f32 v0, v7;
	[tilespmem:s9+$0xFFFFFF20] =	vst v3;
	v3 =	vld.idx.msk [tilespmem:v11+s3+$0x0], $0xffff  }
0x258: {  	[tilespmem:s10+$0xFFFFFF20] =	vst v2;
	v2 =	vld.idx.msk [tilespmem:v12+s3+$0x0], $0xffff  }
0x259: {  	[tilespmem:s9+$0xFFFFFF30] =	vst v0;
	v0 =	vsub.f32 v5, v8;
	v4 =	vld.idx.msk [tilespmem:v4+s3+$0x0], $0xffff  }
0x25a: {  	[tilespmem:s10+$0xFFFFFF30] =	vst v7;
	v5 =	vld.idx.msk [tilespmem:v9+s3+$0x0], $0xffff  }
0x25b: {  	[tilespmem:s9+$0xFFFFFF40] =	vst v0;
	v0 =	vsub.f32 v6, v10;
	v6 =	vld.idx.msk [tilespmem:v15+s3+$0x0], $0xffff  }
0x25c: {  	v7 =	vsub.f32 v29, v1;
	[tilespmem:s10+$0xFFFFFF40] =	vst v8;
	v8 =	vld.idx.msk [tilespmem:v16+s3+$0x0], $0xffff  }
0x25d: {  	[tilespmem:s9+$0xFFFFFF50] =	vst v0;
	v9 =	vld.idx.msk [tilespmem:v17+s3+$0x0], $0xffff  }
0x25e: {  	v0 =	vsub.f32 v3, v2;
	[tilespmem:s9+$0xFFFFFF10] =	vst v7;
	v3 =	vld.idx.msk [tilespmem:v13+s3+$0x0], $0xffff  }
0x25f: {  	[tilespmem:s10+$0xFFFFFF10] =	vst v1;
	v7 =	vld.idx.msk [tilespmem:v14+s3+$0x0], $0xffff  }
0x260: {  	v1 =	vsub.f32 v4, v5;
	[tilespmem:s10+$0xFFFFFF50] =	vst v10;
	v4 =	vld.idx.msk [tilespmem:v18+s3+$0x0], $0xffff  }
0x261: {  	[tilespmem:s9+$0xFFFFFF60] =	vst v0;
	v10 =	vld.idx.msk [tilespmem:v19+s3+$0x0], $0xffff  }
0x262: {  	[tilespmem:s10+$0xFFFFFF60] =	vst v2;
	v2 =	vsub.f32 v6, v8;
	v0 =	vld.idx.msk [tilespmem:v20+s3+$0x0], $0xffff  }
0x263: {  	[tilespmem:s9+$0xFFFFFF70] =	vst v1;
	v11 =	vld.idx.msk [tilespmem:v21+s3+$0x0], $0xffff  }
0x264: {  	v6 =	vsub.f32 v9, v3;
	[tilespmem:s10+$0xFFFFFF70] =	vst v5;
	v1 =	vld.idx.msk [tilespmem:v22+s3+$0x0], $0xffff  }
0x265: {  	[tilespmem:s9+$0xFFFFFF80] =	vst v2;
	v5 =	vld.idx.msk [tilespmem:v23+s3+$0x0], $0xffff  }
.Ltmp3:
0x266: {  	v7 =	vsub.f32 v7, v4;
	[tilespmem:s10+$0xFFFFFF80] =	vst v8;
	v2 =	vld.idx.msk [tilespmem:v24+s3+$0x0], $0xffff;
	(pc) =	sbr.rel @p0 .LBB2_9-.Ltmp3, $4  }
0x267: {  	[tilespmem:s9+$0xFFFFFF90] =	vst v6;
	v6 =	vld.idx.msk [tilespmem:v25+s3+$0x0], $0xffff  }
0x268: {  	v9 =	vsub.f32 v10, v0;
	[tilespmem:s10+$0xFFFFFF90] =	vst v3;
	v3 =	vld.idx.msk [tilespmem:v26+s3+$0x0], $0xffff  }
0x269: {  	[tilespmem:s9+$0xFFFFFFA0] =	vst v7;
	v7 =	vld.idx.msk [tilespmem:v27+s3+$0x0], $0xffff  }
0x26a: {  	s13 =	sadd.s32 $0x100, s13;
	v8 =	vsub.f32 v11, v1;
	[tilespmem:s10+$0xFFFFFFA0] =	vst v4;
	v4 =	vld.idx.msk [tilespmem:v28+s3+$0x0], $0xffff  }
0x26b: {  	[tilespmem:s9+$0xFFFFFFB0] =	vst v9  }
0x26c: {  	[tilespmem:s10+$0xFFFFFFB0] =	vst v0  }
0x26d: {  	v0 =	vsub.f32 v5, v2;
	[tilespmem:s9+$0xFFFFFFC0] =	vst v8  }
0x26e: {  	[tilespmem:s10+$0xFFFFFFC0] =	vst v1  }
0x26f: {  	v1 =	vsub.f32 v6, v3;
	[tilespmem:s9+$0xFFFFFFD0] =	vst v0  }
0x270: {  	[tilespmem:s10+$0xFFFFFFD0] =	vst v2  }
0x271: {  	v0 =	vsub.f32 v7, v4;
	[tilespmem:s9+$0xFFFFFFE0] =	vst v1  }
0x272: {  	[tilespmem:s10+$0xFFFFFFE0] =	vst v3  }
0x273: {  	[tilespmem:s9+$0xFFFFFFF0] =	vst v0  }
0x274: {  	s8 =	sadd.s32 s6, s18;
	[tilespmem:s10+$0xFFFFFFF0] =	vst v4;
	s10 =	simm.s32 $0xD000  }
0x275: {  	[hbm4b:s8+s24] =	stream.strided.scatter [tilespmem:s10], [sflag:$0x1], $0x1000, s25, s24, $0x38;
	[tilespmem:$0x1A000] =	vst v63  }
0x276: {  	s11 =	sadd.s32 s7, s18;
	s13 =	simm.s32 $0x15000;
	s8 =	simm.s32 $0x0  }
0x277: {  	[hbm4b:s11+s24] =	stream.strided.scatter [tilespmem:s13], [sflag:$0x1], $0x1000, s25, s24, $0x38;
	[tilespmem:$0x1A000] =	vst v63  }
0x278: {  	v0 =	vld [tilespmem:s8+$0x80F0]  }
0x279: {  	v1 =	vld [tilespmem:s8+$0x90F0]  }
0x27a: {  	v2 =	vld [tilespmem:s8+$0x8000]  }
0x27b: {  	v3 =	vld [tilespmem:s8+$0x9000]  }
0x27c: {  	v4 =	vld [tilespmem:s8+$0x8010]  }
0x27d: {  	v5 =	vld [tilespmem:s8+$0x9010]  }
0x27e: {  	v6 =	vld [tilespmem:s8+$0x8020]  }
0x27f: {  	v7 =	vld [tilespmem:s8+$0x9020]  }
0x280: {  	v8 =	vld [tilespmem:s8+$0x8030]  }
0x281: {  	v9 =	vld [tilespmem:s8+$0x9030]  }
0x282: {  	v10 =	vld [tilespmem:s8+$0x8040]  }
0x283: {  	v11 =	vld [tilespmem:s8+$0x9040]  }
0x284: {  	v12 =	vld [tilespmem:s8+$0x8050]  }
0x285: {  	v13 =	vld [tilespmem:s8+$0x9050]  }
0x286: {  	v14 =	vld [tilespmem:s8+$0x8060]  }
0x287: {  	v15 =	vld [tilespmem:s8+$0x9060]  }
0x288: {  	v16 =	vld [tilespmem:s8+$0x8070]  }
0x289: {  	v17 =	vld [tilespmem:s8+$0x9070]  }
0x28a: {  	v18 =	vld [tilespmem:s8+$0x8080]  }
0x28b: {  	v19 =	vld [tilespmem:s8+$0x9080]  }
0x28c: {  	v20 =	vld [tilespmem:s8+$0x8090]  }
0x28d: {  	v21 =	vld [tilespmem:s8+$0x9090]  }
0x28e: {  	v22 =	vld [tilespmem:s8+$0x80A0]  }
0x28f: {  	v23 =	vld [tilespmem:s8+$0x90A0]  }
0x290: {  	v24 =	vld [tilespmem:s8+$0x80B0]  }
0x291: {  	v25 =	vld [tilespmem:s8+$0x90B0];
	v0 =	vadd.s32 $0x4000, v0  }
0x292: {  	v26 =	vld [tilespmem:s8+$0x80C0];
	v1 =	vadd.s32 $0x4000, v1  }
0x293: {  	v27 =	vld [tilespmem:s8+$0x90C0];
	v2 =	vadd.s32 $0x4000, v2  }
0x294: {  	v28 =	vld [tilespmem:s8+$0x80D0];
	v3 =	vadd.s32 $0x4000, v3  }
0x295: {  	v30 =	vld [tilespmem:s8+$0x80E0];
	v4 =	vadd.s32 $0x4000, v4  }
0x296: {  	v5 =	vadd.s32 $0x4000, v5;
	v0 =	vld.idx.msk [tilespmem:v0+s3+$0x0], $0xffff  }
0x297: {  	v6 =	vadd.s32 $0x4000, v6;
	v1 =	vld.idx.msk [tilespmem:v1+s3+$0x0], $0xffff  }
0x298: {  	v7 =	vadd.s32 $0x4000, v7;
	v2 =	vld.idx.msk [tilespmem:v2+s3+$0x0], $0xffff  }
0x299: {  	v8 =	vadd.s32 $0x4000, v8;
	v3 =	vld.idx.msk [tilespmem:v3+s3+$0x0], $0xffff  }
0x29a: {  	v9 =	vadd.s32 $0x4000, v9;
	v4 =	vld.idx.msk [tilespmem:v4+s3+$0x0], $0xffff  }
0x29b: {  	v10 =	vadd.s32 $0x4000, v10;
	v5 =	vld.idx.msk [tilespmem:v5+s3+$0x0], $0xffff  }
0x29c: {  	v11 =	vadd.s32 $0x4000, v11;
	v6 =	vld.idx.msk [tilespmem:v6+s3+$0x0], $0xffff  }
0x29d: {  	v12 =	vadd.s32 $0x4000, v12;
	v7 =	vld.idx.msk [tilespmem:v7+s3+$0x0], $0xffff;
	v0 =	vsub.f32 v0, v1;
	[tilespmem:s8+$0x160F0] =	vst v1  }
0x29e: {  	v8 =	vld.idx.msk [tilespmem:v8+s3+$0x0], $0xffff;
	v1 =	vadd.s32 $0x4000, v13;
	v2 =	vsub.f32 v2, v3;
	[tilespmem:s8+$0x16000] =	vst v3  }
0x29f: {  	v58 =	vadd.s32 $0x4000, v15;
	v9 =	vld.idx.msk [tilespmem:v9+s3+$0x0], $0xffff;
	[tilespmem:s8+$0xE0F0] =	vst v0  }
0x2a0: {  	v3 =	vld.idx.msk [tilespmem:v10+s3+$0x0], $0xffff;
	v0 =	vadd.s32 $0x4000, v14;
	[tilespmem:s8+$0xE000] =	vst v2;
	v2 =	vsub.f32 v4, v5  }
0x2a1: {  	v10 =	vadd.s32 $0x4000, v16;
	[tilespmem:s8+$0x16010] =	vst v5;
	v4 =	vld.idx.msk [tilespmem:v11+s3+$0x0], $0xffff  }
0x2a2: {  	v11 =	vadd.s32 $0x4000, v17;
	v5 =	vld.idx.msk [tilespmem:v12+s3+$0x0], $0xffff;
	[tilespmem:s8+$0xE010] =	vst v2;
	v2 =	vsub.f32 v6, v7  }
0x2a3: {  	v59 =	vadd.s32 $0x4000, v18;
	v1 =	vld.idx.msk [tilespmem:v1+s3+$0x0], $0xffff  }
0x2a4: {  	v6 =	vadd.s32 $0x4000, v19;
	[tilespmem:s8+$0xE020] =	vst v2;
	v2 =	vsub.f32 v8, v9;
	v8 =	vld.idx.msk [tilespmem:v58+s3+$0x0], $0xffff  }
0x2a5: {  	v60 =	vadd.s32 $0x4000, v21;
	[tilespmem:s8+$0x16020] =	vst v7;
	v0 =	vld.idx.msk [tilespmem:v0+s3+$0x0], $0xffff  }
0x2a6: {  	[tilespmem:s8+$0x16030] =	vst v9;
	v7 =	vadd.s32 $0x4000, v20;
	v9 =	vld.idx.msk [tilespmem:v10+s3+$0x0], $0xffff  }
0x2a7: {  	[tilespmem:s8+$0xE030] =	vst v2;
	v2 =	vsub.f32 v3, v4;
	v3 =	vld.idx.msk [tilespmem:v11+s3+$0x0], $0xffff  }
0x2a8: {  	[tilespmem:s8+$0x16040] =	vst v4;
	v4 =	vld.idx.msk [tilespmem:v59+s3+$0x0], $0xffff  }
0x2a9: {  	v10 =	vadd.s32 $0x4000, v22;
	[tilespmem:s8+$0xE040] =	vst v2;
	v2 =	vsub.f32 v5, v1;
	v5 =	vld.idx.msk [tilespmem:v6+s3+$0x0], $0xffff  }
0x2aa: {  	v61 =	vadd.s32 $0x4000, v24;
	v13 =	vld.idx.msk [tilespmem:v60+s3+$0x0], $0xffff;
	v0 =	vsub.f32 v0, v8  }
0x2ab: {  	v11 =	vadd.s32 $0x4000, v23;
	v7 =	vld.idx.msk [tilespmem:v7+s3+$0x0], $0xffff;
	[tilespmem:s8+$0x16050] =	vst v1  }
0x2ac: {  	v29 =	vld [tilespmem:s8+$0x90D0];
	v6 =	vadd.s32 $0x4000, v25;
	[tilespmem:s8+$0xE060] =	vst v0;
	v0 =	vsub.f32 v9, v3  }
0x2ad: {  	v31 =	vld [tilespmem:s8+$0x90E0];
	v1 =	vadd.s32 $0x4000, v26;
	[tilespmem:s8+$0x16060] =	vst v8  }
0x2ae: {  	v62 =	vadd.s32 $0x4000, v27;
	v8 =	vld.idx.msk [tilespmem:v10+s3+$0x0], $0xffff;
	[tilespmem:s8+$0xE070] =	vst v0;
	v0 =	vsub.f32 v4, v5  }
0x2af: {  	[tilespmem:s8+$0xE050] =	vst v2;
	v10 =	vadd.s32 $0x4000, v28;
	v2 =	vld.idx.msk [tilespmem:v61+s3+$0x0], $0xffff  }
0x2b0: {  	v63 =	vadd.s32 $0x4000, v30;
	v9 =	vld.idx.msk [tilespmem:v11+s3+$0x0], $0xffff;
	[tilespmem:s8+$0xE080] =	vst v0;
	v0 =	vsub.f32 v7, v13  }
0x2b1: {  	[tilespmem:s8+$0x16070] =	vst v3;
	v11 =	vadd.s32 $0x4000, v29;
	v3 =	vld.idx.msk [tilespmem:v6+s3+$0x0], $0xffff  }
0x2b2: {  	v1 =	vld.idx.msk [tilespmem:v1+s3+$0x0], $0xffff;
	[tilespmem:s8+$0xE090] =	vst v0;
	v0 =	vadd.s32 $0x4000, v31  }
0x2b3: {  	[tilespmem:s8+$0x16080] =	vst v5;
	v5 =	vld.idx.msk [tilespmem:v62+s3+$0x0], $0xffff  }
0x2b4: {  	v4 =	vld.idx.msk [tilespmem:v10+s3+$0x0], $0xffff  }
0x2b5: {  	[tilespmem:s8+$0x16090] =	vst v13;
	v7 =	vld.idx.msk [tilespmem:v63+s3+$0x0], $0xffff;
	v8 =	vsub.f32 v8, v9  }
0x2b6: {  	s9 =	simm.s32 $0x0;
	s10 =	simm.s32 $0x400;
	v6 =	vld.idx.msk [tilespmem:v11+s3+$0x0], $0xffff;
	[tilespmem:s8+$0x160A0] =	vst v9  }
.LBB2_11:
0x2b7: {  	s11 =	sshra.s32 s10, $0x2;
	[tilespmem:s8+$0xE0A0] =	vst v8;
	v2 =	vsub.f32 v2, v3;
	v0 =	vld.idx.msk [tilespmem:v0+s3+$0x0], $0xffff  }
0x2b8: {  	s9 =	sadd.s32 $0x10, s9;
	v8 =	vld [tilespmem:s11+$0x80F0];
	[tilespmem:s8+$0x160B0] =	vst v3  }
0x2b9: {  	p0 =	slt.u32 s9, $0xF0;
	v1 =	vsub.f32 v1, v5;
	v3 =	vld [tilespmem:s11+$0x90F0];
	[tilespmem:s8+$0xE0B0] =	vst v2  }
0x2ba: {  	v2 =	vld [tilespmem:s11+$0x8000];
	[tilespmem:s8+$0x160C0] =	vst v5  }
0x2bb: {  	v5 =	vld [tilespmem:s11+$0x9000];
	[tilespmem:s8+$0xE0C0] =	vst v1;
	v1 =	vsub.f32 v4, v6  }
0x2bc: {  	v4 =	vld [tilespmem:s11+$0x8010];
	[tilespmem:s8+$0x160D0] =	vst v6  }
0x2bd: {  	v6 =	vld [tilespmem:s11+$0x9010];
	v8 =	vadd.s32 $0x4000, v8;
	[tilespmem:s8+$0xE0D0] =	vst v1;
	v1 =	vsub.f32 v7, v0  }
0x2be: {  	v7 =	vld [tilespmem:s11+$0x8020];
	v3 =	vadd.s32 $0x4000, v3;
	[tilespmem:s8+$0x160E0] =	vst v0  }
0x2bf: {  	v0 =	vadd.s32 $0x4000, v2;
	v2 =	vld [tilespmem:s11+$0x9020];
	[tilespmem:s8+$0xE0E0] =	vst v1;
	s8 =	smov.u32 s11  }
0x2c0: {  	v1 =	vadd.s32 $0x4000, v5;
	v5 =	vld [tilespmem:s8+$0x8030]  }
0x2c1: {  	v4 =	vadd.s32 $0x4000, v4;
	v9 =	vld [tilespmem:s8+$0x9030]  }
0x2c2: {  	v6 =	vadd.s32 $0x4000, v6;
	v8 =	vld.idx.msk [tilespmem:v8+s3+$0x0], $0xffff  }
0x2c3: {  	v7 =	vadd.s32 $0x4000, v7;
	v3 =	vld.idx.msk [tilespmem:v3+s3+$0x0], $0xffff  }
0x2c4: {  	v2 =	vadd.s32 $0x4000, v2;
	v10 =	vld [tilespmem:s8+$0x8040]  }
0x2c5: {  	v5 =	vadd.s32 $0x4000, v5;
	v11 =	vld [tilespmem:s8+$0x9040]  }
0x2c6: {  	v9 =	vadd.s32 $0x4000, v9;
	v12 =	vld [tilespmem:s8+$0x8050]  }
0x2c7: {  	v13 =	vld [tilespmem:s8+$0x9050]  }
0x2c8: {  	v14 =	vld [tilespmem:s8+$0x8060]  }
0x2c9: {  	v8 =	vsub.f32 v8, v3;
	v10 =	vadd.s32 $0x4000, v10;
	v15 =	vld [tilespmem:s8+$0x9060];
	[tilespmem:s8+$0x160F0] =	vst v3  }
0x2ca: {  	v3 =	vadd.s32 $0x4000, v11;
	v11 =	vld [tilespmem:s8+$0x8070]  }
0x2cb: {  	v12 =	vadd.s32 $0x4000, v12;
	v16 =	vld [tilespmem:s8+$0x9070];
	[tilespmem:s8+$0xE0F0] =	vst v8  }
0x2cc: {  	v8 =	vadd.s32 $0x4000, v13;
	v13 =	vld [tilespmem:s8+$0x8080]  }
0x2cd: {  	v14 =	vadd.s32 $0x4000, v14;
	v17 =	vld [tilespmem:s8+$0x9080]  }
0x2ce: {  	v15 =	vadd.s32 $0x4000, v15;
	v18 =	vld [tilespmem:s8+$0x8090]  }
0x2cf: {  	v11 =	vadd.s32 $0x4000, v11;
	v19 =	vld [tilespmem:s8+$0x9090]  }
0x2d0: {  	v16 =	vadd.s32 $0x4000, v16;
	v20 =	vld [tilespmem:s8+$0x80A0]  }
0x2d1: {  	v13 =	vadd.s32 $0x4000, v13;
	v21 =	vld [tilespmem:s8+$0x90A0]  }
0x2d2: {  	v17 =	vadd.s32 $0x4000, v17;
	v22 =	vld [tilespmem:s8+$0x80B0]  }
0x2d3: {  	v18 =	vadd.s32 $0x4000, v18;
	v23 =	vld [tilespmem:s8+$0x90B0]  }
0x2d4: {  	v19 =	vadd.s32 $0x4000, v19;
	v24 =	vld [tilespmem:s8+$0x80C0]  }
0x2d5: {  	v20 =	vadd.s32 $0x4000, v20;
	v25 =	vld [tilespmem:s8+$0x90C0]  }
0x2d6: {  	v21 =	vadd.s32 $0x4000, v21;
	v26 =	vld [tilespmem:s8+$0x80D0]  }
0x2d7: {  	v22 =	vadd.s32 $0x4000, v22;
	v27 =	vld [tilespmem:s8+$0x90D0]  }
0x2d8: {  	v23 =	vadd.s32 $0x4000, v23;
	v28 =	vld [tilespmem:s8+$0x80E0]  }
0x2d9: {  	v24 =	vadd.s32 $0x4000, v24;
	v29 =	vld [tilespmem:s8+$0x90E0]  }
0x2da: {  	v30 =	vld.idx.msk [tilespmem:v0+s3+$0x0], $0xffff;
	v25 =	vadd.s32 $0x4000, v25  }
0x2db: {  	v1 =	vld.idx.msk [tilespmem:v1+s3+$0x0], $0xffff;
	v26 =	vadd.s32 $0x4000, v26  }
0x2dc: {  	v4 =	vld.idx.msk [tilespmem:v4+s3+$0x0], $0xffff;
	v27 =	vadd.s32 $0x4000, v27  }
0x2dd: {  	v6 =	vld.idx.msk [tilespmem:v6+s3+$0x0], $0xffff;
	v28 =	vadd.s32 $0x4000, v28  }
0x2de: {  	v7 =	vld.idx.msk [tilespmem:v7+s3+$0x0], $0xffff;
	v0 =	vadd.s32 $0x4000, v29  }
0x2df: {  	v2 =	vld.idx.msk [tilespmem:v2+s3+$0x0], $0xffff  }
0x2e0: {  	v5 =	vld.idx.msk [tilespmem:v5+s3+$0x0], $0xffff  }
0x2e1: {  	v29 =	vsub.f32 v30, v1;
	[tilespmem:s8+$0x16000] =	vst v1;
	v1 =	vld.idx.msk [tilespmem:v9+s3+$0x0], $0xffff  }
0x2e2: {  	v9 =	vld.idx.msk [tilespmem:v10+s3+$0x0], $0xffff  }
0x2e3: {  	v4 =	vsub.f32 v4, v6;
	[tilespmem:s8+$0xE000] =	vst v29;
	v3 =	vld.idx.msk [tilespmem:v3+s3+$0x0], $0xffff  }
0x2e4: {  	[tilespmem:s8+$0x16010] =	vst v6;
	v6 =	vld.idx.msk [tilespmem:v12+s3+$0x0], $0xffff  }
0x2e5: {  	[tilespmem:s8+$0xE010] =	vst v4;
	v4 =	vsub.f32 v7, v2;
	v7 =	vld.idx.msk [tilespmem:v8+s3+$0x0], $0xffff  }
0x2e6: {  	[tilespmem:s8+$0x16020] =	vst v2;
	v2 =	vld.idx.msk [tilespmem:v14+s3+$0x0], $0xffff  }
0x2e7: {  	[tilespmem:s8+$0xE020] =	vst v4;
	v4 =	vsub.f32 v5, v1;
	v5 =	vld.idx.msk [tilespmem:v15+s3+$0x0], $0xffff  }
0x2e8: {  	[tilespmem:s8+$0x16030] =	vst v1;
	v1 =	vld.idx.msk [tilespmem:v11+s3+$0x0], $0xffff  }
0x2e9: {  	[tilespmem:s8+$0xE030] =	vst v4;
	v4 =	vsub.f32 v9, v3;
	v8 =	vld.idx.msk [tilespmem:v16+s3+$0x0], $0xffff  }
0x2ea: {  	[tilespmem:s8+$0x16040] =	vst v3;
	v3 =	vld.idx.msk [tilespmem:v13+s3+$0x0], $0xffff  }
0x2eb: {  	[tilespmem:s8+$0xE040] =	vst v4;
	v4 =	vsub.f32 v6, v7;
	v6 =	vld.idx.msk [tilespmem:v17+s3+$0x0], $0xffff  }
0x2ec: {  	[tilespmem:s8+$0x16050] =	vst v7;
	v7 =	vld.idx.msk [tilespmem:v18+s3+$0x0], $0xffff  }
0x2ed: {  	v2 =	vsub.f32 v2, v5;
	[tilespmem:s8+$0xE050] =	vst v4;
	v4 =	vld.idx.msk [tilespmem:v19+s3+$0x0], $0xffff  }
0x2ee: {  	[tilespmem:s8+$0x16060] =	vst v5;
	v9 =	vld.idx.msk [tilespmem:v20+s3+$0x0], $0xffff  }
0x2ef: {  	v1 =	vsub.f32 v1, v8;
	[tilespmem:s8+$0xE060] =	vst v2;
	v10 =	vld.idx.msk [tilespmem:v21+s3+$0x0], $0xffff  }
0x2f0: {  	[tilespmem:s8+$0x16070] =	vst v8;
	v2 =	vld.idx.msk [tilespmem:v22+s3+$0x0], $0xffff  }
0x2f1: {  	v5 =	vsub.f32 v3, v6;
	[tilespmem:s8+$0xE070] =	vst v1;
	v3 =	vld.idx.msk [tilespmem:v23+s3+$0x0], $0xffff  }
.Ltmp4:
0x2f2: {  	[tilespmem:s8+$0x16080] =	vst v6;
	v1 =	vld.idx.msk [tilespmem:v24+s3+$0x0], $0xffff;
	(pc) =	sbr.rel @p0 .LBB2_11-.Ltmp4, $4  }
0x2f3: {  	v6 =	vsub.f32 v7, v4;
	[tilespmem:s8+$0xE080] =	vst v5;
	v5 =	vld.idx.msk [tilespmem:v25+s3+$0x0], $0xffff  }
0x2f4: {  	[tilespmem:s8+$0x16090] =	vst v4;
	v4 =	vld.idx.msk [tilespmem:v26+s3+$0x0], $0xffff  }
0x2f5: {  	v8 =	vsub.f32 v9, v10;
	[tilespmem:s8+$0xE090] =	vst v6;
	v6 =	vld.idx.msk [tilespmem:v27+s3+$0x0], $0xffff  }
0x2f6: {  	s10 =	sadd.s32 $0x400, s10;
	[tilespmem:s8+$0x160A0] =	vst v10;
	v7 =	vld.idx.msk [tilespmem:v28+s3+$0x0], $0xffff  }
0x2f7: {  	_ =	sdelay $0x2  }
0x2f8: {  	[tilespmem:s8+$0xE0A0] =	vst v8  }
0x2f9: {  	v2 =	vsub.f32 v2, v3;
	v0 =	vld.idx.msk [tilespmem:v0+s3+$0x0], $0xffff;
	[tilespmem:s8+$0x160B0] =	vst v3  }
0x2fa: {  	v1 =	vsub.f32 v1, v5;
	[tilespmem:s8+$0x160C0] =	vst v5  }
0x2fb: {  	[tilespmem:s8+$0xE0B0] =	vst v2  }
0x2fc: {  	[tilespmem:s8+$0xE0C0] =	vst v1;
	v1 =	vsub.f32 v4, v6  }
0x2fd: {  	[tilespmem:s8+$0x160D0] =	vst v6  }
0x2fe: {  	[tilespmem:s8+$0xE0D0] =	vst v1;
	v1 =	vsub.f32 v7, v0  }
0x2ff: {  	[tilespmem:s8+$0x160E0] =	vst v0  }
0x300: {  	s10 =	sadd.s32 s6, s19;
	s9 =	simm.s32 $0xE000;
	[tilespmem:s8+$0xE0E0] =	vst v1  }
0x301: {  	[hbm4b:s10+s24] =	stream.strided.scatter [tilespmem:s9], [sflag:$0x1], $0x1000, s25, s24, $0x38;
	[tilespmem:$0x1A000] =	vst v63  }
0x302: {  	s11 =	sadd.s32 s7, s19;
	s13 =	simm.s32 $0x16000;
	s8 =	simm.s32 $0x0  }
0x303: {  	[hbm4b:s11+s24] =	stream.strided.scatter [tilespmem:s13], [sflag:$0x1], $0x1000, s25, s24, $0x38;
	[tilespmem:$0x1A000] =	vst v63  }
0x304: {  	v0 =	vld [tilespmem:s8+$0x80F0]  }
0x305: {  	v1 =	vld [tilespmem:s8+$0x90F0]  }
0x306: {  	v2 =	vld [tilespmem:s8+$0x8000]  }
0x307: {  	v3 =	vld [tilespmem:s8+$0x9000]  }
0x308: {  	v4 =	vld [tilespmem:s8+$0x8010]  }
0x309: {  	v5 =	vld [tilespmem:s8+$0x9010]  }
0x30a: {  	v6 =	vld [tilespmem:s8+$0x8020]  }
0x30b: {  	v7 =	vld [tilespmem:s8+$0x9020]  }
0x30c: {  	v8 =	vld [tilespmem:s8+$0x8030]  }
0x30d: {  	v9 =	vld [tilespmem:s8+$0x9030]  }
0x30e: {  	v10 =	vld [tilespmem:s8+$0x8040]  }
0x30f: {  	v11 =	vld [tilespmem:s8+$0x9040]  }
0x310: {  	v12 =	vld [tilespmem:s8+$0x8050]  }
0x311: {  	v13 =	vld [tilespmem:s8+$0x9050]  }
0x312: {  	v14 =	vld [tilespmem:s8+$0x8060]  }
0x313: {  	v15 =	vld [tilespmem:s8+$0x9060]  }
0x314: {  	v16 =	vld [tilespmem:s8+$0x8070]  }
0x315: {  	v17 =	vld [tilespmem:s8+$0x9070]  }
0x316: {  	v18 =	vld [tilespmem:s8+$0x8080]  }
0x317: {  	v19 =	vld [tilespmem:s8+$0x9080]  }
0x318: {  	v20 =	vld [tilespmem:s8+$0x8090]  }
0x319: {  	v21 =	vld [tilespmem:s8+$0x9090]  }
0x31a: {  	v22 =	vld [tilespmem:s8+$0x80A0]  }
0x31b: {  	v23 =	vld [tilespmem:s8+$0x90A0]  }
0x31c: {  	v24 =	vld [tilespmem:s8+$0x80B0]  }
0x31d: {  	v25 =	vld [tilespmem:s8+$0x90B0];
	v0 =	vadd.s32 $0x5000, v0  }
0x31e: {  	v26 =	vld [tilespmem:s8+$0x80C0];
	v1 =	vadd.s32 $0x5000, v1  }
0x31f: {  	v27 =	vld [tilespmem:s8+$0x90C0];
	v2 =	vadd.s32 $0x5000, v2  }
0x320: {  	v28 =	vld [tilespmem:s8+$0x80D0];
	v3 =	vadd.s32 $0x5000, v3  }
0x321: {  	v30 =	vld [tilespmem:s8+$0x80E0];
	v4 =	vadd.s32 $0x5000, v4  }
0x322: {  	v5 =	vadd.s32 $0x5000, v5;
	v0 =	vld.idx.msk [tilespmem:v0+s3+$0x0], $0xffff  }
0x323: {  	v6 =	vadd.s32 $0x5000, v6;
	v1 =	vld.idx.msk [tilespmem:v1+s3+$0x0], $0xffff  }
0x324: {  	v7 =	vadd.s32 $0x5000, v7;
	v2 =	vld.idx.msk [tilespmem:v2+s3+$0x0], $0xffff  }
0x325: {  	v8 =	vadd.s32 $0x5000, v8;
	v3 =	vld.idx.msk [tilespmem:v3+s3+$0x0], $0xffff  }
0x326: {  	v9 =	vadd.s32 $0x5000, v9;
	v4 =	vld.idx.msk [tilespmem:v4+s3+$0x0], $0xffff  }
0x327: {  	v10 =	vadd.s32 $0x5000, v10;
	v5 =	vld.idx.msk [tilespmem:v5+s3+$0x0], $0xffff  }
0x328: {  	v11 =	vadd.s32 $0x5000, v11;
	v6 =	vld.idx.msk [tilespmem:v6+s3+$0x0], $0xffff  }
0x329: {  	v12 =	vadd.s32 $0x5000, v12;
	v7 =	vld.idx.msk [tilespmem:v7+s3+$0x0], $0xffff;
	v0 =	vsub.f32 v0, v1;
	[tilespmem:s8+$0x170F0] =	vst v1  }
0x32a: {  	v8 =	vld.idx.msk [tilespmem:v8+s3+$0x0], $0xffff;
	v1 =	vadd.s32 $0x5000, v13;
	v2 =	vsub.f32 v2, v3;
	[tilespmem:s8+$0x17000] =	vst v3  }
0x32b: {  	v58 =	vadd.s32 $0x5000, v15;
	v9 =	vld.idx.msk [tilespmem:v9+s3+$0x0], $0xffff;
	[tilespmem:s8+$0xF0F0] =	vst v0  }
0x32c: {  	v3 =	vld.idx.msk [tilespmem:v10+s3+$0x0], $0xffff;
	v0 =	vadd.s32 $0x5000, v14;
	[tilespmem:s8+$0xF000] =	vst v2;
	v2 =	vsub.f32 v4, v5  }
0x32d: {  	v10 =	vadd.s32 $0x5000, v16;
	[tilespmem:s8+$0x17010] =	vst v5;
	v4 =	vld.idx.msk [tilespmem:v11+s3+$0x0], $0xffff  }
0x32e: {  	v11 =	vadd.s32 $0x5000, v17;
	v5 =	vld.idx.msk [tilespmem:v12+s3+$0x0], $0xffff;
	[tilespmem:s8+$0xF010] =	vst v2;
	v2 =	vsub.f32 v6, v7  }
0x32f: {  	v59 =	vadd.s32 $0x5000, v18;
	v1 =	vld.idx.msk [tilespmem:v1+s3+$0x0], $0xffff  }
0x330: {  	v6 =	vadd.s32 $0x5000, v19;
	[tilespmem:s8+$0xF020] =	vst v2;
	v2 =	vsub.f32 v8, v9;
	v8 =	vld.idx.msk [tilespmem:v58+s3+$0x0], $0xffff  }
0x331: {  	v60 =	vadd.s32 $0x5000, v21;
	[tilespmem:s8+$0x17020] =	vst v7;
	v0 =	vld.idx.msk [tilespmem:v0+s3+$0x0], $0xffff  }
0x332: {  	[tilespmem:s8+$0x17030] =	vst v9;
	v7 =	vadd.s32 $0x5000, v20;
	v9 =	vld.idx.msk [tilespmem:v10+s3+$0x0], $0xffff  }
0x333: {  	[tilespmem:s8+$0xF030] =	vst v2;
	v2 =	vsub.f32 v3, v4;
	v3 =	vld.idx.msk [tilespmem:v11+s3+$0x0], $0xffff  }
0x334: {  	[tilespmem:s8+$0x17040] =	vst v4;
	v4 =	vld.idx.msk [tilespmem:v59+s3+$0x0], $0xffff  }
0x335: {  	v10 =	vadd.s32 $0x5000, v22;
	[tilespmem:s8+$0xF040] =	vst v2;
	v2 =	vsub.f32 v5, v1;
	v5 =	vld.idx.msk [tilespmem:v6+s3+$0x0], $0xffff  }
0x336: {  	v61 =	vadd.s32 $0x5000, v24;
	v13 =	vld.idx.msk [tilespmem:v60+s3+$0x0], $0xffff;
	v0 =	vsub.f32 v0, v8  }
0x337: {  	v11 =	vadd.s32 $0x5000, v23;
	v7 =	vld.idx.msk [tilespmem:v7+s3+$0x0], $0xffff;
	[tilespmem:s8+$0x17050] =	vst v1  }
0x338: {  	v29 =	vld [tilespmem:s8+$0x90D0];
	v6 =	vadd.s32 $0x5000, v25;
	[tilespmem:s8+$0xF060] =	vst v0;
	v0 =	vsub.f32 v9, v3  }
0x339: {  	v31 =	vld [tilespmem:s8+$0x90E0];
	v1 =	vadd.s32 $0x5000, v26;
	[tilespmem:s8+$0x17060] =	vst v8  }
0x33a: {  	v62 =	vadd.s32 $0x5000, v27;
	v8 =	vld.idx.msk [tilespmem:v10+s3+$0x0], $0xffff;
	[tilespmem:s8+$0xF070] =	vst v0;
	v0 =	vsub.f32 v4, v5  }
0x33b: {  	[tilespmem:s8+$0xF050] =	vst v2;
	v10 =	vadd.s32 $0x5000, v28;
	v2 =	vld.idx.msk [tilespmem:v61+s3+$0x0], $0xffff  }
0x33c: {  	v63 =	vadd.s32 $0x5000, v30;
	v9 =	vld.idx.msk [tilespmem:v11+s3+$0x0], $0xffff;
	[tilespmem:s8+$0xF080] =	vst v0;
	v0 =	vsub.f32 v7, v13  }
0x33d: {  	[tilespmem:s8+$0x17070] =	vst v3;
	v11 =	vadd.s32 $0x5000, v29;
	v3 =	vld.idx.msk [tilespmem:v6+s3+$0x0], $0xffff  }
0x33e: {  	v1 =	vld.idx.msk [tilespmem:v1+s3+$0x0], $0xffff;
	[tilespmem:s8+$0xF090] =	vst v0;
	v0 =	vadd.s32 $0x5000, v31  }
0x33f: {  	[tilespmem:s8+$0x17080] =	vst v5;
	v5 =	vld.idx.msk [tilespmem:v62+s3+$0x0], $0xffff  }
0x340: {  	v4 =	vld.idx.msk [tilespmem:v10+s3+$0x0], $0xffff  }
0x341: {  	[tilespmem:s8+$0x17090] =	vst v13;
	v7 =	vld.idx.msk [tilespmem:v63+s3+$0x0], $0xffff;
	v8 =	vsub.f32 v8, v9  }
0x342: {  	s9 =	simm.s32 $0x0;
	s10 =	simm.s32 $0x400;
	v6 =	vld.idx.msk [tilespmem:v11+s3+$0x0], $0xffff;
	[tilespmem:s8+$0x170A0] =	vst v9  }
.LBB2_13:
0x343: {  	s11 =	sshra.s32 s10, $0x2;
	[tilespmem:s8+$0xF0A0] =	vst v8;
	v2 =	vsub.f32 v2, v3;
	v0 =	vld.idx.msk [tilespmem:v0+s3+$0x0], $0xffff  }
0x344: {  	s9 =	sadd.s32 $0x10, s9;
	v8 =	vld [tilespmem:s11+$0x80F0];
	[tilespmem:s8+$0x170B0] =	vst v3  }
0x345: {  	p0 =	slt.u32 s9, $0xF0;
	v1 =	vsub.f32 v1, v5;
	v3 =	vld [tilespmem:s11+$0x90F0];
	[tilespmem:s8+$0xF0B0] =	vst v2  }
0x346: {  	v2 =	vld [tilespmem:s11+$0x8000];
	[tilespmem:s8+$0x170C0] =	vst v5  }
0x347: {  	v5 =	vld [tilespmem:s11+$0x9000];
	[tilespmem:s8+$0xF0C0] =	vst v1;
	v1 =	vsub.f32 v4, v6  }
0x348: {  	v4 =	vld [tilespmem:s11+$0x8010];
	[tilespmem:s8+$0x170D0] =	vst v6  }
0x349: {  	v6 =	vld [tilespmem:s11+$0x9010];
	v8 =	vadd.s32 $0x5000, v8;
	[tilespmem:s8+$0xF0D0] =	vst v1;
	v1 =	vsub.f32 v7, v0  }
0x34a: {  	v7 =	vld [tilespmem:s11+$0x8020];
	v3 =	vadd.s32 $0x5000, v3;
	[tilespmem:s8+$0x170E0] =	vst v0  }
0x34b: {  	v0 =	vadd.s32 $0x5000, v2;
	v2 =	vld [tilespmem:s11+$0x9020];
	[tilespmem:s8+$0xF0E0] =	vst v1;
	s8 =	smov.u32 s11  }
0x34c: {  	v1 =	vadd.s32 $0x5000, v5;
	v5 =	vld [tilespmem:s8+$0x8030]  }
0x34d: {  	v4 =	vadd.s32 $0x5000, v4;
	v9 =	vld [tilespmem:s8+$0x9030]  }
0x34e: {  	v6 =	vadd.s32 $0x5000, v6;
	v8 =	vld.idx.msk [tilespmem:v8+s3+$0x0], $0xffff  }
0x34f: {  	v7 =	vadd.s32 $0x5000, v7;
	v3 =	vld.idx.msk [tilespmem:v3+s3+$0x0], $0xffff  }
0x350: {  	v2 =	vadd.s32 $0x5000, v2;
	v10 =	vld [tilespmem:s8+$0x8040]  }
0x351: {  	v5 =	vadd.s32 $0x5000, v5;
	v11 =	vld [tilespmem:s8+$0x9040]  }
0x352: {  	v9 =	vadd.s32 $0x5000, v9;
	v12 =	vld [tilespmem:s8+$0x8050]  }
0x353: {  	v13 =	vld [tilespmem:s8+$0x9050]  }
0x354: {  	v14 =	vld [tilespmem:s8+$0x8060]  }
0x355: {  	v8 =	vsub.f32 v8, v3;
	v10 =	vadd.s32 $0x5000, v10;
	v15 =	vld [tilespmem:s8+$0x9060];
	[tilespmem:s8+$0x170F0] =	vst v3  }
0x356: {  	v3 =	vadd.s32 $0x5000, v11;
	v11 =	vld [tilespmem:s8+$0x8070]  }
0x357: {  	v12 =	vadd.s32 $0x5000, v12;
	v16 =	vld [tilespmem:s8+$0x9070];
	[tilespmem:s8+$0xF0F0] =	vst v8  }
0x358: {  	v8 =	vadd.s32 $0x5000, v13;
	v13 =	vld [tilespmem:s8+$0x8080]  }
0x359: {  	v14 =	vadd.s32 $0x5000, v14;
	v17 =	vld [tilespmem:s8+$0x9080]  }
0x35a: {  	v15 =	vadd.s32 $0x5000, v15;
	v18 =	vld [tilespmem:s8+$0x8090]  }
0x35b: {  	v11 =	vadd.s32 $0x5000, v11;
	v19 =	vld [tilespmem:s8+$0x9090]  }
0x35c: {  	v16 =	vadd.s32 $0x5000, v16;
	v20 =	vld [tilespmem:s8+$0x80A0]  }
0x35d: {  	v13 =	vadd.s32 $0x5000, v13;
	v21 =	vld [tilespmem:s8+$0x90A0]  }
0x35e: {  	v17 =	vadd.s32 $0x5000, v17;
	v22 =	vld [tilespmem:s8+$0x80B0]  }
0x35f: {  	v18 =	vadd.s32 $0x5000, v18;
	v23 =	vld [tilespmem:s8+$0x90B0]  }
0x360: {  	v19 =	vadd.s32 $0x5000, v19;
	v24 =	vld [tilespmem:s8+$0x80C0]  }
0x361: {  	v20 =	vadd.s32 $0x5000, v20;
	v25 =	vld [tilespmem:s8+$0x90C0]  }
0x362: {  	v21 =	vadd.s32 $0x5000, v21;
	v26 =	vld [tilespmem:s8+$0x80D0]  }
0x363: {  	v22 =	vadd.s32 $0x5000, v22;
	v27 =	vld [tilespmem:s8+$0x90D0]  }
0x364: {  	v23 =	vadd.s32 $0x5000, v23;
	v28 =	vld [tilespmem:s8+$0x80E0]  }
0x365: {  	v24 =	vadd.s32 $0x5000, v24;
	v29 =	vld [tilespmem:s8+$0x90E0]  }
0x366: {  	v30 =	vld.idx.msk [tilespmem:v0+s3+$0x0], $0xffff;
	v25 =	vadd.s32 $0x5000, v25  }
0x367: {  	v1 =	vld.idx.msk [tilespmem:v1+s3+$0x0], $0xffff;
	v26 =	vadd.s32 $0x5000, v26  }
0x368: {  	v4 =	vld.idx.msk [tilespmem:v4+s3+$0x0], $0xffff;
	v27 =	vadd.s32 $0x5000, v27  }
0x369: {  	v6 =	vld.idx.msk [tilespmem:v6+s3+$0x0], $0xffff;
	v28 =	vadd.s32 $0x5000, v28  }
0x36a: {  	v7 =	vld.idx.msk [tilespmem:v7+s3+$0x0], $0xffff;
	v0 =	vadd.s32 $0x5000, v29  }
0x36b: {  	v2 =	vld.idx.msk [tilespmem:v2+s3+$0x0], $0xffff  }
0x36c: {  	v5 =	vld.idx.msk [tilespmem:v5+s3+$0x0], $0xffff  }
0x36d: {  	v29 =	vsub.f32 v30, v1;
	[tilespmem:s8+$0x17000] =	vst v1;
	v1 =	vld.idx.msk [tilespmem:v9+s3+$0x0], $0xffff  }
0x36e: {  	v9 =	vld.idx.msk [tilespmem:v10+s3+$0x0], $0xffff  }
0x36f: {  	v4 =	vsub.f32 v4, v6;
	[tilespmem:s8+$0xF000] =	vst v29;
	v3 =	vld.idx.msk [tilespmem:v3+s3+$0x0], $0xffff  }
0x370: {  	[tilespmem:s8+$0x17010] =	vst v6;
	v6 =	vld.idx.msk [tilespmem:v12+s3+$0x0], $0xffff  }
0x371: {  	[tilespmem:s8+$0xF010] =	vst v4;
	v4 =	vsub.f32 v7, v2;
	v7 =	vld.idx.msk [tilespmem:v8+s3+$0x0], $0xffff  }
0x372: {  	[tilespmem:s8+$0x17020] =	vst v2;
	v2 =	vld.idx.msk [tilespmem:v14+s3+$0x0], $0xffff  }
0x373: {  	[tilespmem:s8+$0xF020] =	vst v4;
	v4 =	vsub.f32 v5, v1;
	v5 =	vld.idx.msk [tilespmem:v15+s3+$0x0], $0xffff  }
0x374: {  	[tilespmem:s8+$0x17030] =	vst v1;
	v1 =	vld.idx.msk [tilespmem:v11+s3+$0x0], $0xffff  }
0x375: {  	[tilespmem:s8+$0xF030] =	vst v4;
	v4 =	vsub.f32 v9, v3;
	v8 =	vld.idx.msk [tilespmem:v16+s3+$0x0], $0xffff  }
0x376: {  	[tilespmem:s8+$0x17040] =	vst v3;
	v3 =	vld.idx.msk [tilespmem:v13+s3+$0x0], $0xffff  }
0x377: {  	[tilespmem:s8+$0xF040] =	vst v4;
	v4 =	vsub.f32 v6, v7;
	v6 =	vld.idx.msk [tilespmem:v17+s3+$0x0], $0xffff  }
0x378: {  	[tilespmem:s8+$0x17050] =	vst v7;
	v7 =	vld.idx.msk [tilespmem:v18+s3+$0x0], $0xffff  }
0x379: {  	v2 =	vsub.f32 v2, v5;
	[tilespmem:s8+$0xF050] =	vst v4;
	v4 =	vld.idx.msk [tilespmem:v19+s3+$0x0], $0xffff  }
0x37a: {  	[tilespmem:s8+$0x17060] =	vst v5;
	v9 =	vld.idx.msk [tilespmem:v20+s3+$0x0], $0xffff  }
0x37b: {  	v1 =	vsub.f32 v1, v8;
	[tilespmem:s8+$0xF060] =	vst v2;
	v10 =	vld.idx.msk [tilespmem:v21+s3+$0x0], $0xffff  }
0x37c: {  	[tilespmem:s8+$0x17070] =	vst v8;
	v2 =	vld.idx.msk [tilespmem:v22+s3+$0x0], $0xffff  }
0x37d: {  	v5 =	vsub.f32 v3, v6;
	[tilespmem:s8+$0xF070] =	vst v1;
	v3 =	vld.idx.msk [tilespmem:v23+s3+$0x0], $0xffff  }
.Ltmp5:
0x37e: {  	[tilespmem:s8+$0x17080] =	vst v6;
	v1 =	vld.idx.msk [tilespmem:v24+s3+$0x0], $0xffff;
	(pc) =	sbr.rel @p0 .LBB2_13-.Ltmp5, $4  }
0x37f: {  	v6 =	vsub.f32 v7, v4;
	[tilespmem:s8+$0xF080] =	vst v5;
	v5 =	vld.idx.msk [tilespmem:v25+s3+$0x0], $0xffff  }
0x380: {  	[tilespmem:s8+$0x17090] =	vst v4;
	v4 =	vld.idx.msk [tilespmem:v26+s3+$0x0], $0xffff  }
0x381: {  	v8 =	vsub.f32 v9, v10;
	[tilespmem:s8+$0xF090] =	vst v6;
	v6 =	vld.idx.msk [tilespmem:v27+s3+$0x0], $0xffff  }
0x382: {  	s10 =	sadd.s32 $0x400, s10;
	[tilespmem:s8+$0x170A0] =	vst v10;
	v7 =	vld.idx.msk [tilespmem:v28+s3+$0x0], $0xffff  }
0x383: {  	_ =	sdelay $0x2  }
0x384: {  	[tilespmem:s8+$0xF0A0] =	vst v8  }
0x385: {  	v2 =	vsub.f32 v2, v3;
	v0 =	vld.idx.msk [tilespmem:v0+s3+$0x0], $0xffff;
	[tilespmem:s8+$0x170B0] =	vst v3  }
0x386: {  	v1 =	vsub.f32 v1, v5;
	[tilespmem:s8+$0x170C0] =	vst v5  }
0x387: {  	[tilespmem:s8+$0xF0B0] =	vst v2  }
0x388: {  	[tilespmem:s8+$0xF0C0] =	vst v1;
	v1 =	vsub.f32 v4, v6  }
0x389: {  	[tilespmem:s8+$0x170D0] =	vst v6  }
0x38a: {  	[tilespmem:s8+$0xF0D0] =	vst v1;
	v1 =	vsub.f32 v7, v0  }
0x38b: {  	[tilespmem:s8+$0x170E0] =	vst v0  }
0x38c: {  	s11 =	sadd.s32 s6, s20;
	[tilespmem:s8+$0xF0E0] =	vst v1  }
0x38d: {  	[hbm4b:s11+s24] =	stream.strided.scatter [tilespmem:s23], [sflag:$0x1], $0x1000, s25, s24, $0x38;
	[tilespmem:$0x1A000] =	vst v63  }
0x38e: {  	s13 =	sadd.s32 s7, s20;
	s8 =	simm.s32 $0x0  }
0x38f: {  	[hbm4b:s13+s24] =	stream.strided.scatter [tilespmem:s5], [sflag:$0x1], $0x1000, s25, s24, $0x38;
	[tilespmem:$0x1A000] =	vst v63  }
0x390: {  	v0 =	vld [tilespmem:s8+$0x80F0]  }
0x391: {  	v1 =	vld [tilespmem:s8+$0x90F0]  }
0x392: {  	v2 =	vld [tilespmem:s8+$0x8000]  }
0x393: {  	v3 =	vld [tilespmem:s8+$0x9000]  }
0x394: {  	v4 =	vld [tilespmem:s8+$0x8010]  }
0x395: {  	v5 =	vld [tilespmem:s8+$0x9010]  }
0x396: {  	v6 =	vld [tilespmem:s8+$0x8020]  }
0x397: {  	v7 =	vld [tilespmem:s8+$0x9020]  }
0x398: {  	v8 =	vld [tilespmem:s8+$0x8030]  }
0x399: {  	v9 =	vld [tilespmem:s8+$0x9030]  }
0x39a: {  	v10 =	vld [tilespmem:s8+$0x8040]  }
0x39b: {  	v11 =	vld [tilespmem:s8+$0x9040]  }
0x39c: {  	v12 =	vld [tilespmem:s8+$0x8050]  }
0x39d: {  	v13 =	vld [tilespmem:s8+$0x9050]  }
0x39e: {  	v14 =	vld [tilespmem:s8+$0x8060]  }
0x39f: {  	v15 =	vld [tilespmem:s8+$0x9060]  }
0x3a0: {  	v16 =	vld [tilespmem:s8+$0x8070]  }
0x3a1: {  	v17 =	vld [tilespmem:s8+$0x9070]  }
0x3a2: {  	v18 =	vld [tilespmem:s8+$0x8080]  }
0x3a3: {  	v19 =	vld [tilespmem:s8+$0x9080]  }
0x3a4: {  	v20 =	vld [tilespmem:s8+$0x8090]  }
0x3a5: {  	v21 =	vld [tilespmem:s8+$0x9090]  }
0x3a6: {  	v22 =	vld [tilespmem:s8+$0x80A0]  }
0x3a7: {  	v23 =	vld [tilespmem:s8+$0x90A0]  }
0x3a8: {  	v24 =	vld [tilespmem:s8+$0x80B0]  }
0x3a9: {  	v25 =	vld [tilespmem:s8+$0x90B0];
	v0 =	vadd.s32 $0x6000, v0  }
0x3aa: {  	v26 =	vld [tilespmem:s8+$0x80C0];
	v1 =	vadd.s32 $0x6000, v1  }
0x3ab: {  	v27 =	vld [tilespmem:s8+$0x90C0];
	v2 =	vadd.s32 $0x6000, v2  }
0x3ac: {  	v28 =	vld [tilespmem:s8+$0x80D0];
	v3 =	vadd.s32 $0x6000, v3  }
0x3ad: {  	v30 =	vld [tilespmem:s8+$0x80E0];
	v4 =	vadd.s32 $0x6000, v4  }
0x3ae: {  	v5 =	vadd.s32 $0x6000, v5;
	v0 =	vld.idx.msk [tilespmem:v0+s3+$0x0], $0xffff  }
0x3af: {  	v6 =	vadd.s32 $0x6000, v6;
	v1 =	vld.idx.msk [tilespmem:v1+s3+$0x0], $0xffff  }
0x3b0: {  	v7 =	vadd.s32 $0x6000, v7;
	v2 =	vld.idx.msk [tilespmem:v2+s3+$0x0], $0xffff  }
0x3b1: {  	v8 =	vadd.s32 $0x6000, v8;
	v3 =	vld.idx.msk [tilespmem:v3+s3+$0x0], $0xffff  }
0x3b2: {  	v9 =	vadd.s32 $0x6000, v9;
	v4 =	vld.idx.msk [tilespmem:v4+s3+$0x0], $0xffff  }
0x3b3: {  	v10 =	vadd.s32 $0x6000, v10;
	v5 =	vld.idx.msk [tilespmem:v5+s3+$0x0], $0xffff  }
0x3b4: {  	v11 =	vadd.s32 $0x6000, v11;
	v6 =	vld.idx.msk [tilespmem:v6+s3+$0x0], $0xffff  }
0x3b5: {  	v12 =	vadd.s32 $0x6000, v12;
	v7 =	vld.idx.msk [tilespmem:v7+s3+$0x0], $0xffff;
	v0 =	vsub.f32 v0, v1;
	[tilespmem:s8+$0x180F0] =	vst v1  }
0x3b6: {  	v8 =	vld.idx.msk [tilespmem:v8+s3+$0x0], $0xffff;
	v1 =	vadd.s32 $0x6000, v13;
	v2 =	vsub.f32 v2, v3;
	[tilespmem:s8+$0x18000] =	vst v3  }
0x3b7: {  	v58 =	vadd.s32 $0x6000, v15;
	v9 =	vld.idx.msk [tilespmem:v9+s3+$0x0], $0xffff;
	[tilespmem:s8+$0x100F0] =	vst v0  }
0x3b8: {  	v3 =	vld.idx.msk [tilespmem:v10+s3+$0x0], $0xffff;
	v0 =	vadd.s32 $0x6000, v14;
	[tilespmem:s8+$0x10000] =	vst v2;
	v2 =	vsub.f32 v4, v5  }
0x3b9: {  	v10 =	vadd.s32 $0x6000, v16;
	[tilespmem:s8+$0x18010] =	vst v5;
	v4 =	vld.idx.msk [tilespmem:v11+s3+$0x0], $0xffff  }
0x3ba: {  	v11 =	vadd.s32 $0x6000, v17;
	v5 =	vld.idx.msk [tilespmem:v12+s3+$0x0], $0xffff;
	[tilespmem:s8+$0x10010] =	vst v2;
	v2 =	vsub.f32 v6, v7  }
0x3bb: {  	v59 =	vadd.s32 $0x6000, v18;
	v1 =	vld.idx.msk [tilespmem:v1+s3+$0x0], $0xffff  }
0x3bc: {  	v6 =	vadd.s32 $0x6000, v19;
	[tilespmem:s8+$0x10020] =	vst v2;
	v2 =	vsub.f32 v8, v9;
	v8 =	vld.idx.msk [tilespmem:v58+s3+$0x0], $0xffff  }
0x3bd: {  	v60 =	vadd.s32 $0x6000, v21;
	[tilespmem:s8+$0x18020] =	vst v7;
	v0 =	vld.idx.msk [tilespmem:v0+s3+$0x0], $0xffff  }
0x3be: {  	[tilespmem:s8+$0x18030] =	vst v9;
	v7 =	vadd.s32 $0x6000, v20;
	v9 =	vld.idx.msk [tilespmem:v10+s3+$0x0], $0xffff  }
0x3bf: {  	[tilespmem:s8+$0x10030] =	vst v2;
	v2 =	vsub.f32 v3, v4;
	v3 =	vld.idx.msk [tilespmem:v11+s3+$0x0], $0xffff  }
0x3c0: {  	[tilespmem:s8+$0x18040] =	vst v4;
	v4 =	vld.idx.msk [tilespmem:v59+s3+$0x0], $0xffff  }
0x3c1: {  	v10 =	vadd.s32 $0x6000, v22;
	[tilespmem:s8+$0x10040] =	vst v2;
	v2 =	vsub.f32 v5, v1;
	v5 =	vld.idx.msk [tilespmem:v6+s3+$0x0], $0xffff  }
0x3c2: {  	v61 =	vadd.s32 $0x6000, v24;
	v13 =	vld.idx.msk [tilespmem:v60+s3+$0x0], $0xffff;
	v0 =	vsub.f32 v0, v8  }
0x3c3: {  	v11 =	vadd.s32 $0x6000, v23;
	v7 =	vld.idx.msk [tilespmem:v7+s3+$0x0], $0xffff;
	[tilespmem:s8+$0x18050] =	vst v1  }
0x3c4: {  	v29 =	vld [tilespmem:s8+$0x90D0];
	v6 =	vadd.s32 $0x6000, v25;
	[tilespmem:s8+$0x10060] =	vst v0;
	v0 =	vsub.f32 v9, v3  }
0x3c5: {  	v31 =	vld [tilespmem:s8+$0x90E0];
	v1 =	vadd.s32 $0x6000, v26;
	[tilespmem:s8+$0x18060] =	vst v8  }
0x3c6: {  	v62 =	vadd.s32 $0x6000, v27;
	v8 =	vld.idx.msk [tilespmem:v10+s3+$0x0], $0xffff;
	[tilespmem:s8+$0x10070] =	vst v0;
	v0 =	vsub.f32 v4, v5  }
0x3c7: {  	[tilespmem:s8+$0x10050] =	vst v2;
	v10 =	vadd.s32 $0x6000, v28;
	v2 =	vld.idx.msk [tilespmem:v61+s3+$0x0], $0xffff  }
0x3c8: {  	v63 =	vadd.s32 $0x6000, v30;
	v9 =	vld.idx.msk [tilespmem:v11+s3+$0x0], $0xffff;
	[tilespmem:s8+$0x10080] =	vst v0;
	v0 =	vsub.f32 v7, v13  }
0x3c9: {  	[tilespmem:s8+$0x18070] =	vst v3;
	v11 =	vadd.s32 $0x6000, v29;
	v3 =	vld.idx.msk [tilespmem:v6+s3+$0x0], $0xffff  }
0x3ca: {  	v1 =	vld.idx.msk [tilespmem:v1+s3+$0x0], $0xffff;
	[tilespmem:s8+$0x10090] =	vst v0;
	v0 =	vadd.s32 $0x6000, v31  }
0x3cb: {  	[tilespmem:s8+$0x18080] =	vst v5;
	v5 =	vld.idx.msk [tilespmem:v62+s3+$0x0], $0xffff  }
0x3cc: {  	v4 =	vld.idx.msk [tilespmem:v10+s3+$0x0], $0xffff  }
0x3cd: {  	[tilespmem:s8+$0x18090] =	vst v13;
	v7 =	vld.idx.msk [tilespmem:v63+s3+$0x0], $0xffff;
	v8 =	vsub.f32 v8, v9  }
0x3ce: {  	s9 =	simm.s32 $0x0;
	s10 =	simm.s32 $0x400;
	v6 =	vld.idx.msk [tilespmem:v11+s3+$0x0], $0xffff;
	[tilespmem:s8+$0x180A0] =	vst v9  }
.LBB2_15:
0x3cf: {  	s11 =	sshra.s32 s10, $0x2;
	[tilespmem:s8+$0x100A0] =	vst v8;
	v2 =	vsub.f32 v2, v3;
	v0 =	vld.idx.msk [tilespmem:v0+s3+$0x0], $0xffff  }
0x3d0: {  	s9 =	sadd.s32 $0x10, s9;
	v8 =	vld [tilespmem:s11+$0x80F0];
	[tilespmem:s8+$0x180B0] =	vst v3  }
0x3d1: {  	p0 =	slt.u32 s9, $0xF0;
	v1 =	vsub.f32 v1, v5;
	v3 =	vld [tilespmem:s11+$0x90F0];
	[tilespmem:s8+$0x100B0] =	vst v2  }
0x3d2: {  	v2 =	vld [tilespmem:s11+$0x8000];
	[tilespmem:s8+$0x180C0] =	vst v5  }
0x3d3: {  	v5 =	vld [tilespmem:s11+$0x9000];
	[tilespmem:s8+$0x100C0] =	vst v1;
	v1 =	vsub.f32 v4, v6  }
0x3d4: {  	v4 =	vld [tilespmem:s11+$0x8010];
	[tilespmem:s8+$0x180D0] =	vst v6  }
0x3d5: {  	v6 =	vld [tilespmem:s11+$0x9010];
	v8 =	vadd.s32 $0x6000, v8;
	[tilespmem:s8+$0x100D0] =	vst v1;
	v1 =	vsub.f32 v7, v0  }
0x3d6: {  	v7 =	vld [tilespmem:s11+$0x8020];
	v3 =	vadd.s32 $0x6000, v3;
	[tilespmem:s8+$0x180E0] =	vst v0  }
0x3d7: {  	v0 =	vadd.s32 $0x6000, v2;
	v2 =	vld [tilespmem:s11+$0x9020];
	[tilespmem:s8+$0x100E0] =	vst v1;
	s8 =	smov.u32 s11  }
0x3d8: {  	v1 =	vadd.s32 $0x6000, v5;
	v5 =	vld [tilespmem:s8+$0x8030]  }
0x3d9: {  	v4 =	vadd.s32 $0x6000, v4;
	v9 =	vld [tilespmem:s8+$0x9030]  }
0x3da: {  	v6 =	vadd.s32 $0x6000, v6;
	v8 =	vld.idx.msk [tilespmem:v8+s3+$0x0], $0xffff  }
0x3db: {  	v7 =	vadd.s32 $0x6000, v7;
	v3 =	vld.idx.msk [tilespmem:v3+s3+$0x0], $0xffff  }
0x3dc: {  	v2 =	vadd.s32 $0x6000, v2;
	v10 =	vld [tilespmem:s8+$0x8040]  }
0x3dd: {  	v5 =	vadd.s32 $0x6000, v5;
	v11 =	vld [tilespmem:s8+$0x9040]  }
0x3de: {  	v9 =	vadd.s32 $0x6000, v9;
	v12 =	vld [tilespmem:s8+$0x8050]  }
0x3df: {  	v13 =	vld [tilespmem:s8+$0x9050]  }
0x3e0: {  	v14 =	vld [tilespmem:s8+$0x8060]  }
0x3e1: {  	v8 =	vsub.f32 v8, v3;
	v10 =	vadd.s32 $0x6000, v10;
	v15 =	vld [tilespmem:s8+$0x9060];
	[tilespmem:s8+$0x180F0] =	vst v3  }
0x3e2: {  	v3 =	vadd.s32 $0x6000, v11;
	v11 =	vld [tilespmem:s8+$0x8070]  }
0x3e3: {  	v12 =	vadd.s32 $0x6000, v12;
	v16 =	vld [tilespmem:s8+$0x9070];
	[tilespmem:s8+$0x100F0] =	vst v8  }
0x3e4: {  	v8 =	vadd.s32 $0x6000, v13;
	v13 =	vld [tilespmem:s8+$0x8080]  }
0x3e5: {  	v14 =	vadd.s32 $0x6000, v14;
	v17 =	vld [tilespmem:s8+$0x9080]  }
0x3e6: {  	v15 =	vadd.s32 $0x6000, v15;
	v18 =	vld [tilespmem:s8+$0x8090]  }
0x3e7: {  	v11 =	vadd.s32 $0x6000, v11;
	v19 =	vld [tilespmem:s8+$0x9090]  }
0x3e8: {  	v16 =	vadd.s32 $0x6000, v16;
	v20 =	vld [tilespmem:s8+$0x80A0]  }
0x3e9: {  	v13 =	vadd.s32 $0x6000, v13;
	v21 =	vld [tilespmem:s8+$0x90A0]  }
0x3ea: {  	v17 =	vadd.s32 $0x6000, v17;
	v22 =	vld [tilespmem:s8+$0x80B0]  }
0x3eb: {  	v18 =	vadd.s32 $0x6000, v18;
	v23 =	vld [tilespmem:s8+$0x90B0]  }
0x3ec: {  	v19 =	vadd.s32 $0x6000, v19;
	v24 =	vld [tilespmem:s8+$0x80C0]  }
0x3ed: {  	v20 =	vadd.s32 $0x6000, v20;
	v25 =	vld [tilespmem:s8+$0x90C0]  }
0x3ee: {  	v21 =	vadd.s32 $0x6000, v21;
	v26 =	vld [tilespmem:s8+$0x80D0]  }
0x3ef: {  	v22 =	vadd.s32 $0x6000, v22;
	v27 =	vld [tilespmem:s8+$0x90D0]  }
0x3f0: {  	v23 =	vadd.s32 $0x6000, v23;
	v28 =	vld [tilespmem:s8+$0x80E0]  }
0x3f1: {  	v24 =	vadd.s32 $0x6000, v24;
	v29 =	vld [tilespmem:s8+$0x90E0]  }
0x3f2: {  	v30 =	vld.idx.msk [tilespmem:v0+s3+$0x0], $0xffff;
	v25 =	vadd.s32 $0x6000, v25  }
0x3f3: {  	v1 =	vld.idx.msk [tilespmem:v1+s3+$0x0], $0xffff;
	v26 =	vadd.s32 $0x6000, v26  }
0x3f4: {  	v4 =	vld.idx.msk [tilespmem:v4+s3+$0x0], $0xffff;
	v27 =	vadd.s32 $0x6000, v27  }
0x3f5: {  	v6 =	vld.idx.msk [tilespmem:v6+s3+$0x0], $0xffff;
	v28 =	vadd.s32 $0x6000, v28  }
0x3f6: {  	v7 =	vld.idx.msk [tilespmem:v7+s3+$0x0], $0xffff;
	v0 =	vadd.s32 $0x6000, v29  }
0x3f7: {  	v2 =	vld.idx.msk [tilespmem:v2+s3+$0x0], $0xffff  }
0x3f8: {  	v5 =	vld.idx.msk [tilespmem:v5+s3+$0x0], $0xffff  }
0x3f9: {  	v29 =	vsub.f32 v30, v1;
	[tilespmem:s8+$0x18000] =	vst v1;
	v1 =	vld.idx.msk [tilespmem:v9+s3+$0x0], $0xffff  }
0x3fa: {  	v9 =	vld.idx.msk [tilespmem:v10+s3+$0x0], $0xffff  }
0x3fb: {  	v4 =	vsub.f32 v4, v6;
	[tilespmem:s8+$0x10000] =	vst v29;
	v3 =	vld.idx.msk [tilespmem:v3+s3+$0x0], $0xffff  }
0x3fc: {  	[tilespmem:s8+$0x18010] =	vst v6;
	v6 =	vld.idx.msk [tilespmem:v12+s3+$0x0], $0xffff  }
0x3fd: {  	[tilespmem:s8+$0x10010] =	vst v4;
	v4 =	vsub.f32 v7, v2;
	v7 =	vld.idx.msk [tilespmem:v8+s3+$0x0], $0xffff  }
0x3fe: {  	[tilespmem:s8+$0x18020] =	vst v2;
	v2 =	vld.idx.msk [tilespmem:v14+s3+$0x0], $0xffff  }
0x3ff: {  	[tilespmem:s8+$0x10020] =	vst v4;
	v4 =	vsub.f32 v5, v1;
	v5 =	vld.idx.msk [tilespmem:v15+s3+$0x0], $0xffff  }
0x400: {  	[tilespmem:s8+$0x18030] =	vst v1;
	v1 =	vld.idx.msk [tilespmem:v11+s3+$0x0], $0xffff  }
0x401: {  	[tilespmem:s8+$0x10030] =	vst v4;
	v4 =	vsub.f32 v9, v3;
	v8 =	vld.idx.msk [tilespmem:v16+s3+$0x0], $0xffff  }
0x402: {  	[tilespmem:s8+$0x18040] =	vst v3;
	v3 =	vld.idx.msk [tilespmem:v13+s3+$0x0], $0xffff  }
0x403: {  	[tilespmem:s8+$0x10040] =	vst v4;
	v4 =	vsub.f32 v6, v7;
	v6 =	vld.idx.msk [tilespmem:v17+s3+$0x0], $0xffff  }
0x404: {  	[tilespmem:s8+$0x18050] =	vst v7;
	v7 =	vld.idx.msk [tilespmem:v18+s3+$0x0], $0xffff  }
0x405: {  	v2 =	vsub.f32 v2, v5;
	[tilespmem:s8+$0x10050] =	vst v4;
	v4 =	vld.idx.msk [tilespmem:v19+s3+$0x0], $0xffff  }
0x406: {  	[tilespmem:s8+$0x18060] =	vst v5;
	v9 =	vld.idx.msk [tilespmem:v20+s3+$0x0], $0xffff  }
0x407: {  	v1 =	vsub.f32 v1, v8;
	[tilespmem:s8+$0x10060] =	vst v2;
	v10 =	vld.idx.msk [tilespmem:v21+s3+$0x0], $0xffff  }
0x408: {  	[tilespmem:s8+$0x18070] =	vst v8;
	v2 =	vld.idx.msk [tilespmem:v22+s3+$0x0], $0xffff  }
0x409: {  	v5 =	vsub.f32 v3, v6;
	[tilespmem:s8+$0x10070] =	vst v1;
	v3 =	vld.idx.msk [tilespmem:v23+s3+$0x0], $0xffff  }
.Ltmp6:
0x40a: {  	[tilespmem:s8+$0x18080] =	vst v6;
	v1 =	vld.idx.msk [tilespmem:v24+s3+$0x0], $0xffff;
	(pc) =	sbr.rel @p0 .LBB2_15-.Ltmp6, $4  }
0x40b: {  	v6 =	vsub.f32 v7, v4;
	[tilespmem:s8+$0x10080] =	vst v5;
	v5 =	vld.idx.msk [tilespmem:v25+s3+$0x0], $0xffff  }
0x40c: {  	[tilespmem:s8+$0x18090] =	vst v4;
	v4 =	vld.idx.msk [tilespmem:v26+s3+$0x0], $0xffff  }
0x40d: {  	v8 =	vsub.f32 v9, v10;
	[tilespmem:s8+$0x10090] =	vst v6;
	v6 =	vld.idx.msk [tilespmem:v27+s3+$0x0], $0xffff  }
0x40e: {  	s10 =	sadd.s32 $0x400, s10;
	[tilespmem:s8+$0x180A0] =	vst v10;
	v7 =	vld.idx.msk [tilespmem:v28+s3+$0x0], $0xffff  }
0x40f: {  	_ =	sdelay $0x2  }
0x410: {  	[tilespmem:s8+$0x100A0] =	vst v8  }
0x411: {  	v2 =	vsub.f32 v2, v3;
	v0 =	vld.idx.msk [tilespmem:v0+s3+$0x0], $0xffff;
	[tilespmem:s8+$0x180B0] =	vst v3  }
0x412: {  	v1 =	vsub.f32 v1, v5;
	[tilespmem:s8+$0x180C0] =	vst v5  }
0x413: {  	[tilespmem:s8+$0x100B0] =	vst v2  }
0x414: {  	[tilespmem:s8+$0x100C0] =	vst v1;
	v1 =	vsub.f32 v4, v6  }
0x415: {  	[tilespmem:s8+$0x180D0] =	vst v6  }
0x416: {  	[tilespmem:s8+$0x100D0] =	vst v1;
	v1 =	vsub.f32 v7, v0  }
0x417: {  	[tilespmem:s8+$0x180E0] =	vst v0  }
0x418: {  	s11 =	sadd.s32 s6, s21;
	[tilespmem:s8+$0x100E0] =	vst v1  }
0x419: {  	[hbm4b:s11+s24] =	stream.strided.scatter [tilespmem:s29], [sflag:$0x1], $0x1000, s25, s24, $0x38;
	[tilespmem:$0x1A000] =	vst v63  }
0x41a: {  	s13 =	sadd.s32 s7, s21;
	s8 =	simm.s32 $0x0  }
0x41b: {  	[hbm4b:s13+s24] =	stream.strided.scatter [tilespmem:s30], [sflag:$0x1], $0x1000, s25, s24, $0x38;
	[tilespmem:$0x1A000] =	vst v63  }
0x41c: {  	v0 =	vld [tilespmem:s8+$0x80F0]  }
0x41d: {  	v1 =	vld [tilespmem:s8+$0x90F0]  }
0x41e: {  	v2 =	vld [tilespmem:s8+$0x8000]  }
0x41f: {  	v3 =	vld [tilespmem:s8+$0x9000]  }
0x420: {  	v4 =	vld [tilespmem:s8+$0x8010]  }
0x421: {  	v5 =	vld [tilespmem:s8+$0x9010]  }
0x422: {  	v6 =	vld [tilespmem:s8+$0x8020]  }
0x423: {  	v7 =	vld [tilespmem:s8+$0x9020]  }
0x424: {  	v8 =	vld [tilespmem:s8+$0x8030]  }
0x425: {  	v9 =	vld [tilespmem:s8+$0x9030]  }
0x426: {  	v10 =	vld [tilespmem:s8+$0x8040]  }
0x427: {  	v11 =	vld [tilespmem:s8+$0x9040]  }
0x428: {  	v12 =	vld [tilespmem:s8+$0x8050]  }
0x429: {  	v13 =	vld [tilespmem:s8+$0x9050]  }
0x42a: {  	v14 =	vld [tilespmem:s8+$0x8060]  }
0x42b: {  	v15 =	vld [tilespmem:s8+$0x9060]  }
0x42c: {  	v16 =	vld [tilespmem:s8+$0x8070]  }
0x42d: {  	v17 =	vld [tilespmem:s8+$0x9070]  }
0x42e: {  	v18 =	vld [tilespmem:s8+$0x8080]  }
0x42f: {  	v19 =	vld [tilespmem:s8+$0x9080]  }
0x430: {  	v20 =	vld [tilespmem:s8+$0x8090]  }
0x431: {  	v21 =	vld [tilespmem:s8+$0x9090]  }
0x432: {  	v22 =	vld [tilespmem:s8+$0x80A0]  }
0x433: {  	v23 =	vld [tilespmem:s8+$0x90A0]  }
0x434: {  	v24 =	vld [tilespmem:s8+$0x80B0]  }
0x435: {  	v25 =	vld [tilespmem:s8+$0x90B0];
	v0 =	vadd.s32 $0x7000, v0  }
0x436: {  	v26 =	vld [tilespmem:s8+$0x80C0];
	v1 =	vadd.s32 $0x7000, v1  }
0x437: {  	v27 =	vld [tilespmem:s8+$0x90C0];
	v2 =	vadd.s32 $0x7000, v2  }
0x438: {  	v28 =	vld [tilespmem:s8+$0x80D0];
	v3 =	vadd.s32 $0x7000, v3  }
0x439: {  	v30 =	vld [tilespmem:s8+$0x80E0];
	v4 =	vadd.s32 $0x7000, v4  }
0x43a: {  	v5 =	vadd.s32 $0x7000, v5;
	v0 =	vld.idx.msk [tilespmem:v0+s3+$0x0], $0xffff  }
0x43b: {  	v6 =	vadd.s32 $0x7000, v6;
	v1 =	vld.idx.msk [tilespmem:v1+s3+$0x0], $0xffff  }
0x43c: {  	v7 =	vadd.s32 $0x7000, v7;
	v2 =	vld.idx.msk [tilespmem:v2+s3+$0x0], $0xffff  }
0x43d: {  	v8 =	vadd.s32 $0x7000, v8;
	v3 =	vld.idx.msk [tilespmem:v3+s3+$0x0], $0xffff  }
0x43e: {  	v9 =	vadd.s32 $0x7000, v9;
	v4 =	vld.idx.msk [tilespmem:v4+s3+$0x0], $0xffff  }
0x43f: {  	v10 =	vadd.s32 $0x7000, v10;
	v5 =	vld.idx.msk [tilespmem:v5+s3+$0x0], $0xffff  }
0x440: {  	v11 =	vadd.s32 $0x7000, v11;
	v6 =	vld.idx.msk [tilespmem:v6+s3+$0x0], $0xffff  }
0x441: {  	v12 =	vadd.s32 $0x7000, v12;
	v7 =	vld.idx.msk [tilespmem:v7+s3+$0x0], $0xffff;
	v0 =	vsub.f32 v0, v1;
	[tilespmem:s8+$0x190F0] =	vst v1  }
0x442: {  	v8 =	vld.idx.msk [tilespmem:v8+s3+$0x0], $0xffff;
	v1 =	vadd.s32 $0x7000, v13;
	v2 =	vsub.f32 v2, v3;
	[tilespmem:s8+$0x19000] =	vst v3  }
0x443: {  	v58 =	vadd.s32 $0x7000, v15;
	v9 =	vld.idx.msk [tilespmem:v9+s3+$0x0], $0xffff;
	[tilespmem:s8+$0x110F0] =	vst v0  }
0x444: {  	v3 =	vld.idx.msk [tilespmem:v10+s3+$0x0], $0xffff;
	v0 =	vadd.s32 $0x7000, v14;
	[tilespmem:s8+$0x11000] =	vst v2;
	v2 =	vsub.f32 v4, v5  }
0x445: {  	v10 =	vadd.s32 $0x7000, v16;
	[tilespmem:s8+$0x19010] =	vst v5;
	v4 =	vld.idx.msk [tilespmem:v11+s3+$0x0], $0xffff  }
0x446: {  	v11 =	vadd.s32 $0x7000, v17;
	v5 =	vld.idx.msk [tilespmem:v12+s3+$0x0], $0xffff;
	[tilespmem:s8+$0x11010] =	vst v2;
	v2 =	vsub.f32 v6, v7  }
0x447: {  	v59 =	vadd.s32 $0x7000, v18;
	v1 =	vld.idx.msk [tilespmem:v1+s3+$0x0], $0xffff  }
0x448: {  	v6 =	vadd.s32 $0x7000, v19;
	[tilespmem:s8+$0x11020] =	vst v2;
	v2 =	vsub.f32 v8, v9;
	v8 =	vld.idx.msk [tilespmem:v58+s3+$0x0], $0xffff  }
0x449: {  	v60 =	vadd.s32 $0x7000, v21;
	[tilespmem:s8+$0x19020] =	vst v7;
	v0 =	vld.idx.msk [tilespmem:v0+s3+$0x0], $0xffff  }
0x44a: {  	[tilespmem:s8+$0x19030] =	vst v9;
	v7 =	vadd.s32 $0x7000, v20;
	v9 =	vld.idx.msk [tilespmem:v10+s3+$0x0], $0xffff  }
0x44b: {  	[tilespmem:s8+$0x11030] =	vst v2;
	v2 =	vsub.f32 v3, v4;
	v3 =	vld.idx.msk [tilespmem:v11+s3+$0x0], $0xffff  }
0x44c: {  	[tilespmem:s8+$0x19040] =	vst v4;
	v4 =	vld.idx.msk [tilespmem:v59+s3+$0x0], $0xffff  }
0x44d: {  	v10 =	vadd.s32 $0x7000, v22;
	[tilespmem:s8+$0x11040] =	vst v2;
	v2 =	vsub.f32 v5, v1;
	v5 =	vld.idx.msk [tilespmem:v6+s3+$0x0], $0xffff  }
0x44e: {  	v61 =	vadd.s32 $0x7000, v24;
	v13 =	vld.idx.msk [tilespmem:v60+s3+$0x0], $0xffff;
	v0 =	vsub.f32 v0, v8  }
0x44f: {  	v11 =	vadd.s32 $0x7000, v23;
	v7 =	vld.idx.msk [tilespmem:v7+s3+$0x0], $0xffff;
	[tilespmem:s8+$0x19050] =	vst v1  }
0x450: {  	v29 =	vld [tilespmem:s8+$0x90D0];
	v6 =	vadd.s32 $0x7000, v25;
	[tilespmem:s8+$0x11060] =	vst v0;
	v0 =	vsub.f32 v9, v3  }
0x451: {  	v31 =	vld [tilespmem:s8+$0x90E0];
	v1 =	vadd.s32 $0x7000, v26;
	[tilespmem:s8+$0x19060] =	vst v8  }
0x452: {  	v62 =	vadd.s32 $0x7000, v27;
	v8 =	vld.idx.msk [tilespmem:v10+s3+$0x0], $0xffff;
	[tilespmem:s8+$0x11070] =	vst v0;
	v0 =	vsub.f32 v4, v5  }
0x453: {  	[tilespmem:s8+$0x11050] =	vst v2;
	v10 =	vadd.s32 $0x7000, v28;
	v2 =	vld.idx.msk [tilespmem:v61+s3+$0x0], $0xffff  }
0x454: {  	v63 =	vadd.s32 $0x7000, v30;
	v9 =	vld.idx.msk [tilespmem:v11+s3+$0x0], $0xffff;
	[tilespmem:s8+$0x11080] =	vst v0;
	v0 =	vsub.f32 v7, v13  }
0x455: {  	[tilespmem:s8+$0x19070] =	vst v3;
	v11 =	vadd.s32 $0x7000, v29;
	v3 =	vld.idx.msk [tilespmem:v6+s3+$0x0], $0xffff  }
0x456: {  	v1 =	vld.idx.msk [tilespmem:v1+s3+$0x0], $0xffff;
	[tilespmem:s8+$0x11090] =	vst v0;
	v0 =	vadd.s32 $0x7000, v31  }
0x457: {  	[tilespmem:s8+$0x19080] =	vst v5;
	v5 =	vld.idx.msk [tilespmem:v62+s3+$0x0], $0xffff  }
0x458: {  	v4 =	vld.idx.msk [tilespmem:v10+s3+$0x0], $0xffff  }
0x459: {  	[tilespmem:s8+$0x19090] =	vst v13;
	v7 =	vld.idx.msk [tilespmem:v63+s3+$0x0], $0xffff;
	v8 =	vsub.f32 v8, v9  }
0x45a: {  	s9 =	simm.s32 $0x0;
	s10 =	simm.s32 $0x400;
	v6 =	vld.idx.msk [tilespmem:v11+s3+$0x0], $0xffff;
	[tilespmem:s8+$0x190A0] =	vst v9  }
.LBB2_17:
0x45b: {  	s11 =	sshra.s32 s10, $0x2;
	[tilespmem:s8+$0x110A0] =	vst v8;
	v2 =	vsub.f32 v2, v3;
	v0 =	vld.idx.msk [tilespmem:v0+s3+$0x0], $0xffff  }
0x45c: {  	s9 =	sadd.s32 $0x10, s9;
	v8 =	vld [tilespmem:s11+$0x80F0];
	[tilespmem:s8+$0x190B0] =	vst v3  }
0x45d: {  	p0 =	slt.u32 s9, $0xF0;
	v1 =	vsub.f32 v1, v5;
	v3 =	vld [tilespmem:s11+$0x90F0];
	[tilespmem:s8+$0x110B0] =	vst v2  }
0x45e: {  	v2 =	vld [tilespmem:s11+$0x8000];
	[tilespmem:s8+$0x190C0] =	vst v5  }
0x45f: {  	v5 =	vld [tilespmem:s11+$0x9000];
	[tilespmem:s8+$0x110C0] =	vst v1;
	v1 =	vsub.f32 v4, v6  }
0x460: {  	v4 =	vld [tilespmem:s11+$0x8010];
	[tilespmem:s8+$0x190D0] =	vst v6  }
0x461: {  	v6 =	vld [tilespmem:s11+$0x9010];
	v8 =	vadd.s32 $0x7000, v8;
	[tilespmem:s8+$0x110D0] =	vst v1;
	v1 =	vsub.f32 v7, v0  }
0x462: {  	v7 =	vld [tilespmem:s11+$0x8020];
	v3 =	vadd.s32 $0x7000, v3;
	[tilespmem:s8+$0x190E0] =	vst v0  }
0x463: {  	v0 =	vadd.s32 $0x7000, v2;
	v2 =	vld [tilespmem:s11+$0x9020];
	[tilespmem:s8+$0x110E0] =	vst v1;
	s8 =	smov.u32 s11  }
0x464: {  	v1 =	vadd.s32 $0x7000, v5;
	v5 =	vld [tilespmem:s8+$0x8030]  }
0x465: {  	v4 =	vadd.s32 $0x7000, v4;
	v9 =	vld [tilespmem:s8+$0x9030]  }
0x466: {  	v6 =	vadd.s32 $0x7000, v6;
	v8 =	vld.idx.msk [tilespmem:v8+s3+$0x0], $0xffff  }
0x467: {  	v7 =	vadd.s32 $0x7000, v7;
	v3 =	vld.idx.msk [tilespmem:v3+s3+$0x0], $0xffff  }
0x468: {  	v2 =	vadd.s32 $0x7000, v2;
	v10 =	vld [tilespmem:s8+$0x8040]  }
0x469: {  	v5 =	vadd.s32 $0x7000, v5;
	v11 =	vld [tilespmem:s8+$0x9040]  }
0x46a: {  	v9 =	vadd.s32 $0x7000, v9;
	v12 =	vld [tilespmem:s8+$0x8050]  }
0x46b: {  	v13 =	vld [tilespmem:s8+$0x9050]  }
0x46c: {  	v14 =	vld [tilespmem:s8+$0x8060]  }
0x46d: {  	v8 =	vsub.f32 v8, v3;
	v10 =	vadd.s32 $0x7000, v10;
	v15 =	vld [tilespmem:s8+$0x9060];
	[tilespmem:s8+$0x190F0] =	vst v3  }
0x46e: {  	v3 =	vadd.s32 $0x7000, v11;
	v11 =	vld [tilespmem:s8+$0x8070]  }
0x46f: {  	v12 =	vadd.s32 $0x7000, v12;
	v16 =	vld [tilespmem:s8+$0x9070];
	[tilespmem:s8+$0x110F0] =	vst v8  }
0x470: {  	v8 =	vadd.s32 $0x7000, v13;
	v13 =	vld [tilespmem:s8+$0x8080]  }
0x471: {  	v14 =	vadd.s32 $0x7000, v14;
	v17 =	vld [tilespmem:s8+$0x9080]  }
0x472: {  	v15 =	vadd.s32 $0x7000, v15;
	v18 =	vld [tilespmem:s8+$0x8090]  }
0x473: {  	v11 =	vadd.s32 $0x7000, v11;
	v19 =	vld [tilespmem:s8+$0x9090]  }
0x474: {  	v16 =	vadd.s32 $0x7000, v16;
	v20 =	vld [tilespmem:s8+$0x80A0]  }
0x475: {  	v13 =	vadd.s32 $0x7000, v13;
	v21 =	vld [tilespmem:s8+$0x90A0]  }
0x476: {  	v17 =	vadd.s32 $0x7000, v17;
	v22 =	vld [tilespmem:s8+$0x80B0]  }
0x477: {  	v18 =	vadd.s32 $0x7000, v18;
	v23 =	vld [tilespmem:s8+$0x90B0]  }
0x478: {  	v19 =	vadd.s32 $0x7000, v19;
	v24 =	vld [tilespmem:s8+$0x80C0]  }
0x479: {  	v20 =	vadd.s32 $0x7000, v20;
	v25 =	vld [tilespmem:s8+$0x90C0]  }
0x47a: {  	v21 =	vadd.s32 $0x7000, v21;
	v26 =	vld [tilespmem:s8+$0x80D0]  }
0x47b: {  	v22 =	vadd.s32 $0x7000, v22;
	v27 =	vld [tilespmem:s8+$0x90D0]  }
0x47c: {  	v23 =	vadd.s32 $0x7000, v23;
	v28 =	vld [tilespmem:s8+$0x80E0]  }
0x47d: {  	v24 =	vadd.s32 $0x7000, v24;
	v29 =	vld [tilespmem:s8+$0x90E0]  }
0x47e: {  	v30 =	vld.idx.msk [tilespmem:v0+s3+$0x0], $0xffff;
	v25 =	vadd.s32 $0x7000, v25  }
0x47f: {  	v1 =	vld.idx.msk [tilespmem:v1+s3+$0x0], $0xffff;
	v26 =	vadd.s32 $0x7000, v26  }
0x480: {  	v4 =	vld.idx.msk [tilespmem:v4+s3+$0x0], $0xffff;
	v27 =	vadd.s32 $0x7000, v27  }
0x481: {  	v6 =	vld.idx.msk [tilespmem:v6+s3+$0x0], $0xffff;
	v28 =	vadd.s32 $0x7000, v28  }
0x482: {  	v7 =	vld.idx.msk [tilespmem:v7+s3+$0x0], $0xffff;
	v0 =	vadd.s32 $0x7000, v29  }
0x483: {  	v2 =	vld.idx.msk [tilespmem:v2+s3+$0x0], $0xffff  }
0x484: {  	v5 =	vld.idx.msk [tilespmem:v5+s3+$0x0], $0xffff  }
0x485: {  	v29 =	vsub.f32 v30, v1;
	[tilespmem:s8+$0x19000] =	vst v1;
	v1 =	vld.idx.msk [tilespmem:v9+s3+$0x0], $0xffff  }
0x486: {  	v9 =	vld.idx.msk [tilespmem:v10+s3+$0x0], $0xffff  }
0x487: {  	v4 =	vsub.f32 v4, v6;
	[tilespmem:s8+$0x11000] =	vst v29;
	v3 =	vld.idx.msk [tilespmem:v3+s3+$0x0], $0xffff  }
0x488: {  	[tilespmem:s8+$0x19010] =	vst v6;
	v6 =	vld.idx.msk [tilespmem:v12+s3+$0x0], $0xffff  }
0x489: {  	[tilespmem:s8+$0x11010] =	vst v4;
	v4 =	vsub.f32 v7, v2;
	v7 =	vld.idx.msk [tilespmem:v8+s3+$0x0], $0xffff  }
0x48a: {  	[tilespmem:s8+$0x19020] =	vst v2;
	v2 =	vld.idx.msk [tilespmem:v14+s3+$0x0], $0xffff  }
0x48b: {  	[tilespmem:s8+$0x11020] =	vst v4;
	v4 =	vsub.f32 v5, v1;
	v5 =	vld.idx.msk [tilespmem:v15+s3+$0x0], $0xffff  }
0x48c: {  	[tilespmem:s8+$0x19030] =	vst v1;
	v1 =	vld.idx.msk [tilespmem:v11+s3+$0x0], $0xffff  }
0x48d: {  	[tilespmem:s8+$0x11030] =	vst v4;
	v4 =	vsub.f32 v9, v3;
	v8 =	vld.idx.msk [tilespmem:v16+s3+$0x0], $0xffff  }
0x48e: {  	[tilespmem:s8+$0x19040] =	vst v3;
	v3 =	vld.idx.msk [tilespmem:v13+s3+$0x0], $0xffff  }
0x48f: {  	[tilespmem:s8+$0x11040] =	vst v4;
	v4 =	vsub.f32 v6, v7;
	v6 =	vld.idx.msk [tilespmem:v17+s3+$0x0], $0xffff  }
0x490: {  	[tilespmem:s8+$0x19050] =	vst v7;
	v7 =	vld.idx.msk [tilespmem:v18+s3+$0x0], $0xffff  }
0x491: {  	v2 =	vsub.f32 v2, v5;
	[tilespmem:s8+$0x11050] =	vst v4;
	v4 =	vld.idx.msk [tilespmem:v19+s3+$0x0], $0xffff  }
0x492: {  	[tilespmem:s8+$0x19060] =	vst v5;
	v9 =	vld.idx.msk [tilespmem:v20+s3+$0x0], $0xffff  }
0x493: {  	v1 =	vsub.f32 v1, v8;
	[tilespmem:s8+$0x11060] =	vst v2;
	v10 =	vld.idx.msk [tilespmem:v21+s3+$0x0], $0xffff  }
0x494: {  	[tilespmem:s8+$0x19070] =	vst v8;
	v2 =	vld.idx.msk [tilespmem:v22+s3+$0x0], $0xffff  }
0x495: {  	v5 =	vsub.f32 v3, v6;
	[tilespmem:s8+$0x11070] =	vst v1;
	v3 =	vld.idx.msk [tilespmem:v23+s3+$0x0], $0xffff  }
.Ltmp7:
0x496: {  	[tilespmem:s8+$0x19080] =	vst v6;
	v1 =	vld.idx.msk [tilespmem:v24+s3+$0x0], $0xffff;
	(pc) =	sbr.rel @p0 .LBB2_17-.Ltmp7, $4  }
0x497: {  	v6 =	vsub.f32 v7, v4;
	[tilespmem:s8+$0x11080] =	vst v5;
	v5 =	vld.idx.msk [tilespmem:v25+s3+$0x0], $0xffff  }
0x498: {  	[tilespmem:s8+$0x19090] =	vst v4;
	v4 =	vld.idx.msk [tilespmem:v26+s3+$0x0], $0xffff  }
0x499: {  	v8 =	vsub.f32 v9, v10;
	[tilespmem:s8+$0x11090] =	vst v6;
	v6 =	vld.idx.msk [tilespmem:v27+s3+$0x0], $0xffff  }
0x49a: {  	s10 =	sadd.s32 $0x400, s10;
	[tilespmem:s8+$0x190A0] =	vst v10;
	v7 =	vld.idx.msk [tilespmem:v28+s3+$0x0], $0xffff  }
0x49b: {  	_ =	sdelay $0x2  }
0x49c: {  	[tilespmem:s8+$0x110A0] =	vst v8  }
0x49d: {  	v2 =	vsub.f32 v2, v3;
	v0 =	vld.idx.msk [tilespmem:v0+s3+$0x0], $0xffff;
	[tilespmem:s8+$0x190B0] =	vst v3  }
0x49e: {  	v1 =	vsub.f32 v1, v5;
	[tilespmem:s8+$0x190C0] =	vst v5  }
0x49f: {  	[tilespmem:s8+$0x110B0] =	vst v2  }
0x4a0: {  	[tilespmem:s8+$0x110C0] =	vst v1;
	v62 =	vsub.f32 v4, v6  }
0x4a1: {  	[tilespmem:s8+$0x190D0] =	vst v6  }
0x4a2: {  	[tilespmem:s8+$0x110D0] =	vst v62;
	v63 =	vsub.f32 v7, v0  }
0x4a3: {  	[tilespmem:s8+$0x190E0] =	vst v0  }
0x4a4: {  	s6 =	sadd.s32 s6, s22;
	[tilespmem:s8+$0x110E0] =	vst v63  }
0x4a5: {  	[hbm4b:s6+s24] =	stream.strided.scatter [tilespmem:s31], [sflag:$0x1], $0x1000, s25, s24, $0x38;
	[tilespmem:$0x1A000] =	vst v63  }
0x4a6: {  	s13 =	sadd.s32 s7, s22  }
0x4a7: {  	[hbm4b:s13+s24] =	stream.strided.scatter [tilespmem:s0], [sflag:$0x1], $0x1000, s25, s24, $0x38;
	[tilespmem:$0x1A000] =	vst v63  }
0x4a8: {  	_ =	swait.ge [sflag:s1], $0x1000  }
0x4a9: {  	[sflag:s1] =	ssyncset.done $0x0  }
0x4aa: {  	[sflag:s1] =	ssyncadd.s32 $0xFFFFF000  }
0x4ab: {  	_ =	swait.ge [sflag:s1], $0x1000  }
0x4ac: {  	[sflag:s1] =	ssyncset.done $0x0  }
0x4ad: {  	[sflag:s1] =	ssyncadd.s32 $0xFFFFF000  }
0x4ae: {  	_ =	swait.ge [sflag:s1], $0x1000  }
0x4af: {  	[sflag:s1] =	ssyncset.done $0x0  }
0x4b0: {  	[sflag:s1] =	ssyncadd.s32 $0xFFFFF000  }
0x4b1: {  	_ =	swait.ge [sflag:s1], $0x1000  }
0x4b2: {  	[sflag:s1] =	ssyncset.done $0x0  }
0x4b3: {  	[sflag:s1] =	ssyncadd.s32 $0xFFFFF000  }
0x4b4: {  	_ =	swait.ge [sflag:s1], $0x1000  }
0x4b5: {  	[sflag:s1] =	ssyncset.done $0x0  }
0x4b6: {  	[sflag:s1] =	ssyncadd.s32 $0xFFFFF000  }
0x4b7: {  	_ =	swait.ge [sflag:s1], $0x1000  }
0x4b8: {  	[sflag:s1] =	ssyncset.done $0x0  }
0x4b9: {  	[sflag:s1] =	ssyncadd.s32 $0xFFFFF000  }
0x4ba: {  	_ =	swait.ge [sflag:s1], $0x1000  }
0x4bb: {  	[sflag:s1] =	ssyncset.done $0x0  }
0x4bc: {  	[sflag:s1] =	ssyncadd.s32 $0xFFFFF000  }
0x4bd: {  	_ =	swait.ge [sflag:s1], $0x1000  }
0x4be: {  	[sflag:s1] =	ssyncset.done $0x0  }
0x4bf: {  	[sflag:s1] =	ssyncadd.s32 $0xFFFFF000  }
0x4c0: {  	_ =	swait.ge [sflag:s1], $0x1000  }
0x4c1: {  	[sflag:s1] =	ssyncset.done $0x0  }
0x4c2: {  	[sflag:s1] =	ssyncadd.s32 $0xFFFFF000  }
0x4c3: {  	_ =	swait.ge [sflag:s1], $0x1000  }
0x4c4: {  	[sflag:s1] =	ssyncset.done $0x0  }
0x4c5: {  	[sflag:s1] =	ssyncadd.s32 $0xFFFFF000  }
0x4c6: {  	_ =	swait.ge [sflag:s1], $0x1000  }
0x4c7: {  	[sflag:s1] =	ssyncset.done $0x0  }
0x4c8: {  	[sflag:s1] =	ssyncadd.s32 $0xFFFFF000  }
0x4c9: {  	_ =	swait.ge [sflag:s1], $0x1000  }
0x4ca: {  	[sflag:s1] =	ssyncset.done $0x0  }
0x4cb: {  	[sflag:s1] =	ssyncadd.s32 $0xFFFFF000  }
0x4cc: {  	_ =	swait.ge [sflag:s1], $0x1000  }
0x4cd: {  	[sflag:s1] =	ssyncset.done $0x0  }
0x4ce: {  	[sflag:s1] =	ssyncadd.s32 $0xFFFFF000  }
0x4cf: {  	_ =	swait.ge [sflag:s1], $0x1000  }
0x4d0: {  	[sflag:s1] =	ssyncset.done $0x0  }
0x4d1: {  	s28 =	sadd.s32 $0x1, s28;
	[sflag:s1] =	ssyncadd.s32 $0xFFFFF000  }
0x4d2: {  	p0 =	sne.s32 s28, $0x14;
	_ =	swait.ge [sflag:s1], $0x1000  }
.Ltmp8:
0x4d3: {  	[sflag:s1] =	ssyncset.done $0x0;
	(pc) =	sbr.rel @p0 .LBB2_2-.Ltmp8, $4  }
0x4d4: {  	[sflag:s1] =	ssyncadd.s32 $0xFFFFF000  }
0x4d5: {  	_ =	swait.ge [sflag:s1], $0x1000  }
0x4d6: {  	[sflag:s1] =	ssyncset.done $0x0  }
0x4d7: {  	[sflag:s1] =	ssyncadd.s32 $0xFFFFF000  }
0x4d8: {  	s7 =	rddreg [dreg:$0xd]  }
0x4d9: {  	s6 =	rddreg [dreg:$0xc];
	s7 =	sadd.s32 $0x1, s7  }
0x4da: {  	p0 =	sne.s32 s7, s6  }
.Ltmp9:
0x4db: {  	_ = 	snop;
	(pc) =	sbr.rel @p0 .LBB2_1-.Ltmp9, $1  }
0x4dc: {  	_ =	sdelay $0x3  }
0x4dd: {  	_ =	sfence.sel $0x180000  }
0x4de: {  	[bflag:$0x0] =	sbarrier.arrive $0xFFFF  }
0x4df: {  	_ =	strace $0x90000047  }
0x4e0: {  	s0 =	stileid.u32;
	[bflag:$0x2] =	sbarrier.arrive $0xFFFF  }
0x4e1: {  	p0 =	sne.s32 s0, $0x0;
	s0 =	rddreg [dreg:$0x3]  }
0x4e2: {  	s0 =	sadd.s32 @!p0 $0x100000, s0  }
0x4e3: {  	[sflag:s0] =	ssyncadd.tile.s32 @!p0 $0x1;
	_ =	shalt  }
.Lfunc_end2:
_tile_overlayer_lowered:
.L_overlay_start_2:
0x4e4: {  	(tag) =	ssettag $0x2  }
0x4e5: {  	s0 =	rddreg [dreg:$0x0];
	s2 =	stileid.u32  }
0x4e6: {  	s1 =	rddreg [dreg:$0x1];
	p0 =	sne.s32 s2, $0x0  }
0x4e7: {  	s3 =	rddreg [dreg:$0x2];
	[bflag:$0x3] =	sbarrier.arrive $0xFFFF;
	s2 =	simm.s32 @!p0 $0x1C02  }
0x4e8: {  	[timem:s3], [sflag:s2] =	dma.local @!p0 [hbm:s0], s1  }
0x4e9: {  	s0 =	simm.s32 @!p0 $0x2  }
0x4ea: {  	_ =	swait.ge @!p0 [sflag:s0], s1  }
0x4eb: {  	s1 =	ssub.s32 @!p0 $0x0, s1;
	[sflag:s0] =	ssyncset.done @!p0 $0x0  }
0x4ec: {  	[sflag:s0] =	ssyncadd.s32 @!p0 s1  }
0x4ed: {  	[bflag:$0x3] =	sbarrier.arrive $0xFFFF  }
0x4ee: {  	_ =	shalt  }

// kernel: sparse-core-data-format-call.cloned.1.call-start
scs
called_computation_lowered:
.L_overlay_start_0:
0x0: {  	s2 =	sld [smem:$0x3FD9]  }
0x1: {  	s3 =	sld [smem:$0x3FFE];
	_ =	sdelay $0x1  }
0x2: {  	s1 =	srdreg.scid  }
0x3: {  	s0 =	sand.u32 $0x1, s1  }
0x4: {  	s18 =	sshll.u32 s0, $0xA;
	s2 =	sadd.s32 s3, s2  }
0x5: {  	s2 =	sadd.s32 s2, s18  }
0x6: {  	[smem:$0x3FC7] =	sst s2  }
0x7: {  	_ = 	snop  }
0x8: {  	s2 =	sld [smem:$0x3FD0];
	(tm) =	ssettm $0x1  }
0x9: {  	s19 =	sld [smem:$0x3FFB];
	_ =	sdelay $0x3  }
0xa: {  	_ =	strace s19  }
0xb: {  	s3 =	sld [smem:$0x3FFC];
	_ =	sdelay $0x3  }
0xc: {  	_ =	strace s3  }
0xd: {  	s3 =	sld [smem:$0x3FFD];
	_ =	sdelay $0x3  }
0xe: {  	_ =	strace s3  }
0xf: {  	_ =	strace $0x8FFFFFFF  }
0x10: {  	s20 =	sld [smem:$0x3FDB];
	_ =	sdelay $0x1  }
0x11: {  	s4 =	simm.s32 $_scs_section_size  }
0x12: {  	s5 =	simm.s32 $_size__tile_overlayer_lowered;
	s6 =	simm.s32 $_tile_overlayer_lowered  }
0x13: {  	s23 =	simm.s32 $0x1BFF;
	s22 =	sshll.u32 s6, $0x1;
	s3 =	sadd.s32 s4, s20  }
0x14: {  	s7 =	simm.s32 $0x0;
	s21 =	sshll.u32 s5, $0x1;
	s5 =	sadd.s32 s22, s3  }
0x15: {  	[timem:s7], [sflag:s23] =	dma.local [hbm:s5], s21  }
0x16: {  	_ =	swait.ge [sflag:s23], s21  }
0x17: {  	s4 =	ssub.s32 $0x0, s21;
	[sflag:s23] =	ssyncset.done $0x0  }
0x18: {  	[sflag:s23] =	ssyncadd.s32 s4;
	_ =	sdelay $0x1  }
0x19: {  	s24 =	simm.s32 $0x1B8B  }
0x1a: {  	_ =	swait.ge [sflag:s24], $0x1  }
0x1b: {  	[sflag:s24] =	ssyncset.done $0x0  }
0x1c: {  	s26 =	simm.s32 $0x1B8E;
	s25 =	sld [smem:$0x3FFE];
	[sflag:s24] =	ssyncadd.s32 $0xFFFFFFFF  }
0x1d: {  	s27 =	simm.s32 $execute0_lowered;
	[smem:$0x3FD2] =	sst s26  }
0x1e: {  	s5 =	sshll.u32 s27, $0x1;
	_ =	strace $0x80000049;
	[dreg:$0x1] =	wrdreg $0xFFFFFFFF  }
0x1f: {  	s28 =	simm.s32 $_size_execute0_lowered;
	s3 =	sadd.s32 s3, s5;
	[dreg:$0x0] =	wrdreg $0x0  }
0x20: {  	s5 =	sshll.u32 s28, $0x1;
	[dreg:$0x2] =	wrdreg s3  }
0x21: {  	[dreg:$0x3] =	wrdreg s5  }
0x22: {  	[dreg:$0x4] =	wrdreg $0xC0  }
0x23: {  	_ =	task [dreg:s7], $0x5FFFF  }
0x24: {  	[dreg:$0x1] =	wrdreg $0xFFFFFFFF  }
0x25: {  	[dreg:$0x0] =	wrdreg $0x60  }
0x26: {  	[dreg:$0x2] =	wrdreg s25  }
0x27: {  	[dreg:$0x3] =	wrdreg s2  }
0x28: {  	[dreg:$0x4] =	wrdreg $0x9  }
0x29: {  	_ =	task.clear_ibuf [dreg:s7], $0x5FFFF;
	_ =	strace $0x90000049  }
0x2a: {  	s29 =	simm.s32 $0x9;
	_ =	strace $0x8000004B  }
0x2b: {  	_ =	swait.ge [sflag:s29], $0x1  }
0x2c: {  	[sflag:s29] =	ssyncadd.s32 $0xFFFFFFFF  }
0x2d: {  	_ =	strace $0x9000004B  }
0x2e: {  	_ =	sfence  }
0x2f: {  	s30 =	sld [smem:$0x0];
	_ =	sdelay $0x2  }
0x30: {  	s31 =	sshll.u32 s1, $0xD;
	s1 =	sshrl.u32 s1, $0x2  }
0x31: {  	s3 =	sand.u32 $0x4000, s31;
	s1 =	sadd.s32 s1, s30  }
0x32: {  	s0 =	sor.u32 s3, s0;
	s1 =	sshll.u32 s1, $0x11  }
0x33: {  	s0 =	sor.u32 s1, s0  }
0x34: {  	s0 =	sadd.s32 $0x8F2B, s0  }
0x35: {  	[sflag:s0] =	ssyncadd.remote.s32 $0x1  }
0x36: {  	_ =	sfence.sel $0xFFFF  }
0x37: {  	[dreg:$0x0] =	wrdreg $0xFFFFFFFF;
	(pc) =	sbr.abs _section_cstart, $3  }
0x38: {  	[dreg:$0x1] =	wrdreg $0xFFFFFFFF  }
0x39: {  	_ =	task.clear_ibuf [dreg:s7], $0x2FFFF;
	_ =	strace $0x9FFFFFFF  }
0x3a: {  	(tm) =	ssettm $0x7FFFFFFF  }
0x3b: {  	_ =	shalt  }
tec
execute0_lowered:
.L_overlay_start_1:
0x0: {  	(tag) =	ssettag $0x1  }
0x1: {  	s0 =	srdreg.scid  }
0x2: {  	s1 =	sshll.u32 s0, $0x4  }
0x3: {  	s6 =	rddreg [dreg:$0x0];
	s0 =	stileid.u32;
	s1 =	sand.u32 $0x10, s1  }
0x4: {  	s3 =	rddreg [dreg:$0x1];
	s1 =	sor.u32 s0, s1  }
0x5: {  	s5 =	simm.s32 $0x1;
	s31 =	simm.s32 $0x2;
	s2 =	sshll.u32 s1, $0x7  }
0x6: {  	s13 =	simm.s32 $0x0;
	s8 =	simm.s32 $0x8000;
	s4 =	ssub.s32 $0x1000, s2  }
0x7: {  	s15 =	simm.s32 $0x0;
	s14 =	simm.s32 $0x0;
	s30 =	sand.u32 $0xF80, s4  }
0x8: {  	s9 =	simm.s32 $0x0;
	s10 =	simm.s32 $0x0;
	p0 =	sne.s32 s30, $0x0  }
.Ltmp0:
0x9: {  	s7 =	sshrl.u32 s4, $0xC;
	s5 =	simm.s32 @!p0 $0x0;
	(pc) =	sbr.rel .LBB1_1-.Ltmp0, $4  }
0xa: {  	s12 =	simm.s32 $0x0;
	s1 =	rddreg [dreg:$0x2];
	s5 =	sadd.s32 s5, s7  }
0xb: {  	_ =	strace $0x8000004A;
	s4 =	simm.s32 $0x1;
	s5 =	smul.u32 $0x50, s5  }
0xc: {  	s6 =	sadd.s32 $0xA00, s6;
	s11 =	smov.u32 s2;
	[sflag:s4] =	ssyncpa.u1 $0x0  }
0xd: {  	[sflag:s31] =	ssyncpa.u1 $0x0;
	p0 =	por $0x0, $0x0;
	s7 =	sor.u32 $0x1, s5  }
.LBB1_4:
0xe: {  	v5 =	vld [tilespmem:s19+$0xFFFFFFD0];
	[tilespmem:s18+$0x2040 ss:$0x81] =	vst.msk $0xffff, v1  }
0xf: {  	v58 =	vld [tilespmem:s19+$0xFFFFFFE0];
	[tilespmem:s18+$0x2850 ss:$0x81] =	vst.msk $0xffff, v2  }
0x10: {  	s20 =	sshra.s32 s20, $0x2;
	v59 =	vld [tilespmem:s19+$0xFFFFFFF0];
	[tilespmem:s18+$0x3060 ss:$0x81] =	vst.msk $0xffff, v3  }
0x11: {  	v60 =	vld [tilespmem:s19+$0x0];
	[tilespmem:s18+$0x0 ss:$0x81] =	vst.msk $0xffff, v0;
	s17 =	sadd.s32 s20, s17  }
0x12: {  	v61 =	vld [tilespmem:s19+$0x10];
	[tilespmem:s17+$0x3870 ss:$0x81] =	vst.msk $0xffff, v4  }
0x13: {  	v62 =	vld [tilespmem:s19+$0x20];
	[tilespmem:s17+$0x810 ss:$0x81] =	vst.msk $0xffff, v5  }
0x14: {  	v63 =	vld [tilespmem:s19+$0xFFFFFFC0];
	s28 =	sshll.u32 s14, $0x3;
	[tilespmem:s17+$0x1020 ss:$0x81] =	vst.msk $0xffff, v58  }
0x15: {  	s29 =	sand.u32 $0x78, s14;
	s30 =	sand.u32 $0xFE00, s14;
	s13 =	smul.u32 $0x140000, s13;
	[tilespmem:s17+$0x1830 ss:$0x81] =	vst.msk $0xffff, v59  }
0x16: {  	s15 =	sshll.u32 s15, $0x10;
	s18 =	sand.u32 $0xC00, s28;
	s20 =	sadd.s32 s3, s30;
	[tilespmem:s17+$0x2040 ss:$0x81] =	vst.msk $0xffff, v60  }
0x17: {  	s31 =	sand.u32 $0x7, s14;
	s18 =	sor.u32 s29, s18;
	s15 =	sadd.s32 s15, s20;
	[tilespmem:s17+$0x2850 ss:$0x81] =	vst.msk $0xffff, v61  }
0x18: {  	s14 =	sshll.u32 s31, $0x12;
	s18 =	sshrl.u32 s18, $0x3;
	s13 =	sadd.s32 s13, s15;
	[tilespmem:s17+$0x3060 ss:$0x81] =	vst.msk $0xffff, v62  }
0x19: {  	s14 =	sor.u32 $0x400, s14;
	s13 =	sadd.s32 s18, s13;
	[tilespmem:s17+$0x0 ss:$0x81] =	vst.msk $0xffff, v63  }
0x1a: {  	[hbm4b:s13+s14] =	stream.strided.scatter [tilespmem:s16], [sflag:$0x2], $0x4000, s8, s14, $0x20;
	[tilespmem:$0x10100] =	vst v63  }
.LBB1_5:
0x1b: {  	s16 =	sadd.s32 $0x1, s9  }
0x1c: {  	s13 =	simm.s32 $0x1;
	p2 =	sgt.s32 s16, $0x3  }
0x1d: {  	s13 =	simm.s32 @!p2 $0x0  }
0x1e: {  	s17 =	sadd.s32 s13, s10  }
0x1f: {  	s19 =	smov.u32 s11;
	s13 =	sadd.s32 $0x1000, s11;
	p3 =	sgt.s32 s17, $0x13  }
0x20: {  	s19 =	smov.u32 @p3 s13  }
0x21: {  	p1 =	slt.u32 s12, $0x2;
	s16 =	simm.s32 @p2 $0x0;
	p2 =	sgt.s32 s19, $0xFFF  }
0x22: {  	s18 =	simm.s32 @!p1 $0x2;
	s19 =	smov.u32 @p2 s2;
	p2 =	sne.s32 s12, s7  }
.Ltmp1:
0x23: {  	_ =	swait.ge @!p1 [sflag:s18], $0x4000;
	(pc) =	sbr.rel @!p2 .LBB1_6-.Ltmp1, $4  }
0x24: {  	s15 =	smov.u32 s10;
	[sflag:s18] =	ssyncset.done @!p1 $0x0  }
0x25: {  	s14 =	smov.u32 s11;
	p0 =	por !p0, !p0;
	[sflag:s18] =	ssyncadd.s32 @!p1 $0xFFFFC000  }
0x26: {  	s17 =	simm.s32 @p3 $0x0;
	s13 =	smov.u32 s9;
	s9 =	smov.u32 s16  }
0x27: {  	s10 =	smov.u32 s17;
	s12 =	sadd.s32 $0x1, s12;
	s11 =	smov.u32 s19  }
.LBB1_1:
0x28: {  	p1 =	sge.u32 s12, s5  }
0x29: {  	s17 =	smul.u32 @!p1 $0x500, s11  }
0x2a: {  	s31 =	sadd.s32 $0xFFFFFFFF, s12;
	s16 =	sxor.u32 @!p1 $0xFFFFFFFF, s12;
	s18 =	sshll.u32 @!p1 s10, $0x6  }
0x2b: {  	s19 =	sshll.u32 @!p1 s9, $0x4;
	s16 =	sshll.u32 @!p1 s16, $0xE;
	s17 =	sadd.s32 @!p1 s6, s17  }
0x2c: {  	s19 =	sand.u32 @!p1 $0x30, s19;
	s16 =	sand.u32 @!p1 $0x4000, s16;
	s17 =	sadd.s32 @!p1 s18, s17  }
0x2d: {  	s18 =	simm.s32 @!p1 $0x80;
	s17 =	sadd.s32 @!p1 s19, s17;
	s19 =	simm.s32 @!p1 $0x2800  }
0x2e: {  	[tilespmem:s16], [sflag:$0x1] =	stream.strided.gather @!p1 [hbm4b:s17+s18], $0x4000, s19, s18, $0x38;
	[tilespmem:$0x10100] =	vst v63  }
0x2f: {  	p1 =	sge.u32 s31, s5  }
.Ltmp2:
0x30: {  	_ = 	snop;
	(pc) =	sbr.rel @p1 .LBB1_5-.Ltmp2, $1  }
0x31: {  	_ =	sdelay $0x3  }
0x32: {  	s16 =	simm.s32 $0x1  }
0x33: {  	_ =	swait.ge [sflag:s4], $0x4000;
	s16 =	simm.s32 @!p0 $0x0  }
0x34: {  	[sflag:s4] =	ssyncset.done $0x0;
	s17 =	sshll.u32 s16, $0xE  }
0x35: {  	[sflag:s4] =	ssyncadd.s32 $0xFFFFC000;
	s19 =	sor.u32 $0x40, s17  }
0x36: {  	s16 =	smul.u32 $0x10200, s16;
	v0 =	vld [tilespmem:s19+$0x30]  }
0x37: {  	v3 =	vld [tilespmem:s19+$0xFFFFFFD0]  }
0x38: {  	s16 =	sshrl.u32 s16, $0x2;
	v4 =	vld [tilespmem:s19+$0xFFFFFFE0]  }
0x39: {  	v5 =	vld [tilespmem:s19+$0xFFFFFFF0];
	s17 =	sor.u32 $0x8000, s16  }
0x3a: {  	s31 =	sand.u32 $0x1, s12;
	v1 =	vld [tilespmem:s19+$0x0];
	s18 =	sadd.s32 $0x0, s17  }
0x3b: {  	v2 =	vld [tilespmem:s19+$0x10];
	s16 =	smul.u32 $0x10200, s31;
	[tilespmem:s18+$0x3870 ss:$0x81] =	vst.msk $0xffff, v0  }
0x3c: {  	[tilespmem:s18+$0x810 ss:$0x81] =	vst.msk $0xffff, v3;
	v3 =	vld [tilespmem:s19+$0x20]  }
0x3d: {  	s16 =	sshrl.u32 s16, $0x2;
	v0 =	vld [tilespmem:s19+$0xFFFFFFC0];
	[tilespmem:s18+$0x1020 ss:$0x81] =	vst.msk $0xffff, v4;
	s19 =	sadd.s32 $0x80, s19  }
0x3e: {  	s20 =	simm.s32 $0x4;
	s21 =	simm.s32 $0x8;
	s16 =	sor.u32 $0x8000, s16;
	[tilespmem:s18+$0x1830 ss:$0x81] =	vst.msk $0xffff, v5;
	v4 =	vld [tilespmem:s19+$0x30]  }
.LBB1_3:
0x3f: {  	p1 =	sne.s32 s21, $0x1FC;
	v5 =	vld [tilespmem:s19+$0xFFFFFFD0];
	[tilespmem:s18+$0x2040 ss:$0x81] =	vst.msk $0xffff, v1  }
0x40: {  	v6 =	vld [tilespmem:s19+$0xFFFFFFE0];
	[tilespmem:s18+$0x2850 ss:$0x81] =	vst.msk $0xffff, v2  }
0x41: {  	s22 =	sshra.s32 s20, $0x2;
	s20 =	smov.u32 s21;
	v7 =	vld [tilespmem:s19+$0xFFFFFFF0];
	[tilespmem:s18+$0x3060 ss:$0x81] =	vst.msk $0xffff, v3  }
.Ltmp3:
0x42: {  	v1 =	vld [tilespmem:s19+$0x0];
	[tilespmem:s18+$0x0 ss:$0x81] =	vst.msk $0xffff, v0;
	s18 =	sadd.s32 s22, s17;
	(pc) =	sbr.rel @p1 .LBB1_3-.Ltmp3, $4  }
0x43: {  	v2 =	vld [tilespmem:s19+$0x10];
	[tilespmem:s18+$0x3870 ss:$0x81] =	vst.msk $0xffff, v4  }
0x44: {  	[tilespmem:s18+$0x810 ss:$0x81] =	vst.msk $0xffff, v5;
	v3 =	vld [tilespmem:s19+$0x20]  }
0x45: {  	v0 =	vld [tilespmem:s19+$0xFFFFFFC0];
	[tilespmem:s18+$0x1020 ss:$0x81] =	vst.msk $0xffff, v6;
	s19 =	sadd.s32 $0x80, s19  }
0x46: {  	s21 =	sadd.s32 $0x4, s21;
	v4 =	vld [tilespmem:s19+$0x30];
	[tilespmem:s18+$0x1830 ss:$0x81] =	vst.msk $0xffff, v7  }
.Ltmp4:
0x47: {  	_ = 	snop;
	(pc) =	sbr.rel .LBB1_4-.Ltmp4, $1  }
0x48: {  	_ =	sdelay $0x3  }
.LBB1_6:
0x49: {  	_ =	sfence.sel $0x180000  }
0x4a: {  	s2 =	simm.s32 $0x1;
	[bflag:$0x0] =	sbarrier.arrive $0xFFFF  }
0x4b: {  	s31 =	simm.s32 $0x2;
	[sflag:s2] =	ssyncpa.u1 $0x1  }
0x4c: {  	[sflag:s31] =	ssyncpa.u1 $0x1  }
0x4d: {  	p0 =	sne.s32 s0, $0x0;
	_ =	strace $0x9000004A  }
0x4e: {  	s0 =	sadd.s32 @!p0 $0x100000, s1;
	[bflag:$0x2] =	sbarrier.arrive $0xFFFF  }
0x4f: {  	[sflag:s0] =	ssyncadd.tile.s32 @!p0 $0x1;
	_ =	shalt  }
.Lfunc_end1:
_tile_overlayer_lowered:
.L_overlay_start_2:
0x50: {  	(tag) =	ssettag $0x2  }
0x51: {  	s0 =	rddreg [dreg:$0x0];
	s2 =	stileid.u32  }
0x52: {  	s1 =	rddreg [dreg:$0x1];
	p0 =	sne.s32 s2, $0x0  }
0x53: {  	s3 =	rddreg [dreg:$0x2];
	[bflag:$0x3] =	sbarrier.arrive $0xFFFF;
	s2 =	simm.s32 @!p0 $0x1C01  }
0x54: {  	[timem:s3], [sflag:s2] =	dma.local @!p0 [hbm:s0], s1  }
0x55: {  	s0 =	simm.s32 @!p0 $0x1  }
0x56: {  	_ =	swait.ge @!p0 [sflag:s0], s1  }
0x57: {  	s1 =	ssub.s32 @!p0 $0x0, s1;
	[sflag:s0] =	ssyncset.done @!p0 $0x0  }
0x58: {  	[sflag:s0] =	ssyncadd.s32 @!p0 s1  }
0x59: {  	[bflag:$0x3] =	sbarrier.arrive $0xFFFF  }
0x5a: {  	_ =	shalt  }

</sc_bundles>
